<compile_context>
chip_gen: v7x
topology: tpu7x:2x2x1
jax: 0.10.2.dev20260603
libtpu: 0.0.44.dev20260713+nightly
codegen_flags: <defaults>
</compile_context>

<pallas_src>
import jax
import jax.numpy as jnp
from jax import lax
from jax.experimental import pallas as pl
from jax.experimental.pallas import tpu as pltpu
from jax.experimental.pallas import tpu_sc as plsc

N = 10000
T = 4
E = 160000
NSH = 16
ESH = E // NSH
NCHUNK = 79
EPAD = NCHUNK * 128
PADDST = N
ACCN = 10240
ZCH = ACCN // 16
NSL = 632
NBUF = 640
LASTSTART = N - NSL
RING = 4


def _fisr(x):
    i = lax.bitcast_convert_type(x, jnp.int32)
    i = jnp.int32(0x5F3759DF) - lax.shift_right_arithmetic(i, 1)
    y = lax.bitcast_convert_type(i, jnp.float32)
    for _ in range(3):
        y = y * (1.5 - 0.5 * x * y * y)
    return y


def _ring_scatter(n, make_copy):
    for j in range(RING):
        make_copy(j).start(add=True)

    def body(j, _):
        make_copy(j).start(add=True)
        make_copy(j - RING).wait()
        return 0
    lax.fori_loop(RING, n, body, 0)
    for j in range(n - RING, n):
        make_copy(j).wait()


def _sc_gcn_body(src_hbm, dst_hbm, x0_hbm, x1_hbm, wv_hbm,
                 out0_hbm, out1_hbm,
                 idx2d, src2d, val0, val1, g0v, g1v,
                 x0s, x1s, dinvs, gt0, gt1, a0s, a1s, outs, zbuf, wv,
                 sem0, sem1,
                 deg_sh, acc0_sh, acc1_sh, g0_sh, g1_sh, *, pair):
    c = lax.axis_index("c")
    s = lax.axis_index("s")
    t = 2 * pair + c
    start = lax.min(s * NSL, LASTSTART)

    ones16 = jnp.full((16,), 1.0, dtype=jnp.float32)
    zero16 = jnp.zeros((16,), dtype=jnp.float32)

    def zfill(m, _):
        zbuf[pl.ds(m * 16, 16)] = zero16
        return 0
    lax.fori_loop(0, ZCH // 16, zfill, 0)
    pltpu.sync_copy(zbuf, deg_sh.at[pl.ds(s * ZCH, ZCH)])
    pltpu.sync_copy(zbuf, acc0_sh.at[pl.ds(s * ZCH, ZCH)])
    pltpu.sync_copy(zbuf, acc1_sh.at[pl.ds(s * ZCH, ZCH)])

    pltpu.sync_copy(wv_hbm, wv)
    chunk = t * NSH + s
    pltpu.sync_copy(dst_hbm.at[chunk], idx2d)
    pltpu.sync_copy(src_hbm.at[chunk], src2d)
    nbase = t * N + start
    pltpu.sync_copy(x0_hbm.at[pl.ds(nbase, NSL)], x0s.at[pl.ds(0, NSL)])
    pltpu.sync_copy(x1_hbm.at[pl.ds(nbase, NSL)], x1s.at[pl.ds(0, NSL)])

    def onesfill(j, _):
        for k in range(8):
            val0[j, pl.ds(k * 16, 16)] = ones16
        return 0
    lax.fori_loop(0, NCHUNK, onesfill, 0)

    plsc.subcore_barrier()

    def deg_copy(j):
        return pltpu.make_async_copy(val0.at[j], deg_sh.at[idx2d.at[j]], sem0)
    _ring_scatter(NCHUNK, deg_copy)

    plsc.subcore_barrier()

    pltpu.sync_copy(deg_sh.at[pl.ds(start, NSL)], dinvs.at[pl.ds(0, NSL)])
    wvec = wv[pl.ds(0, 16)]
    w00 = wvec[0]
    w01 = wvec[1]
    w10 = wvec[2]
    w11 = wvec[3]

    def gbody(m, _):
        dv = dinvs[pl.ds(m * 16, 16)]
        di = _fisr(dv + 1.0)
        dinvs[pl.ds(m * 16, 16)] = di
        xa = x0s[pl.ds(m * 16, 16)]
        xb = x1s[pl.ds(m * 16, 16)]
        gt0[pl.ds(m * 16, 16)] = (xa * w00 + xb * w01) * di
        gt1[pl.ds(m * 16, 16)] = (xa * w10 + xb * w11) * di
        return 0
    lax.fori_loop(0, NBUF // 16, gbody, 0)
    pltpu.sync_copy(gt0.at[pl.ds(0, NSL)], g0_sh.at[pl.ds(start, NSL)])
    pltpu.sync_copy(gt1.at[pl.ds(0, NSL)], g1_sh.at[pl.ds(start, NSL)])

    plsc.subcore_barrier()

    pltpu.sync_copy(g0_sh, g0v)
    pltpu.sync_copy(g1_sh, g1v)

    def gathbody(j, _):
        for k in range(8):
            sv = src2d[j, pl.ds(k * 16, 16)]
            val0[j, pl.ds(k * 16, 16)] = plsc.load_gather(g0v, [sv])
            val1[j, pl.ds(k * 16, 16)] = plsc.load_gather(g1v, [sv])
        return 0
    lax.fori_loop(0, NCHUNK, gathbody, 0)

    def msg_copy0(j):
        return pltpu.make_async_copy(val0.at[j], acc0_sh.at[idx2d.at[j]], sem0)

    def msg_copy1(j):
        return pltpu.make_async_copy(val1.at[j], acc1_sh.at[idx2d.at[j]], sem1)
    _ring_scatter(NCHUNK, msg_copy0)
    _ring_scatter(NCHUNK, msg_copy1)

    plsc.subcore_barrier()

    pltpu.sync_copy(acc0_sh.at[pl.ds(start, NSL)], a0s.at[pl.ds(0, NSL)])
    pltpu.sync_copy(acc1_sh.at[pl.ds(start, NSL)], a1s.at[pl.ds(0, NSL)])
    bvec = wv[pl.ds(0, 16)]
    b0 = bvec[4]
    b1 = bvec[5]
    obase = (t - 2 * pair) * N + start

    def obody(m, _):
        di = dinvs[pl.ds(m * 16, 16)]
        outs[pl.ds(m * 16, 16)] = (
            di * (a0s[pl.ds(m * 16, 16)] + gt0[pl.ds(m * 16, 16)]) + b0)
        return 0
    lax.fori_loop(0, NBUF // 16, obody, 0)
    pltpu.sync_copy(outs.at[pl.ds(0, NSL)], out0_hbm.at[pl.ds(obase, NSL)])

    def obody1(m, _):
        di = dinvs[pl.ds(m * 16, 16)]
        outs[pl.ds(m * 16, 16)] = (
            di * (a1s[pl.ds(m * 16, 16)] + gt1[pl.ds(m * 16, 16)]) + b1)
        return 0
    lax.fori_loop(0, NBUF // 16, obody1, 0)
    pltpu.sync_copy(outs.at[pl.ds(0, NSL)], out1_hbm.at[pl.ds(obase, NSL)])


def _sc_gcn(src_p, dst_p, x0, x1, wv, pair):
    mesh = plsc.VectorSubcoreMesh(core_axis_name="c", subcore_axis_name="s",
                                  num_cores=2, num_subcores=16)
    f32 = jnp.float32

    def body(*refs):
        _sc_gcn_body(*refs, pair=pair)

    fn = pl.kernel(
        body,
        out_type=(jax.ShapeDtypeStruct((2 * N,), f32),
                  jax.ShapeDtypeStruct((2 * N,), f32)),
        mesh=mesh,
        compiler_params=pltpu.CompilerParams(needs_layout_passes=False),
        scratch_types=[
            pltpu.VMEM((NCHUNK, 128), jnp.int32),
            pltpu.VMEM((NCHUNK, 128), jnp.int32),
            pltpu.VMEM((NCHUNK, 128), f32),
            pltpu.VMEM((NCHUNK, 128), f32),
            pltpu.VMEM((N,), f32),
            pltpu.VMEM((N,), f32),
            pltpu.VMEM((NBUF,), f32),
            pltpu.VMEM((NBUF,), f32),
            pltpu.VMEM((NBUF,), f32),
            pltpu.VMEM((NBUF,), f32),
            pltpu.VMEM((NBUF,), f32),
            pltpu.VMEM((NBUF,), f32),
            pltpu.VMEM((NBUF,), f32),
            pltpu.VMEM((NBUF,), f32),
            pltpu.VMEM((ZCH,), f32),
            pltpu.VMEM((16,), f32),
            pltpu.SemaphoreType.DMA,
            pltpu.SemaphoreType.DMA,
            pltpu.VMEM_SHARED((ACCN,), f32),
            pltpu.VMEM_SHARED((ACCN,), f32),
            pltpu.VMEM_SHARED((ACCN,), f32),
            pltpu.VMEM_SHARED((N,), f32),
            pltpu.VMEM_SHARED((N,), f32),
        ],
    )
    return fn(src_p, dst_p, x0, x1, wv)


def _tc_rnn_body(c0_ref, c1_ref, hin_ref, wpack_ref, hout_ref, out_ref):
    WA = wpack_ref[0:8, :]
    WB = wpack_ref[8:16, :]
    B2 = wpack_ref[16:24, :]
    C0 = wpack_ref[24:32, :]
    C1 = wpack_ref[32:40, :]
    C2 = wpack_ref[40:48, :]
    C3 = wpack_ref[48:56, :]
    LP = wpack_ref[56:64, :]
    lb = wpack_ref[64:65, :]

    def block(q, u):
        base = q * 32
        for k in range(32):
            i = base + k
            a = c0_ref[i] * WA + c1_ref[i] * WB + B2
            u1 = jnp.roll(u, -1, axis=0)
            u2 = jnp.roll(u, -2, axis=0)
            u3 = jnp.roll(u, -3, axis=0)
            z = ((a + C0 * u) + (C1 * u1 + C2 * u2)) + C3 * u3
            u = jnp.tanh(z)
        return u

    u0 = hin_ref[:, :]
    uT = lax.fori_loop(0, (2 * N) // 32, block, u0)
    hout_ref[:, :] = uT
    hr = jnp.maximum(uT, 0.0)
    z = jnp.sum(hr * LP, axis=0, keepdims=True) + lb
    out_ref[:, :] = 1.0 / (1.0 + jnp.exp(-z))


def _tc_rnn(c0, c1, hin, wpack):
    smem = pl.BlockSpec(memory_space=pltpu.SMEM)
    vmem = pl.BlockSpec(memory_space=pltpu.VMEM)
    return pl.pallas_call(
        _tc_rnn_body,
        out_shape=(jax.ShapeDtypeStruct((8, 1), jnp.float32),
                   jax.ShapeDtypeStruct((1, 1), jnp.float32)),
        in_specs=[smem, smem, vmem, vmem],
    )(c0, c1, hin, wpack)


def kernel(x, edge_index, gcn_W, gcn_b, Wih, Whh, bih, bhh, lin_W, lin_b):
    f32 = jnp.float32
    ei = edge_index.astype(jnp.int32)
    src = ei[:, 0, :].reshape(T, NSH, ESH)
    dst = ei[:, 1, :].reshape(T, NSH, ESH)
    src_p = jnp.pad(src, ((0, 0), (0, 0), (0, EPAD - ESH)),
                    constant_values=0).reshape(T * NSH, NCHUNK, 128)
    dst_p = jnp.pad(dst, ((0, 0), (0, 0), (0, EPAD - ESH)),
                    constant_values=PADDST).reshape(T * NSH, NCHUNK, 128)
    x0 = x[:, :, 0].reshape(T * N)
    x1 = x[:, :, 1].reshape(T * N)
    wv = jnp.concatenate([gcn_W.reshape(4), gcn_b.reshape(2),
                          jnp.zeros((10,), f32)]).astype(f32)

    p0_out0, p0_out1 = _sc_gcn(src_p, dst_p, x0, x1, wv, 0)
    p1_out0, p1_out1 = _sc_gcn(src_p, dst_p, x0, x1, wv, 1)

    idx4 = jnp.array([0, 1, 2, 3, 0, 1, 2, 3])
    Wih4 = jnp.zeros((4, 2), f32).at[:3].set(Wih.astype(f32))
    Whh4 = jnp.zeros((4, 4), f32).at[:3, :3].set(Whh.astype(f32))
    b4 = jnp.zeros((4,), f32).at[:3].set((bih + bhh).astype(f32))
    wpack = jnp.concatenate([
        Wih4[idx4, 0], Wih4[idx4, 1], b4[idx4],
        Whh4[idx4, idx4], Whh4[idx4, (idx4 + 1) % 4],
        Whh4[idx4, (idx4 + 2) % 4], Whh4[idx4, (idx4 + 3) % 4],
        lin_W.reshape(3).astype(f32), jnp.zeros((5,), f32),
        lin_b.reshape(1).astype(f32), jnp.zeros((7,), f32),
    ]).reshape(72, 1)

    h0 = jnp.zeros((8, 1), f32)
    h1, _ = _tc_rnn(p0_out0, p0_out1, h0, wpack)
    _, out = _tc_rnn(p1_out0, p1_out1, h1, wpack)
    return out

# --- scband reference (transcript-rebuilt; emitter-appended) ---
"""Pipeline reference for scband-graph-sequence-model-47931835023399 (READ-ONLY COPY).

The authoritative reference and input builder live on the scoring server;
editing this copy changes nothing except your own understanding.
"""

import jax, jax.numpy as jnp
import numpy as np
from jax import lax

N_NODES = 10000
T = 4


def gcn_conv(x, edge_index, W, b):
    # PyG GCNConv with default add_self_loops=True, symmetric normalization
    n = x.shape[0]
    src = edge_index[0]
    dst = edge_index[1]
    loop = jnp.arange(n, dtype=src.dtype)
    src = jnp.concatenate([src, loop])
    dst = jnp.concatenate([dst, loop])
    deg = jnp.zeros((n,), dtype=x.dtype).at[dst].add(1.0)
    dinv = lax.rsqrt(deg)  # deg >= 1 thanks to self loops
    norm = dinv[src] * dinv[dst]
    h = x @ W.T  # lin (weight stored as [out, in] like torch)
    msg = h[src] * norm[:, None]
    out = jnp.zeros((n, W.shape[0]), dtype=x.dtype).at[dst].add(msg)
    return out + b


def rnn_last_hidden(xs, Wih, Whh, bih, bhh):
    # torch.nn.RNN (tanh, 1 layer, unbatched input of shape [L, H_in])
    h0 = jnp.zeros((Whh.shape[0],), dtype=xs.dtype)

    def step(h, x_t):
        h_new = jnp.tanh(x_t @ Wih.T + bih + h @ Whh.T + bhh)
        return h_new, None

    hT, _ = lax.scan(step, h0, xs)
    return hT


def setup_inputs(seed: int = 0) -> dict:
    key = jax.random.key(seed)
    ks = jax.random.split(key, 10)
    x = jax.random.normal(ks[0], (T, N_NODES, 2), dtype=jnp.float32)
    edge_index = jax.random.randint(ks[1], (T, 2, 160000), 0, N_NODES, dtype=jnp.int64)
    gcn_W = jax.random.normal(ks[2], (2, 2), dtype=jnp.float32) * 0.5
    gcn_b = jax.random.normal(ks[3], (2,), dtype=jnp.float32) * 0.1
    Wih = jax.random.normal(ks[4], (3, 2), dtype=jnp.float32) * 0.5
    Whh = jax.random.normal(ks[5], (3, 3), dtype=jnp.float32) * 0.5
    bih = jax.random.normal(ks[6], (3,), dtype=jnp.float32) * 0.1
    bhh = jax.random.normal(ks[7], (3,), dtype=jnp.float32) * 0.1
    lin_W = jax.random.normal(ks[8], (1, 3), dtype=jnp.float32) * 0.5
    lin_b = jax.random.normal(ks[9], (1,), dtype=jnp.float32) * 0.1
    return {"x": x, "edge_index": edge_index, "gcn_W": gcn_W, "gcn_b": gcn_b,
            "Wih": Wih, "Whh": Whh, "bih": bih, "bhh": bhh,
            "lin_W": lin_W, "lin_b": lin_b}


def reference(x, edge_index, gcn_W, gcn_b, Wih, Whh, bih, bhh, lin_W, lin_b):
    # seq = [self.gcn(g.x, g.edge_index) for g in graphs]
    seq = [gcn_conv(x[t], edge_index[t], gcn_W, gcn_b) for t in range(T)]
    cat = jnp.concatenate(seq, axis=0)  # [T*N, 2]
    # _, h = self.rnn(torch.cat(seq))  -> h: [num_layers=1, hidden=3]
    h = rnn_last_hidden(cat, Wih, Whh, bih, bhh).reshape(1, 3)
    h = jax.nn.relu(h)
    h = h @ lin_W.T + lin_b  # [1, 1]
    return jax.nn.sigmoid(h)

if __name__ == "__main__":
    import jax
    _d = setup_inputs()
    print(jax.jit(kernel)(*tuple(_d.values())))

</pallas_src>

<mosaic_0001>
#map = affine_map<(d0, d1) -> (0, 0, 0)>
#map1 = affine_map<(d0, d1) -> (0)>
module attributes {stable_mosaic.version = 14 : i64} {
  func.func @body(%arg0: i32, %arg1: i32, %arg2: memref<64x79x128xi32, #tpu.memory_space<hbm>>, %arg3: memref<64x79x128xi32, #tpu.memory_space<hbm>>, %arg4: memref<40000xf32, #tpu.memory_space<hbm>>, %arg5: memref<40000xf32, #tpu.memory_space<hbm>>, %arg6: memref<16xf32, #tpu.memory_space<hbm>>, %arg7: memref<20000xf32, #tpu.memory_space<hbm>>, %arg8: memref<20000xf32, #tpu.memory_space<hbm>>, %arg9: memref<79x128xi32, #tpu.memory_space<vmem>>, %arg10: memref<79x128xi32, #tpu.memory_space<vmem>>, %arg11: memref<79x128xf32, #tpu.memory_space<vmem>>, %arg12: memref<79x128xf32, #tpu.memory_space<vmem>>, %arg13: memref<10000xf32, #tpu.memory_space<vmem>>, %arg14: memref<10000xf32, #tpu.memory_space<vmem>>, %arg15: memref<640xf32, #tpu.memory_space<vmem>>, %arg16: memref<640xf32, #tpu.memory_space<vmem>>, %arg17: memref<640xf32, #tpu.memory_space<vmem>>, %arg18: memref<640xf32, #tpu.memory_space<vmem>>, %arg19: memref<640xf32, #tpu.memory_space<vmem>>, %arg20: memref<640xf32, #tpu.memory_space<vmem>>, %arg21: memref<640xf32, #tpu.memory_space<vmem>>, %arg22: memref<640xf32, #tpu.memory_space<vmem>>, %arg23: memref<640xf32, #tpu.memory_space<vmem>>, %arg24: memref<16xf32, #tpu.memory_space<vmem>>, %arg25: memref<!tpu.dma_semaphore, #tpu.memory_space<semaphore_mem>>, %arg26: memref<!tpu.dma_semaphore, #tpu.memory_space<semaphore_mem>>, %arg27: memref<10240xf32, #tpu.memory_space<vmem_shared>>, %arg28: memref<10240xf32, #tpu.memory_space<vmem_shared>>, %arg29: memref<10240xf32, #tpu.memory_space<vmem_shared>>, %arg30: memref<10000xf32, #tpu.memory_space<vmem_shared>>, %arg31: memref<10000xf32, #tpu.memory_space<vmem_shared>>) attributes {dimension_semantics = [#tpu.dimension_semantics<core_parallel>, #tpu.dimension_semantics<subcore_parallel>], iteration_bounds = array<i64: 2, 16>, scalar_prefetch = 0 : i64, scratch_operands = 23 : i64, tpu.core_type = #tpu.core_type<sc_vector_subcore>, window_params = [{transform_indices = #map}, {transform_indices = #map}, {transform_indices = #map1}, {transform_indices = #map1}, {transform_indices = #map1}, {transform_indices = #map1}, {transform_indices = #map1}]} {
    %add3A = arith.constant 0 : i32
    %add3A_0 = arith.addi %add3A, %arg0 : i32
    %mul3A = arith.constant 632 : i32
    %mul3A_1 = arith.muli %arg1, %mul3A : i32
    %min3A = arith.constant 9368 : i32
    %min3A_2 = arith.minsi %mul3A_1, %min3A : i32
    %broadcast_in_dim3A = arith.constant 1.000000e+00 : f32
    %broadcast_in_dim3A_3 = vector.broadcast %broadcast_in_dim3A : f32 to vector<16xf32>
    %broadcast_in_dim3A_4 = arith.constant 0.000000e+00 : f32
    %broadcast_in_dim3A_5 = vector.broadcast %broadcast_in_dim3A_4 : f32 to vector<16xf32>
    %scan3A = arith.constant 0 : i32
    %scan3A_6 = arith.constant 0 : i32
    %scan3A_7 = arith.constant 40 : i32
    %scan3A_8 = arith.addi %scan3A_6, %scan3A_7 : i32
    %scan3A_9 = arith.constant 1 : i32
    %scan3A_10 = scf.for %scan3A_338 = %scan3A_6 to %scan3A_8 step %scan3A_9 iter_args(%scan3A_339 = %scan3A) -> (i32)  : i32 {
      %mul3A_340 = arith.constant 16 : i32
      %mul3A_341 = arith.muli %scan3A_338, %mul3A_340 : i32
      %swap3A = arith.index_cast %mul3A_341 : i32 to index
      %swap3A_342 = tpu.vector_load %arg23[%swap3A] {strides = array<i32>} : memref<640xf32, #tpu.memory_space<vmem>>, vector<16xf32>,
      tpu.vector_store %arg23[%swap3A], %broadcast_in_dim3A_5 {strides = array<i32>} : memref<640xf32, #tpu.memory_space<vmem>>, vector<16xf32>,
      %scan3A_343 = arith.constant 0 : i32
      scf.yield %scan3A_343 : i32
    }
    %scan3A_11 = arith.constant 40 : i32
    %mul3A_12 = arith.constant 640 : i32
    %mul3A_13 = arith.muli %arg1, %mul3A_12 : i32
    "tpu.region"() ({
      %run_scoped3A = tpu.sem_alloc : memref<!tpu.dma_semaphore, #tpu.memory_space<semaphore_mem>>
      %dma_start3A_338 = tpu.memref_slice %arg27[%mul3A_13] : memref<10240xf32, #tpu.memory_space<vmem_shared>> -> memref<640xf32, #tpu.memory_space<vmem_shared>>
      %dma_start3A_339 = tpu.memref_slice %arg27[%mul3A_13] : memref<10240xf32, #tpu.memory_space<vmem_shared>> -> memref<640xf32, #tpu.memory_space<vmem_shared>>
      tpu.enqueue_dma source(%arg23 : memref<640xf32, #tpu.memory_space<vmem>>) target(%dma_start3A_339 : memref<640xf32, #tpu.memory_space<vmem_shared>>) target_semaphore(%run_scoped3A : memref<!tpu.dma_semaphore, #tpu.memory_space<semaphore_mem>>)
      %dma_wait3A_340 = tpu.memref_slice %arg27[%mul3A_13] : memref<10240xf32, #tpu.memory_space<vmem_shared>> -> memref<640xf32, #tpu.memory_space<vmem_shared>>
      %dma_wait3A_341 = tpu.memref_slice %arg27[%mul3A_13] : memref<10240xf32, #tpu.memory_space<vmem_shared>> -> memref<640xf32, #tpu.memory_space<vmem_shared>>
      tpu.wait_dma2 semaphore(%run_scoped3A : memref<!tpu.dma_semaphore, #tpu.memory_space<semaphore_mem>>) src(%arg23 : memref<640xf32, #tpu.memory_space<vmem>>) dst(%dma_wait3A_341 : memref<640xf32, #tpu.memory_space<vmem_shared>>)
      tpu.yield
    }) : () -> ()
    %mul3A_14 = arith.constant 640 : i32
    %mul3A_15 = arith.muli %arg1, %mul3A_14 : i32
    "tpu.region"() ({
      %run_scoped3A = tpu.sem_alloc : memref<!tpu.dma_semaphore, #tpu.memory_space<semaphore_mem>>
      %dma_start3A_338 = tpu.memref_slice %arg28[%mul3A_15] : memref<10240xf32, #tpu.memory_space<vmem_shared>> -> memref<640xf32, #tpu.memory_space<vmem_shared>>
      %dma_start3A_339 = tpu.memref_slice %arg28[%mul3A_15] : memref<10240xf32, #tpu.memory_space<vmem_shared>> -> memref<640xf32, #tpu.memory_space<vmem_shared>>
      tpu.enqueue_dma source(%arg23 : memref<640xf32, #tpu.memory_space<vmem>>) target(%dma_start3A_339 : memref<640xf32, #tpu.memory_space<vmem_shared>>) target_semaphore(%run_scoped3A : memref<!tpu.dma_semaphore, #tpu.memory_space<semaphore_mem>>)
      %dma_wait3A_340 = tpu.memref_slice %arg28[%mul3A_15] : memref<10240xf32, #tpu.memory_space<vmem_shared>> -> memref<640xf32, #tpu.memory_space<vmem_shared>>
      %dma_wait3A_341 = tpu.memref_slice %arg28[%mul3A_15] : memref<10240xf32, #tpu.memory_space<vmem_shared>> -> memref<640xf32, #tpu.memory_space<vmem_shared>>
      tpu.wait_dma2 semaphore(%run_scoped3A : memref<!tpu.dma_semaphore, #tpu.memory_space<semaphore_mem>>) src(%arg23 : memref<640xf32, #tpu.memory_space<vmem>>) dst(%dma_wait3A_341 : memref<640xf32, #tpu.memory_space<vmem_shared>>)
      tpu.yield
    }) : () -> ()
    %mul3A_16 = arith.constant 640 : i32
    %mul3A_17 = arith.muli %arg1, %mul3A_16 : i32
    "tpu.region"() ({
      %run_scoped3A = tpu.sem_alloc : memref<!tpu.dma_semaphore, #tpu.memory_space<semaphore_mem>>
      %dma_start3A_338 = tpu.memref_slice %arg29[%mul3A_17] : memref<10240xf32, #tpu.memory_space<vmem_shared>> -> memref<640xf32, #tpu.memory_space<vmem_shared>>
      %dma_start3A_339 = tpu.memref_slice %arg29[%mul3A_17] : memref<10240xf32, #tpu.memory_space<vmem_shared>> -> memref<640xf32, #tpu.memory_space<vmem_shared>>
      tpu.enqueue_dma source(%arg23 : memref<640xf32, #tpu.memory_space<vmem>>) target(%dma_start3A_339 : memref<640xf32, #tpu.memory_space<vmem_shared>>) target_semaphore(%run_scoped3A : memref<!tpu.dma_semaphore, #tpu.memory_space<semaphore_mem>>)
      %dma_wait3A_340 = tpu.memref_slice %arg29[%mul3A_17] : memref<10240xf32, #tpu.memory_space<vmem_shared>> -> memref<640xf32, #tpu.memory_space<vmem_shared>>
      %dma_wait3A_341 = tpu.memref_slice %arg29[%mul3A_17] : memref<10240xf32, #tpu.memory_space<vmem_shared>> -> memref<640xf32, #tpu.memory_space<vmem_shared>>
      tpu.wait_dma2 semaphore(%run_scoped3A : memref<!tpu.dma_semaphore, #tpu.memory_space<semaphore_mem>>) src(%arg23 : memref<640xf32, #tpu.memory_space<vmem>>) dst(%dma_wait3A_341 : memref<640xf32, #tpu.memory_space<vmem_shared>>)
      tpu.yield
    }) : () -> ()
    "tpu.region"() ({
      %run_scoped3A = tpu.sem_alloc : memref<!tpu.dma_semaphore, #tpu.memory_space<semaphore_mem>>
      tpu.enqueue_dma source(%arg6 : memref<16xf32, #tpu.memory_space<hbm>>) target(%arg24 : memref<16xf32, #tpu.memory_space<vmem>>) target_semaphore(%run_scoped3A : memref<!tpu.dma_semaphore, #tpu.memory_space<semaphore_mem>>)
      tpu.wait_dma2 semaphore(%run_scoped3A : memref<!tpu.dma_semaphore, #tpu.memory_space<semaphore_mem>>) src(%arg6 : memref<16xf32, #tpu.memory_space<hbm>>) dst(%arg24 : memref<16xf32, #tpu.memory_space<vmem>>)
      tpu.yield
    }) : () -> ()
    %mul3A_18 = arith.constant 16 : i32
    %mul3A_19 = arith.muli %add3A_0, %mul3A_18 : i32
    %add3A_20 = arith.addi %mul3A_19, %arg1 : i32
    "tpu.region"() ({
      %run_scoped3A = tpu.sem_alloc : memref<!tpu.dma_semaphore, #tpu.memory_space<semaphore_mem>>
      %dma_start3A_338 = arith.constant 0 : i32
      %dma_start3A_339 = arith.constant 0 : i32
      %dma_start3A_340 = tpu.memref_slice %arg3[%add3A_20, %dma_start3A_338, %dma_start3A_339] : memref<64x79x128xi32, #tpu.memory_space<hbm>> -> memref<1x79x128xi32, #tpu.memory_space<hbm>>
      %dma_start3A_341 = tpu.memref_squeeze %dma_start3A_340 : memref<1x79x128xi32, #tpu.memory_space<hbm>> -> memref<79x128xi32, #tpu.memory_space<hbm>>
      %dma_start3A_342 = arith.constant 0 : i32
      %dma_start3A_343 = arith.constant 0 : i32
      %dma_start3A_344 = tpu.memref_slice %arg3[%add3A_20, %dma_start3A_342, %dma_start3A_343] : memref<64x79x128xi32, #tpu.memory_space<hbm>> -> memref<1x79x128xi32, #tpu.memory_space<hbm>>
      %dma_start3A_345 = tpu.memref_squeeze %dma_start3A_344 : memref<1x79x128xi32, #tpu.memory_space<hbm>> -> memref<79x128xi32, #tpu.memory_space<hbm>>
      tpu.enqueue_dma source(%dma_start3A_345 : memref<79x128xi32, #tpu.memory_space<hbm>>) target(%arg9 : memref<79x128xi32, #tpu.memory_space<vmem>>) target_semaphore(%run_scoped3A : memref<!tpu.dma_semaphore, #tpu.memory_space<semaphore_mem>>)
      %dma_wait3A_346 = arith.constant 0 : i32
      %dma_wait3A_347 = arith.constant 0 : i32
      %dma_wait3A_348 = tpu.memref_slice %arg3[%add3A_20, %dma_wait3A_346, %dma_wait3A_347] : memref<64x79x128xi32, #tpu.memory_space<hbm>> -> memref<1x79x128xi32, #tpu.memory_space<hbm>>
      %dma_wait3A_349 = tpu.memref_squeeze %dma_wait3A_348 : memref<1x79x128xi32, #tpu.memory_space<hbm>> -> memref<79x128xi32, #tpu.memory_space<hbm>>
      %dma_wait3A_350 = arith.constant 0 : i32
      %dma_wait3A_351 = arith.constant 0 : i32
      %dma_wait3A_352 = tpu.memref_slice %arg3[%add3A_20, %dma_wait3A_350, %dma_wait3A_351] : memref<64x79x128xi32, #tpu.memory_space<hbm>> -> memref<1x79x128xi32, #tpu.memory_space<hbm>>
      %dma_wait3A_353 = tpu.memref_squeeze %dma_wait3A_352 : memref<1x79x128xi32, #tpu.memory_space<hbm>> -> memref<79x128xi32, #tpu.memory_space<hbm>>
      tpu.wait_dma2 semaphore(%run_scoped3A : memref<!tpu.dma_semaphore, #tpu.memory_space<semaphore_mem>>) src(%dma_wait3A_353 : memref<79x128xi32, #tpu.memory_space<hbm>>) dst(%arg9 : memref<79x128xi32, #tpu.memory_space<vmem>>)
      tpu.yield
    }) : () -> ()
    "tpu.region"() ({
      %run_scoped3A = tpu.sem_alloc : memref<!tpu.dma_semaphore, #tpu.memory_space<semaphore_mem>>
      %dma_start3A_338 = arith.constant 0 : i32
      %dma_start3A_339 = arith.constant 0 : i32
      %dma_start3A_340 = tpu.memref_slice %arg2[%add3A_20, %dma_start3A_338, %dma_start3A_339] : memref<64x79x128xi32, #tpu.memory_space<hbm>> -> memref<1x79x128xi32, #tpu.memory_space<hbm>>
      %dma_start3A_341 = tpu.memref_squeeze %dma_start3A_340 : memref<1x79x128xi32, #tpu.memory_space<hbm>> -> memref<79x128xi32, #tpu.memory_space<hbm>>
      %dma_start3A_342 = arith.constant 0 : i32
      %dma_start3A_343 = arith.constant 0 : i32
      %dma_start3A_344 = tpu.memref_slice %arg2[%add3A_20, %dma_start3A_342, %dma_start3A_343] : memref<64x79x128xi32, #tpu.memory_space<hbm>> -> memref<1x79x128xi32, #tpu.memory_space<hbm>>
      %dma_start3A_345 = tpu.memref_squeeze %dma_start3A_344 : memref<1x79x128xi32, #tpu.memory_space<hbm>> -> memref<79x128xi32, #tpu.memory_space<hbm>>
      tpu.enqueue_dma source(%dma_start3A_345 : memref<79x128xi32, #tpu.memory_space<hbm>>) target(%arg10 : memref<79x128xi32, #tpu.memory_space<vmem>>) target_semaphore(%run_scoped3A : memref<!tpu.dma_semaphore, #tpu.memory_space<semaphore_mem>>)
      %dma_wait3A_346 = arith.constant 0 : i32
      %dma_wait3A_347 = arith.constant 0 : i32
      %dma_wait3A_348 = tpu.memref_slice %arg2[%add3A_20, %dma_wait3A_346, %dma_wait3A_347] : memref<64x79x128xi32, #tpu.memory_space<hbm>> -> memref<1x79x128xi32, #tpu.memory_space<hbm>>
      %dma_wait3A_349 = tpu.memref_squeeze %dma_wait3A_348 : memref<1x79x128xi32, #tpu.memory_space<hbm>> -> memref<79x128xi32, #tpu.memory_space<hbm>>
      %dma_wait3A_350 = arith.constant 0 : i32
      %dma_wait3A_351 = arith.constant 0 : i32
      %dma_wait3A_352 = tpu.memref_slice %arg2[%add3A_20, %dma_wait3A_350, %dma_wait3A_351] : memref<64x79x128xi32, #tpu.memory_space<hbm>> -> memref<1x79x128xi32, #tpu.memory_space<hbm>>
      %dma_wait3A_353 = tpu.memref_squeeze %dma_wait3A_352 : memref<1x79x128xi32, #tpu.memory_space<hbm>> -> memref<79x128xi32, #tpu.memory_space<hbm>>
      tpu.wait_dma2 semaphore(%run_scoped3A : memref<!tpu.dma_semaphore, #tpu.memory_space<semaphore_mem>>) src(%dma_wait3A_353 : memref<79x128xi32, #tpu.memory_space<hbm>>) dst(%arg10 : memref<79x128xi32, #tpu.memory_space<vmem>>)
      tpu.yield
    }) : () -> ()
    %mul3A_21 = arith.constant 10000 : i32
    %mul3A_22 = arith.muli %add3A_0, %mul3A_21 : i32
    %add3A_23 = arith.addi %mul3A_22, %min3A_2 : i32
    "tpu.region"() ({
      %run_scoped3A = tpu.sem_alloc : memref<!tpu.dma_semaphore, #tpu.memory_space<semaphore_mem>>
      %dma_start3A_338 = arith.constant 0 : i32
      %dma_start3A_339 = tpu.memref_slice %arg15[%dma_start3A_338] : memref<640xf32, #tpu.memory_space<vmem>> -> memref<632xf32, #tpu.memory_space<vmem>>
      %dma_start3A_340 = tpu.memref_slice %arg4[%add3A_23] : memref<40000xf32, #tpu.memory_space<hbm>> -> memref<632xf32, #tpu.memory_space<hbm>>
      %dma_start3A_341 = arith.constant 0 : i32
      %dma_start3A_342 = tpu.memref_slice %arg15[%dma_start3A_341] : memref<640xf32, #tpu.memory_space<vmem>> -> memref<632xf32, #tpu.memory_space<vmem>>
      %dma_start3A_343 = tpu.memref_slice %arg4[%add3A_23] : memref<40000xf32, #tpu.memory_space<hbm>> -> memref<632xf32, #tpu.memory_space<hbm>>
      tpu.enqueue_dma source(%dma_start3A_343 : memref<632xf32, #tpu.memory_space<hbm>>) target(%dma_start3A_342 : memref<632xf32, #tpu.memory_space<vmem>>) target_semaphore(%run_scoped3A : memref<!tpu.dma_semaphore, #tpu.memory_space<semaphore_mem>>)
      %dma_wait3A_344 = arith.constant 0 : i32
      %dma_wait3A_345 = tpu.memref_slice %arg15[%dma_wait3A_344] : memref<640xf32, #tpu.memory_space<vmem>> -> memref<632xf32, #tpu.memory_space<vmem>>
      %dma_wait3A_346 = tpu.memref_slice %arg4[%add3A_23] : memref<40000xf32, #tpu.memory_space<hbm>> -> memref<632xf32, #tpu.memory_space<hbm>>
      %dma_wait3A_347 = arith.constant 0 : i32
      %dma_wait3A_348 = tpu.memref_slice %arg15[%dma_wait3A_347] : memref<640xf32, #tpu.memory_space<vmem>> -> memref<632xf32, #tpu.memory_space<vmem>>
      %dma_wait3A_349 = tpu.memref_slice %arg4[%add3A_23] : memref<40000xf32, #tpu.memory_space<hbm>> -> memref<632xf32, #tpu.memory_space<hbm>>
      tpu.wait_dma2 semaphore(%run_scoped3A : memref<!tpu.dma_semaphore, #tpu.memory_space<semaphore_mem>>) src(%dma_wait3A_349 : memref<632xf32, #tpu.memory_space<hbm>>) dst(%dma_wait3A_348 : memref<632xf32, #tpu.memory_space<vmem>>)
      tpu.yield
    }) : () -> ()
    "tpu.region"() ({
      %run_scoped3A = tpu.sem_alloc : memref<!tpu.dma_semaphore, #tpu.memory_space<semaphore_mem>>
      %dma_start3A_338 = arith.constant 0 : i32
      %dma_start3A_339 = tpu.memref_slice %arg16[%dma_start3A_338] : memref<640xf32, #tpu.memory_space<vmem>> -> memref<632xf32, #tpu.memory_space<vmem>>
      %dma_start3A_340 = tpu.memref_slice %arg5[%add3A_23] : memref<40000xf32, #tpu.memory_space<hbm>> -> memref<632xf32, #tpu.memory_space<hbm>>
      %dma_start3A_341 = arith.constant 0 : i32
      %dma_start3A_342 = tpu.memref_slice %arg16[%dma_start3A_341] : memref<640xf32, #tpu.memory_space<vmem>> -> memref<632xf32, #tpu.memory_space<vmem>>
      %dma_start3A_343 = tpu.memref_slice %arg5[%add3A_23] : memref<40000xf32, #tpu.memory_space<hbm>> -> memref<632xf32, #tpu.memory_space<hbm>>
      tpu.enqueue_dma source(%dma_start3A_343 : memref<632xf32, #tpu.memory_space<hbm>>) target(%dma_start3A_342 : memref<632xf32, #tpu.memory_space<vmem>>) target_semaphore(%run_scoped3A : memref<!tpu.dma_semaphore, #tpu.memory_space<semaphore_mem>>)
      %dma_wait3A_344 = arith.constant 0 : i32
      %dma_wait3A_345 = tpu.memref_slice %arg16[%dma_wait3A_344] : memref<640xf32, #tpu.memory_space<vmem>> -> memref<632xf32, #tpu.memory_space<vmem>>
      %dma_wait3A_346 = tpu.memref_slice %arg5[%add3A_23] : memref<40000xf32, #tpu.memory_space<hbm>> -> memref<632xf32, #tpu.memory_space<hbm>>
      %dma_wait3A_347 = arith.constant 0 : i32
      %dma_wait3A_348 = tpu.memref_slice %arg16[%dma_wait3A_347] : memref<640xf32, #tpu.memory_space<vmem>> -> memref<632xf32, #tpu.memory_space<vmem>>
      %dma_wait3A_349 = tpu.memref_slice %arg5[%add3A_23] : memref<40000xf32, #tpu.memory_space<hbm>> -> memref<632xf32, #tpu.memory_space<hbm>>
      tpu.wait_dma2 semaphore(%run_scoped3A : memref<!tpu.dma_semaphore, #tpu.memory_space<semaphore_mem>>) src(%dma_wait3A_349 : memref<632xf32, #tpu.memory_space<hbm>>) dst(%dma_wait3A_348 : memref<632xf32, #tpu.memory_space<vmem>>)
      tpu.yield
    }) : () -> ()
    %scan3A_24 = arith.constant 0 : i32
    %scan3A_25 = arith.constant 0 : i32
    %scan3A_26 = arith.constant 79 : i32
    %scan3A_27 = arith.addi %scan3A_25, %scan3A_26 : i32
    %scan3A_28 = arith.constant 1 : i32
    %scan3A_29 = scf.for %scan3A_338 = %scan3A_25 to %scan3A_27 step %scan3A_28 iter_args(%scan3A_339 = %scan3A_24) -> (i32)  : i32 {
      %swap3A = arith.index_cast %scan3A_338 : i32 to index
      %swap3A_340 = arith.constant 0 : index
      %swap3A_341 = tpu.vector_load %arg11[%swap3A, %swap3A_340] {strides = array<i32>} : memref<79x128xf32, #tpu.memory_space<vmem>>, vector<16xf32>,
      tpu.vector_store %arg11[%swap3A, %swap3A_340], %broadcast_in_dim3A_3 {strides = array<i32>} : memref<79x128xf32, #tpu.memory_space<vmem>>, vector<16xf32>,
      %swap3A_342 = arith.index_cast %scan3A_338 : i32 to index
      %swap3A_343 = arith.constant 16 : index
      %swap3A_344 = tpu.vector_load %arg11[%swap3A_342, %swap3A_343] {strides = array<i32>} : memref<79x128xf32, #tpu.memory_space<vmem>>, vector<16xf32>,
      tpu.vector_store %arg11[%swap3A_342, %swap3A_343], %broadcast_in_dim3A_3 {strides = array<i32>} : memref<79x128xf32, #tpu.memory_space<vmem>>, vector<16xf32>,
      %swap3A_345 = arith.index_cast %scan3A_338 : i32 to index
      %swap3A_346 = arith.constant 32 : index
      %swap3A_347 = tpu.vector_load %arg11[%swap3A_345, %swap3A_346] {strides = array<i32>} : memref<79x128xf32, #tpu.memory_space<vmem>>, vector<16xf32>,
      tpu.vector_store %arg11[%swap3A_345, %swap3A_346], %broadcast_in_dim3A_3 {strides = array<i32>} : memref<79x128xf32, #tpu.memory_space<vmem>>, vector<16xf32>,
      %swap3A_348 = arith.index_cast %scan3A_338 : i32 to index
      %swap3A_349 = arith.constant 48 : index
      %swap3A_350 = tpu.vector_load %arg11[%swap3A_348, %swap3A_349] {strides = array<i32>} : memref<79x128xf32, #tpu.memory_space<vmem>>, vector<16xf32>,
      tpu.vector_store %arg11[%swap3A_348, %swap3A_349], %broadcast_in_dim3A_3 {strides = array<i32>} : memref<79x128xf32, #tpu.memory_space<vmem>>, vector<16xf32>,
      %swap3A_351 = arith.index_cast %scan3A_338 : i32 to index
      %swap3A_352 = arith.constant 64 : index
      %swap3A_353 = tpu.vector_load %arg11[%swap3A_351, %swap3A_352] {strides = array<i32>} : memref<79x128xf32, #tpu.memory_space<vmem>>, vector<16xf32>,
      tpu.vector_store %arg11[%swap3A_351, %swap3A_352], %broadcast_in_dim3A_3 {strides = array<i32>} : memref<79x128xf32, #tpu.memory_space<vmem>>, vector<16xf32>,
      %swap3A_354 = arith.index_cast %scan3A_338 : i32 to index
      %swap3A_355 = arith.constant 80 : index
      %swap3A_356 = tpu.vector_load %arg11[%swap3A_354, %swap3A_355] {strides = array<i32>} : memref<79x128xf32, #tpu.memory_space<vmem>>, vector<16xf32>,
      tpu.vector_store %arg11[%swap3A_354, %swap3A_355], %broadcast_in_dim3A_3 {strides = array<i32>} : memref<79x128xf32, #tpu.memory_space<vmem>>, vector<16xf32>,
      %swap3A_357 = arith.index_cast %scan3A_338 : i32 to index
      %swap3A_358 = arith.constant 96 : index
      %swap3A_359 = tpu.vector_load %arg11[%swap3A_357, %swap3A_358] {strides = array<i32>} : memref<79x128xf32, #tpu.memory_space<vmem>>, vector<16xf32>,
      tpu.vector_store %arg11[%swap3A_357, %swap3A_358], %broadcast_in_dim3A_3 {strides = array<i32>} : memref<79x128xf32, #tpu.memory_space<vmem>>, vector<16xf32>,
      %swap3A_360 = arith.index_cast %scan3A_338 : i32 to index
      %swap3A_361 = arith.constant 112 : index
      %swap3A_362 = tpu.vector_load %arg11[%swap3A_360, %swap3A_361] {strides = array<i32>} : memref<79x128xf32, #tpu.memory_space<vmem>>, vector<16xf32>,
      tpu.vector_store %arg11[%swap3A_360, %swap3A_361], %broadcast_in_dim3A_3 {strides = array<i32>} : memref<79x128xf32, #tpu.memory_space<vmem>>, vector<16xf32>,
      %scan3A_363 = arith.constant 0 : i32
      scf.yield %scan3A_363 : i32
    }
    %scan3A_30 = arith.constant 79 : i32
    %barrier3A = arith.constant 0 : index
    tpu.barrier barrier_id(%barrier3A)
    %dma_start3A = arith.constant 0 : i32
    %dma_start3A_31 = arith.constant 0 : i32
    %dma_start3A_32 = arith.constant 0 : i32
    %dma_start3A_33 = tpu.memref_slice %arg11[%dma_start3A, %dma_start3A_32] : memref<79x128xf32, #tpu.memory_space<vmem>> -> memref<1x128xf32, #tpu.memory_space<vmem>>
    %dma_start3A_34 = tpu.memref_squeeze %dma_start3A_33 : memref<1x128xf32, #tpu.memory_space<vmem>> -> memref<128xf32, #tpu.memory_space<vmem>>
    %dma_start3A_35 = arith.constant 0 : i32
    %dma_start3A_36 = tpu.memref_slice %arg9[%dma_start3A_31, %dma_start3A_35] : memref<79x128xi32, #tpu.memory_space<vmem>> -> memref<1x128xi32, #tpu.memory_space<vmem>>
    %dma_start3A_37 = tpu.memref_squeeze %dma_start3A_36 : memref<1x128xi32, #tpu.memory_space<vmem>> -> memref<128xi32, #tpu.memory_space<vmem>>
    %dma_start3A_38 = arith.constant 0 : i32
    %dma_start3A_39 = tpu.memref_slice %arg27[%dma_start3A_38] : memref<10240xf32, #tpu.memory_space<vmem_shared>> -> memref<10240xf32, #tpu.memory_space<vmem_shared>>
    tpu.enqueue_indirect_dma source(%dma_start3A_34 : memref<128xf32, #tpu.memory_space<vmem>>) target(%dma_start3A_39 : memref<10240xf32, #tpu.memory_space<vmem_shared>>) offsets(%dma_start3A_37 : memref<128xi32, #tpu.memory_space<vmem>>) semaphore(%arg25 : memref<!tpu.dma_semaphore, #tpu.memory_space<semaphore_mem>>) {add = true}
    %dma_start3A_40 = arith.constant 1 : i32
    %dma_start3A_41 = arith.constant 1 : i32
    %dma_start3A_42 = arith.constant 0 : i32
    %dma_start3A_43 = tpu.memref_slice %arg11[%dma_start3A_40, %dma_start3A_42] : memref<79x128xf32, #tpu.memory_space<vmem>> -> memref<1x128xf32, #tpu.memory_space<vmem>>
    %dma_start3A_44 = tpu.memref_squeeze %dma_start3A_43 : memref<1x128xf32, #tpu.memory_space<vmem>> -> memref<128xf32, #tpu.memory_space<vmem>>
    %dma_start3A_45 = arith.constant 0 : i32
    %dma_start3A_46 = tpu.memref_slice %arg9[%dma_start3A_41, %dma_start3A_45] : memref<79x128xi32, #tpu.memory_space<vmem>> -> memref<1x128xi32, #tpu.memory_space<vmem>>
    %dma_start3A_47 = tpu.memref_squeeze %dma_start3A_46 : memref<1x128xi32, #tpu.memory_space<vmem>> -> memref<128xi32, #tpu.memory_space<vmem>>
    %dma_start3A_48 = arith.constant 0 : i32
    %dma_start3A_49 = tpu.memref_slice %arg27[%dma_start3A_48] : memref<10240xf32, #tpu.memory_space<vmem_shared>> -> memref<10240xf32, #tpu.memory_space<vmem_shared>>
    tpu.enqueue_indirect_dma source(%dma_start3A_44 : memref<128xf32, #tpu.memory_space<vmem>>) target(%dma_start3A_49 : memref<10240xf32, #tpu.memory_space<vmem_shared>>) offsets(%dma_start3A_47 : memref<128xi32, #tpu.memory_space<vmem>>) semaphore(%arg25 : memref<!tpu.dma_semaphore, #tpu.memory_space<semaphore_mem>>) {add = true}
    %dma_start3A_50 = arith.constant 2 : i32
    %dma_start3A_51 = arith.constant 2 : i32
    %dma_start3A_52 = arith.constant 0 : i32
    %dma_start3A_53 = tpu.memref_slice %arg11[%dma_start3A_50, %dma_start3A_52] : memref<79x128xf32, #tpu.memory_space<vmem>> -> memref<1x128xf32, #tpu.memory_space<vmem>>
    %dma_start3A_54 = tpu.memref_squeeze %dma_start3A_53 : memref<1x128xf32, #tpu.memory_space<vmem>> -> memref<128xf32, #tpu.memory_space<vmem>>
    %dma_start3A_55 = arith.constant 0 : i32
    %dma_start3A_56 = tpu.memref_slice %arg9[%dma_start3A_51, %dma_start3A_55] : memref<79x128xi32, #tpu.memory_space<vmem>> -> memref<1x128xi32, #tpu.memory_space<vmem>>
    %dma_start3A_57 = tpu.memref_squeeze %dma_start3A_56 : memref<1x128xi32, #tpu.memory_space<vmem>> -> memref<128xi32, #tpu.memory_space<vmem>>
    %dma_start3A_58 = arith.constant 0 : i32
    %dma_start3A_59 = tpu.memref_slice %arg27[%dma_start3A_58] : memref<10240xf32, #tpu.memory_space<vmem_shared>> -> memref<10240xf32, #tpu.memory_space<vmem_shared>>
    tpu.enqueue_indirect_dma source(%dma_start3A_54 : memref<128xf32, #tpu.memory_space<vmem>>) target(%dma_start3A_59 : memref<10240xf32, #tpu.memory_space<vmem_shared>>) offsets(%dma_start3A_57 : memref<128xi32, #tpu.memory_space<vmem>>) semaphore(%arg25 : memref<!tpu.dma_semaphore, #tpu.memory_space<semaphore_mem>>) {add = true}
    %dma_start3A_60 = arith.constant 3 : i32
    %dma_start3A_61 = arith.constant 3 : i32
    %dma_start3A_62 = arith.constant 0 : i32
    %dma_start3A_63 = tpu.memref_slice %arg11[%dma_start3A_60, %dma_start3A_62] : memref<79x128xf32, #tpu.memory_space<vmem>> -> memref<1x128xf32, #tpu.memory_space<vmem>>
    %dma_start3A_64 = tpu.memref_squeeze %dma_start3A_63 : memref<1x128xf32, #tpu.memory_space<vmem>> -> memref<128xf32, #tpu.memory_space<vmem>>
    %dma_start3A_65 = arith.constant 0 : i32
    %dma_start3A_66 = tpu.memref_slice %arg9[%dma_start3A_61, %dma_start3A_65] : memref<79x128xi32, #tpu.memory_space<vmem>> -> memref<1x128xi32, #tpu.memory_space<vmem>>
    %dma_start3A_67 = tpu.memref_squeeze %dma_start3A_66 : memref<1x128xi32, #tpu.memory_space<vmem>> -> memref<128xi32, #tpu.memory_space<vmem>>
    %dma_start3A_68 = arith.constant 0 : i32
    %dma_start3A_69 = tpu.memref_slice %arg27[%dma_start3A_68] : memref<10240xf32, #tpu.memory_space<vmem_shared>> -> memref<10240xf32, #tpu.memory_space<vmem_shared>>
    tpu.enqueue_indirect_dma source(%dma_start3A_64 : memref<128xf32, #tpu.memory_space<vmem>>) target(%dma_start3A_69 : memref<10240xf32, #tpu.memory_space<vmem_shared>>) offsets(%dma_start3A_67 : memref<128xi32, #tpu.memory_space<vmem>>) semaphore(%arg25 : memref<!tpu.dma_semaphore, #tpu.memory_space<semaphore_mem>>) {add = true}
    %scan3A_70 = arith.constant 0 : i32
    %scan3A_71 = arith.constant 4 : i32
    %scan3A_72 = arith.constant 75 : i32
    %scan3A_73 = arith.addi %scan3A_71, %scan3A_72 : i32
    %scan3A_74 = arith.constant 1 : i32
    %scan3A_75 = scf.for %scan3A_338 = %scan3A_71 to %scan3A_73 step %scan3A_74 iter_args(%scan3A_339 = %scan3A_70) -> (i32)  : i32 {
      %dma_start3A_340 = arith.constant 0 : i32
      %dma_start3A_341 = tpu.memref_slice %arg11[%scan3A_338, %dma_start3A_340] : memref<79x128xf32, #tpu.memory_space<vmem>> -> memref<1x128xf32, #tpu.memory_space<vmem>>
      %dma_start3A_342 = tpu.memref_squeeze %dma_start3A_341 : memref<1x128xf32, #tpu.memory_space<vmem>> -> memref<128xf32, #tpu.memory_space<vmem>>
      %dma_start3A_343 = arith.constant 0 : i32
      %dma_start3A_344 = tpu.memref_slice %arg9[%scan3A_338, %dma_start3A_343] : memref<79x128xi32, #tpu.memory_space<vmem>> -> memref<1x128xi32, #tpu.memory_space<vmem>>
      %dma_start3A_345 = tpu.memref_squeeze %dma_start3A_344 : memref<1x128xi32, #tpu.memory_space<vmem>> -> memref<128xi32, #tpu.memory_space<vmem>>
      %dma_start3A_346 = arith.constant 0 : i32
      %dma_start3A_347 = tpu.memref_slice %arg27[%dma_start3A_346] : memref<10240xf32, #tpu.memory_space<vmem_shared>> -> memref<10240xf32, #tpu.memory_space<vmem_shared>>
      tpu.enqueue_indirect_dma source(%dma_start3A_342 : memref<128xf32, #tpu.memory_space<vmem>>) target(%dma_start3A_347 : memref<10240xf32, #tpu.memory_space<vmem_shared>>) offsets(%dma_start3A_345 : memref<128xi32, #tpu.memory_space<vmem>>) semaphore(%arg25 : memref<!tpu.dma_semaphore, #tpu.memory_space<semaphore_mem>>) {add = true}
      %sub3A_348 = arith.constant 4 : i32
      %sub3A_349 = arith.subi %scan3A_338, %sub3A_348 : i32
      %dma_wait3A_350 = arith.constant 0 : i32
      %dma_wait3A_351 = tpu.memref_slice %arg11[%sub3A_349, %dma_wait3A_350] : memref<79x128xf32, #tpu.memory_space<vmem>> -> memref<1x128xf32, #tpu.memory_space<vmem>>
      %dma_wait3A_352 = tpu.memref_squeeze %dma_wait3A_351 : memref<1x128xf32, #tpu.memory_space<vmem>> -> memref<128xf32, #tpu.memory_space<vmem>>
      %dma_wait3A_353 = arith.constant 0 : i32
      %dma_wait3A_354 = tpu.memref_slice %arg9[%sub3A_349, %dma_wait3A_353] : memref<79x128xi32, #tpu.memory_space<vmem>> -> memref<1x128xi32, #tpu.memory_space<vmem>>
      %dma_wait3A_355 = tpu.memref_squeeze %dma_wait3A_354 : memref<1x128xi32, #tpu.memory_space<vmem>> -> memref<128xi32, #tpu.memory_space<vmem>>
      %dma_wait3A_356 = arith.constant 0 : i32
      %dma_wait3A_357 = tpu.memref_slice %arg27[%dma_wait3A_356] : memref<10240xf32, #tpu.memory_space<vmem_shared>> -> memref<10240xf32, #tpu.memory_space<vmem_shared>>
      tpu.wait_indirect_dma semaphore(%arg25 : memref<!tpu.dma_semaphore, #tpu.memory_space<semaphore_mem>>) src(%dma_wait3A_352 : memref<128xf32, #tpu.memory_space<vmem>>) dst(%dma_wait3A_357 : memref<10240xf32, #tpu.memory_space<vmem_shared>>)
      %scan3A_358 = arith.constant 0 : i32
      scf.yield %scan3A_358 : i32
    }
    %scan3A_76 = arith.constant 75 : i32
    %dma_wait3A = arith.constant 75 : i32
    %dma_wait3A_77 = arith.constant 75 : i32
    %dma_wait3A_78 = arith.constant 0 : i32
    %dma_wait3A_79 = tpu.memref_slice %arg11[%dma_wait3A, %dma_wait3A_78] : memref<79x128xf32, #tpu.memory_space<vmem>> -> memref<1x128xf32, #tpu.memory_space<vmem>>
    %dma_wait3A_80 = tpu.memref_squeeze %dma_wait3A_79 : memref<1x128xf32, #tpu.memory_space<vmem>> -> memref<128xf32, #tpu.memory_space<vmem>>
    %dma_wait3A_81 = arith.constant 0 : i32
    %dma_wait3A_82 = tpu.memref_slice %arg9[%dma_wait3A_77, %dma_wait3A_81] : memref<79x128xi32, #tpu.memory_space<vmem>> -> memref<1x128xi32, #tpu.memory_space<vmem>>
    %dma_wait3A_83 = tpu.memref_squeeze %dma_wait3A_82 : memref<1x128xi32, #tpu.memory_space<vmem>> -> memref<128xi32, #tpu.memory_space<vmem>>
    %dma_wait3A_84 = arith.constant 0 : i32
    %dma_wait3A_85 = tpu.memref_slice %arg27[%dma_wait3A_84] : memref<10240xf32, #tpu.memory_space<vmem_shared>> -> memref<10240xf32, #tpu.memory_space<vmem_shared>>
    tpu.wait_indirect_dma semaphore(%arg25 : memref<!tpu.dma_semaphore, #tpu.memory_space<semaphore_mem>>) src(%dma_wait3A_80 : memref<128xf32, #tpu.memory_space<vmem>>) dst(%dma_wait3A_85 : memref<10240xf32, #tpu.memory_space<vmem_shared>>)
    %dma_wait3A_86 = arith.constant 76 : i32
    %dma_wait3A_87 = arith.constant 76 : i32
    %dma_wait3A_88 = arith.constant 0 : i32
    %dma_wait3A_89 = tpu.memref_slice %arg11[%dma_wait3A_86, %dma_wait3A_88] : memref<79x128xf32, #tpu.memory_space<vmem>> -> memref<1x128xf32, #tpu.memory_space<vmem>>
    %dma_wait3A_90 = tpu.memref_squeeze %dma_wait3A_89 : memref<1x128xf32, #tpu.memory_space<vmem>> -> memref<128xf32, #tpu.memory_space<vmem>>
    %dma_wait3A_91 = arith.constant 0 : i32
    %dma_wait3A_92 = tpu.memref_slice %arg9[%dma_wait3A_87, %dma_wait3A_91] : memref<79x128xi32, #tpu.memory_space<vmem>> -> memref<1x128xi32, #tpu.memory_space<vmem>>
    %dma_wait3A_93 = tpu.memref_squeeze %dma_wait3A_92 : memref<1x128xi32, #tpu.memory_space<vmem>> -> memref<128xi32, #tpu.memory_space<vmem>>
    %dma_wait3A_94 = arith.constant 0 : i32
    %dma_wait3A_95 = tpu.memref_slice %arg27[%dma_wait3A_94] : memref<10240xf32, #tpu.memory_space<vmem_shared>> -> memref<10240xf32, #tpu.memory_space<vmem_shared>>
    tpu.wait_indirect_dma semaphore(%arg25 : memref<!tpu.dma_semaphore, #tpu.memory_space<semaphore_mem>>) src(%dma_wait3A_90 : memref<128xf32, #tpu.memory_space<vmem>>) dst(%dma_wait3A_95 : memref<10240xf32, #tpu.memory_space<vmem_shared>>)
    %dma_wait3A_96 = arith.constant 77 : i32
    %dma_wait3A_97 = arith.constant 77 : i32
    %dma_wait3A_98 = arith.constant 0 : i32
    %dma_wait3A_99 = tpu.memref_slice %arg11[%dma_wait3A_96, %dma_wait3A_98] : memref<79x128xf32, #tpu.memory_space<vmem>> -> memref<1x128xf32, #tpu.memory_space<vmem>>
    %dma_wait3A_100 = tpu.memref_squeeze %dma_wait3A_99 : memref<1x128xf32, #tpu.memory_space<vmem>> -> memref<128xf32, #tpu.memory_space<vmem>>
    %dma_wait3A_101 = arith.constant 0 : i32
    %dma_wait3A_102 = tpu.memref_slice %arg9[%dma_wait3A_97, %dma_wait3A_101] : memref<79x128xi32, #tpu.memory_space<vmem>> -> memref<1x128xi32, #tpu.memory_space<vmem>>
    %dma_wait3A_103 = tpu.memref_squeeze %dma_wait3A_102 : memref<1x128xi32, #tpu.memory_space<vmem>> -> memref<128xi32, #tpu.memory_space<vmem>>
    %dma_wait3A_104 = arith.constant 0 : i32
    %dma_wait3A_105 = tpu.memref_slice %arg27[%dma_wait3A_104] : memref<10240xf32, #tpu.memory_space<vmem_shared>> -> memref<10240xf32, #tpu.memory_space<vmem_shared>>
    tpu.wait_indirect_dma semaphore(%arg25 : memref<!tpu.dma_semaphore, #tpu.memory_space<semaphore_mem>>) src(%dma_wait3A_100 : memref<128xf32, #tpu.memory_space<vmem>>) dst(%dma_wait3A_105 : memref<10240xf32, #tpu.memory_space<vmem_shared>>)
    %dma_wait3A_106 = arith.constant 78 : i32
    %dma_wait3A_107 = arith.constant 78 : i32
    %dma_wait3A_108 = arith.constant 0 : i32
    %dma_wait3A_109 = tpu.memref_slice %arg11[%dma_wait3A_106, %dma_wait3A_108] : memref<79x128xf32, #tpu.memory_space<vmem>> -> memref<1x128xf32, #tpu.memory_space<vmem>>
    %dma_wait3A_110 = tpu.memref_squeeze %dma_wait3A_109 : memref<1x128xf32, #tpu.memory_space<vmem>> -> memref<128xf32, #tpu.memory_space<vmem>>
    %dma_wait3A_111 = arith.constant 0 : i32
    %dma_wait3A_112 = tpu.memref_slice %arg9[%dma_wait3A_107, %dma_wait3A_111] : memref<79x128xi32, #tpu.memory_space<vmem>> -> memref<1x128xi32, #tpu.memory_space<vmem>>
    %dma_wait3A_113 = tpu.memref_squeeze %dma_wait3A_112 : memref<1x128xi32, #tpu.memory_space<vmem>> -> memref<128xi32, #tpu.memory_space<vmem>>
    %dma_wait3A_114 = arith.constant 0 : i32
    %dma_wait3A_115 = tpu.memref_slice %arg27[%dma_wait3A_114] : memref<10240xf32, #tpu.memory_space<vmem_shared>> -> memref<10240xf32, #tpu.memory_space<vmem_shared>>
    tpu.wait_indirect_dma semaphore(%arg25 : memref<!tpu.dma_semaphore, #tpu.memory_space<semaphore_mem>>) src(%dma_wait3A_110 : memref<128xf32, #tpu.memory_space<vmem>>) dst(%dma_wait3A_115 : memref<10240xf32, #tpu.memory_space<vmem_shared>>)
    %barrier3A_116 = arith.constant 0 : index
    tpu.barrier barrier_id(%barrier3A_116)
    "tpu.region"() ({
      %run_scoped3A = tpu.sem_alloc : memref<!tpu.dma_semaphore, #tpu.memory_space<semaphore_mem>>
      %dma_start3A_338 = arith.constant 0 : i32
      %dma_start3A_339 = tpu.memref_slice %arg17[%dma_start3A_338] : memref<640xf32, #tpu.memory_space<vmem>> -> memref<632xf32, #tpu.memory_space<vmem>>
      %dma_start3A_340 = tpu.memref_slice %arg27[%min3A_2] : memref<10240xf32, #tpu.memory_space<vmem_shared>> -> memref<632xf32, #tpu.memory_space<vmem_shared>>
      %dma_start3A_341 = arith.constant 0 : i32
      %dma_start3A_342 = tpu.memref_slice %arg17[%dma_start3A_341] : memref<640xf32, #tpu.memory_space<vmem>> -> memref<632xf32, #tpu.memory_space<vmem>>
      %dma_start3A_343 = tpu.memref_slice %arg27[%min3A_2] : memref<10240xf32, #tpu.memory_space<vmem_shared>> -> memref<632xf32, #tpu.memory_space<vmem_shared>>
      tpu.enqueue_dma source(%dma_start3A_343 : memref<632xf32, #tpu.memory_space<vmem_shared>>) target(%dma_start3A_342 : memref<632xf32, #tpu.memory_space<vmem>>) target_semaphore(%run_scoped3A : memref<!tpu.dma_semaphore, #tpu.memory_space<semaphore_mem>>)
      %dma_wait3A_344 = arith.constant 0 : i32
      %dma_wait3A_345 = tpu.memref_slice %arg17[%dma_wait3A_344] : memref<640xf32, #tpu.memory_space<vmem>> -> memref<632xf32, #tpu.memory_space<vmem>>
      %dma_wait3A_346 = tpu.memref_slice %arg27[%min3A_2] : memref<10240xf32, #tpu.memory_space<vmem_shared>> -> memref<632xf32, #tpu.memory_space<vmem_shared>>
      %dma_wait3A_347 = arith.constant 0 : i32
      %dma_wait3A_348 = tpu.memref_slice %arg17[%dma_wait3A_347] : memref<640xf32, #tpu.memory_space<vmem>> -> memref<632xf32, #tpu.memory_space<vmem>>
      %dma_wait3A_349 = tpu.memref_slice %arg27[%min3A_2] : memref<10240xf32, #tpu.memory_space<vmem_shared>> -> memref<632xf32, #tpu.memory_space<vmem_shared>>
      tpu.wait_dma2 semaphore(%run_scoped3A : memref<!tpu.dma_semaphore, #tpu.memory_space<semaphore_mem>>) src(%dma_wait3A_349 : memref<632xf32, #tpu.memory_space<vmem_shared>>) dst(%dma_wait3A_348 : memref<632xf32, #tpu.memory_space<vmem>>)
      tpu.yield
    }) : () -> ()
    %get3A = arith.constant 0 : index
    %get3A_117 = tpu.vector_load %arg24[%get3A] {strides = array<i32>} : memref<16xf32, #tpu.memory_space<vmem>>, vector<16xf32>,
    %slice3A = vector.extract_strided_slice %get3A_117 {offsets = [0], sizes = [1], strides = [1]} : vector<16xf32> to vector<1xf32>
    %squeeze3A = vector.extract %slice3A[0] : f32 from vector<1xf32>
    %slice3A_118 = vector.extract_strided_slice %get3A_117 {offsets = [1], sizes = [1], strides = [1]} : vector<16xf32> to vector<1xf32>
    %squeeze3A_119 = vector.extract %slice3A_118[0] : f32 from vector<1xf32>
    %slice3A_120 = vector.extract_strided_slice %get3A_117 {offsets = [2], sizes = [1], strides = [1]} : vector<16xf32> to vector<1xf32>
    %squeeze3A_121 = vector.extract %slice3A_120[0] : f32 from vector<1xf32>
    %slice3A_122 = vector.extract_strided_slice %get3A_117 {offsets = [3], sizes = [1], strides = [1]} : vector<16xf32> to vector<1xf32>
    %squeeze3A_123 = vector.extract %slice3A_122[0] : f32 from vector<1xf32>
    %scan3A_124 = arith.constant 0 : i32
    %scan3A_125 = arith.constant 0 : i32
    %scan3A_126 = arith.constant 40 : i32
    %scan3A_127 = arith.addi %scan3A_125, %scan3A_126 : i32
    %scan3A_128 = arith.constant 1 : i32
    %scan3A_129 = scf.for %scan3A_338 = %scan3A_125 to %scan3A_127 step %scan3A_128 iter_args(%scan3A_339 = %scan3A_124) -> (i32)  : i32 {
      %mul3A_340 = arith.constant 16 : i32
      %mul3A_341 = arith.muli %scan3A_338, %mul3A_340 : i32
      %get3A_342 = arith.index_cast %mul3A_341 : i32 to index
      %get3A_343 = tpu.vector_load %arg17[%get3A_342] {strides = array<i32>} : memref<640xf32, #tpu.memory_space<vmem>>, vector<16xf32>,
      %add3A_344 = arith.constant 1.000000e+00 : f32
      %add3A_345 = vector.broadcast %add3A_344 : f32 to vector<16xf32>
      %add3A_346 = arith.addf %get3A_343, %add3A_345 : vector<16xf32>
      %bitcast_convert_type3A = tpu.bitcast %add3A_346 : vector<16xf32> -> vector<16xi32>
      %shift_right_arithmetic3A = arith.constant 1 : i32
      %shift_right_arithmetic3A_347 = vector.broadcast %shift_right_arithmetic3A : i32 to vector<16xi32>
      %shift_right_arithmetic3A_348 = arith.shrsi %bitcast_convert_type3A, %shift_right_arithmetic3A_347 : vector<16xi32>
      %sub3A_349 = arith.constant 1597463007 : i32
      %sub3A_350 = vector.broadcast %sub3A_349 : i32 to vector<16xi32>
      %sub3A_351 = arith.subi %sub3A_350, %shift_right_arithmetic3A_348 : vector<16xi32>
      %bitcast_convert_type3A_352 = tpu.bitcast %sub3A_351 : vector<16xi32> -> vector<16xf32>
      %mul3A_353 = arith.constant 5.000000e-01 : f32
      %mul3A_354 = vector.broadcast %mul3A_353 : f32 to vector<16xf32>
      %mul3A_355 = arith.mulf %mul3A_354, %add3A_346 : vector<16xf32>
      %mul3A_356 = arith.mulf %mul3A_355, %bitcast_convert_type3A_352 : vector<16xf32>
      %mul3A_357 = arith.mulf %mul3A_356, %bitcast_convert_type3A_352 : vector<16xf32>
      %sub3A_358 = arith.constant 1.500000e+00 : f32
      %sub3A_359 = vector.broadcast %sub3A_358 : f32 to vector<16xf32>
      %sub3A_360 = arith.subf %sub3A_359, %mul3A_357 : vector<16xf32>
      %mul3A_361 = arith.mulf %bitcast_convert_type3A_352, %sub3A_360 : vector<16xf32>
      %mul3A_362 = arith.constant 5.000000e-01 : f32
      %mul3A_363 = vector.broadcast %mul3A_362 : f32 to vector<16xf32>
      %mul3A_364 = arith.mulf %mul3A_363, %add3A_346 : vector<16xf32>
      %mul3A_365 = arith.mulf %mul3A_364, %mul3A_361 : vector<16xf32>
      %mul3A_366 = arith.mulf %mul3A_365, %mul3A_361 : vector<16xf32>
      %sub3A_367 = arith.constant 1.500000e+00 : f32
      %sub3A_368 = vector.broadcast %sub3A_367 : f32 to vector<16xf32>
      %sub3A_369 = arith.subf %sub3A_368, %mul3A_366 : vector<16xf32>
      %mul3A_370 = arith.mulf %mul3A_361, %sub3A_369 : vector<16xf32>
      %mul3A_371 = arith.constant 5.000000e-01 : f32
      %mul3A_372 = vector.broadcast %mul3A_371 : f32 to vector<16xf32>
      %mul3A_373 = arith.mulf %mul3A_372, %add3A_346 : vector<16xf32>
      %mul3A_374 = arith.mulf %mul3A_373, %mul3A_370 : vector<16xf32>
      %mul3A_375 = arith.mulf %mul3A_374, %mul3A_370 : vector<16xf32>
      %sub3A_376 = arith.constant 1.500000e+00 : f32
      %sub3A_377 = vector.broadcast %sub3A_376 : f32 to vector<16xf32>
      %sub3A_378 = arith.subf %sub3A_377, %mul3A_375 : vector<16xf32>
      %mul3A_379 = arith.mulf %mul3A_370, %sub3A_378 : vector<16xf32>
      %mul3A_380 = arith.constant 16 : i32
      %mul3A_381 = arith.muli %scan3A_338, %mul3A_380 : i32
      %swap3A = arith.index_cast %mul3A_381 : i32 to index
      %swap3A_382 = tpu.vector_load %arg17[%swap3A] {strides = array<i32>} : memref<640xf32, #tpu.memory_space<vmem>>, vector<16xf32>,
      tpu.vector_store %arg17[%swap3A], %mul3A_379 {strides = array<i32>} : memref<640xf32, #tpu.memory_space<vmem>>, vector<16xf32>,
      %mul3A_383 = arith.constant 16 : i32
      %mul3A_384 = arith.muli %scan3A_338, %mul3A_383 : i32
      %get3A_385 = arith.index_cast %mul3A_384 : i32 to index
      %get3A_386 = tpu.vector_load %arg15[%get3A_385] {strides = array<i32>} : memref<640xf32, #tpu.memory_space<vmem>>, vector<16xf32>,
      %mul3A_387 = arith.constant 16 : i32
      %mul3A_388 = arith.muli %scan3A_338, %mul3A_387 : i32
      %get3A_389 = arith.index_cast %mul3A_388 : i32 to index
      %get3A_390 = tpu.vector_load %arg16[%get3A_389] {strides = array<i32>} : memref<640xf32, #tpu.memory_space<vmem>>, vector<16xf32>,
      %mul3A_391 = vector.broadcast %squeeze3A : f32 to vector<16xf32>
      %mul3A_392 = arith.mulf %get3A_386, %mul3A_391 : vector<16xf32>
      %mul3A_393 = vector.broadcast %squeeze3A_119 : f32 to vector<16xf32>
      %mul3A_394 = arith.mulf %get3A_390, %mul3A_393 : vector<16xf32>
      %add3A_395 = arith.addf %mul3A_392, %mul3A_394 : vector<16xf32>
      %mul3A_396 = arith.mulf %add3A_395, %mul3A_379 : vector<16xf32>
      %mul3A_397 = arith.constant 16 : i32
      %mul3A_398 = arith.muli %scan3A_338, %mul3A_397 : i32
      %swap3A_399 = arith.index_cast %mul3A_398 : i32 to index
      %swap3A_400 = tpu.vector_load %arg18[%swap3A_399] {strides = array<i32>} : memref<640xf32, #tpu.memory_space<vmem>>, vector<16xf32>,
      tpu.vector_store %arg18[%swap3A_399], %mul3A_396 {strides = array<i32>} : memref<640xf32, #tpu.memory_space<vmem>>, vector<16xf32>,
      %mul3A_401 = vector.broadcast %squeeze3A_121 : f32 to vector<16xf32>
      %mul3A_402 = arith.mulf %get3A_386, %mul3A_401 : vector<16xf32>
      %mul3A_403 = vector.broadcast %squeeze3A_123 : f32 to vector<16xf32>
      %mul3A_404 = arith.mulf %get3A_390, %mul3A_403 : vector<16xf32>
      %add3A_405 = arith.addf %mul3A_402, %mul3A_404 : vector<16xf32>
      %mul3A_406 = arith.mulf %add3A_405, %mul3A_379 : vector<16xf32>
      %mul3A_407 = arith.constant 16 : i32
      %mul3A_408 = arith.muli %scan3A_338, %mul3A_407 : i32
      %swap3A_409 = arith.index_cast %mul3A_408 : i32 to index
      %swap3A_410 = tpu.vector_load %arg19[%swap3A_409] {strides = array<i32>} : memref<640xf32, #tpu.memory_space<vmem>>, vector<16xf32>,
      tpu.vector_store %arg19[%swap3A_409], %mul3A_406 {strides = array<i32>} : memref<640xf32, #tpu.memory_space<vmem>>, vector<16xf32>,
      %scan3A_411 = arith.constant 0 : i32
      scf.yield %scan3A_411 : i32
    }
    %scan3A_130 = arith.constant 40 : i32
    "tpu.region"() ({
      %run_scoped3A = tpu.sem_alloc : memref<!tpu.dma_semaphore, #tpu.memory_space<semaphore_mem>>
      %dma_start3A_338 = arith.constant 0 : i32
      %dma_start3A_339 = tpu.memref_slice %arg18[%dma_start3A_338] : memref<640xf32, #tpu.memory_space<vmem>> -> memref<632xf32, #tpu.memory_space<vmem>>
      %dma_start3A_340 = tpu.memref_slice %arg30[%min3A_2] : memref<10000xf32, #tpu.memory_space<vmem_shared>> -> memref<632xf32, #tpu.memory_space<vmem_shared>>
      %dma_start3A_341 = tpu.memref_slice %arg30[%min3A_2] : memref<10000xf32, #tpu.memory_space<vmem_shared>> -> memref<632xf32, #tpu.memory_space<vmem_shared>>
      %dma_start3A_342 = arith.constant 0 : i32
      %dma_start3A_343 = tpu.memref_slice %arg18[%dma_start3A_342] : memref<640xf32, #tpu.memory_space<vmem>> -> memref<632xf32, #tpu.memory_space<vmem>>
      tpu.enqueue_dma source(%dma_start3A_343 : memref<632xf32, #tpu.memory_space<vmem>>) target(%dma_start3A_341 : memref<632xf32, #tpu.memory_space<vmem_shared>>) target_semaphore(%run_scoped3A : memref<!tpu.dma_semaphore, #tpu.memory_space<semaphore_mem>>)
      %dma_wait3A_344 = arith.constant 0 : i32
      %dma_wait3A_345 = tpu.memref_slice %arg18[%dma_wait3A_344] : memref<640xf32, #tpu.memory_space<vmem>> -> memref<632xf32, #tpu.memory_space<vmem>>
      %dma_wait3A_346 = tpu.memref_slice %arg30[%min3A_2] : memref<10000xf32, #tpu.memory_space<vmem_shared>> -> memref<632xf32, #tpu.memory_space<vmem_shared>>
      %dma_wait3A_347 = tpu.memref_slice %arg30[%min3A_2] : memref<10000xf32, #tpu.memory_space<vmem_shared>> -> memref<632xf32, #tpu.memory_space<vmem_shared>>
      %dma_wait3A_348 = arith.constant 0 : i32
      %dma_wait3A_349 = tpu.memref_slice %arg18[%dma_wait3A_348] : memref<640xf32, #tpu.memory_space<vmem>> -> memref<632xf32, #tpu.memory_space<vmem>>
      tpu.wait_dma2 semaphore(%run_scoped3A : memref<!tpu.dma_semaphore, #tpu.memory_space<semaphore_mem>>) src(%dma_wait3A_349 : memref<632xf32, #tpu.memory_space<vmem>>) dst(%dma_wait3A_347 : memref<632xf32, #tpu.memory_space<vmem_shared>>)
      tpu.yield
    }) : () -> ()
    "tpu.region"() ({
      %run_scoped3A = tpu.sem_alloc : memref<!tpu.dma_semaphore, #tpu.memory_space<semaphore_mem>>
      %dma_start3A_338 = arith.constant 0 : i32
      %dma_start3A_339 = tpu.memref_slice %arg19[%dma_start3A_338] : memref<640xf32, #tpu.memory_space<vmem>> -> memref<632xf32, #tpu.memory_space<vmem>>
      %dma_start3A_340 = tpu.memref_slice %arg31[%min3A_2] : memref<10000xf32, #tpu.memory_space<vmem_shared>> -> memref<632xf32, #tpu.memory_space<vmem_shared>>
      %dma_start3A_341 = tpu.memref_slice %arg31[%min3A_2] : memref<10000xf32, #tpu.memory_space<vmem_shared>> -> memref<632xf32, #tpu.memory_space<vmem_shared>>
      %dma_start3A_342 = arith.constant 0 : i32
      %dma_start3A_343 = tpu.memref_slice %arg19[%dma_start3A_342] : memref<640xf32, #tpu.memory_space<vmem>> -> memref<632xf32, #tpu.memory_space<vmem>>
      tpu.enqueue_dma source(%dma_start3A_343 : memref<632xf32, #tpu.memory_space<vmem>>) target(%dma_start3A_341 : memref<632xf32, #tpu.memory_space<vmem_shared>>) target_semaphore(%run_scoped3A : memref<!tpu.dma_semaphore, #tpu.memory_space<semaphore_mem>>)
      %dma_wait3A_344 = arith.constant 0 : i32
      %dma_wait3A_345 = tpu.memref_slice %arg19[%dma_wait3A_344] : memref<640xf32, #tpu.memory_space<vmem>> -> memref<632xf32, #tpu.memory_space<vmem>>
      %dma_wait3A_346 = tpu.memref_slice %arg31[%min3A_2] : memref<10000xf32, #tpu.memory_space<vmem_shared>> -> memref<632xf32, #tpu.memory_space<vmem_shared>>
      %dma_wait3A_347 = tpu.memref_slice %arg31[%min3A_2] : memref<10000xf32, #tpu.memory_space<vmem_shared>> -> memref<632xf32, #tpu.memory_space<vmem_shared>>
      %dma_wait3A_348 = arith.constant 0 : i32
      %dma_wait3A_349 = tpu.memref_slice %arg19[%dma_wait3A_348] : memref<640xf32, #tpu.memory_space<vmem>> -> memref<632xf32, #tpu.memory_space<vmem>>
      tpu.wait_dma2 semaphore(%run_scoped3A : memref<!tpu.dma_semaphore, #tpu.memory_space<semaphore_mem>>) src(%dma_wait3A_349 : memref<632xf32, #tpu.memory_space<vmem>>) dst(%dma_wait3A_347 : memref<632xf32, #tpu.memory_space<vmem_shared>>)
      tpu.yield
    }) : () -> ()
    %barrier3A_131 = arith.constant 0 : index
    tpu.barrier barrier_id(%barrier3A_131)
    "tpu.region"() ({
      %run_scoped3A = tpu.sem_alloc : memref<!tpu.dma_semaphore, #tpu.memory_space<semaphore_mem>>
      tpu.enqueue_dma source(%arg30 : memref<10000xf32, #tpu.memory_space<vmem_shared>>) target(%arg13 : memref<10000xf32, #tpu.memory_space<vmem>>) target_semaphore(%run_scoped3A : memref<!tpu.dma_semaphore, #tpu.memory_space<semaphore_mem>>)
      tpu.wait_dma2 semaphore(%run_scoped3A : memref<!tpu.dma_semaphore, #tpu.memory_space<semaphore_mem>>) src(%arg30 : memref<10000xf32, #tpu.memory_space<vmem_shared>>) dst(%arg13 : memref<10000xf32, #tpu.memory_space<vmem>>)
      tpu.yield
    }) : () -> ()
    "tpu.region"() ({
      %run_scoped3A = tpu.sem_alloc : memref<!tpu.dma_semaphore, #tpu.memory_space<semaphore_mem>>
      tpu.enqueue_dma source(%arg31 : memref<10000xf32, #tpu.memory_space<vmem_shared>>) target(%arg14 : memref<10000xf32, #tpu.memory_space<vmem>>) target_semaphore(%run_scoped3A : memref<!tpu.dma_semaphore, #tpu.memory_space<semaphore_mem>>)
      tpu.wait_dma2 semaphore(%run_scoped3A : memref<!tpu.dma_semaphore, #tpu.memory_space<semaphore_mem>>) src(%arg31 : memref<10000xf32, #tpu.memory_space<vmem_shared>>) dst(%arg14 : memref<10000xf32, #tpu.memory_space<vmem>>)
      tpu.yield
    }) : () -> ()
    %scan3A_132 = arith.constant 0 : i32
    %scan3A_133 = arith.constant 0 : i32
    %scan3A_134 = arith.constant 79 : i32
    %scan3A_135 = arith.addi %scan3A_133, %scan3A_134 : i32
    %scan3A_136 = arith.constant 1 : i32
    %scan3A_137 = scf.for %scan3A_338 = %scan3A_133 to %scan3A_135 step %scan3A_136 iter_args(%scan3A_339 = %scan3A_132) -> (i32)  : i32 {
      %get3A_340 = arith.index_cast %scan3A_338 : i32 to index
      %get3A_341 = arith.constant 0 : index
      %get3A_342 = tpu.vector_load %arg10[%get3A_340, %get3A_341] {strides = array<i32>} : memref<79x128xi32, #tpu.memory_space<vmem>>, vector<16xi32>,
      %gather3A = tpu.vector_load_idx %arg13[%get3A_342] : memref<10000xf32, #tpu.memory_space<vmem>>[vector<16xi32>], vector<16xf32>,
      %swap3A = arith.index_cast %scan3A_338 : i32 to index
      %swap3A_343 = arith.constant 0 : index
      %swap3A_344 = tpu.vector_load %arg11[%swap3A, %swap3A_343] {strides = array<i32>} : memref<79x128xf32, #tpu.memory_space<vmem>>, vector<16xf32>,
      tpu.vector_store %arg11[%swap3A, %swap3A_343], %gather3A {strides = array<i32>} : memref<79x128xf32, #tpu.memory_space<vmem>>, vector<16xf32>,
      %gather3A_345 = tpu.vector_load_idx %arg14[%get3A_342] : memref<10000xf32, #tpu.memory_space<vmem>>[vector<16xi32>], vector<16xf32>,
      %swap3A_346 = arith.index_cast %scan3A_338 : i32 to index
      %swap3A_347 = arith.constant 0 : index
      %swap3A_348 = tpu.vector_load %arg12[%swap3A_346, %swap3A_347] {strides = array<i32>} : memref<79x128xf32, #tpu.memory_space<vmem>>, vector<16xf32>,
      tpu.vector_store %arg12[%swap3A_346, %swap3A_347], %gather3A_345 {strides = array<i32>} : memref<79x128xf32, #tpu.memory_space<vmem>>, vector<16xf32>,
      %get3A_349 = arith.index_cast %scan3A_338 : i32 to index
      %get3A_350 = arith.constant 16 : index
      %get3A_351 = tpu.vector_load %arg10[%get3A_349, %get3A_350] {strides = array<i32>} : memref<79x128xi32, #tpu.memory_space<vmem>>, vector<16xi32>,
      %gather3A_352 = tpu.vector_load_idx %arg13[%get3A_351] : memref<10000xf32, #tpu.memory_space<vmem>>[vector<16xi32>], vector<16xf32>,
      %swap3A_353 = arith.index_cast %scan3A_338 : i32 to index
      %swap3A_354 = arith.constant 16 : index
      %swap3A_355 = tpu.vector_load %arg11[%swap3A_353, %swap3A_354] {strides = array<i32>} : memref<79x128xf32, #tpu.memory_space<vmem>>, vector<16xf32>,
      tpu.vector_store %arg11[%swap3A_353, %swap3A_354], %gather3A_352 {strides = array<i32>} : memref<79x128xf32, #tpu.memory_space<vmem>>, vector<16xf32>,
      %gather3A_356 = tpu.vector_load_idx %arg14[%get3A_351] : memref<10000xf32, #tpu.memory_space<vmem>>[vector<16xi32>], vector<16xf32>,
      %swap3A_357 = arith.index_cast %scan3A_338 : i32 to index
      %swap3A_358 = arith.constant 16 : index
      %swap3A_359 = tpu.vector_load %arg12[%swap3A_357, %swap3A_358] {strides = array<i32>} : memref<79x128xf32, #tpu.memory_space<vmem>>, vector<16xf32>,
      tpu.vector_store %arg12[%swap3A_357, %swap3A_358], %gather3A_356 {strides = array<i32>} : memref<79x128xf32, #tpu.memory_space<vmem>>, vector<16xf32>,
      %get3A_360 = arith.index_cast %scan3A_338 : i32 to index
      %get3A_361 = arith.constant 32 : index
      %get3A_362 = tpu.vector_load %arg10[%get3A_360, %get3A_361] {strides = array<i32>} : memref<79x128xi32, #tpu.memory_space<vmem>>, vector<16xi32>,
      %gather3A_363 = tpu.vector_load_idx %arg13[%get3A_362] : memref<10000xf32, #tpu.memory_space<vmem>>[vector<16xi32>], vector<16xf32>,
      %swap3A_364 = arith.index_cast %scan3A_338 : i32 to index
      %swap3A_365 = arith.constant 32 : index
      %swap3A_366 = tpu.vector_load %arg11[%swap3A_364, %swap3A_365] {strides = array<i32>} : memref<79x128xf32, #tpu.memory_space<vmem>>, vector<16xf32>,
      tpu.vector_store %arg11[%swap3A_364, %swap3A_365], %gather3A_363 {strides = array<i32>} : memref<79x128xf32, #tpu.memory_space<vmem>>, vector<16xf32>,
      %gather3A_367 = tpu.vector_load_idx %arg14[%get3A_362] : memref<10000xf32, #tpu.memory_space<vmem>>[vector<16xi32>], vector<16xf32>,
      %swap3A_368 = arith.index_cast %scan3A_338 : i32 to index
      %swap3A_369 = arith.constant 32 : index
      %swap3A_370 = tpu.vector_load %arg12[%swap3A_368, %swap3A_369] {strides = array<i32>} : memref<79x128xf32, #tpu.memory_space<vmem>>, vector<16xf32>,
      tpu.vector_store %arg12[%swap3A_368, %swap3A_369], %gather3A_367 {strides = array<i32>} : memref<79x128xf32, #tpu.memory_space<vmem>>, vector<16xf32>,
      %get3A_371 = arith.index_cast %scan3A_338 : i32 to index
      %get3A_372 = arith.constant 48 : index
      %get3A_373 = tpu.vector_load %arg10[%get3A_371, %get3A_372] {strides = array<i32>} : memref<79x128xi32, #tpu.memory_space<vmem>>, vector<16xi32>,
      %gather3A_374 = tpu.vector_load_idx %arg13[%get3A_373] : memref<10000xf32, #tpu.memory_space<vmem>>[vector<16xi32>], vector<16xf32>,
      %swap3A_375 = arith.index_cast %scan3A_338 : i32 to index
      %swap3A_376 = arith.constant 48 : index
      %swap3A_377 = tpu.vector_load %arg11[%swap3A_375, %swap3A_376] {strides = array<i32>} : memref<79x128xf32, #tpu.memory_space<vmem>>, vector<16xf32>,
      tpu.vector_store %arg11[%swap3A_375, %swap3A_376], %gather3A_374 {strides = array<i32>} : memref<79x128xf32, #tpu.memory_space<vmem>>, vector<16xf32>,
      %gather3A_378 = tpu.vector_load_idx %arg14[%get3A_373] : memref<10000xf32, #tpu.memory_space<vmem>>[vector<16xi32>], vector<16xf32>,
      %swap3A_379 = arith.index_cast %scan3A_338 : i32 to index
      %swap3A_380 = arith.constant 48 : index
      %swap3A_381 = tpu.vector_load %arg12[%swap3A_379, %swap3A_380] {strides = array<i32>} : memref<79x128xf32, #tpu.memory_space<vmem>>, vector<16xf32>,
      tpu.vector_store %arg12[%swap3A_379, %swap3A_380], %gather3A_378 {strides = array<i32>} : memref<79x128xf32, #tpu.memory_space<vmem>>, vector<16xf32>,
      %get3A_382 = arith.index_cast %scan3A_338 : i32 to index
      %get3A_383 = arith.constant 64 : index
      %get3A_384 = tpu.vector_load %arg10[%get3A_382, %get3A_383] {strides = array<i32>} : memref<79x128xi32, #tpu.memory_space<vmem>>, vector<16xi32>,
      %gather3A_385 = tpu.vector_load_idx %arg13[%get3A_384] : memref<10000xf32, #tpu.memory_space<vmem>>[vector<16xi32>], vector<16xf32>,
      %swap3A_386 = arith.index_cast %scan3A_338 : i32 to index
      %swap3A_387 = arith.constant 64 : index
      %swap3A_388 = tpu.vector_load %arg11[%swap3A_386, %swap3A_387] {strides = array<i32>} : memref<79x128xf32, #tpu.memory_space<vmem>>, vector<16xf32>,
      tpu.vector_store %arg11[%swap3A_386, %swap3A_387], %gather3A_385 {strides = array<i32>} : memref<79x128xf32, #tpu.memory_space<vmem>>, vector<16xf32>,
      %gather3A_389 = tpu.vector_load_idx %arg14[%get3A_384] : memref<10000xf32, #tpu.memory_space<vmem>>[vector<16xi32>], vector<16xf32>,
      %swap3A_390 = arith.index_cast %scan3A_338 : i32 to index
      %swap3A_391 = arith.constant 64 : index
      %swap3A_392 = tpu.vector_load %arg12[%swap3A_390, %swap3A_391] {strides = array<i32>} : memref<79x128xf32, #tpu.memory_space<vmem>>, vector<16xf32>,
      tpu.vector_store %arg12[%swap3A_390, %swap3A_391], %gather3A_389 {strides = array<i32>} : memref<79x128xf32, #tpu.memory_space<vmem>>, vector<16xf32>,
      %get3A_393 = arith.index_cast %scan3A_338 : i32 to index
      %get3A_394 = arith.constant 80 : index
      %get3A_395 = tpu.vector_load %arg10[%get3A_393, %get3A_394] {strides = array<i32>} : memref<79x128xi32, #tpu.memory_space<vmem>>, vector<16xi32>,
      %gather3A_396 = tpu.vector_load_idx %arg13[%get3A_395] : memref<10000xf32, #tpu.memory_space<vmem>>[vector<16xi32>], vector<16xf32>,
      %swap3A_397 = arith.index_cast %scan3A_338 : i32 to index
      %swap3A_398 = arith.constant 80 : index
      %swap3A_399 = tpu.vector_load %arg11[%swap3A_397, %swap3A_398] {strides = array<i32>} : memref<79x128xf32, #tpu.memory_space<vmem>>, vector<16xf32>,
      tpu.vector_store %arg11[%swap3A_397, %swap3A_398], %gather3A_396 {strides = array<i32>} : memref<79x128xf32, #tpu.memory_space<vmem>>, vector<16xf32>,
      %gather3A_400 = tpu.vector_load_idx %arg14[%get3A_395] : memref<10000xf32, #tpu.memory_space<vmem>>[vector<16xi32>], vector<16xf32>,
      %swap3A_401 = arith.index_cast %scan3A_338 : i32 to index
      %swap3A_402 = arith.constant 80 : index
      %swap3A_403 = tpu.vector_load %arg12[%swap3A_401, %swap3A_402] {strides = array<i32>} : memref<79x128xf32, #tpu.memory_space<vmem>>, vector<16xf32>,
      tpu.vector_store %arg12[%swap3A_401, %swap3A_402], %gather3A_400 {strides = array<i32>} : memref<79x128xf32, #tpu.memory_space<vmem>>, vector<16xf32>,
      %get3A_404 = arith.index_cast %scan3A_338 : i32 to index
      %get3A_405 = arith.constant 96 : index
      %get3A_406 = tpu.vector_load %arg10[%get3A_404, %get3A_405] {strides = array<i32>} : memref<79x128xi32, #tpu.memory_space<vmem>>, vector<16xi32>,
      %gather3A_407 = tpu.vector_load_idx %arg13[%get3A_406] : memref<10000xf32, #tpu.memory_space<vmem>>[vector<16xi32>], vector<16xf32>,
      %swap3A_408 = arith.index_cast %scan3A_338 : i32 to index
      %swap3A_409 = arith.constant 96 : index
      %swap3A_410 = tpu.vector_load %arg11[%swap3A_408, %swap3A_409] {strides = array<i32>} : memref<79x128xf32, #tpu.memory_space<vmem>>, vector<16xf32>,
      tpu.vector_store %arg11[%swap3A_408, %swap3A_409], %gather3A_407 {strides = array<i32>} : memref<79x128xf32, #tpu.memory_space<vmem>>, vector<16xf32>,
      %gather3A_411 = tpu.vector_load_idx %arg14[%get3A_406] : memref<10000xf32, #tpu.memory_space<vmem>>[vector<16xi32>], vector<16xf32>,
      %swap3A_412 = arith.index_cast %scan3A_338 : i32 to index
      %swap3A_413 = arith.constant 96 : index
      %swap3A_414 = tpu.vector_load %arg12[%swap3A_412, %swap3A_413] {strides = array<i32>} : memref<79x128xf32, #tpu.memory_space<vmem>>, vector<16xf32>,
      tpu.vector_store %arg12[%swap3A_412, %swap3A_413], %gather3A_411 {strides = array<i32>} : memref<79x128xf32, #tpu.memory_space<vmem>>, vector<16xf32>,
      %get3A_415 = arith.index_cast %scan3A_338 : i32 to index
      %get3A_416 = arith.constant 112 : index
      %get3A_417 = tpu.vector_load %arg10[%get3A_415, %get3A_416] {strides = array<i32>} : memref<79x128xi32, #tpu.memory_space<vmem>>, vector<16xi32>,
      %gather3A_418 = tpu.vector_load_idx %arg13[%get3A_417] : memref<10000xf32, #tpu.memory_space<vmem>>[vector<16xi32>], vector<16xf32>,
      %swap3A_419 = arith.index_cast %scan3A_338 : i32 to index
      %swap3A_420 = arith.constant 112 : index
      %swap3A_421 = tpu.vector_load %arg11[%swap3A_419, %swap3A_420] {strides = array<i32>} : memref<79x128xf32, #tpu.memory_space<vmem>>, vector<16xf32>,
      tpu.vector_store %arg11[%swap3A_419, %swap3A_420], %gather3A_418 {strides = array<i32>} : memref<79x128xf32, #tpu.memory_space<vmem>>, vector<16xf32>,
      %gather3A_422 = tpu.vector_load_idx %arg14[%get3A_417] : memref<10000xf32, #tpu.memory_space<vmem>>[vector<16xi32>], vector<16xf32>,
      %swap3A_423 = arith.index_cast %scan3A_338 : i32 to index
      %swap3A_424 = arith.constant 112 : index
      %swap3A_425 = tpu.vector_load %arg12[%swap3A_423, %swap3A_424] {strides = array<i32>} : memref<79x128xf32, #tpu.memory_space<vmem>>, vector<16xf32>,
      tpu.vector_store %arg12[%swap3A_423, %swap3A_424], %gather3A_422 {strides = array<i32>} : memref<79x128xf32, #tpu.memory_space<vmem>>, vector<16xf32>,
      %scan3A_426 = arith.constant 0 : i32
      scf.yield %scan3A_426 : i32
    }
    %scan3A_138 = arith.constant 79 : i32
    %dma_start3A_139 = arith.constant 0 : i32
    %dma_start3A_140 = arith.constant 0 : i32
    %dma_start3A_141 = arith.constant 0 : i32
    %dma_start3A_142 = tpu.memref_slice %arg11[%dma_start3A_139, %dma_start3A_141] : memref<79x128xf32, #tpu.memory_space<vmem>> -> memref<1x128xf32, #tpu.memory_space<vmem>>
    %dma_start3A_143 = tpu.memref_squeeze %dma_start3A_142 : memref<1x128xf32, #tpu.memory_space<vmem>> -> memref<128xf32, #tpu.memory_space<vmem>>
    %dma_start3A_144 = arith.constant 0 : i32
    %dma_start3A_145 = tpu.memref_slice %arg9[%dma_start3A_140, %dma_start3A_144] : memref<79x128xi32, #tpu.memory_space<vmem>> -> memref<1x128xi32, #tpu.memory_space<vmem>>
    %dma_start3A_146 = tpu.memref_squeeze %dma_start3A_145 : memref<1x128xi32, #tpu.memory_space<vmem>> -> memref<128xi32, #tpu.memory_space<vmem>>
    %dma_start3A_147 = arith.constant 0 : i32
    %dma_start3A_148 = tpu.memref_slice %arg28[%dma_start3A_147] : memref<10240xf32, #tpu.memory_space<vmem_shared>> -> memref<10240xf32, #tpu.memory_space<vmem_shared>>
    tpu.enqueue_indirect_dma source(%dma_start3A_143 : memref<128xf32, #tpu.memory_space<vmem>>) target(%dma_start3A_148 : memref<10240xf32, #tpu.memory_space<vmem_shared>>) offsets(%dma_start3A_146 : memref<128xi32, #tpu.memory_space<vmem>>) semaphore(%arg25 : memref<!tpu.dma_semaphore, #tpu.memory_space<semaphore_mem>>) {add = true}
    %dma_start3A_149 = arith.constant 1 : i32
    %dma_start3A_150 = arith.constant 1 : i32
    %dma_start3A_151 = arith.constant 0 : i32
    %dma_start3A_152 = tpu.memref_slice %arg11[%dma_start3A_149, %dma_start3A_151] : memref<79x128xf32, #tpu.memory_space<vmem>> -> memref<1x128xf32, #tpu.memory_space<vmem>>
    %dma_start3A_153 = tpu.memref_squeeze %dma_start3A_152 : memref<1x128xf32, #tpu.memory_space<vmem>> -> memref<128xf32, #tpu.memory_space<vmem>>
    %dma_start3A_154 = arith.constant 0 : i32
    %dma_start3A_155 = tpu.memref_slice %arg9[%dma_start3A_150, %dma_start3A_154] : memref<79x128xi32, #tpu.memory_space<vmem>> -> memref<1x128xi32, #tpu.memory_space<vmem>>
    %dma_start3A_156 = tpu.memref_squeeze %dma_start3A_155 : memref<1x128xi32, #tpu.memory_space<vmem>> -> memref<128xi32, #tpu.memory_space<vmem>>
    %dma_start3A_157 = arith.constant 0 : i32
    %dma_start3A_158 = tpu.memref_slice %arg28[%dma_start3A_157] : memref<10240xf32, #tpu.memory_space<vmem_shared>> -> memref<10240xf32, #tpu.memory_space<vmem_shared>>
    tpu.enqueue_indirect_dma source(%dma_start3A_153 : memref<128xf32, #tpu.memory_space<vmem>>) target(%dma_start3A_158 : memref<10240xf32, #tpu.memory_space<vmem_shared>>) offsets(%dma_start3A_156 : memref<128xi32, #tpu.memory_space<vmem>>) semaphore(%arg25 : memref<!tpu.dma_semaphore, #tpu.memory_space<semaphore_mem>>) {add = true}
    %dma_start3A_159 = arith.constant 2 : i32
    %dma_start3A_160 = arith.constant 2 : i32
    %dma_start3A_161 = arith.constant 0 : i32
    %dma_start3A_162 = tpu.memref_slice %arg11[%dma_start3A_159, %dma_start3A_161] : memref<79x128xf32, #tpu.memory_space<vmem>> -> memref<1x128xf32, #tpu.memory_space<vmem>>
    %dma_start3A_163 = tpu.memref_squeeze %dma_start3A_162 : memref<1x128xf32, #tpu.memory_space<vmem>> -> memref<128xf32, #tpu.memory_space<vmem>>
    %dma_start3A_164 = arith.constant 0 : i32
    %dma_start3A_165 = tpu.memref_slice %arg9[%dma_start3A_160, %dma_start3A_164] : memref<79x128xi32, #tpu.memory_space<vmem>> -> memref<1x128xi32, #tpu.memory_space<vmem>>
    %dma_start3A_166 = tpu.memref_squeeze %dma_start3A_165 : memref<1x128xi32, #tpu.memory_space<vmem>> -> memref<128xi32, #tpu.memory_space<vmem>>
    %dma_start3A_167 = arith.constant 0 : i32
    %dma_start3A_168 = tpu.memref_slice %arg28[%dma_start3A_167] : memref<10240xf32, #tpu.memory_space<vmem_shared>> -> memref<10240xf32, #tpu.memory_space<vmem_shared>>
    tpu.enqueue_indirect_dma source(%dma_start3A_163 : memref<128xf32, #tpu.memory_space<vmem>>) target(%dma_start3A_168 : memref<10240xf32, #tpu.memory_space<vmem_shared>>) offsets(%dma_start3A_166 : memref<128xi32, #tpu.memory_space<vmem>>) semaphore(%arg25 : memref<!tpu.dma_semaphore, #tpu.memory_space<semaphore_mem>>) {add = true}
    %dma_start3A_169 = arith.constant 3 : i32
    %dma_start3A_170 = arith.constant 3 : i32
    %dma_start3A_171 = arith.constant 0 : i32
    %dma_start3A_172 = tpu.memref_slice %arg11[%dma_start3A_169, %dma_start3A_171] : memref<79x128xf32, #tpu.memory_space<vmem>> -> memref<1x128xf32, #tpu.memory_space<vmem>>
    %dma_start3A_173 = tpu.memref_squeeze %dma_start3A_172 : memref<1x128xf32, #tpu.memory_space<vmem>> -> memref<128xf32, #tpu.memory_space<vmem>>
    %dma_start3A_174 = arith.constant 0 : i32
    %dma_start3A_175 = tpu.memref_slice %arg9[%dma_start3A_170, %dma_start3A_174] : memref<79x128xi32, #tpu.memory_space<vmem>> -> memref<1x128xi32, #tpu.memory_space<vmem>>
    %dma_start3A_176 = tpu.memref_squeeze %dma_start3A_175 : memref<1x128xi32, #tpu.memory_space<vmem>> -> memref<128xi32, #tpu.memory_space<vmem>>
    %dma_start3A_177 = arith.constant 0 : i32
    %dma_start3A_178 = tpu.memref_slice %arg28[%dma_start3A_177] : memref<10240xf32, #tpu.memory_space<vmem_shared>> -> memref<10240xf32, #tpu.memory_space<vmem_shared>>
    tpu.enqueue_indirect_dma source(%dma_start3A_173 : memref<128xf32, #tpu.memory_space<vmem>>) target(%dma_start3A_178 : memref<10240xf32, #tpu.memory_space<vmem_shared>>) offsets(%dma_start3A_176 : memref<128xi32, #tpu.memory_space<vmem>>) semaphore(%arg25 : memref<!tpu.dma_semaphore, #tpu.memory_space<semaphore_mem>>) {add = true}
    %scan3A_179 = arith.constant 0 : i32
    %scan3A_180 = arith.constant 4 : i32
    %scan3A_181 = arith.constant 75 : i32
    %scan3A_182 = arith.addi %scan3A_180, %scan3A_181 : i32
    %scan3A_183 = arith.constant 1 : i32
    %scan3A_184 = scf.for %scan3A_338 = %scan3A_180 to %scan3A_182 step %scan3A_183 iter_args(%scan3A_339 = %scan3A_179) -> (i32)  : i32 {
      %dma_start3A_340 = arith.constant 0 : i32
      %dma_start3A_341 = tpu.memref_slice %arg11[%scan3A_338, %dma_start3A_340] : memref<79x128xf32, #tpu.memory_space<vmem>> -> memref<1x128xf32, #tpu.memory_space<vmem>>
      %dma_start3A_342 = tpu.memref_squeeze %dma_start3A_341 : memref<1x128xf32, #tpu.memory_space<vmem>> -> memref<128xf32, #tpu.memory_space<vmem>>
      %dma_start3A_343 = arith.constant 0 : i32
      %dma_start3A_344 = tpu.memref_slice %arg9[%scan3A_338, %dma_start3A_343] : memref<79x128xi32, #tpu.memory_space<vmem>> -> memref<1x128xi32, #tpu.memory_space<vmem>>
      %dma_start3A_345 = tpu.memref_squeeze %dma_start3A_344 : memref<1x128xi32, #tpu.memory_space<vmem>> -> memref<128xi32, #tpu.memory_space<vmem>>
      %dma_start3A_346 = arith.constant 0 : i32
      %dma_start3A_347 = tpu.memref_slice %arg28[%dma_start3A_346] : memref<10240xf32, #tpu.memory_space<vmem_shared>> -> memref<10240xf32, #tpu.memory_space<vmem_shared>>
      tpu.enqueue_indirect_dma source(%dma_start3A_342 : memref<128xf32, #tpu.memory_space<vmem>>) target(%dma_start3A_347 : memref<10240xf32, #tpu.memory_space<vmem_shared>>) offsets(%dma_start3A_345 : memref<128xi32, #tpu.memory_space<vmem>>) semaphore(%arg25 : memref<!tpu.dma_semaphore, #tpu.memory_space<semaphore_mem>>) {add = true}
      %sub3A_348 = arith.constant 4 : i32
      %sub3A_349 = arith.subi %scan3A_338, %sub3A_348 : i32
      %dma_wait3A_350 = arith.constant 0 : i32
      %dma_wait3A_351 = tpu.memref_slice %arg11[%sub3A_349, %dma_wait3A_350] : memref<79x128xf32, #tpu.memory_space<vmem>> -> memref<1x128xf32, #tpu.memory_space<vmem>>
      %dma_wait3A_352 = tpu.memref_squeeze %dma_wait3A_351 : memref<1x128xf32, #tpu.memory_space<vmem>> -> memref<128xf32, #tpu.memory_space<vmem>>
      %dma_wait3A_353 = arith.constant 0 : i32
      %dma_wait3A_354 = tpu.memref_slice %arg9[%sub3A_349, %dma_wait3A_353] : memref<79x128xi32, #tpu.memory_space<vmem>> -> memref<1x128xi32, #tpu.memory_space<vmem>>
      %dma_wait3A_355 = tpu.memref_squeeze %dma_wait3A_354 : memref<1x128xi32, #tpu.memory_space<vmem>> -> memref<128xi32, #tpu.memory_space<vmem>>
      %dma_wait3A_356 = arith.constant 0 : i32
      %dma_wait3A_357 = tpu.memref_slice %arg28[%dma_wait3A_356] : memref<10240xf32, #tpu.memory_space<vmem_shared>> -> memref<10240xf32, #tpu.memory_space<vmem_shared>>
      tpu.wait_indirect_dma semaphore(%arg25 : memref<!tpu.dma_semaphore, #tpu.memory_space<semaphore_mem>>) src(%dma_wait3A_352 : memref<128xf32, #tpu.memory_space<vmem>>) dst(%dma_wait3A_357 : memref<10240xf32, #tpu.memory_space<vmem_shared>>)
      %scan3A_358 = arith.constant 0 : i32
      scf.yield %scan3A_358 : i32
    }
    %scan3A_185 = arith.constant 75 : i32
    %dma_wait3A_186 = arith.constant 75 : i32
    %dma_wait3A_187 = arith.constant 75 : i32
    %dma_wait3A_188 = arith.constant 0 : i32
    %dma_wait3A_189 = tpu.memref_slice %arg11[%dma_wait3A_186, %dma_wait3A_188] : memref<79x128xf32, #tpu.memory_space<vmem>> -> memref<1x128xf32, #tpu.memory_space<vmem>>
    %dma_wait3A_190 = tpu.memref_squeeze %dma_wait3A_189 : memref<1x128xf32, #tpu.memory_space<vmem>> -> memref<128xf32, #tpu.memory_space<vmem>>
    %dma_wait3A_191 = arith.constant 0 : i32
    %dma_wait3A_192 = tpu.memref_slice %arg9[%dma_wait3A_187, %dma_wait3A_191] : memref<79x128xi32, #tpu.memory_space<vmem>> -> memref<1x128xi32, #tpu.memory_space<vmem>>
    %dma_wait3A_193 = tpu.memref_squeeze %dma_wait3A_192 : memref<1x128xi32, #tpu.memory_space<vmem>> -> memref<128xi32, #tpu.memory_space<vmem>>
    %dma_wait3A_194 = arith.constant 0 : i32
    %dma_wait3A_195 = tpu.memref_slice %arg28[%dma_wait3A_194] : memref<10240xf32, #tpu.memory_space<vmem_shared>> -> memref<10240xf32, #tpu.memory_space<vmem_shared>>
    tpu.wait_indirect_dma semaphore(%arg25 : memref<!tpu.dma_semaphore, #tpu.memory_space<semaphore_mem>>) src(%dma_wait3A_190 : memref<128xf32, #tpu.memory_space<vmem>>) dst(%dma_wait3A_195 : memref<10240xf32, #tpu.memory_space<vmem_shared>>)
    %dma_wait3A_196 = arith.constant 76 : i32
    %dma_wait3A_197 = arith.constant 76 : i32
    %dma_wait3A_198 = arith.constant 0 : i32
    %dma_wait3A_199 = tpu.memref_slice %arg11[%dma_wait3A_196, %dma_wait3A_198] : memref<79x128xf32, #tpu.memory_space<vmem>> -> memref<1x128xf32, #tpu.memory_space<vmem>>
    %dma_wait3A_200 = tpu.memref_squeeze %dma_wait3A_199 : memref<1x128xf32, #tpu.memory_space<vmem>> -> memref<128xf32, #tpu.memory_space<vmem>>
    %dma_wait3A_201 = arith.constant 0 : i32
    %dma_wait3A_202 = tpu.memref_slice %arg9[%dma_wait3A_197, %dma_wait3A_201] : memref<79x128xi32, #tpu.memory_space<vmem>> -> memref<1x128xi32, #tpu.memory_space<vmem>>
    %dma_wait3A_203 = tpu.memref_squeeze %dma_wait3A_202 : memref<1x128xi32, #tpu.memory_space<vmem>> -> memref<128xi32, #tpu.memory_space<vmem>>
    %dma_wait3A_204 = arith.constant 0 : i32
    %dma_wait3A_205 = tpu.memref_slice %arg28[%dma_wait3A_204] : memref<10240xf32, #tpu.memory_space<vmem_shared>> -> memref<10240xf32, #tpu.memory_space<vmem_shared>>
    tpu.wait_indirect_dma semaphore(%arg25 : memref<!tpu.dma_semaphore, #tpu.memory_space<semaphore_mem>>) src(%dma_wait3A_200 : memref<128xf32, #tpu.memory_space<vmem>>) dst(%dma_wait3A_205 : memref<10240xf32, #tpu.memory_space<vmem_shared>>)
    %dma_wait3A_206 = arith.constant 77 : i32
    %dma_wait3A_207 = arith.constant 77 : i32
    %dma_wait3A_208 = arith.constant 0 : i32
    %dma_wait3A_209 = tpu.memref_slice %arg11[%dma_wait3A_206, %dma_wait3A_208] : memref<79x128xf32, #tpu.memory_space<vmem>> -> memref<1x128xf32, #tpu.memory_space<vmem>>
    %dma_wait3A_210 = tpu.memref_squeeze %dma_wait3A_209 : memref<1x128xf32, #tpu.memory_space<vmem>> -> memref<128xf32, #tpu.memory_space<vmem>>
    %dma_wait3A_211 = arith.constant 0 : i32
    %dma_wait3A_212 = tpu.memref_slice %arg9[%dma_wait3A_207, %dma_wait3A_211] : memref<79x128xi32, #tpu.memory_space<vmem>> -> memref<1x128xi32, #tpu.memory_space<vmem>>
    %dma_wait3A_213 = tpu.memref_squeeze %dma_wait3A_212 : memref<1x128xi32, #tpu.memory_space<vmem>> -> memref<128xi32, #tpu.memory_space<vmem>>
    %dma_wait3A_214 = arith.constant 0 : i32
    %dma_wait3A_215 = tpu.memref_slice %arg28[%dma_wait3A_214] : memref<10240xf32, #tpu.memory_space<vmem_shared>> -> memref<10240xf32, #tpu.memory_space<vmem_shared>>
    tpu.wait_indirect_dma semaphore(%arg25 : memref<!tpu.dma_semaphore, #tpu.memory_space<semaphore_mem>>) src(%dma_wait3A_210 : memref<128xf32, #tpu.memory_space<vmem>>) dst(%dma_wait3A_215 : memref<10240xf32, #tpu.memory_space<vmem_shared>>)
    %dma_wait3A_216 = arith.constant 78 : i32
    %dma_wait3A_217 = arith.constant 78 : i32
    %dma_wait3A_218 = arith.constant 0 : i32
    %dma_wait3A_219 = tpu.memref_slice %arg11[%dma_wait3A_216, %dma_wait3A_218] : memref<79x128xf32, #tpu.memory_space<vmem>> -> memref<1x128xf32, #tpu.memory_space<vmem>>
    %dma_wait3A_220 = tpu.memref_squeeze %dma_wait3A_219 : memref<1x128xf32, #tpu.memory_space<vmem>> -> memref<128xf32, #tpu.memory_space<vmem>>
    %dma_wait3A_221 = arith.constant 0 : i32
    %dma_wait3A_222 = tpu.memref_slice %arg9[%dma_wait3A_217, %dma_wait3A_221] : memref<79x128xi32, #tpu.memory_space<vmem>> -> memref<1x128xi32, #tpu.memory_space<vmem>>
    %dma_wait3A_223 = tpu.memref_squeeze %dma_wait3A_222 : memref<1x128xi32, #tpu.memory_space<vmem>> -> memref<128xi32, #tpu.memory_space<vmem>>
    %dma_wait3A_224 = arith.constant 0 : i32
    %dma_wait3A_225 = tpu.memref_slice %arg28[%dma_wait3A_224] : memref<10240xf32, #tpu.memory_space<vmem_shared>> -> memref<10240xf32, #tpu.memory_space<vmem_shared>>
    tpu.wait_indirect_dma semaphore(%arg25 : memref<!tpu.dma_semaphore, #tpu.memory_space<semaphore_mem>>) src(%dma_wait3A_220 : memref<128xf32, #tpu.memory_space<vmem>>) dst(%dma_wait3A_225 : memref<10240xf32, #tpu.memory_space<vmem_shared>>)
    %dma_start3A_226 = arith.constant 0 : i32
    %dma_start3A_227 = arith.constant 0 : i32
    %dma_start3A_228 = arith.constant 0 : i32
    %dma_start3A_229 = tpu.memref_slice %arg12[%dma_start3A_226, %dma_start3A_228] : memref<79x128xf32, #tpu.memory_space<vmem>> -> memref<1x128xf32, #tpu.memory_space<vmem>>
    %dma_start3A_230 = tpu.memref_squeeze %dma_start3A_229 : memref<1x128xf32, #tpu.memory_space<vmem>> -> memref<128xf32, #tpu.memory_space<vmem>>
    %dma_start3A_231 = arith.constant 0 : i32
    %dma_start3A_232 = tpu.memref_slice %arg9[%dma_start3A_227, %dma_start3A_231] : memref<79x128xi32, #tpu.memory_space<vmem>> -> memref<1x128xi32, #tpu.memory_space<vmem>>
    %dma_start3A_233 = tpu.memref_squeeze %dma_start3A_232 : memref<1x128xi32, #tpu.memory_space<vmem>> -> memref<128xi32, #tpu.memory_space<vmem>>
    %dma_start3A_234 = arith.constant 0 : i32
    %dma_start3A_235 = tpu.memref_slice %arg29[%dma_start3A_234] : memref<10240xf32, #tpu.memory_space<vmem_shared>> -> memref<10240xf32, #tpu.memory_space<vmem_shared>>
    tpu.enqueue_indirect_dma source(%dma_start3A_230 : memref<128xf32, #tpu.memory_space<vmem>>) target(%dma_start3A_235 : memref<10240xf32, #tpu.memory_space<vmem_shared>>) offsets(%dma_start3A_233 : memref<128xi32, #tpu.memory_space<vmem>>) semaphore(%arg26 : memref<!tpu.dma_semaphore, #tpu.memory_space<semaphore_mem>>) {add = true}
    %dma_start3A_236 = arith.constant 1 : i32
    %dma_start3A_237 = arith.constant 1 : i32
    %dma_start3A_238 = arith.constant 0 : i32
    %dma_start3A_239 = tpu.memref_slice %arg12[%dma_start3A_236, %dma_start3A_238] : memref<79x128xf32, #tpu.memory_space<vmem>> -> memref<1x128xf32, #tpu.memory_space<vmem>>
    %dma_start3A_240 = tpu.memref_squeeze %dma_start3A_239 : memref<1x128xf32, #tpu.memory_space<vmem>> -> memref<128xf32, #tpu.memory_space<vmem>>
    %dma_start3A_241 = arith.constant 0 : i32
    %dma_start3A_242 = tpu.memref_slice %arg9[%dma_start3A_237, %dma_start3A_241] : memref<79x128xi32, #tpu.memory_space<vmem>> -> memref<1x128xi32, #tpu.memory_space<vmem>>
    %dma_start3A_243 = tpu.memref_squeeze %dma_start3A_242 : memref<1x128xi32, #tpu.memory_space<vmem>> -> memref<128xi32, #tpu.memory_space<vmem>>
    %dma_start3A_244 = arith.constant 0 : i32
    %dma_start3A_245 = tpu.memref_slice %arg29[%dma_start3A_244] : memref<10240xf32, #tpu.memory_space<vmem_shared>> -> memref<10240xf32, #tpu.memory_space<vmem_shared>>
    tpu.enqueue_indirect_dma source(%dma_start3A_240 : memref<128xf32, #tpu.memory_space<vmem>>) target(%dma_start3A_245 : memref<10240xf32, #tpu.memory_space<vmem_shared>>) offsets(%dma_start3A_243 : memref<128xi32, #tpu.memory_space<vmem>>) semaphore(%arg26 : memref<!tpu.dma_semaphore, #tpu.memory_space<semaphore_mem>>) {add = true}
    %dma_start3A_246 = arith.constant 2 : i32
    %dma_start3A_247 = arith.constant 2 : i32
    %dma_start3A_248 = arith.constant 0 : i32
    %dma_start3A_249 = tpu.memref_slice %arg12[%dma_start3A_246, %dma_start3A_248] : memref<79x128xf32, #tpu.memory_space<vmem>> -> memref<1x128xf32, #tpu.memory_space<vmem>>
    %dma_start3A_250 = tpu.memref_squeeze %dma_start3A_249 : memref<1x128xf32, #tpu.memory_space<vmem>> -> memref<128xf32, #tpu.memory_space<vmem>>
    %dma_start3A_251 = arith.constant 0 : i32
    %dma_start3A_252 = tpu.memref_slice %arg9[%dma_start3A_247, %dma_start3A_251] : memref<79x128xi32, #tpu.memory_space<vmem>> -> memref<1x128xi32, #tpu.memory_space<vmem>>
    %dma_start3A_253 = tpu.memref_squeeze %dma_start3A_252 : memref<1x128xi32, #tpu.memory_space<vmem>> -> memref<128xi32, #tpu.memory_space<vmem>>
    %dma_start3A_254 = arith.constant 0 : i32
    %dma_start3A_255 = tpu.memref_slice %arg29[%dma_start3A_254] : memref<10240xf32, #tpu.memory_space<vmem_shared>> -> memref<10240xf32, #tpu.memory_space<vmem_shared>>
    tpu.enqueue_indirect_dma source(%dma_start3A_250 : memref<128xf32, #tpu.memory_space<vmem>>) target(%dma_start3A_255 : memref<10240xf32, #tpu.memory_space<vmem_shared>>) offsets(%dma_start3A_253 : memref<128xi32, #tpu.memory_space<vmem>>) semaphore(%arg26 : memref<!tpu.dma_semaphore, #tpu.memory_space<semaphore_mem>>) {add = true}
    %dma_start3A_256 = arith.constant 3 : i32
    %dma_start3A_257 = arith.constant 3 : i32
    %dma_start3A_258 = arith.constant 0 : i32
    %dma_start3A_259 = tpu.memref_slice %arg12[%dma_start3A_256, %dma_start3A_258] : memref<79x128xf32, #tpu.memory_space<vmem>> -> memref<1x128xf32, #tpu.memory_space<vmem>>
    %dma_start3A_260 = tpu.memref_squeeze %dma_start3A_259 : memref<1x128xf32, #tpu.memory_space<vmem>> -> memref<128xf32, #tpu.memory_space<vmem>>
    %dma_start3A_261 = arith.constant 0 : i32
    %dma_start3A_262 = tpu.memref_slice %arg9[%dma_start3A_257, %dma_start3A_261] : memref<79x128xi32, #tpu.memory_space<vmem>> -> memref<1x128xi32, #tpu.memory_space<vmem>>
    %dma_start3A_263 = tpu.memref_squeeze %dma_start3A_262 : memref<1x128xi32, #tpu.memory_space<vmem>> -> memref<128xi32, #tpu.memory_space<vmem>>
    %dma_start3A_264 = arith.constant 0 : i32
    %dma_start3A_265 = tpu.memref_slice %arg29[%dma_start3A_264] : memref<10240xf32, #tpu.memory_space<vmem_shared>> -> memref<10240xf32, #tpu.memory_space<vmem_shared>>
    tpu.enqueue_indirect_dma source(%dma_start3A_260 : memref<128xf32, #tpu.memory_space<vmem>>) target(%dma_start3A_265 : memref<10240xf32, #tpu.memory_space<vmem_shared>>) offsets(%dma_start3A_263 : memref<128xi32, #tpu.memory_space<vmem>>) semaphore(%arg26 : memref<!tpu.dma_semaphore, #tpu.memory_space<semaphore_mem>>) {add = true}
    %scan3A_266 = arith.constant 0 : i32
    %scan3A_267 = arith.constant 4 : i32
    %scan3A_268 = arith.constant 75 : i32
    %scan3A_269 = arith.addi %scan3A_267, %scan3A_268 : i32
    %scan3A_270 = arith.constant 1 : i32
    %scan3A_271 = scf.for %scan3A_338 = %scan3A_267 to %scan3A_269 step %scan3A_270 iter_args(%scan3A_339 = %scan3A_266) -> (i32)  : i32 {
      %dma_start3A_340 = arith.constant 0 : i32
      %dma_start3A_341 = tpu.memref_slice %arg12[%scan3A_338, %dma_start3A_340] : memref<79x128xf32, #tpu.memory_space<vmem>> -> memref<1x128xf32, #tpu.memory_space<vmem>>
      %dma_start3A_342 = tpu.memref_squeeze %dma_start3A_341 : memref<1x128xf32, #tpu.memory_space<vmem>> -> memref<128xf32, #tpu.memory_space<vmem>>
      %dma_start3A_343 = arith.constant 0 : i32
      %dma_start3A_344 = tpu.memref_slice %arg9[%scan3A_338, %dma_start3A_343] : memref<79x128xi32, #tpu.memory_space<vmem>> -> memref<1x128xi32, #tpu.memory_space<vmem>>
      %dma_start3A_345 = tpu.memref_squeeze %dma_start3A_344 : memref<1x128xi32, #tpu.memory_space<vmem>> -> memref<128xi32, #tpu.memory_space<vmem>>
      %dma_start3A_346 = arith.constant 0 : i32
      %dma_start3A_347 = tpu.memref_slice %arg29[%dma_start3A_346] : memref<10240xf32, #tpu.memory_space<vmem_shared>> -> memref<10240xf32, #tpu.memory_space<vmem_shared>>
      tpu.enqueue_indirect_dma source(%dma_start3A_342 : memref<128xf32, #tpu.memory_space<vmem>>) target(%dma_start3A_347 : memref<10240xf32, #tpu.memory_space<vmem_shared>>) offsets(%dma_start3A_345 : memref<128xi32, #tpu.memory_space<vmem>>) semaphore(%arg26 : memref<!tpu.dma_semaphore, #tpu.memory_space<semaphore_mem>>) {add = true}
      %sub3A_348 = arith.constant 4 : i32
      %sub3A_349 = arith.subi %scan3A_338, %sub3A_348 : i32
      %dma_wait3A_350 = arith.constant 0 : i32
      %dma_wait3A_351 = tpu.memref_slice %arg12[%sub3A_349, %dma_wait3A_350] : memref<79x128xf32, #tpu.memory_space<vmem>> -> memref<1x128xf32, #tpu.memory_space<vmem>>
      %dma_wait3A_352 = tpu.memref_squeeze %dma_wait3A_351 : memref<1x128xf32, #tpu.memory_space<vmem>> -> memref<128xf32, #tpu.memory_space<vmem>>
      %dma_wait3A_353 = arith.constant 0 : i32
      %dma_wait3A_354 = tpu.memref_slice %arg9[%sub3A_349, %dma_wait3A_353] : memref<79x128xi32, #tpu.memory_space<vmem>> -> memref<1x128xi32, #tpu.memory_space<vmem>>
      %dma_wait3A_355 = tpu.memref_squeeze %dma_wait3A_354 : memref<1x128xi32, #tpu.memory_space<vmem>> -> memref<128xi32, #tpu.memory_space<vmem>>
      %dma_wait3A_356 = arith.constant 0 : i32
      %dma_wait3A_357 = tpu.memref_slice %arg29[%dma_wait3A_356] : memref<10240xf32, #tpu.memory_space<vmem_shared>> -> memref<10240xf32, #tpu.memory_space<vmem_shared>>
      tpu.wait_indirect_dma semaphore(%arg26 : memref<!tpu.dma_semaphore, #tpu.memory_space<semaphore_mem>>) src(%dma_wait3A_352 : memref<128xf32, #tpu.memory_space<vmem>>) dst(%dma_wait3A_357 : memref<10240xf32, #tpu.memory_space<vmem_shared>>)
      %scan3A_358 = arith.constant 0 : i32
      scf.yield %scan3A_358 : i32
    }
    %scan3A_272 = arith.constant 75 : i32
    %dma_wait3A_273 = arith.constant 75 : i32
    %dma_wait3A_274 = arith.constant 75 : i32
    %dma_wait3A_275 = arith.constant 0 : i32
    %dma_wait3A_276 = tpu.memref_slice %arg12[%dma_wait3A_273, %dma_wait3A_275] : memref<79x128xf32, #tpu.memory_space<vmem>> -> memref<1x128xf32, #tpu.memory_space<vmem>>
    %dma_wait3A_277 = tpu.memref_squeeze %dma_wait3A_276 : memref<1x128xf32, #tpu.memory_space<vmem>> -> memref<128xf32, #tpu.memory_space<vmem>>
    %dma_wait3A_278 = arith.constant 0 : i32
    %dma_wait3A_279 = tpu.memref_slice %arg9[%dma_wait3A_274, %dma_wait3A_278] : memref<79x128xi32, #tpu.memory_space<vmem>> -> memref<1x128xi32, #tpu.memory_space<vmem>>
    %dma_wait3A_280 = tpu.memref_squeeze %dma_wait3A_279 : memref<1x128xi32, #tpu.memory_space<vmem>> -> memref<128xi32, #tpu.memory_space<vmem>>
    %dma_wait3A_281 = arith.constant 0 : i32
    %dma_wait3A_282 = tpu.memref_slice %arg29[%dma_wait3A_281] : memref<10240xf32, #tpu.memory_space<vmem_shared>> -> memref<10240xf32, #tpu.memory_space<vmem_shared>>
    tpu.wait_indirect_dma semaphore(%arg26 : memref<!tpu.dma_semaphore, #tpu.memory_space<semaphore_mem>>) src(%dma_wait3A_277 : memref<128xf32, #tpu.memory_space<vmem>>) dst(%dma_wait3A_282 : memref<10240xf32, #tpu.memory_space<vmem_shared>>)
    %dma_wait3A_283 = arith.constant 76 : i32
    %dma_wait3A_284 = arith.constant 76 : i32
    %dma_wait3A_285 = arith.constant 0 : i32
    %dma_wait3A_286 = tpu.memref_slice %arg12[%dma_wait3A_283, %dma_wait3A_285] : memref<79x128xf32, #tpu.memory_space<vmem>> -> memref<1x128xf32, #tpu.memory_space<vmem>>
    %dma_wait3A_287 = tpu.memref_squeeze %dma_wait3A_286 : memref<1x128xf32, #tpu.memory_space<vmem>> -> memref<128xf32, #tpu.memory_space<vmem>>
    %dma_wait3A_288 = arith.constant 0 : i32
    %dma_wait3A_289 = tpu.memref_slice %arg9[%dma_wait3A_284, %dma_wait3A_288] : memref<79x128xi32, #tpu.memory_space<vmem>> -> memref<1x128xi32, #tpu.memory_space<vmem>>
    %dma_wait3A_290 = tpu.memref_squeeze %dma_wait3A_289 : memref<1x128xi32, #tpu.memory_space<vmem>> -> memref<128xi32, #tpu.memory_space<vmem>>
    %dma_wait3A_291 = arith.constant 0 : i32
    %dma_wait3A_292 = tpu.memref_slice %arg29[%dma_wait3A_291] : memref<10240xf32, #tpu.memory_space<vmem_shared>> -> memref<10240xf32, #tpu.memory_space<vmem_shared>>
    tpu.wait_indirect_dma semaphore(%arg26 : memref<!tpu.dma_semaphore, #tpu.memory_space<semaphore_mem>>) src(%dma_wait3A_287 : memref<128xf32, #tpu.memory_space<vmem>>) dst(%dma_wait3A_292 : memref<10240xf32, #tpu.memory_space<vmem_shared>>)
    %dma_wait3A_293 = arith.constant 77 : i32
    %dma_wait3A_294 = arith.constant 77 : i32
    %dma_wait3A_295 = arith.constant 0 : i32
    %dma_wait3A_296 = tpu.memref_slice %arg12[%dma_wait3A_293, %dma_wait3A_295] : memref<79x128xf32, #tpu.memory_space<vmem>> -> memref<1x128xf32, #tpu.memory_space<vmem>>
    %dma_wait3A_297 = tpu.memref_squeeze %dma_wait3A_296 : memref<1x128xf32, #tpu.memory_space<vmem>> -> memref<128xf32, #tpu.memory_space<vmem>>
    %dma_wait3A_298 = arith.constant 0 : i32
    %dma_wait3A_299 = tpu.memref_slice %arg9[%dma_wait3A_294, %dma_wait3A_298] : memref<79x128xi32, #tpu.memory_space<vmem>> -> memref<1x128xi32, #tpu.memory_space<vmem>>
    %dma_wait3A_300 = tpu.memref_squeeze %dma_wait3A_299 : memref<1x128xi32, #tpu.memory_space<vmem>> -> memref<128xi32, #tpu.memory_space<vmem>>
    %dma_wait3A_301 = arith.constant 0 : i32
    %dma_wait3A_302 = tpu.memref_slice %arg29[%dma_wait3A_301] : memref<10240xf32, #tpu.memory_space<vmem_shared>> -> memref<10240xf32, #tpu.memory_space<vmem_shared>>
    tpu.wait_indirect_dma semaphore(%arg26 : memref<!tpu.dma_semaphore, #tpu.memory_space<semaphore_mem>>) src(%dma_wait3A_297 : memref<128xf32, #tpu.memory_space<vmem>>) dst(%dma_wait3A_302 : memref<10240xf32, #tpu.memory_space<vmem_shared>>)
    %dma_wait3A_303 = arith.constant 78 : i32
    %dma_wait3A_304 = arith.constant 78 : i32
    %dma_wait3A_305 = arith.constant 0 : i32
    %dma_wait3A_306 = tpu.memref_slice %arg12[%dma_wait3A_303, %dma_wait3A_305] : memref<79x128xf32, #tpu.memory_space<vmem>> -> memref<1x128xf32, #tpu.memory_space<vmem>>
    %dma_wait3A_307 = tpu.memref_squeeze %dma_wait3A_306 : memref<1x128xf32, #tpu.memory_space<vmem>> -> memref<128xf32, #tpu.memory_space<vmem>>
    %dma_wait3A_308 = arith.constant 0 : i32
    %dma_wait3A_309 = tpu.memref_slice %arg9[%dma_wait3A_304, %dma_wait3A_308] : memref<79x128xi32, #tpu.memory_space<vmem>> -> memref<1x128xi32, #tpu.memory_space<vmem>>
    %dma_wait3A_310 = tpu.memref_squeeze %dma_wait3A_309 : memref<1x128xi32, #tpu.memory_space<vmem>> -> memref<128xi32, #tpu.memory_space<vmem>>
    %dma_wait3A_311 = arith.constant 0 : i32
    %dma_wait3A_312 = tpu.memref_slice %arg29[%dma_wait3A_311] : memref<10240xf32, #tpu.memory_space<vmem_shared>> -> memref<10240xf32, #tpu.memory_space<vmem_shared>>
    tpu.wait_indirect_dma semaphore(%arg26 : memref<!tpu.dma_semaphore, #tpu.memory_space<semaphore_mem>>) src(%dma_wait3A_307 : memref<128xf32, #tpu.memory_space<vmem>>) dst(%dma_wait3A_312 : memref<10240xf32, #tpu.memory_space<vmem_shared>>)
    %barrier3A_313 = arith.constant 0 : index
    tpu.barrier barrier_id(%barrier3A_313)
    "tpu.region"() ({
      %run_scoped3A = tpu.sem_alloc : memref<!tpu.dma_semaphore, #tpu.memory_space<semaphore_mem>>
      %dma_start3A_338 = arith.constant 0 : i32
      %dma_start3A_339 = tpu.memref_slice %arg20[%dma_start3A_338] : memref<640xf32, #tpu.memory_space<vmem>> -> memref<632xf32, #tpu.memory_space<vmem>>
      %dma_start3A_340 = tpu.memref_slice %arg28[%min3A_2] : memref<10240xf32, #tpu.memory_space<vmem_shared>> -> memref<632xf32, #tpu.memory_space<vmem_shared>>
      %dma_start3A_341 = arith.constant 0 : i32
      %dma_start3A_342 = tpu.memref_slice %arg20[%dma_start3A_341] : memref<640xf32, #tpu.memory_space<vmem>> -> memref<632xf32, #tpu.memory_space<vmem>>
      %dma_start3A_343 = tpu.memref_slice %arg28[%min3A_2] : memref<10240xf32, #tpu.memory_space<vmem_shared>> -> memref<632xf32, #tpu.memory_space<vmem_shared>>
      tpu.enqueue_dma source(%dma_start3A_343 : memref<632xf32, #tpu.memory_space<vmem_shared>>) target(%dma_start3A_342 : memref<632xf32, #tpu.memory_space<vmem>>) target_semaphore(%run_scoped3A : memref<!tpu.dma_semaphore, #tpu.memory_space<semaphore_mem>>)
      %dma_wait3A_344 = arith.constant 0 : i32
      %dma_wait3A_345 = tpu.memref_slice %arg20[%dma_wait3A_344] : memref<640xf32, #tpu.memory_space<vmem>> -> memref<632xf32, #tpu.memory_space<vmem>>
      %dma_wait3A_346 = tpu.memref_slice %arg28[%min3A_2] : memref<10240xf32, #tpu.memory_space<vmem_shared>> -> memref<632xf32, #tpu.memory_space<vmem_shared>>
      %dma_wait3A_347 = arith.constant 0 : i32
      %dma_wait3A_348 = tpu.memref_slice %arg20[%dma_wait3A_347] : memref<640xf32, #tpu.memory_space<vmem>> -> memref<632xf32, #tpu.memory_space<vmem>>
      %dma_wait3A_349 = tpu.memref_slice %arg28[%min3A_2] : memref<10240xf32, #tpu.memory_space<vmem_shared>> -> memref<632xf32, #tpu.memory_space<vmem_shared>>
      tpu.wait_dma2 semaphore(%run_scoped3A : memref<!tpu.dma_semaphore, #tpu.memory_space<semaphore_mem>>) src(%dma_wait3A_349 : memref<632xf32, #tpu.memory_space<vmem_shared>>) dst(%dma_wait3A_348 : memref<632xf32, #tpu.memory_space<vmem>>)
      tpu.yield
    }) : () -> ()
    "tpu.region"() ({
      %run_scoped3A = tpu.sem_alloc : memref<!tpu.dma_semaphore, #tpu.memory_space<semaphore_mem>>
      %dma_start3A_338 = arith.constant 0 : i32
      %dma_start3A_339 = tpu.memref_slice %arg21[%dma_start3A_338] : memref<640xf32, #tpu.memory_space<vmem>> -> memref<632xf32, #tpu.memory_space<vmem>>
      %dma_start3A_340 = tpu.memref_slice %arg29[%min3A_2] : memref<10240xf32, #tpu.memory_space<vmem_shared>> -> memref<632xf32, #tpu.memory_space<vmem_shared>>
      %dma_start3A_341 = arith.constant 0 : i32
      %dma_start3A_342 = tpu.memref_slice %arg21[%dma_start3A_341] : memref<640xf32, #tpu.memory_space<vmem>> -> memref<632xf32, #tpu.memory_space<vmem>>
      %dma_start3A_343 = tpu.memref_slice %arg29[%min3A_2] : memref<10240xf32, #tpu.memory_space<vmem_shared>> -> memref<632xf32, #tpu.memory_space<vmem_shared>>
      tpu.enqueue_dma source(%dma_start3A_343 : memref<632xf32, #tpu.memory_space<vmem_shared>>) target(%dma_start3A_342 : memref<632xf32, #tpu.memory_space<vmem>>) target_semaphore(%run_scoped3A : memref<!tpu.dma_semaphore, #tpu.memory_space<semaphore_mem>>)
      %dma_wait3A_344 = arith.constant 0 : i32
      %dma_wait3A_345 = tpu.memref_slice %arg21[%dma_wait3A_344] : memref<640xf32, #tpu.memory_space<vmem>> -> memref<632xf32, #tpu.memory_space<vmem>>
      %dma_wait3A_346 = tpu.memref_slice %arg29[%min3A_2] : memref<10240xf32, #tpu.memory_space<vmem_shared>> -> memref<632xf32, #tpu.memory_space<vmem_shared>>
      %dma_wait3A_347 = arith.constant 0 : i32
      %dma_wait3A_348 = tpu.memref_slice %arg21[%dma_wait3A_347] : memref<640xf32, #tpu.memory_space<vmem>> -> memref<632xf32, #tpu.memory_space<vmem>>
      %dma_wait3A_349 = tpu.memref_slice %arg29[%min3A_2] : memref<10240xf32, #tpu.memory_space<vmem_shared>> -> memref<632xf32, #tpu.memory_space<vmem_shared>>
      tpu.wait_dma2 semaphore(%run_scoped3A : memref<!tpu.dma_semaphore, #tpu.memory_space<semaphore_mem>>) src(%dma_wait3A_349 : memref<632xf32, #tpu.memory_space<vmem_shared>>) dst(%dma_wait3A_348 : memref<632xf32, #tpu.memory_space<vmem>>)
      tpu.yield
    }) : () -> ()
    %get3A_314 = arith.constant 0 : index
    %get3A_315 = tpu.vector_load %arg24[%get3A_314] {strides = array<i32>} : memref<16xf32, #tpu.memory_space<vmem>>, vector<16xf32>,
    %slice3A_316 = vector.extract_strided_slice %get3A_315 {offsets = [4], sizes = [1], strides = [1]} : vector<16xf32> to vector<1xf32>
    %squeeze3A_317 = vector.extract %slice3A_316[0] : f32 from vector<1xf32>
    %slice3A_318 = vector.extract_strided_slice %get3A_315 {offsets = [5], sizes = [1], strides = [1]} : vector<16xf32> to vector<1xf32>
    %squeeze3A_319 = vector.extract %slice3A_318[0] : f32 from vector<1xf32>
    %sub3A = arith.constant 0 : i32
    %sub3A_320 = arith.subi %add3A_0, %sub3A : i32
    %mul3A_321 = arith.constant 10000 : i32
    %mul3A_322 = arith.muli %sub3A_320, %mul3A_321 : i32
    %add3A_323 = arith.addi %mul3A_322, %min3A_2 : i32
    %scan3A_324 = arith.constant 0 : i32
    %scan3A_325 = arith.constant 0 : i32
    %scan3A_326 = arith.constant 40 : i32
    %scan3A_327 = arith.addi %scan3A_325, %scan3A_326 : i32
    %scan3A_328 = arith.constant 1 : i32
    %scan3A_329 = scf.for %scan3A_338 = %scan3A_325 to %scan3A_327 step %scan3A_328 iter_args(%scan3A_339 = %scan3A_324) -> (i32)  : i32 {
      %mul3A_340 = arith.constant 16 : i32
      %mul3A_341 = arith.muli %scan3A_338, %mul3A_340 : i32
      %get3A_342 = arith.index_cast %mul3A_341 : i32 to index
      %get3A_343 = tpu.vector_load %arg17[%get3A_342] {strides = array<i32>} : memref<640xf32, #tpu.memory_space<vmem>>, vector<16xf32>,
      %mul3A_344 = arith.constant 16 : i32
      %mul3A_345 = arith.muli %scan3A_338, %mul3A_344 : i32
      %get3A_346 = arith.index_cast %mul3A_345 : i32 to index
      %get3A_347 = tpu.vector_load %arg20[%get3A_346] {strides = array<i32>} : memref<640xf32, #tpu.memory_space<vmem>>, vector<16xf32>,
      %mul3A_348 = arith.constant 16 : i32
      %mul3A_349 = arith.muli %scan3A_338, %mul3A_348 : i32
      %get3A_350 = arith.index_cast %mul3A_349 : i32 to index
      %get3A_351 = tpu.vector_load %arg18[%get3A_350] {strides = array<i32>} : memref<640xf32, #tpu.memory_space<vmem>>, vector<16xf32>,
      %add3A_352 = arith.addf %get3A_347, %get3A_351 : vector<16xf32>
      %mul3A_353 = arith.mulf %get3A_343, %add3A_352 : vector<16xf32>
      %add3A_354 = vector.broadcast %squeeze3A_317 : f32 to vector<16xf32>
      %add3A_355 = arith.addf %mul3A_353, %add3A_354 : vector<16xf32>
      %mul3A_356 = arith.constant 16 : i32
      %mul3A_357 = arith.muli %scan3A_338, %mul3A_356 : i32
      %swap3A = arith.index_cast %mul3A_357 : i32 to index
      %swap3A_358 = tpu.vector_load %arg22[%swap3A] {strides = array<i32>} : memref<640xf32, #tpu.memory_space<vmem>>, vector<16xf32>,
      tpu.vector_store %arg22[%swap3A], %add3A_355 {strides = array<i32>} : memref<640xf32, #tpu.memory_space<vmem>>, vector<16xf32>,
      %scan3A_359 = arith.constant 0 : i32
      scf.yield %scan3A_359 : i32
    }
    %scan3A_330 = arith.constant 40 : i32
    "tpu.region"() ({
      %run_scoped3A = tpu.sem_alloc : memref<!tpu.dma_semaphore, #tpu.memory_space<semaphore_mem>>
      %dma_start3A_338 = arith.constant 0 : i32
      %dma_start3A_339 = tpu.memref_slice %arg22[%dma_start3A_338] : memref<640xf32, #tpu.memory_space<vmem>> -> memref<632xf32, #tpu.memory_space<vmem>>
      %dma_start3A_340 = tpu.memref_slice %arg7[%add3A_323] : memref<20000xf32, #tpu.memory_space<hbm>> -> memref<632xf32, #tpu.memory_space<hbm>>
      %dma_start3A_341 = tpu.memref_slice %arg7[%add3A_323] : memref<20000xf32, #tpu.memory_space<hbm>> -> memref<632xf32, #tpu.memory_space<hbm>>
      %dma_start3A_342 = arith.constant 0 : i32
      %dma_start3A_343 = tpu.memref_slice %arg22[%dma_start3A_342] : memref<640xf32, #tpu.memory_space<vmem>> -> memref<632xf32, #tpu.memory_space<vmem>>
      tpu.enqueue_dma source(%dma_start3A_343 : memref<632xf32, #tpu.memory_space<vmem>>) target(%dma_start3A_341 : memref<632xf32, #tpu.memory_space<hbm>>) target_semaphore(%run_scoped3A : memref<!tpu.dma_semaphore, #tpu.memory_space<semaphore_mem>>)
      %dma_wait3A_344 = arith.constant 0 : i32
      %dma_wait3A_345 = tpu.memref_slice %arg22[%dma_wait3A_344] : memref<640xf32, #tpu.memory_space<vmem>> -> memref<632xf32, #tpu.memory_space<vmem>>
      %dma_wait3A_346 = tpu.memref_slice %arg7[%add3A_323] : memref<20000xf32, #tpu.memory_space<hbm>> -> memref<632xf32, #tpu.memory_space<hbm>>
      %dma_wait3A_347 = tpu.memref_slice %arg7[%add3A_323] : memref<20000xf32, #tpu.memory_space<hbm>> -> memref<632xf32, #tpu.memory_space<hbm>>
      %dma_wait3A_348 = arith.constant 0 : i32
      %dma_wait3A_349 = tpu.memref_slice %arg22[%dma_wait3A_348] : memref<640xf32, #tpu.memory_space<vmem>> -> memref<632xf32, #tpu.memory_space<vmem>>
      tpu.wait_dma2 semaphore(%run_scoped3A : memref<!tpu.dma_semaphore, #tpu.memory_space<semaphore_mem>>) src(%dma_wait3A_349 : memref<632xf32, #tpu.memory_space<vmem>>) dst(%dma_wait3A_347 : memref<632xf32, #tpu.memory_space<hbm>>)
      tpu.yield
    }) : () -> ()
    %scan3A_331 = arith.constant 0 : i32
    %scan3A_332 = arith.constant 0 : i32
    %scan3A_333 = arith.constant 40 : i32
    %scan3A_334 = arith.addi %scan3A_332, %scan3A_333 : i32
    %scan3A_335 = arith.constant 1 : i32
    %scan3A_336 = scf.for %scan3A_338 = %scan3A_332 to %scan3A_334 step %scan3A_335 iter_args(%scan3A_339 = %scan3A_331) -> (i32)  : i32 {
      %mul3A_340 = arith.constant 16 : i32
      %mul3A_341 = arith.muli %scan3A_338, %mul3A_340 : i32
      %get3A_342 = arith.index_cast %mul3A_341 : i32 to index
      %get3A_343 = tpu.vector_load %arg17[%get3A_342] {strides = array<i32>} : memref<640xf32, #tpu.memory_space<vmem>>, vector<16xf32>,
      %mul3A_344 = arith.constant 16 : i32
      %mul3A_345 = arith.muli %scan3A_338, %mul3A_344 : i32
      %get3A_346 = arith.index_cast %mul3A_345 : i32 to index
      %get3A_347 = tpu.vector_load %arg21[%get3A_346] {strides = array<i32>} : memref<640xf32, #tpu.memory_space<vmem>>, vector<16xf32>,
      %mul3A_348 = arith.constant 16 : i32
      %mul3A_349 = arith.muli %scan3A_338, %mul3A_348 : i32
      %get3A_350 = arith.index_cast %mul3A_349 : i32 to index
      %get3A_351 = tpu.vector_load %arg19[%get3A_350] {strides = array<i32>} : memref<640xf32, #tpu.memory_space<vmem>>, vector<16xf32>,
      %add3A_352 = arith.addf %get3A_347, %get3A_351 : vector<16xf32>
      %mul3A_353 = arith.mulf %get3A_343, %add3A_352 : vector<16xf32>
      %add3A_354 = vector.broadcast %squeeze3A_319 : f32 to vector<16xf32>
      %add3A_355 = arith.addf %mul3A_353, %add3A_354 : vector<16xf32>
      %mul3A_356 = arith.constant 16 : i32
      %mul3A_357 = arith.muli %scan3A_338, %mul3A_356 : i32
      %swap3A = arith.index_cast %mul3A_357 : i32 to index
      %swap3A_358 = tpu.vector_load %arg22[%swap3A] {strides = array<i32>} : memref<640xf32, #tpu.memory_space<vmem>>, vector<16xf32>,
      tpu.vector_store %arg22[%swap3A], %add3A_355 {strides = array<i32>} : memref<640xf32, #tpu.memory_space<vmem>>, vector<16xf32>,
      %scan3A_359 = arith.constant 0 : i32
      scf.yield %scan3A_359 : i32
    }
    %scan3A_337 = arith.constant 40 : i32
    "tpu.region"() ({
      %run_scoped3A = tpu.sem_alloc : memref<!tpu.dma_semaphore, #tpu.memory_space<semaphore_mem>>
      %dma_start3A_338 = arith.constant 0 : i32
      %dma_start3A_339 = tpu.memref_slice %arg22[%dma_start3A_338] : memref<640xf32, #tpu.memory_space<vmem>> -> memref<632xf32, #tpu.memory_space<vmem>>
      %dma_start3A_340 = tpu.memref_slice %arg8[%add3A_323] : memref<20000xf32, #tpu.memory_space<hbm>> -> memref<632xf32, #tpu.memory_space<hbm>>
      %dma_start3A_341 = tpu.memref_slice %arg8[%add3A_323] : memref<20000xf32, #tpu.memory_space<hbm>> -> memref<632xf32, #tpu.memory_space<hbm>>
      %dma_start3A_342 = arith.constant 0 : i32
      %dma_start3A_343 = tpu.memref_slice %arg22[%dma_start3A_342] : memref<640xf32, #tpu.memory_space<vmem>> -> memref<632xf32, #tpu.memory_space<vmem>>
      tpu.enqueue_dma source(%dma_start3A_343 : memref<632xf32, #tpu.memory_space<vmem>>) target(%dma_start3A_341 : memref<632xf32, #tpu.memory_space<hbm>>) target_semaphore(%run_scoped3A : memref<!tpu.dma_semaphore, #tpu.memory_space<semaphore_mem>>)
      %dma_wait3A_344 = arith.constant 0 : i32
      %dma_wait3A_345 = tpu.memref_slice %arg22[%dma_wait3A_344] : memref<640xf32, #tpu.memory_space<vmem>> -> memref<632xf32, #tpu.memory_space<vmem>>
      %dma_wait3A_346 = tpu.memref_slice %arg8[%add3A_323] : memref<20000xf32, #tpu.memory_space<hbm>> -> memref<632xf32, #tpu.memory_space<hbm>>
      %dma_wait3A_347 = tpu.memref_slice %arg8[%add3A_323] : memref<20000xf32, #tpu.memory_space<hbm>> -> memref<632xf32, #tpu.memory_space<hbm>>
      %dma_wait3A_348 = arith.constant 0 : i32
      %dma_wait3A_349 = tpu.memref_slice %arg22[%dma_wait3A_348] : memref<640xf32, #tpu.memory_space<vmem>> -> memref<632xf32, #tpu.memory_space<vmem>>
      tpu.wait_dma2 semaphore(%run_scoped3A : memref<!tpu.dma_semaphore, #tpu.memory_space<semaphore_mem>>) src(%dma_wait3A_349 : memref<632xf32, #tpu.memory_space<vmem>>) dst(%dma_wait3A_347 : memref<632xf32, #tpu.memory_space<hbm>>)
      tpu.yield
    }) : () -> ()
    return
  }
}

#map = affine_map<(d0, d1) -> (0, 0, 0)>
#map1 = affine_map<(d0, d1) -> (0)>
module attributes {stable_mosaic.version = 14 : i64} {
  func.func @body(%arg0: i32, %arg1: i32, %arg2: memref<64x79x128xi32, #tpu.memory_space<hbm>>, %arg3: memref<64x79x128xi32, #tpu.memory_space<hbm>>, %arg4: memref<40000xf32, #tpu.memory_space<hbm>>, %arg5: memref<40000xf32, #tpu.memory_space<hbm>>, %arg6: memref<16xf32, #tpu.memory_space<hbm>>, %arg7: memref<20000xf32, #tpu.memory_space<hbm>>, %arg8: memref<20000xf32, #tpu.memory_space<hbm>>, %arg9: memref<79x128xi32, #tpu.memory_space<vmem>>, %arg10: memref<79x128xi32, #tpu.memory_space<vmem>>, %arg11: memref<79x128xf32, #tpu.memory_space<vmem>>, %arg12: memref<79x128xf32, #tpu.memory_space<vmem>>, %arg13: memref<10000xf32, #tpu.memory_space<vmem>>, %arg14: memref<10000xf32, #tpu.memory_space<vmem>>, %arg15: memref<640xf32, #tpu.memory_space<vmem>>, %arg16: memref<640xf32, #tpu.memory_space<vmem>>, %arg17: memref<640xf32, #tpu.memory_space<vmem>>, %arg18: memref<640xf32, #tpu.memory_space<vmem>>, %arg19: memref<640xf32, #tpu.memory_space<vmem>>, %arg20: memref<640xf32, #tpu.memory_space<vmem>>, %arg21: memref<640xf32, #tpu.memory_space<vmem>>, %arg22: memref<640xf32, #tpu.memory_space<vmem>>, %arg23: memref<640xf32, #tpu.memory_space<vmem>>, %arg24: memref<16xf32, #tpu.memory_space<vmem>>, %arg25: memref<!tpu.dma_semaphore, #tpu.memory_space<semaphore_mem>>, %arg26: memref<!tpu.dma_semaphore, #tpu.memory_space<semaphore_mem>>, %arg27: memref<10240xf32, #tpu.memory_space<vmem_shared>>, %arg28: memref<10240xf32, #tpu.memory_space<vmem_shared>>, %arg29: memref<10240xf32, #tpu.memory_space<vmem_shared>>, %arg30: memref<10000xf32, #tpu.memory_space<vmem_shared>>, %arg31: memref<10000xf32, #tpu.memory_space<vmem_shared>>) attributes {dimension_semantics = [#tpu.dimension_semantics<core_parallel>, #tpu.dimension_semantics<subcore_parallel>], iteration_bounds = array<i64: 2, 16>, scalar_prefetch = 0 : i64, scratch_operands = 23 : i64, tpu.core_type = #tpu.core_type<sc_vector_subcore>, window_params = [{transform_indices = #map}, {transform_indices = #map}, {transform_indices = #map1}, {transform_indices = #map1}, {transform_indices = #map1}, {transform_indices = #map1}, {transform_indices = #map1}]} {
    %add3A = arith.constant 2 : i32
    %add3A_0 = arith.addi %add3A, %arg0 : i32
    %mul3A = arith.constant 632 : i32
    %mul3A_1 = arith.muli %arg1, %mul3A : i32
    %min3A = arith.constant 9368 : i32
    %min3A_2 = arith.minsi %mul3A_1, %min3A : i32
    %broadcast_in_dim3A = arith.constant 1.000000e+00 : f32
    %broadcast_in_dim3A_3 = vector.broadcast %broadcast_in_dim3A : f32 to vector<16xf32>
    %broadcast_in_dim3A_4 = arith.constant 0.000000e+00 : f32
    %broadcast_in_dim3A_5 = vector.broadcast %broadcast_in_dim3A_4 : f32 to vector<16xf32>
    %scan3A = arith.constant 0 : i32
    %scan3A_6 = arith.constant 0 : i32
    %scan3A_7 = arith.constant 40 : i32
    %scan3A_8 = arith.addi %scan3A_6, %scan3A_7 : i32
    %scan3A_9 = arith.constant 1 : i32
    %scan3A_10 = scf.for %scan3A_338 = %scan3A_6 to %scan3A_8 step %scan3A_9 iter_args(%scan3A_339 = %scan3A) -> (i32)  : i32 {
      %mul3A_340 = arith.constant 16 : i32
      %mul3A_341 = arith.muli %scan3A_338, %mul3A_340 : i32
      %swap3A = arith.index_cast %mul3A_341 : i32 to index
      %swap3A_342 = tpu.vector_load %arg23[%swap3A] {strides = array<i32>} : memref<640xf32, #tpu.memory_space<vmem>>, vector<16xf32>,
      tpu.vector_store %arg23[%swap3A], %broadcast_in_dim3A_5 {strides = array<i32>} : memref<640xf32, #tpu.memory_space<vmem>>, vector<16xf32>,
      %scan3A_343 = arith.constant 0 : i32
      scf.yield %scan3A_343 : i32
    }
    %scan3A_11 = arith.constant 40 : i32
    %mul3A_12 = arith.constant 640 : i32
    %mul3A_13 = arith.muli %arg1, %mul3A_12 : i32
    "tpu.region"() ({
      %run_scoped3A = tpu.sem_alloc : memref<!tpu.dma_semaphore, #tpu.memory_space<semaphore_mem>>
      %dma_start3A_338 = tpu.memref_slice %arg27[%mul3A_13] : memref<10240xf32, #tpu.memory_space<vmem_shared>> -> memref<640xf32, #tpu.memory_space<vmem_shared>>
      %dma_start3A_339 = tpu.memref_slice %arg27[%mul3A_13] : memref<10240xf32, #tpu.memory_space<vmem_shared>> -> memref<640xf32, #tpu.memory_space<vmem_shared>>
      tpu.enqueue_dma source(%arg23 : memref<640xf32, #tpu.memory_space<vmem>>) target(%dma_start3A_339 : memref<640xf32, #tpu.memory_space<vmem_shared>>) target_semaphore(%run_scoped3A : memref<!tpu.dma_semaphore, #tpu.memory_space<semaphore_mem>>)
      %dma_wait3A_340 = tpu.memref_slice %arg27[%mul3A_13] : memref<10240xf32, #tpu.memory_space<vmem_shared>> -> memref<640xf32, #tpu.memory_space<vmem_shared>>
      %dma_wait3A_341 = tpu.memref_slice %arg27[%mul3A_13] : memref<10240xf32, #tpu.memory_space<vmem_shared>> -> memref<640xf32, #tpu.memory_space<vmem_shared>>
      tpu.wait_dma2 semaphore(%run_scoped3A : memref<!tpu.dma_semaphore, #tpu.memory_space<semaphore_mem>>) src(%arg23 : memref<640xf32, #tpu.memory_space<vmem>>) dst(%dma_wait3A_341 : memref<640xf32, #tpu.memory_space<vmem_shared>>)
      tpu.yield
    }) : () -> ()
    %mul3A_14 = arith.constant 640 : i32
    %mul3A_15 = arith.muli %arg1, %mul3A_14 : i32
    "tpu.region"() ({
      %run_scoped3A = tpu.sem_alloc : memref<!tpu.dma_semaphore, #tpu.memory_space<semaphore_mem>>
      %dma_start3A_338 = tpu.memref_slice %arg28[%mul3A_15] : memref<10240xf32, #tpu.memory_space<vmem_shared>> -> memref<640xf32, #tpu.memory_space<vmem_shared>>
      %dma_start3A_339 = tpu.memref_slice %arg28[%mul3A_15] : memref<10240xf32, #tpu.memory_space<vmem_shared>> -> memref<640xf32, #tpu.memory_space<vmem_shared>>
      tpu.enqueue_dma source(%arg23 : memref<640xf32, #tpu.memory_space<vmem>>) target(%dma_start3A_339 : memref<640xf32, #tpu.memory_space<vmem_shared>>) target_semaphore(%run_scoped3A : memref<!tpu.dma_semaphore, #tpu.memory_space<semaphore_mem>>)
      %dma_wait3A_340 = tpu.memref_slice %arg28[%mul3A_15] : memref<10240xf32, #tpu.memory_space<vmem_shared>> -> memref<640xf32, #tpu.memory_space<vmem_shared>>
      %dma_wait3A_341 = tpu.memref_slice %arg28[%mul3A_15] : memref<10240xf32, #tpu.memory_space<vmem_shared>> -> memref<640xf32, #tpu.memory_space<vmem_shared>>
      tpu.wait_dma2 semaphore(%run_scoped3A : memref<!tpu.dma_semaphore, #tpu.memory_space<semaphore_mem>>) src(%arg23 : memref<640xf32, #tpu.memory_space<vmem>>) dst(%dma_wait3A_341 : memref<640xf32, #tpu.memory_space<vmem_shared>>)
      tpu.yield
    }) : () -> ()
    %mul3A_16 = arith.constant 640 : i32
    %mul3A_17 = arith.muli %arg1, %mul3A_16 : i32
    "tpu.region"() ({
      %run_scoped3A = tpu.sem_alloc : memref<!tpu.dma_semaphore, #tpu.memory_space<semaphore_mem>>
      %dma_start3A_338 = tpu.memref_slice %arg29[%mul3A_17] : memref<10240xf32, #tpu.memory_space<vmem_shared>> -> memref<640xf32, #tpu.memory_space<vmem_shared>>
      %dma_start3A_339 = tpu.memref_slice %arg29[%mul3A_17] : memref<10240xf32, #tpu.memory_space<vmem_shared>> -> memref<640xf32, #tpu.memory_space<vmem_shared>>
      tpu.enqueue_dma source(%arg23 : memref<640xf32, #tpu.memory_space<vmem>>) target(%dma_start3A_339 : memref<640xf32, #tpu.memory_space<vmem_shared>>) target_semaphore(%run_scoped3A : memref<!tpu.dma_semaphore, #tpu.memory_space<semaphore_mem>>)
      %dma_wait3A_340 = tpu.memref_slice %arg29[%mul3A_17] : memref<10240xf32, #tpu.memory_space<vmem_shared>> -> memref<640xf32, #tpu.memory_space<vmem_shared>>
      %dma_wait3A_341 = tpu.memref_slice %arg29[%mul3A_17] : memref<10240xf32, #tpu.memory_space<vmem_shared>> -> memref<640xf32, #tpu.memory_space<vmem_shared>>
      tpu.wait_dma2 semaphore(%run_scoped3A : memref<!tpu.dma_semaphore, #tpu.memory_space<semaphore_mem>>) src(%arg23 : memref<640xf32, #tpu.memory_space<vmem>>) dst(%dma_wait3A_341 : memref<640xf32, #tpu.memory_space<vmem_shared>>)
      tpu.yield
    }) : () -> ()
    "tpu.region"() ({
      %run_scoped3A = tpu.sem_alloc : memref<!tpu.dma_semaphore, #tpu.memory_space<semaphore_mem>>
      tpu.enqueue_dma source(%arg6 : memref<16xf32, #tpu.memory_space<hbm>>) target(%arg24 : memref<16xf32, #tpu.memory_space<vmem>>) target_semaphore(%run_scoped3A : memref<!tpu.dma_semaphore, #tpu.memory_space<semaphore_mem>>)
      tpu.wait_dma2 semaphore(%run_scoped3A : memref<!tpu.dma_semaphore, #tpu.memory_space<semaphore_mem>>) src(%arg6 : memref<16xf32, #tpu.memory_space<hbm>>) dst(%arg24 : memref<16xf32, #tpu.memory_space<vmem>>)
      tpu.yield
    }) : () -> ()
    %mul3A_18 = arith.constant 16 : i32
    %mul3A_19 = arith.muli %add3A_0, %mul3A_18 : i32
    %add3A_20 = arith.addi %mul3A_19, %arg1 : i32
    "tpu.region"() ({
      %run_scoped3A = tpu.sem_alloc : memref<!tpu.dma_semaphore, #tpu.memory_space<semaphore_mem>>
      %dma_start3A_338 = arith.constant 0 : i32
      %dma_start3A_339 = arith.constant 0 : i32
      %dma_start3A_340 = tpu.memref_slice %arg3[%add3A_20, %dma_start3A_338, %dma_start3A_339] : memref<64x79x128xi32, #tpu.memory_space<hbm>> -> memref<1x79x128xi32, #tpu.memory_space<hbm>>
      %dma_start3A_341 = tpu.memref_squeeze %dma_start3A_340 : memref<1x79x128xi32, #tpu.memory_space<hbm>> -> memref<79x128xi32, #tpu.memory_space<hbm>>
      %dma_start3A_342 = arith.constant 0 : i32
      %dma_start3A_343 = arith.constant 0 : i32
      %dma_start3A_344 = tpu.memref_slice %arg3[%add3A_20, %dma_start3A_342, %dma_start3A_343] : memref<64x79x128xi32, #tpu.memory_space<hbm>> -> memref<1x79x128xi32, #tpu.memory_space<hbm>>
      %dma_start3A_345 = tpu.memref_squeeze %dma_start3A_344 : memref<1x79x128xi32, #tpu.memory_space<hbm>> -> memref<79x128xi32, #tpu.memory_space<hbm>>
      tpu.enqueue_dma source(%dma_start3A_345 : memref<79x128xi32, #tpu.memory_space<hbm>>) target(%arg9 : memref<79x128xi32, #tpu.memory_space<vmem>>) target_semaphore(%run_scoped3A : memref<!tpu.dma_semaphore, #tpu.memory_space<semaphore_mem>>)
      %dma_wait3A_346 = arith.constant 0 : i32
      %dma_wait3A_347 = arith.constant 0 : i32
      %dma_wait3A_348 = tpu.memref_slice %arg3[%add3A_20, %dma_wait3A_346, %dma_wait3A_347] : memref<64x79x128xi32, #tpu.memory_space<hbm>> -> memref<1x79x128xi32, #tpu.memory_space<hbm>>
      %dma_wait3A_349 = tpu.memref_squeeze %dma_wait3A_348 : memref<1x79x128xi32, #tpu.memory_space<hbm>> -> memref<79x128xi32, #tpu.memory_space<hbm>>
      %dma_wait3A_350 = arith.constant 0 : i32
      %dma_wait3A_351 = arith.constant 0 : i32
      %dma_wait3A_352 = tpu.memref_slice %arg3[%add3A_20, %dma_wait3A_350, %dma_wait3A_351] : memref<64x79x128xi32, #tpu.memory_space<hbm>> -> memref<1x79x128xi32, #tpu.memory_space<hbm>>
      %dma_wait3A_353 = tpu.memref_squeeze %dma_wait3A_352 : memref<1x79x128xi32, #tpu.memory_space<hbm>> -> memref<79x128xi32, #tpu.memory_space<hbm>>
      tpu.wait_dma2 semaphore(%run_scoped3A : memref<!tpu.dma_semaphore, #tpu.memory_space<semaphore_mem>>) src(%dma_wait3A_353 : memref<79x128xi32, #tpu.memory_space<hbm>>) dst(%arg9 : memref<79x128xi32, #tpu.memory_space<vmem>>)
      tpu.yield
    }) : () -> ()
    "tpu.region"() ({
      %run_scoped3A = tpu.sem_alloc : memref<!tpu.dma_semaphore, #tpu.memory_space<semaphore_mem>>
      %dma_start3A_338 = arith.constant 0 : i32
      %dma_start3A_339 = arith.constant 0 : i32
      %dma_start3A_340 = tpu.memref_slice %arg2[%add3A_20, %dma_start3A_338, %dma_start3A_339] : memref<64x79x128xi32, #tpu.memory_space<hbm>> -> memref<1x79x128xi32, #tpu.memory_space<hbm>>
      %dma_start3A_341 = tpu.memref_squeeze %dma_start3A_340 : memref<1x79x128xi32, #tpu.memory_space<hbm>> -> memref<79x128xi32, #tpu.memory_space<hbm>>
      %dma_start3A_342 = arith.constant 0 : i32
      %dma_start3A_343 = arith.constant 0 : i32
      %dma_start3A_344 = tpu.memref_slice %arg2[%add3A_20, %dma_start3A_342, %dma_start3A_343] : memref<64x79x128xi32, #tpu.memory_space<hbm>> -> memref<1x79x128xi32, #tpu.memory_space<hbm>>
      %dma_start3A_345 = tpu.memref_squeeze %dma_start3A_344 : memref<1x79x128xi32, #tpu.memory_space<hbm>> -> memref<79x128xi32, #tpu.memory_space<hbm>>
      tpu.enqueue_dma source(%dma_start3A_345 : memref<79x128xi32, #tpu.memory_space<hbm>>) target(%arg10 : memref<79x128xi32, #tpu.memory_space<vmem>>) target_semaphore(%run_scoped3A : memref<!tpu.dma_semaphore, #tpu.memory_space<semaphore_mem>>)
      %dma_wait3A_346 = arith.constant 0 : i32
      %dma_wait3A_347 = arith.constant 0 : i32
      %dma_wait3A_348 = tpu.memref_slice %arg2[%add3A_20, %dma_wait3A_346, %dma_wait3A_347] : memref<64x79x128xi32, #tpu.memory_space<hbm>> -> memref<1x79x128xi32, #tpu.memory_space<hbm>>
      %dma_wait3A_349 = tpu.memref_squeeze %dma_wait3A_348 : memref<1x79x128xi32, #tpu.memory_space<hbm>> -> memref<79x128xi32, #tpu.memory_space<hbm>>
      %dma_wait3A_350 = arith.constant 0 : i32
      %dma_wait3A_351 = arith.constant 0 : i32
      %dma_wait3A_352 = tpu.memref_slice %arg2[%add3A_20, %dma_wait3A_350, %dma_wait3A_351] : memref<64x79x128xi32, #tpu.memory_space<hbm>> -> memref<1x79x128xi32, #tpu.memory_space<hbm>>
      %dma_wait3A_353 = tpu.memref_squeeze %dma_wait3A_352 : memref<1x79x128xi32, #tpu.memory_space<hbm>> -> memref<79x128xi32, #tpu.memory_space<hbm>>
      tpu.wait_dma2 semaphore(%run_scoped3A : memref<!tpu.dma_semaphore, #tpu.memory_space<semaphore_mem>>) src(%dma_wait3A_353 : memref<79x128xi32, #tpu.memory_space<hbm>>) dst(%arg10 : memref<79x128xi32, #tpu.memory_space<vmem>>)
      tpu.yield
    }) : () -> ()
    %mul3A_21 = arith.constant 10000 : i32
    %mul3A_22 = arith.muli %add3A_0, %mul3A_21 : i32
    %add3A_23 = arith.addi %mul3A_22, %min3A_2 : i32
    "tpu.region"() ({
      %run_scoped3A = tpu.sem_alloc : memref<!tpu.dma_semaphore, #tpu.memory_space<semaphore_mem>>
      %dma_start3A_338 = arith.constant 0 : i32
      %dma_start3A_339 = tpu.memref_slice %arg15[%dma_start3A_338] : memref<640xf32, #tpu.memory_space<vmem>> -> memref<632xf32, #tpu.memory_space<vmem>>
      %dma_start3A_340 = tpu.memref_slice %arg4[%add3A_23] : memref<40000xf32, #tpu.memory_space<hbm>> -> memref<632xf32, #tpu.memory_space<hbm>>
      %dma_start3A_341 = arith.constant 0 : i32
      %dma_start3A_342 = tpu.memref_slice %arg15[%dma_start3A_341] : memref<640xf32, #tpu.memory_space<vmem>> -> memref<632xf32, #tpu.memory_space<vmem>>
      %dma_start3A_343 = tpu.memref_slice %arg4[%add3A_23] : memref<40000xf32, #tpu.memory_space<hbm>> -> memref<632xf32, #tpu.memory_space<hbm>>
      tpu.enqueue_dma source(%dma_start3A_343 : memref<632xf32, #tpu.memory_space<hbm>>) target(%dma_start3A_342 : memref<632xf32, #tpu.memory_space<vmem>>) target_semaphore(%run_scoped3A : memref<!tpu.dma_semaphore, #tpu.memory_space<semaphore_mem>>)
      %dma_wait3A_344 = arith.constant 0 : i32
      %dma_wait3A_345 = tpu.memref_slice %arg15[%dma_wait3A_344] : memref<640xf32, #tpu.memory_space<vmem>> -> memref<632xf32, #tpu.memory_space<vmem>>
      %dma_wait3A_346 = tpu.memref_slice %arg4[%add3A_23] : memref<40000xf32, #tpu.memory_space<hbm>> -> memref<632xf32, #tpu.memory_space<hbm>>
      %dma_wait3A_347 = arith.constant 0 : i32
      %dma_wait3A_348 = tpu.memref_slice %arg15[%dma_wait3A_347] : memref<640xf32, #tpu.memory_space<vmem>> -> memref<632xf32, #tpu.memory_space<vmem>>
      %dma_wait3A_349 = tpu.memref_slice %arg4[%add3A_23] : memref<40000xf32, #tpu.memory_space<hbm>> -> memref<632xf32, #tpu.memory_space<hbm>>
      tpu.wait_dma2 semaphore(%run_scoped3A : memref<!tpu.dma_semaphore, #tpu.memory_space<semaphore_mem>>) src(%dma_wait3A_349 : memref<632xf32, #tpu.memory_space<hbm>>) dst(%dma_wait3A_348 : memref<632xf32, #tpu.memory_space<vmem>>)
      tpu.yield
    }) : () -> ()
    "tpu.region"() ({
      %run_scoped3A = tpu.sem_alloc : memref<!tpu.dma_semaphore, #tpu.memory_space<semaphore_mem>>
      %dma_start3A_338 = arith.constant 0 : i32
      %dma_start3A_339 = tpu.memref_slice %arg16[%dma_start3A_338] : memref<640xf32, #tpu.memory_space<vmem>> -> memref<632xf32, #tpu.memory_space<vmem>>
      %dma_start3A_340 = tpu.memref_slice %arg5[%add3A_23] : memref<40000xf32, #tpu.memory_space<hbm>> -> memref<632xf32, #tpu.memory_space<hbm>>
      %dma_start3A_341 = arith.constant 0 : i32
      %dma_start3A_342 = tpu.memref_slice %arg16[%dma_start3A_341] : memref<640xf32, #tpu.memory_space<vmem>> -> memref<632xf32, #tpu.memory_space<vmem>>
      %dma_start3A_343 = tpu.memref_slice %arg5[%add3A_23] : memref<40000xf32, #tpu.memory_space<hbm>> -> memref<632xf32, #tpu.memory_space<hbm>>
      tpu.enqueue_dma source(%dma_start3A_343 : memref<632xf32, #tpu.memory_space<hbm>>) target(%dma_start3A_342 : memref<632xf32, #tpu.memory_space<vmem>>) target_semaphore(%run_scoped3A : memref<!tpu.dma_semaphore, #tpu.memory_space<semaphore_mem>>)
      %dma_wait3A_344 = arith.constant 0 : i32
      %dma_wait3A_345 = tpu.memref_slice %arg16[%dma_wait3A_344] : memref<640xf32, #tpu.memory_space<vmem>> -> memref<632xf32, #tpu.memory_space<vmem>>
      %dma_wait3A_346 = tpu.memref_slice %arg5[%add3A_23] : memref<40000xf32, #tpu.memory_space<hbm>> -> memref<632xf32, #tpu.memory_space<hbm>>
      %dma_wait3A_347 = arith.constant 0 : i32
      %dma_wait3A_348 = tpu.memref_slice %arg16[%dma_wait3A_347] : memref<640xf32, #tpu.memory_space<vmem>> -> memref<632xf32, #tpu.memory_space<vmem>>
      %dma_wait3A_349 = tpu.memref_slice %arg5[%add3A_23] : memref<40000xf32, #tpu.memory_space<hbm>> -> memref<632xf32, #tpu.memory_space<hbm>>
      tpu.wait_dma2 semaphore(%run_scoped3A : memref<!tpu.dma_semaphore, #tpu.memory_space<semaphore_mem>>) src(%dma_wait3A_349 : memref<632xf32, #tpu.memory_space<hbm>>) dst(%dma_wait3A_348 : memref<632xf32, #tpu.memory_space<vmem>>)
      tpu.yield
    }) : () -> ()
    %scan3A_24 = arith.constant 0 : i32
    %scan3A_25 = arith.constant 0 : i32
    %scan3A_26 = arith.constant 79 : i32
    %scan3A_27 = arith.addi %scan3A_25, %scan3A_26 : i32
    %scan3A_28 = arith.constant 1 : i32
    %scan3A_29 = scf.for %scan3A_338 = %scan3A_25 to %scan3A_27 step %scan3A_28 iter_args(%scan3A_339 = %scan3A_24) -> (i32)  : i32 {
      %swap3A = arith.index_cast %scan3A_338 : i32 to index
      %swap3A_340 = arith.constant 0 : index
      %swap3A_341 = tpu.vector_load %arg11[%swap3A, %swap3A_340] {strides = array<i32>} : memref<79x128xf32, #tpu.memory_space<vmem>>, vector<16xf32>,
      tpu.vector_store %arg11[%swap3A, %swap3A_340], %broadcast_in_dim3A_3 {strides = array<i32>} : memref<79x128xf32, #tpu.memory_space<vmem>>, vector<16xf32>,
      %swap3A_342 = arith.index_cast %scan3A_338 : i32 to index
      %swap3A_343 = arith.constant 16 : index
      %swap3A_344 = tpu.vector_load %arg11[%swap3A_342, %swap3A_343] {strides = array<i32>} : memref<79x128xf32, #tpu.memory_space<vmem>>, vector<16xf32>,
      tpu.vector_store %arg11[%swap3A_342, %swap3A_343], %broadcast_in_dim3A_3 {strides = array<i32>} : memref<79x128xf32, #tpu.memory_space<vmem>>, vector<16xf32>,
      %swap3A_345 = arith.index_cast %scan3A_338 : i32 to index
      %swap3A_346 = arith.constant 32 : index
      %swap3A_347 = tpu.vector_load %arg11[%swap3A_345, %swap3A_346] {strides = array<i32>} : memref<79x128xf32, #tpu.memory_space<vmem>>, vector<16xf32>,
      tpu.vector_store %arg11[%swap3A_345, %swap3A_346], %broadcast_in_dim3A_3 {strides = array<i32>} : memref<79x128xf32, #tpu.memory_space<vmem>>, vector<16xf32>,
      %swap3A_348 = arith.index_cast %scan3A_338 : i32 to index
      %swap3A_349 = arith.constant 48 : index
      %swap3A_350 = tpu.vector_load %arg11[%swap3A_348, %swap3A_349] {strides = array<i32>} : memref<79x128xf32, #tpu.memory_space<vmem>>, vector<16xf32>,
      tpu.vector_store %arg11[%swap3A_348, %swap3A_349], %broadcast_in_dim3A_3 {strides = array<i32>} : memref<79x128xf32, #tpu.memory_space<vmem>>, vector<16xf32>,
      %swap3A_351 = arith.index_cast %scan3A_338 : i32 to index
      %swap3A_352 = arith.constant 64 : index
      %swap3A_353 = tpu.vector_load %arg11[%swap3A_351, %swap3A_352] {strides = array<i32>} : memref<79x128xf32, #tpu.memory_space<vmem>>, vector<16xf32>,
      tpu.vector_store %arg11[%swap3A_351, %swap3A_352], %broadcast_in_dim3A_3 {strides = array<i32>} : memref<79x128xf32, #tpu.memory_space<vmem>>, vector<16xf32>,
      %swap3A_354 = arith.index_cast %scan3A_338 : i32 to index
      %swap3A_355 = arith.constant 80 : index
      %swap3A_356 = tpu.vector_load %arg11[%swap3A_354, %swap3A_355] {strides = array<i32>} : memref<79x128xf32, #tpu.memory_space<vmem>>, vector<16xf32>,
      tpu.vector_store %arg11[%swap3A_354, %swap3A_355], %broadcast_in_dim3A_3 {strides = array<i32>} : memref<79x128xf32, #tpu.memory_space<vmem>>, vector<16xf32>,
      %swap3A_357 = arith.index_cast %scan3A_338 : i32 to index
      %swap3A_358 = arith.constant 96 : index
      %swap3A_359 = tpu.vector_load %arg11[%swap3A_357, %swap3A_358] {strides = array<i32>} : memref<79x128xf32, #tpu.memory_space<vmem>>, vector<16xf32>,
      tpu.vector_store %arg11[%swap3A_357, %swap3A_358], %broadcast_in_dim3A_3 {strides = array<i32>} : memref<79x128xf32, #tpu.memory_space<vmem>>, vector<16xf32>,
      %swap3A_360 = arith.index_cast %scan3A_338 : i32 to index
      %swap3A_361 = arith.constant 112 : index
      %swap3A_362 = tpu.vector_load %arg11[%swap3A_360, %swap3A_361] {strides = array<i32>} : memref<79x128xf32, #tpu.memory_space<vmem>>, vector<16xf32>,
      tpu.vector_store %arg11[%swap3A_360, %swap3A_361], %broadcast_in_dim3A_3 {strides = array<i32>} : memref<79x128xf32, #tpu.memory_space<vmem>>, vector<16xf32>,
      %scan3A_363 = arith.constant 0 : i32
      scf.yield %scan3A_363 : i32
    }
    %scan3A_30 = arith.constant 79 : i32
    %barrier3A = arith.constant 0 : index
    tpu.barrier barrier_id(%barrier3A)
    %dma_start3A = arith.constant 0 : i32
    %dma_start3A_31 = arith.constant 0 : i32
    %dma_start3A_32 = arith.constant 0 : i32
    %dma_start3A_33 = tpu.memref_slice %arg11[%dma_start3A, %dma_start3A_32] : memref<79x128xf32, #tpu.memory_space<vmem>> -> memref<1x128xf32, #tpu.memory_space<vmem>>
    %dma_start3A_34 = tpu.memref_squeeze %dma_start3A_33 : memref<1x128xf32, #tpu.memory_space<vmem>> -> memref<128xf32, #tpu.memory_space<vmem>>
    %dma_start3A_35 = arith.constant 0 : i32
    %dma_start3A_36 = tpu.memref_slice %arg9[%dma_start3A_31, %dma_start3A_35] : memref<79x128xi32, #tpu.memory_space<vmem>> -> memref<1x128xi32, #tpu.memory_space<vmem>>
    %dma_start3A_37 = tpu.memref_squeeze %dma_start3A_36 : memref<1x128xi32, #tpu.memory_space<vmem>> -> memref<128xi32, #tpu.memory_space<vmem>>
    %dma_start3A_38 = arith.constant 0 : i32
    %dma_start3A_39 = tpu.memref_slice %arg27[%dma_start3A_38] : memref<10240xf32, #tpu.memory_space<vmem_shared>> -> memref<10240xf32, #tpu.memory_space<vmem_shared>>
    tpu.enqueue_indirect_dma source(%dma_start3A_34 : memref<128xf32, #tpu.memory_space<vmem>>) target(%dma_start3A_39 : memref<10240xf32, #tpu.memory_space<vmem_shared>>) offsets(%dma_start3A_37 : memref<128xi32, #tpu.memory_space<vmem>>) semaphore(%arg25 : memref<!tpu.dma_semaphore, #tpu.memory_space<semaphore_mem>>) {add = true}
    %dma_start3A_40 = arith.constant 1 : i32
    %dma_start3A_41 = arith.constant 1 : i32
    %dma_start3A_42 = arith.constant 0 : i32
    %dma_start3A_43 = tpu.memref_slice %arg11[%dma_start3A_40, %dma_start3A_42] : memref<79x128xf32, #tpu.memory_space<vmem>> -> memref<1x128xf32, #tpu.memory_space<vmem>>
    %dma_start3A_44 = tpu.memref_squeeze %dma_start3A_43 : memref<1x128xf32, #tpu.memory_space<vmem>> -> memref<128xf32, #tpu.memory_space<vmem>>
    %dma_start3A_45 = arith.constant 0 : i32
    %dma_start3A_46 = tpu.memref_slice %arg9[%dma_start3A_41, %dma_start3A_45] : memref<79x128xi32, #tpu.memory_space<vmem>> -> memref<1x128xi32, #tpu.memory_space<vmem>>
    %dma_start3A_47 = tpu.memref_squeeze %dma_start3A_46 : memref<1x128xi32, #tpu.memory_space<vmem>> -> memref<128xi32, #tpu.memory_space<vmem>>
    %dma_start3A_48 = arith.constant 0 : i32
    %dma_start3A_49 = tpu.memref_slice %arg27[%dma_start3A_48] : memref<10240xf32, #tpu.memory_space<vmem_shared>> -> memref<10240xf32, #tpu.memory_space<vmem_shared>>
    tpu.enqueue_indirect_dma source(%dma_start3A_44 : memref<128xf32, #tpu.memory_space<vmem>>) target(%dma_start3A_49 : memref<10240xf32, #tpu.memory_space<vmem_shared>>) offsets(%dma_start3A_47 : memref<128xi32, #tpu.memory_space<vmem>>) semaphore(%arg25 : memref<!tpu.dma_semaphore, #tpu.memory_space<semaphore_mem>>) {add = true}
    %dma_start3A_50 = arith.constant 2 : i32
    %dma_start3A_51 = arith.constant 2 : i32
    %dma_start3A_52 = arith.constant 0 : i32
    %dma_start3A_53 = tpu.memref_slice %arg11[%dma_start3A_50, %dma_start3A_52] : memref<79x128xf32, #tpu.memory_space<vmem>> -> memref<1x128xf32, #tpu.memory_space<vmem>>
    %dma_start3A_54 = tpu.memref_squeeze %dma_start3A_53 : memref<1x128xf32, #tpu.memory_space<vmem>> -> memref<128xf32, #tpu.memory_space<vmem>>
    %dma_start3A_55 = arith.constant 0 : i32
    %dma_start3A_56 = tpu.memref_slice %arg9[%dma_start3A_51, %dma_start3A_55] : memref<79x128xi32, #tpu.memory_space<vmem>> -> memref<1x128xi32, #tpu.memory_space<vmem>>
    %dma_start3A_57 = tpu.memref_squeeze %dma_start3A_56 : memref<1x128xi32, #tpu.memory_space<vmem>> -> memref<128xi32, #tpu.memory_space<vmem>>
    %dma_start3A_58 = arith.constant 0 : i32
    %dma_start3A_59 = tpu.memref_slice %arg27[%dma_start3A_58] : memref<10240xf32, #tpu.memory_space<vmem_shared>> -> memref<10240xf32, #tpu.memory_space<vmem_shared>>
    tpu.enqueue_indirect_dma source(%dma_start3A_54 : memref<128xf32, #tpu.memory_space<vmem>>) target(%dma_start3A_59 : memref<10240xf32, #tpu.memory_space<vmem_shared>>) offsets(%dma_start3A_57 : memref<128xi32, #tpu.memory_space<vmem>>) semaphore(%arg25 : memref<!tpu.dma_semaphore, #tpu.memory_space<semaphore_mem>>) {add = true}
    %dma_start3A_60 = arith.constant 3 : i32
    %dma_start3A_61 = arith.constant 3 : i32
    %dma_start3A_62 = arith.constant 0 : i32
    %dma_start3A_63 = tpu.memref_slice %arg11[%dma_start3A_60, %dma_start3A_62] : memref<79x128xf32, #tpu.memory_space<vmem>> -> memref<1x128xf32, #tpu.memory_space<vmem>>
    %dma_start3A_64 = tpu.memref_squeeze %dma_start3A_63 : memref<1x128xf32, #tpu.memory_space<vmem>> -> memref<128xf32, #tpu.memory_space<vmem>>
    %dma_start3A_65 = arith.constant 0 : i32
    %dma_start3A_66 = tpu.memref_slice %arg9[%dma_start3A_61, %dma_start3A_65] : memref<79x128xi32, #tpu.memory_space<vmem>> -> memref<1x128xi32, #tpu.memory_space<vmem>>
    %dma_start3A_67 = tpu.memref_squeeze %dma_start3A_66 : memref<1x128xi32, #tpu.memory_space<vmem>> -> memref<128xi32, #tpu.memory_space<vmem>>
    %dma_start3A_68 = arith.constant 0 : i32
    %dma_start3A_69 = tpu.memref_slice %arg27[%dma_start3A_68] : memref<10240xf32, #tpu.memory_space<vmem_shared>> -> memref<10240xf32, #tpu.memory_space<vmem_shared>>
    tpu.enqueue_indirect_dma source(%dma_start3A_64 : memref<128xf32, #tpu.memory_space<vmem>>) target(%dma_start3A_69 : memref<10240xf32, #tpu.memory_space<vmem_shared>>) offsets(%dma_start3A_67 : memref<128xi32, #tpu.memory_space<vmem>>) semaphore(%arg25 : memref<!tpu.dma_semaphore, #tpu.memory_space<semaphore_mem>>) {add = true}
    %scan3A_70 = arith.constant 0 : i32
    %scan3A_71 = arith.constant 4 : i32
    %scan3A_72 = arith.constant 75 : i32
    %scan3A_73 = arith.addi %scan3A_71, %scan3A_72 : i32
    %scan3A_74 = arith.constant 1 : i32
    %scan3A_75 = scf.for %scan3A_338 = %scan3A_71 to %scan3A_73 step %scan3A_74 iter_args(%scan3A_339 = %scan3A_70) -> (i32)  : i32 {
      %dma_start3A_340 = arith.constant 0 : i32
      %dma_start3A_341 = tpu.memref_slice %arg11[%scan3A_338, %dma_start3A_340] : memref<79x128xf32, #tpu.memory_space<vmem>> -> memref<1x128xf32, #tpu.memory_space<vmem>>
      %dma_start3A_342 = tpu.memref_squeeze %dma_start3A_341 : memref<1x128xf32, #tpu.memory_space<vmem>> -> memref<128xf32, #tpu.memory_space<vmem>>
      %dma_start3A_343 = arith.constant 0 : i32
      %dma_start3A_344 = tpu.memref_slice %arg9[%scan3A_338, %dma_start3A_343] : memref<79x128xi32, #tpu.memory_space<vmem>> -> memref<1x128xi32, #tpu.memory_space<vmem>>
      %dma_start3A_345 = tpu.memref_squeeze %dma_start3A_344 : memref<1x128xi32, #tpu.memory_space<vmem>> -> memref<128xi32, #tpu.memory_space<vmem>>
      %dma_start3A_346 = arith.constant 0 : i32
      %dma_start3A_347 = tpu.memref_slice %arg27[%dma_start3A_346] : memref<10240xf32, #tpu.memory_space<vmem_shared>> -> memref<10240xf32, #tpu.memory_space<vmem_shared>>
      tpu.enqueue_indirect_dma source(%dma_start3A_342 : memref<128xf32, #tpu.memory_space<vmem>>) target(%dma_start3A_347 : memref<10240xf32, #tpu.memory_space<vmem_shared>>) offsets(%dma_start3A_345 : memref<128xi32, #tpu.memory_space<vmem>>) semaphore(%arg25 : memref<!tpu.dma_semaphore, #tpu.memory_space<semaphore_mem>>) {add = true}
      %sub3A_348 = arith.constant 4 : i32
      %sub3A_349 = arith.subi %scan3A_338, %sub3A_348 : i32
      %dma_wait3A_350 = arith.constant 0 : i32
      %dma_wait3A_351 = tpu.memref_slice %arg11[%sub3A_349, %dma_wait3A_350] : memref<79x128xf32, #tpu.memory_space<vmem>> -> memref<1x128xf32, #tpu.memory_space<vmem>>
      %dma_wait3A_352 = tpu.memref_squeeze %dma_wait3A_351 : memref<1x128xf32, #tpu.memory_space<vmem>> -> memref<128xf32, #tpu.memory_space<vmem>>
      %dma_wait3A_353 = arith.constant 0 : i32
      %dma_wait3A_354 = tpu.memref_slice %arg9[%sub3A_349, %dma_wait3A_353] : memref<79x128xi32, #tpu.memory_space<vmem>> -> memref<1x128xi32, #tpu.memory_space<vmem>>
      %dma_wait3A_355 = tpu.memref_squeeze %dma_wait3A_354 : memref<1x128xi32, #tpu.memory_space<vmem>> -> memref<128xi32, #tpu.memory_space<vmem>>
      %dma_wait3A_356 = arith.constant 0 : i32
      %dma_wait3A_357 = tpu.memref_slice %arg27[%dma_wait3A_356] : memref<10240xf32, #tpu.memory_space<vmem_shared>> -> memref<10240xf32, #tpu.memory_space<vmem_shared>>
      tpu.wait_indirect_dma semaphore(%arg25 : memref<!tpu.dma_semaphore, #tpu.memory_space<semaphore_mem>>) src(%dma_wait3A_352 : memref<128xf32, #tpu.memory_space<vmem>>) dst(%dma_wait3A_357 : memref<10240xf32, #tpu.memory_space<vmem_shared>>)
      %scan3A_358 = arith.constant 0 : i32
      scf.yield %scan3A_358 : i32
    }
    %scan3A_76 = arith.constant 75 : i32
    %dma_wait3A = arith.constant 75 : i32
    %dma_wait3A_77 = arith.constant 75 : i32
    %dma_wait3A_78 = arith.constant 0 : i32
    %dma_wait3A_79 = tpu.memref_slice %arg11[%dma_wait3A, %dma_wait3A_78] : memref<79x128xf32, #tpu.memory_space<vmem>> -> memref<1x128xf32, #tpu.memory_space<vmem>>
    %dma_wait3A_80 = tpu.memref_squeeze %dma_wait3A_79 : memref<1x128xf32, #tpu.memory_space<vmem>> -> memref<128xf32, #tpu.memory_space<vmem>>
    %dma_wait3A_81 = arith.constant 0 : i32
    %dma_wait3A_82 = tpu.memref_slice %arg9[%dma_wait3A_77, %dma_wait3A_81] : memref<79x128xi32, #tpu.memory_space<vmem>> -> memref<1x128xi32, #tpu.memory_space<vmem>>
    %dma_wait3A_83 = tpu.memref_squeeze %dma_wait3A_82 : memref<1x128xi32, #tpu.memory_space<vmem>> -> memref<128xi32, #tpu.memory_space<vmem>>
    %dma_wait3A_84 = arith.constant 0 : i32
    %dma_wait3A_85 = tpu.memref_slice %arg27[%dma_wait3A_84] : memref<10240xf32, #tpu.memory_space<vmem_shared>> -> memref<10240xf32, #tpu.memory_space<vmem_shared>>
    tpu.wait_indirect_dma semaphore(%arg25 : memref<!tpu.dma_semaphore, #tpu.memory_space<semaphore_mem>>) src(%dma_wait3A_80 : memref<128xf32, #tpu.memory_space<vmem>>) dst(%dma_wait3A_85 : memref<10240xf32, #tpu.memory_space<vmem_shared>>)
    %dma_wait3A_86 = arith.constant 76 : i32
    %dma_wait3A_87 = arith.constant 76 : i32
    %dma_wait3A_88 = arith.constant 0 : i32
    %dma_wait3A_89 = tpu.memref_slice %arg11[%dma_wait3A_86, %dma_wait3A_88] : memref<79x128xf32, #tpu.memory_space<vmem>> -> memref<1x128xf32, #tpu.memory_space<vmem>>
    %dma_wait3A_90 = tpu.memref_squeeze %dma_wait3A_89 : memref<1x128xf32, #tpu.memory_space<vmem>> -> memref<128xf32, #tpu.memory_space<vmem>>
    %dma_wait3A_91 = arith.constant 0 : i32
    %dma_wait3A_92 = tpu.memref_slice %arg9[%dma_wait3A_87, %dma_wait3A_91] : memref<79x128xi32, #tpu.memory_space<vmem>> -> memref<1x128xi32, #tpu.memory_space<vmem>>
    %dma_wait3A_93 = tpu.memref_squeeze %dma_wait3A_92 : memref<1x128xi32, #tpu.memory_space<vmem>> -> memref<128xi32, #tpu.memory_space<vmem>>
    %dma_wait3A_94 = arith.constant 0 : i32
    %dma_wait3A_95 = tpu.memref_slice %arg27[%dma_wait3A_94] : memref<10240xf32, #tpu.memory_space<vmem_shared>> -> memref<10240xf32, #tpu.memory_space<vmem_shared>>
    tpu.wait_indirect_dma semaphore(%arg25 : memref<!tpu.dma_semaphore, #tpu.memory_space<semaphore_mem>>) src(%dma_wait3A_90 : memref<128xf32, #tpu.memory_space<vmem>>) dst(%dma_wait3A_95 : memref<10240xf32, #tpu.memory_space<vmem_shared>>)
    %dma_wait3A_96 = arith.constant 77 : i32
    %dma_wait3A_97 = arith.constant 77 : i32
    %dma_wait3A_98 = arith.constant 0 : i32
    %dma_wait3A_99 = tpu.memref_slice %arg11[%dma_wait3A_96, %dma_wait3A_98] : memref<79x128xf32, #tpu.memory_space<vmem>> -> memref<1x128xf32, #tpu.memory_space<vmem>>
    %dma_wait3A_100 = tpu.memref_squeeze %dma_wait3A_99 : memref<1x128xf32, #tpu.memory_space<vmem>> -> memref<128xf32, #tpu.memory_space<vmem>>
    %dma_wait3A_101 = arith.constant 0 : i32
    %dma_wait3A_102 = tpu.memref_slice %arg9[%dma_wait3A_97, %dma_wait3A_101] : memref<79x128xi32, #tpu.memory_space<vmem>> -> memref<1x128xi32, #tpu.memory_space<vmem>>
    %dma_wait3A_103 = tpu.memref_squeeze %dma_wait3A_102 : memref<1x128xi32, #tpu.memory_space<vmem>> -> memref<128xi32, #tpu.memory_space<vmem>>
    %dma_wait3A_104 = arith.constant 0 : i32
    %dma_wait3A_105 = tpu.memref_slice %arg27[%dma_wait3A_104] : memref<10240xf32, #tpu.memory_space<vmem_shared>> -> memref<10240xf32, #tpu.memory_space<vmem_shared>>
    tpu.wait_indirect_dma semaphore(%arg25 : memref<!tpu.dma_semaphore, #tpu.memory_space<semaphore_mem>>) src(%dma_wait3A_100 : memref<128xf32, #tpu.memory_space<vmem>>) dst(%dma_wait3A_105 : memref<10240xf32, #tpu.memory_space<vmem_shared>>)
    %dma_wait3A_106 = arith.constant 78 : i32
    %dma_wait3A_107 = arith.constant 78 : i32
    %dma_wait3A_108 = arith.constant 0 : i32
    %dma_wait3A_109 = tpu.memref_slice %arg11[%dma_wait3A_106, %dma_wait3A_108] : memref<79x128xf32, #tpu.memory_space<vmem>> -> memref<1x128xf32, #tpu.memory_space<vmem>>
    %dma_wait3A_110 = tpu.memref_squeeze %dma_wait3A_109 : memref<1x128xf32, #tpu.memory_space<vmem>> -> memref<128xf32, #tpu.memory_space<vmem>>
    %dma_wait3A_111 = arith.constant 0 : i32
    %dma_wait3A_112 = tpu.memref_slice %arg9[%dma_wait3A_107, %dma_wait3A_111] : memref<79x128xi32, #tpu.memory_space<vmem>> -> memref<1x128xi32, #tpu.memory_space<vmem>>
    %dma_wait3A_113 = tpu.memref_squeeze %dma_wait3A_112 : memref<1x128xi32, #tpu.memory_space<vmem>> -> memref<128xi32, #tpu.memory_space<vmem>>
    %dma_wait3A_114 = arith.constant 0 : i32
    %dma_wait3A_115 = tpu.memref_slice %arg27[%dma_wait3A_114] : memref<10240xf32, #tpu.memory_space<vmem_shared>> -> memref<10240xf32, #tpu.memory_space<vmem_shared>>
    tpu.wait_indirect_dma semaphore(%arg25 : memref<!tpu.dma_semaphore, #tpu.memory_space<semaphore_mem>>) src(%dma_wait3A_110 : memref<128xf32, #tpu.memory_space<vmem>>) dst(%dma_wait3A_115 : memref<10240xf32, #tpu.memory_space<vmem_shared>>)
    %barrier3A_116 = arith.constant 0 : index
    tpu.barrier barrier_id(%barrier3A_116)
    "tpu.region"() ({
      %run_scoped3A = tpu.sem_alloc : memref<!tpu.dma_semaphore, #tpu.memory_space<semaphore_mem>>
      %dma_start3A_338 = arith.constant 0 : i32
      %dma_start3A_339 = tpu.memref_slice %arg17[%dma_start3A_338] : memref<640xf32, #tpu.memory_space<vmem>> -> memref<632xf32, #tpu.memory_space<vmem>>
      %dma_start3A_340 = tpu.memref_slice %arg27[%min3A_2] : memref<10240xf32, #tpu.memory_space<vmem_shared>> -> memref<632xf32, #tpu.memory_space<vmem_shared>>
      %dma_start3A_341 = arith.constant 0 : i32
      %dma_start3A_342 = tpu.memref_slice %arg17[%dma_start3A_341] : memref<640xf32, #tpu.memory_space<vmem>> -> memref<632xf32, #tpu.memory_space<vmem>>
      %dma_start3A_343 = tpu.memref_slice %arg27[%min3A_2] : memref<10240xf32, #tpu.memory_space<vmem_shared>> -> memref<632xf32, #tpu.memory_space<vmem_shared>>
      tpu.enqueue_dma source(%dma_start3A_343 : memref<632xf32, #tpu.memory_space<vmem_shared>>) target(%dma_start3A_342 : memref<632xf32, #tpu.memory_space<vmem>>) target_semaphore(%run_scoped3A : memref<!tpu.dma_semaphore, #tpu.memory_space<semaphore_mem>>)
      %dma_wait3A_344 = arith.constant 0 : i32
      %dma_wait3A_345 = tpu.memref_slice %arg17[%dma_wait3A_344] : memref<640xf32, #tpu.memory_space<vmem>> -> memref<632xf32, #tpu.memory_space<vmem>>
      %dma_wait3A_346 = tpu.memref_slice %arg27[%min3A_2] : memref<10240xf32, #tpu.memory_space<vmem_shared>> -> memref<632xf32, #tpu.memory_space<vmem_shared>>
      %dma_wait3A_347 = arith.constant 0 : i32
      %dma_wait3A_348 = tpu.memref_slice %arg17[%dma_wait3A_347] : memref<640xf32, #tpu.memory_space<vmem>> -> memref<632xf32, #tpu.memory_space<vmem>>
      %dma_wait3A_349 = tpu.memref_slice %arg27[%min3A_2] : memref<10240xf32, #tpu.memory_space<vmem_shared>> -> memref<632xf32, #tpu.memory_space<vmem_shared>>
      tpu.wait_dma2 semaphore(%run_scoped3A : memref<!tpu.dma_semaphore, #tpu.memory_space<semaphore_mem>>) src(%dma_wait3A_349 : memref<632xf32, #tpu.memory_space<vmem_shared>>) dst(%dma_wait3A_348 : memref<632xf32, #tpu.memory_space<vmem>>)
      tpu.yield
    }) : () -> ()
    %get3A = arith.constant 0 : index
    %get3A_117 = tpu.vector_load %arg24[%get3A] {strides = array<i32>} : memref<16xf32, #tpu.memory_space<vmem>>, vector<16xf32>,
    %slice3A = vector.extract_strided_slice %get3A_117 {offsets = [0], sizes = [1], strides = [1]} : vector<16xf32> to vector<1xf32>
    %squeeze3A = vector.extract %slice3A[0] : f32 from vector<1xf32>
    %slice3A_118 = vector.extract_strided_slice %get3A_117 {offsets = [1], sizes = [1], strides = [1]} : vector<16xf32> to vector<1xf32>
    %squeeze3A_119 = vector.extract %slice3A_118[0] : f32 from vector<1xf32>
    %slice3A_120 = vector.extract_strided_slice %get3A_117 {offsets = [2], sizes = [1], strides = [1]} : vector<16xf32> to vector<1xf32>
    %squeeze3A_121 = vector.extract %slice3A_120[0] : f32 from vector<1xf32>
    %slice3A_122 = vector.extract_strided_slice %get3A_117 {offsets = [3], sizes = [1], strides = [1]} : vector<16xf32> to vector<1xf32>
    %squeeze3A_123 = vector.extract %slice3A_122[0] : f32 from vector<1xf32>
    %scan3A_124 = arith.constant 0 : i32
    %scan3A_125 = arith.constant 0 : i32
    %scan3A_126 = arith.constant 40 : i32
    %scan3A_127 = arith.addi %scan3A_125, %scan3A_126 : i32
    %scan3A_128 = arith.constant 1 : i32
    %scan3A_129 = scf.for %scan3A_338 = %scan3A_125 to %scan3A_127 step %scan3A_128 iter_args(%scan3A_339 = %scan3A_124) -> (i32)  : i32 {
      %mul3A_340 = arith.constant 16 : i32
      %mul3A_341 = arith.muli %scan3A_338, %mul3A_340 : i32
      %get3A_342 = arith.index_cast %mul3A_341 : i32 to index
      %get3A_343 = tpu.vector_load %arg17[%get3A_342] {strides = array<i32>} : memref<640xf32, #tpu.memory_space<vmem>>, vector<16xf32>,
      %add3A_344 = arith.constant 1.000000e+00 : f32
      %add3A_345 = vector.broadcast %add3A_344 : f32 to vector<16xf32>
      %add3A_346 = arith.addf %get3A_343, %add3A_345 : vector<16xf32>
      %bitcast_convert_type3A = tpu.bitcast %add3A_346 : vector<16xf32> -> vector<16xi32>
      %shift_right_arithmetic3A = arith.constant 1 : i32
      %shift_right_arithmetic3A_347 = vector.broadcast %shift_right_arithmetic3A : i32 to vector<16xi32>
      %shift_right_arithmetic3A_348 = arith.shrsi %bitcast_convert_type3A, %shift_right_arithmetic3A_347 : vector<16xi32>
      %sub3A_349 = arith.constant 1597463007 : i32
      %sub3A_350 = vector.broadcast %sub3A_349 : i32 to vector<16xi32>
      %sub3A_351 = arith.subi %sub3A_350, %shift_right_arithmetic3A_348 : vector<16xi32>
      %bitcast_convert_type3A_352 = tpu.bitcast %sub3A_351 : vector<16xi32> -> vector<16xf32>
      %mul3A_353 = arith.constant 5.000000e-01 : f32
      %mul3A_354 = vector.broadcast %mul3A_353 : f32 to vector<16xf32>
      %mul3A_355 = arith.mulf %mul3A_354, %add3A_346 : vector<16xf32>
      %mul3A_356 = arith.mulf %mul3A_355, %bitcast_convert_type3A_352 : vector<16xf32>
      %mul3A_357 = arith.mulf %mul3A_356, %bitcast_convert_type3A_352 : vector<16xf32>
      %sub3A_358 = arith.constant 1.500000e+00 : f32
      %sub3A_359 = vector.broadcast %sub3A_358 : f32 to vector<16xf32>
      %sub3A_360 = arith.subf %sub3A_359, %mul3A_357 : vector<16xf32>
      %mul3A_361 = arith.mulf %bitcast_convert_type3A_352, %sub3A_360 : vector<16xf32>
      %mul3A_362 = arith.constant 5.000000e-01 : f32
      %mul3A_363 = vector.broadcast %mul3A_362 : f32 to vector<16xf32>
      %mul3A_364 = arith.mulf %mul3A_363, %add3A_346 : vector<16xf32>
      %mul3A_365 = arith.mulf %mul3A_364, %mul3A_361 : vector<16xf32>
      %mul3A_366 = arith.mulf %mul3A_365, %mul3A_361 : vector<16xf32>
      %sub3A_367 = arith.constant 1.500000e+00 : f32
      %sub3A_368 = vector.broadcast %sub3A_367 : f32 to vector<16xf32>
      %sub3A_369 = arith.subf %sub3A_368, %mul3A_366 : vector<16xf32>
      %mul3A_370 = arith.mulf %mul3A_361, %sub3A_369 : vector<16xf32>
      %mul3A_371 = arith.constant 5.000000e-01 : f32
      %mul3A_372 = vector.broadcast %mul3A_371 : f32 to vector<16xf32>
      %mul3A_373 = arith.mulf %mul3A_372, %add3A_346 : vector<16xf32>
      %mul3A_374 = arith.mulf %mul3A_373, %mul3A_370 : vector<16xf32>
      %mul3A_375 = arith.mulf %mul3A_374, %mul3A_370 : vector<16xf32>
      %sub3A_376 = arith.constant 1.500000e+00 : f32
      %sub3A_377 = vector.broadcast %sub3A_376 : f32 to vector<16xf32>
      %sub3A_378 = arith.subf %sub3A_377, %mul3A_375 : vector<16xf32>
      %mul3A_379 = arith.mulf %mul3A_370, %sub3A_378 : vector<16xf32>
      %mul3A_380 = arith.constant 16 : i32
      %mul3A_381 = arith.muli %scan3A_338, %mul3A_380 : i32
      %swap3A = arith.index_cast %mul3A_381 : i32 to index
      %swap3A_382 = tpu.vector_load %arg17[%swap3A] {strides = array<i32>} : memref<640xf32, #tpu.memory_space<vmem>>, vector<16xf32>,
      tpu.vector_store %arg17[%swap3A], %mul3A_379 {strides = array<i32>} : memref<640xf32, #tpu.memory_space<vmem>>, vector<16xf32>,
      %mul3A_383 = arith.constant 16 : i32
      %mul3A_384 = arith.muli %scan3A_338, %mul3A_383 : i32
      %get3A_385 = arith.index_cast %mul3A_384 : i32 to index
      %get3A_386 = tpu.vector_load %arg15[%get3A_385] {strides = array<i32>} : memref<640xf32, #tpu.memory_space<vmem>>, vector<16xf32>,
      %mul3A_387 = arith.constant 16 : i32
      %mul3A_388 = arith.muli %scan3A_338, %mul3A_387 : i32
      %get3A_389 = arith.index_cast %mul3A_388 : i32 to index
      %get3A_390 = tpu.vector_load %arg16[%get3A_389] {strides = array<i32>} : memref<640xf32, #tpu.memory_space<vmem>>, vector<16xf32>,
      %mul3A_391 = vector.broadcast %squeeze3A : f32 to vector<16xf32>
      %mul3A_392 = arith.mulf %get3A_386, %mul3A_391 : vector<16xf32>
      %mul3A_393 = vector.broadcast %squeeze3A_119 : f32 to vector<16xf32>
      %mul3A_394 = arith.mulf %get3A_390, %mul3A_393 : vector<16xf32>
      %add3A_395 = arith.addf %mul3A_392, %mul3A_394 : vector<16xf32>
      %mul3A_396 = arith.mulf %add3A_395, %mul3A_379 : vector<16xf32>
      %mul3A_397 = arith.constant 16 : i32
      %mul3A_398 = arith.muli %scan3A_338, %mul3A_397 : i32
      %swap3A_399 = arith.index_cast %mul3A_398 : i32 to index
      %swap3A_400 = tpu.vector_load %arg18[%swap3A_399] {strides = array<i32>} : memref<640xf32, #tpu.memory_space<vmem>>, vector<16xf32>,
      tpu.vector_store %arg18[%swap3A_399], %mul3A_396 {strides = array<i32>} : memref<640xf32, #tpu.memory_space<vmem>>, vector<16xf32>,
      %mul3A_401 = vector.broadcast %squeeze3A_121 : f32 to vector<16xf32>
      %mul3A_402 = arith.mulf %get3A_386, %mul3A_401 : vector<16xf32>
      %mul3A_403 = vector.broadcast %squeeze3A_123 : f32 to vector<16xf32>
      %mul3A_404 = arith.mulf %get3A_390, %mul3A_403 : vector<16xf32>
      %add3A_405 = arith.addf %mul3A_402, %mul3A_404 : vector<16xf32>
      %mul3A_406 = arith.mulf %add3A_405, %mul3A_379 : vector<16xf32>
      %mul3A_407 = arith.constant 16 : i32
      %mul3A_408 = arith.muli %scan3A_338, %mul3A_407 : i32
      %swap3A_409 = arith.index_cast %mul3A_408 : i32 to index
      %swap3A_410 = tpu.vector_load %arg19[%swap3A_409] {strides = array<i32>} : memref<640xf32, #tpu.memory_space<vmem>>, vector<16xf32>,
      tpu.vector_store %arg19[%swap3A_409], %mul3A_406 {strides = array<i32>} : memref<640xf32, #tpu.memory_space<vmem>>, vector<16xf32>,
      %scan3A_411 = arith.constant 0 : i32
      scf.yield %scan3A_411 : i32
    }
    %scan3A_130 = arith.constant 40 : i32
    "tpu.region"() ({
      %run_scoped3A = tpu.sem_alloc : memref<!tpu.dma_semaphore, #tpu.memory_space<semaphore_mem>>
      %dma_start3A_338 = arith.constant 0 : i32
      %dma_start3A_339 = tpu.memref_slice %arg18[%dma_start3A_338] : memref<640xf32, #tpu.memory_space<vmem>> -> memref<632xf32, #tpu.memory_space<vmem>>
      %dma_start3A_340 = tpu.memref_slice %arg30[%min3A_2] : memref<10000xf32, #tpu.memory_space<vmem_shared>> -> memref<632xf32, #tpu.memory_space<vmem_shared>>
      %dma_start3A_341 = tpu.memref_slice %arg30[%min3A_2] : memref<10000xf32, #tpu.memory_space<vmem_shared>> -> memref<632xf32, #tpu.memory_space<vmem_shared>>
      %dma_start3A_342 = arith.constant 0 : i32
      %dma_start3A_343 = tpu.memref_slice %arg18[%dma_start3A_342] : memref<640xf32, #tpu.memory_space<vmem>> -> memref<632xf32, #tpu.memory_space<vmem>>
      tpu.enqueue_dma source(%dma_start3A_343 : memref<632xf32, #tpu.memory_space<vmem>>) target(%dma_start3A_341 : memref<632xf32, #tpu.memory_space<vmem_shared>>) target_semaphore(%run_scoped3A : memref<!tpu.dma_semaphore, #tpu.memory_space<semaphore_mem>>)
      %dma_wait3A_344 = arith.constant 0 : i32
      %dma_wait3A_345 = tpu.memref_slice %arg18[%dma_wait3A_344] : memref<640xf32, #tpu.memory_space<vmem>> -> memref<632xf32, #tpu.memory_space<vmem>>
      %dma_wait3A_346 = tpu.memref_slice %arg30[%min3A_2] : memref<10000xf32, #tpu.memory_space<vmem_shared>> -> memref<632xf32, #tpu.memory_space<vmem_shared>>
      %dma_wait3A_347 = tpu.memref_slice %arg30[%min3A_2] : memref<10000xf32, #tpu.memory_space<vmem_shared>> -> memref<632xf32, #tpu.memory_space<vmem_shared>>
      %dma_wait3A_348 = arith.constant 0 : i32
      %dma_wait3A_349 = tpu.memref_slice %arg18[%dma_wait3A_348] : memref<640xf32, #tpu.memory_space<vmem>> -> memref<632xf32, #tpu.memory_space<vmem>>
      tpu.wait_dma2 semaphore(%run_scoped3A : memref<!tpu.dma_semaphore, #tpu.memory_space<semaphore_mem>>) src(%dma_wait3A_349 : memref<632xf32, #tpu.memory_space<vmem>>) dst(%dma_wait3A_347 : memref<632xf32, #tpu.memory_space<vmem_shared>>)
      tpu.yield
    }) : () -> ()
    "tpu.region"() ({
      %run_scoped3A = tpu.sem_alloc : memref<!tpu.dma_semaphore, #tpu.memory_space<semaphore_mem>>
      %dma_start3A_338 = arith.constant 0 : i32
      %dma_start3A_339 = tpu.memref_slice %arg19[%dma_start3A_338] : memref<640xf32, #tpu.memory_space<vmem>> -> memref<632xf32, #tpu.memory_space<vmem>>
      %dma_start3A_340 = tpu.memref_slice %arg31[%min3A_2] : memref<10000xf32, #tpu.memory_space<vmem_shared>> -> memref<632xf32, #tpu.memory_space<vmem_shared>>
      %dma_start3A_341 = tpu.memref_slice %arg31[%min3A_2] : memref<10000xf32, #tpu.memory_space<vmem_shared>> -> memref<632xf32, #tpu.memory_space<vmem_shared>>
      %dma_start3A_342 = arith.constant 0 : i32
      %dma_start3A_343 = tpu.memref_slice %arg19[%dma_start3A_342] : memref<640xf32, #tpu.memory_space<vmem>> -> memref<632xf32, #tpu.memory_space<vmem>>
      tpu.enqueue_dma source(%dma_start3A_343 : memref<632xf32, #tpu.memory_space<vmem>>) target(%dma_start3A_341 : memref<632xf32, #tpu.memory_space<vmem_shared>>) target_semaphore(%run_scoped3A : memref<!tpu.dma_semaphore, #tpu.memory_space<semaphore_mem>>)
      %dma_wait3A_344 = arith.constant 0 : i32
      %dma_wait3A_345 = tpu.memref_slice %arg19[%dma_wait3A_344] : memref<640xf32, #tpu.memory_space<vmem>> -> memref<632xf32, #tpu.memory_space<vmem>>
      %dma_wait3A_346 = tpu.memref_slice %arg31[%min3A_2] : memref<10000xf32, #tpu.memory_space<vmem_shared>> -> memref<632xf32, #tpu.memory_space<vmem_shared>>
      %dma_wait3A_347 = tpu.memref_slice %arg31[%min3A_2] : memref<10000xf32, #tpu.memory_space<vmem_shared>> -> memref<632xf32, #tpu.memory_space<vmem_shared>>
      %dma_wait3A_348 = arith.constant 0 : i32
      %dma_wait3A_349 = tpu.memref_slice %arg19[%dma_wait3A_348] : memref<640xf32, #tpu.memory_space<vmem>> -> memref<632xf32, #tpu.memory_space<vmem>>
      tpu.wait_dma2 semaphore(%run_scoped3A : memref<!tpu.dma_semaphore, #tpu.memory_space<semaphore_mem>>) src(%dma_wait3A_349 : memref<632xf32, #tpu.memory_space<vmem>>) dst(%dma_wait3A_347 : memref<632xf32, #tpu.memory_space<vmem_shared>>)
      tpu.yield
    }) : () -> ()
    %barrier3A_131 = arith.constant 0 : index
    tpu.barrier barrier_id(%barrier3A_131)
    "tpu.region"() ({
      %run_scoped3A = tpu.sem_alloc : memref<!tpu.dma_semaphore, #tpu.memory_space<semaphore_mem>>
      tpu.enqueue_dma source(%arg30 : memref<10000xf32, #tpu.memory_space<vmem_shared>>) target(%arg13 : memref<10000xf32, #tpu.memory_space<vmem>>) target_semaphore(%run_scoped3A : memref<!tpu.dma_semaphore, #tpu.memory_space<semaphore_mem>>)
      tpu.wait_dma2 semaphore(%run_scoped3A : memref<!tpu.dma_semaphore, #tpu.memory_space<semaphore_mem>>) src(%arg30 : memref<10000xf32, #tpu.memory_space<vmem_shared>>) dst(%arg13 : memref<10000xf32, #tpu.memory_space<vmem>>)
      tpu.yield
    }) : () -> ()
    "tpu.region"() ({
      %run_scoped3A = tpu.sem_alloc : memref<!tpu.dma_semaphore, #tpu.memory_space<semaphore_mem>>
      tpu.enqueue_dma source(%arg31 : memref<10000xf32, #tpu.memory_space<vmem_shared>>) target(%arg14 : memref<10000xf32, #tpu.memory_space<vmem>>) target_semaphore(%run_scoped3A : memref<!tpu.dma_semaphore, #tpu.memory_space<semaphore_mem>>)
      tpu.wait_dma2 semaphore(%run_scoped3A : memref<!tpu.dma_semaphore, #tpu.memory_space<semaphore_mem>>) src(%arg31 : memref<10000xf32, #tpu.memory_space<vmem_shared>>) dst(%arg14 : memref<10000xf32, #tpu.memory_space<vmem>>)
      tpu.yield
    }) : () -> ()
    %scan3A_132 = arith.constant 0 : i32
    %scan3A_133 = arith.constant 0 : i32
    %scan3A_134 = arith.constant 79 : i32
    %scan3A_135 = arith.addi %scan3A_133, %scan3A_134 : i32
    %scan3A_136 = arith.constant 1 : i32
    %scan3A_137 = scf.for %scan3A_338 = %scan3A_133 to %scan3A_135 step %scan3A_136 iter_args(%scan3A_339 = %scan3A_132) -> (i32)  : i32 {
      %get3A_340 = arith.index_cast %scan3A_338 : i32 to index
      %get3A_341 = arith.constant 0 : index
      %get3A_342 = tpu.vector_load %arg10[%get3A_340, %get3A_341] {strides = array<i32>} : memref<79x128xi32, #tpu.memory_space<vmem>>, vector<16xi32>,
      %gather3A = tpu.vector_load_idx %arg13[%get3A_342] : memref<10000xf32, #tpu.memory_space<vmem>>[vector<16xi32>], vector<16xf32>,
      %swap3A = arith.index_cast %scan3A_338 : i32 to index
      %swap3A_343 = arith.constant 0 : index
      %swap3A_344 = tpu.vector_load %arg11[%swap3A, %swap3A_343] {strides = array<i32>} : memref<79x128xf32, #tpu.memory_space<vmem>>, vector<16xf32>,
      tpu.vector_store %arg11[%swap3A, %swap3A_343], %gather3A {strides = array<i32>} : memref<79x128xf32, #tpu.memory_space<vmem>>, vector<16xf32>,
      %gather3A_345 = tpu.vector_load_idx %arg14[%get3A_342] : memref<10000xf32, #tpu.memory_space<vmem>>[vector<16xi32>], vector<16xf32>,
      %swap3A_346 = arith.index_cast %scan3A_338 : i32 to index
      %swap3A_347 = arith.constant 0 : index
      %swap3A_348 = tpu.vector_load %arg12[%swap3A_346, %swap3A_347] {strides = array<i32>} : memref<79x128xf32, #tpu.memory_space<vmem>>, vector<16xf32>,
      tpu.vector_store %arg12[%swap3A_346, %swap3A_347], %gather3A_345 {strides = array<i32>} : memref<79x128xf32, #tpu.memory_space<vmem>>, vector<16xf32>,
      %get3A_349 = arith.index_cast %scan3A_338 : i32 to index
      %get3A_350 = arith.constant 16 : index
      %get3A_351 = tpu.vector_load %arg10[%get3A_349, %get3A_350] {strides = array<i32>} : memref<79x128xi32, #tpu.memory_space<vmem>>, vector<16xi32>,
      %gather3A_352 = tpu.vector_load_idx %arg13[%get3A_351] : memref<10000xf32, #tpu.memory_space<vmem>>[vector<16xi32>], vector<16xf32>,
      %swap3A_353 = arith.index_cast %scan3A_338 : i32 to index
      %swap3A_354 = arith.constant 16 : index
      %swap3A_355 = tpu.vector_load %arg11[%swap3A_353, %swap3A_354] {strides = array<i32>} : memref<79x128xf32, #tpu.memory_space<vmem>>, vector<16xf32>,
      tpu.vector_store %arg11[%swap3A_353, %swap3A_354], %gather3A_352 {strides = array<i32>} : memref<79x128xf32, #tpu.memory_space<vmem>>, vector<16xf32>,
      %gather3A_356 = tpu.vector_load_idx %arg14[%get3A_351] : memref<10000xf32, #tpu.memory_space<vmem>>[vector<16xi32>], vector<16xf32>,
      %swap3A_357 = arith.index_cast %scan3A_338 : i32 to index
      %swap3A_358 = arith.constant 16 : index
      %swap3A_359 = tpu.vector_load %arg12[%swap3A_357, %swap3A_358] {strides = array<i32>} : memref<79x128xf32, #tpu.memory_space<vmem>>, vector<16xf32>,
      tpu.vector_store %arg12[%swap3A_357, %swap3A_358], %gather3A_356 {strides = array<i32>} : memref<79x128xf32, #tpu.memory_space<vmem>>, vector<16xf32>,
      %get3A_360 = arith.index_cast %scan3A_338 : i32 to index
      %get3A_361 = arith.constant 32 : index
      %get3A_362 = tpu.vector_load %arg10[%get3A_360, %get3A_361] {strides = array<i32>} : memref<79x128xi32, #tpu.memory_space<vmem>>, vector<16xi32>,
      %gather3A_363 = tpu.vector_load_idx %arg13[%get3A_362] : memref<10000xf32, #tpu.memory_space<vmem>>[vector<16xi32>], vector<16xf32>,
      %swap3A_364 = arith.index_cast %scan3A_338 : i32 to index
      %swap3A_365 = arith.constant 32 : index
      %swap3A_366 = tpu.vector_load %arg11[%swap3A_364, %swap3A_365] {strides = array<i32>} : memref<79x128xf32, #tpu.memory_space<vmem>>, vector<16xf32>,
      tpu.vector_store %arg11[%swap3A_364, %swap3A_365], %gather3A_363 {strides = array<i32>} : memref<79x128xf32, #tpu.memory_space<vmem>>, vector<16xf32>,
      %gather3A_367 = tpu.vector_load_idx %arg14[%get3A_362] : memref<10000xf32, #tpu.memory_space<vmem>>[vector<16xi32>], vector<16xf32>,
      %swap3A_368 = arith.index_cast %scan3A_338 : i32 to index
      %swap3A_369 = arith.constant 32 : index
      %swap3A_370 = tpu.vector_load %arg12[%swap3A_368, %swap3A_369] {strides = array<i32>} : memref<79x128xf32, #tpu.memory_space<vmem>>, vector<16xf32>,
      tpu.vector_store %arg12[%swap3A_368, %swap3A_369], %gather3A_367 {strides = array<i32>} : memref<79x128xf32, #tpu.memory_space<vmem>>, vector<16xf32>,
      %get3A_371 = arith.index_cast %scan3A_338 : i32 to index
      %get3A_372 = arith.constant 48 : index
      %get3A_373 = tpu.vector_load %arg10[%get3A_371, %get3A_372] {strides = array<i32>} : memref<79x128xi32, #tpu.memory_space<vmem>>, vector<16xi32>,
      %gather3A_374 = tpu.vector_load_idx %arg13[%get3A_373] : memref<10000xf32, #tpu.memory_space<vmem>>[vector<16xi32>], vector<16xf32>,
      %swap3A_375 = arith.index_cast %scan3A_338 : i32 to index
      %swap3A_376 = arith.constant 48 : index
      %swap3A_377 = tpu.vector_load %arg11[%swap3A_375, %swap3A_376] {strides = array<i32>} : memref<79x128xf32, #tpu.memory_space<vmem>>, vector<16xf32>,
      tpu.vector_store %arg11[%swap3A_375, %swap3A_376], %gather3A_374 {strides = array<i32>} : memref<79x128xf32, #tpu.memory_space<vmem>>, vector<16xf32>,
      %gather3A_378 = tpu.vector_load_idx %arg14[%get3A_373] : memref<10000xf32, #tpu.memory_space<vmem>>[vector<16xi32>], vector<16xf32>,
      %swap3A_379 = arith.index_cast %scan3A_338 : i32 to index
      %swap3A_380 = arith.constant 48 : index
      %swap3A_381 = tpu.vector_load %arg12[%swap3A_379, %swap3A_380] {strides = array<i32>} : memref<79x128xf32, #tpu.memory_space<vmem>>, vector<16xf32>,
      tpu.vector_store %arg12[%swap3A_379, %swap3A_380], %gather3A_378 {strides = array<i32>} : memref<79x128xf32, #tpu.memory_space<vmem>>, vector<16xf32>,
      %get3A_382 = arith.index_cast %scan3A_338 : i32 to index
      %get3A_383 = arith.constant 64 : index
      %get3A_384 = tpu.vector_load %arg10[%get3A_382, %get3A_383] {strides = array<i32>} : memref<79x128xi32, #tpu.memory_space<vmem>>, vector<16xi32>,
      %gather3A_385 = tpu.vector_load_idx %arg13[%get3A_384] : memref<10000xf32, #tpu.memory_space<vmem>>[vector<16xi32>], vector<16xf32>,
      %swap3A_386 = arith.index_cast %scan3A_338 : i32 to index
      %swap3A_387 = arith.constant 64 : index
      %swap3A_388 = tpu.vector_load %arg11[%swap3A_386, %swap3A_387] {strides = array<i32>} : memref<79x128xf32, #tpu.memory_space<vmem>>, vector<16xf32>,
      tpu.vector_store %arg11[%swap3A_386, %swap3A_387], %gather3A_385 {strides = array<i32>} : memref<79x128xf32, #tpu.memory_space<vmem>>, vector<16xf32>,
      %gather3A_389 = tpu.vector_load_idx %arg14[%get3A_384] : memref<10000xf32, #tpu.memory_space<vmem>>[vector<16xi32>], vector<16xf32>,
      %swap3A_390 = arith.index_cast %scan3A_338 : i32 to index
      %swap3A_391 = arith.constant 64 : index
      %swap3A_392 = tpu.vector_load %arg12[%swap3A_390, %swap3A_391] {strides = array<i32>} : memref<79x128xf32, #tpu.memory_space<vmem>>, vector<16xf32>,
      tpu.vector_store %arg12[%swap3A_390, %swap3A_391], %gather3A_389 {strides = array<i32>} : memref<79x128xf32, #tpu.memory_space<vmem>>, vector<16xf32>,
      %get3A_393 = arith.index_cast %scan3A_338 : i32 to index
      %get3A_394 = arith.constant 80 : index
      %get3A_395 = tpu.vector_load %arg10[%get3A_393, %get3A_394] {strides = array<i32>} : memref<79x128xi32, #tpu.memory_space<vmem>>, vector<16xi32>,
      %gather3A_396 = tpu.vector_load_idx %arg13[%get3A_395] : memref<10000xf32, #tpu.memory_space<vmem>>[vector<16xi32>], vector<16xf32>,
      %swap3A_397 = arith.index_cast %scan3A_338 : i32 to index
      %swap3A_398 = arith.constant 80 : index
      %swap3A_399 = tpu.vector_load %arg11[%swap3A_397, %swap3A_398] {strides = array<i32>} : memref<79x128xf32, #tpu.memory_space<vmem>>, vector<16xf32>,
      tpu.vector_store %arg11[%swap3A_397, %swap3A_398], %gather3A_396 {strides = array<i32>} : memref<79x128xf32, #tpu.memory_space<vmem>>, vector<16xf32>,
      %gather3A_400 = tpu.vector_load_idx %arg14[%get3A_395] : memref<10000xf32, #tpu.memory_space<vmem>>[vector<16xi32>], vector<16xf32>,
      %swap3A_401 = arith.index_cast %scan3A_338 : i32 to index
      %swap3A_402 = arith.constant 80 : index
      %swap3A_403 = tpu.vector_load %arg12[%swap3A_401, %swap3A_402] {strides = array<i32>} : memref<79x128xf32, #tpu.memory_space<vmem>>, vector<16xf32>,
      tpu.vector_store %arg12[%swap3A_401, %swap3A_402], %gather3A_400 {strides = array<i32>} : memref<79x128xf32, #tpu.memory_space<vmem>>, vector<16xf32>,
      %get3A_404 = arith.index_cast %scan3A_338 : i32 to index
      %get3A_405 = arith.constant 96 : index
      %get3A_406 = tpu.vector_load %arg10[%get3A_404, %get3A_405] {strides = array<i32>} : memref<79x128xi32, #tpu.memory_space<vmem>>, vector<16xi32>,
      %gather3A_407 = tpu.vector_load_idx %arg13[%get3A_406] : memref<10000xf32, #tpu.memory_space<vmem>>[vector<16xi32>], vector<16xf32>,
      %swap3A_408 = arith.index_cast %scan3A_338 : i32 to index
      %swap3A_409 = arith.constant 96 : index
      %swap3A_410 = tpu.vector_load %arg11[%swap3A_408, %swap3A_409] {strides = array<i32>} : memref<79x128xf32, #tpu.memory_space<vmem>>, vector<16xf32>,
      tpu.vector_store %arg11[%swap3A_408, %swap3A_409], %gather3A_407 {strides = array<i32>} : memref<79x128xf32, #tpu.memory_space<vmem>>, vector<16xf32>,
      %gather3A_411 = tpu.vector_load_idx %arg14[%get3A_406] : memref<10000xf32, #tpu.memory_space<vmem>>[vector<16xi32>], vector<16xf32>,
      %swap3A_412 = arith.index_cast %scan3A_338 : i32 to index
      %swap3A_413 = arith.constant 96 : index
      %swap3A_414 = tpu.vector_load %arg12[%swap3A_412, %swap3A_413] {strides = array<i32>} : memref<79x128xf32, #tpu.memory_space<vmem>>, vector<16xf32>,
      tpu.vector_store %arg12[%swap3A_412, %swap3A_413], %gather3A_411 {strides = array<i32>} : memref<79x128xf32, #tpu.memory_space<vmem>>, vector<16xf32>,
      %get3A_415 = arith.index_cast %scan3A_338 : i32 to index
      %get3A_416 = arith.constant 112 : index
      %get3A_417 = tpu.vector_load %arg10[%get3A_415, %get3A_416] {strides = array<i32>} : memref<79x128xi32, #tpu.memory_space<vmem>>, vector<16xi32>,
      %gather3A_418 = tpu.vector_load_idx %arg13[%get3A_417] : memref<10000xf32, #tpu.memory_space<vmem>>[vector<16xi32>], vector<16xf32>,
      %swap3A_419 = arith.index_cast %scan3A_338 : i32 to index
      %swap3A_420 = arith.constant 112 : index
      %swap3A_421 = tpu.vector_load %arg11[%swap3A_419, %swap3A_420] {strides = array<i32>} : memref<79x128xf32, #tpu.memory_space<vmem>>, vector<16xf32>,
      tpu.vector_store %arg11[%swap3A_419, %swap3A_420], %gather3A_418 {strides = array<i32>} : memref<79x128xf32, #tpu.memory_space<vmem>>, vector<16xf32>,
      %gather3A_422 = tpu.vector_load_idx %arg14[%get3A_417] : memref<10000xf32, #tpu.memory_space<vmem>>[vector<16xi32>], vector<16xf32>,
      %swap3A_423 = arith.index_cast %scan3A_338 : i32 to index
      %swap3A_424 = arith.constant 112 : index
      %swap3A_425 = tpu.vector_load %arg12[%swap3A_423, %swap3A_424] {strides = array<i32>} : memref<79x128xf32, #tpu.memory_space<vmem>>, vector<16xf32>,
      tpu.vector_store %arg12[%swap3A_423, %swap3A_424], %gather3A_422 {strides = array<i32>} : memref<79x128xf32, #tpu.memory_space<vmem>>, vector<16xf32>,
      %scan3A_426 = arith.constant 0 : i32
      scf.yield %scan3A_426 : i32
    }
    %scan3A_138 = arith.constant 79 : i32
    %dma_start3A_139 = arith.constant 0 : i32
    %dma_start3A_140 = arith.constant 0 : i32
    %dma_start3A_141 = arith.constant 0 : i32
    %dma_start3A_142 = tpu.memref_slice %arg11[%dma_start3A_139, %dma_start3A_141] : memref<79x128xf32, #tpu.memory_space<vmem>> -> memref<1x128xf32, #tpu.memory_space<vmem>>
    %dma_start3A_143 = tpu.memref_squeeze %dma_start3A_142 : memref<1x128xf32, #tpu.memory_space<vmem>> -> memref<128xf32, #tpu.memory_space<vmem>>
    %dma_start3A_144 = arith.constant 0 : i32
    %dma_start3A_145 = tpu.memref_slice %arg9[%dma_start3A_140, %dma_start3A_144] : memref<79x128xi32, #tpu.memory_space<vmem>> -> memref<1x128xi32, #tpu.memory_space<vmem>>
    %dma_start3A_146 = tpu.memref_squeeze %dma_start3A_145 : memref<1x128xi32, #tpu.memory_space<vmem>> -> memref<128xi32, #tpu.memory_space<vmem>>
    %dma_start3A_147 = arith.constant 0 : i32
    %dma_start3A_148 = tpu.memref_slice %arg28[%dma_start3A_147] : memref<10240xf32, #tpu.memory_space<vmem_shared>> -> memref<10240xf32, #tpu.memory_space<vmem_shared>>
    tpu.enqueue_indirect_dma source(%dma_start3A_143 : memref<128xf32, #tpu.memory_space<vmem>>) target(%dma_start3A_148 : memref<10240xf32, #tpu.memory_space<vmem_shared>>) offsets(%dma_start3A_146 : memref<128xi32, #tpu.memory_space<vmem>>) semaphore(%arg25 : memref<!tpu.dma_semaphore, #tpu.memory_space<semaphore_mem>>) {add = true}
    %dma_start3A_149 = arith.constant 1 : i32
    %dma_start3A_150 = arith.constant 1 : i32
    %dma_start3A_151 = arith.constant 0 : i32
    %dma_start3A_152 = tpu.memref_slice %arg11[%dma_start3A_149, %dma_start3A_151] : memref<79x128xf32, #tpu.memory_space<vmem>> -> memref<1x128xf32, #tpu.memory_space<vmem>>
    %dma_start3A_153 = tpu.memref_squeeze %dma_start3A_152 : memref<1x128xf32, #tpu.memory_space<vmem>> -> memref<128xf32, #tpu.memory_space<vmem>>
    %dma_start3A_154 = arith.constant 0 : i32
    %dma_start3A_155 = tpu.memref_slice %arg9[%dma_start3A_150, %dma_start3A_154] : memref<79x128xi32, #tpu.memory_space<vmem>> -> memref<1x128xi32, #tpu.memory_space<vmem>>
    %dma_start3A_156 = tpu.memref_squeeze %dma_start3A_155 : memref<1x128xi32, #tpu.memory_space<vmem>> -> memref<128xi32, #tpu.memory_space<vmem>>
    %dma_start3A_157 = arith.constant 0 : i32
    %dma_start3A_158 = tpu.memref_slice %arg28[%dma_start3A_157] : memref<10240xf32, #tpu.memory_space<vmem_shared>> -> memref<10240xf32, #tpu.memory_space<vmem_shared>>
    tpu.enqueue_indirect_dma source(%dma_start3A_153 : memref<128xf32, #tpu.memory_space<vmem>>) target(%dma_start3A_158 : memref<10240xf32, #tpu.memory_space<vmem_shared>>) offsets(%dma_start3A_156 : memref<128xi32, #tpu.memory_space<vmem>>) semaphore(%arg25 : memref<!tpu.dma_semaphore, #tpu.memory_space<semaphore_mem>>) {add = true}
    %dma_start3A_159 = arith.constant 2 : i32
    %dma_start3A_160 = arith.constant 2 : i32
    %dma_start3A_161 = arith.constant 0 : i32
    %dma_start3A_162 = tpu.memref_slice %arg11[%dma_start3A_159, %dma_start3A_161] : memref<79x128xf32, #tpu.memory_space<vmem>> -> memref<1x128xf32, #tpu.memory_space<vmem>>
    %dma_start3A_163 = tpu.memref_squeeze %dma_start3A_162 : memref<1x128xf32, #tpu.memory_space<vmem>> -> memref<128xf32, #tpu.memory_space<vmem>>
    %dma_start3A_164 = arith.constant 0 : i32
    %dma_start3A_165 = tpu.memref_slice %arg9[%dma_start3A_160, %dma_start3A_164] : memref<79x128xi32, #tpu.memory_space<vmem>> -> memref<1x128xi32, #tpu.memory_space<vmem>>
    %dma_start3A_166 = tpu.memref_squeeze %dma_start3A_165 : memref<1x128xi32, #tpu.memory_space<vmem>> -> memref<128xi32, #tpu.memory_space<vmem>>
    %dma_start3A_167 = arith.constant 0 : i32
    %dma_start3A_168 = tpu.memref_slice %arg28[%dma_start3A_167] : memref<10240xf32, #tpu.memory_space<vmem_shared>> -> memref<10240xf32, #tpu.memory_space<vmem_shared>>
    tpu.enqueue_indirect_dma source(%dma_start3A_163 : memref<128xf32, #tpu.memory_space<vmem>>) target(%dma_start3A_168 : memref<10240xf32, #tpu.memory_space<vmem_shared>>) offsets(%dma_start3A_166 : memref<128xi32, #tpu.memory_space<vmem>>) semaphore(%arg25 : memref<!tpu.dma_semaphore, #tpu.memory_space<semaphore_mem>>) {add = true}
    %dma_start3A_169 = arith.constant 3 : i32
    %dma_start3A_170 = arith.constant 3 : i32
    %dma_start3A_171 = arith.constant 0 : i32
    %dma_start3A_172 = tpu.memref_slice %arg11[%dma_start3A_169, %dma_start3A_171] : memref<79x128xf32, #tpu.memory_space<vmem>> -> memref<1x128xf32, #tpu.memory_space<vmem>>
    %dma_start3A_173 = tpu.memref_squeeze %dma_start3A_172 : memref<1x128xf32, #tpu.memory_space<vmem>> -> memref<128xf32, #tpu.memory_space<vmem>>
    %dma_start3A_174 = arith.constant 0 : i32
    %dma_start3A_175 = tpu.memref_slice %arg9[%dma_start3A_170, %dma_start3A_174] : memref<79x128xi32, #tpu.memory_space<vmem>> -> memref<1x128xi32, #tpu.memory_space<vmem>>
    %dma_start3A_176 = tpu.memref_squeeze %dma_start3A_175 : memref<1x128xi32, #tpu.memory_space<vmem>> -> memref<128xi32, #tpu.memory_space<vmem>>
    %dma_start3A_177 = arith.constant 0 : i32
    %dma_start3A_178 = tpu.memref_slice %arg28[%dma_start3A_177] : memref<10240xf32, #tpu.memory_space<vmem_shared>> -> memref<10240xf32, #tpu.memory_space<vmem_shared>>
    tpu.enqueue_indirect_dma source(%dma_start3A_173 : memref<128xf32, #tpu.memory_space<vmem>>) target(%dma_start3A_178 : memref<10240xf32, #tpu.memory_space<vmem_shared>>) offsets(%dma_start3A_176 : memref<128xi32, #tpu.memory_space<vmem>>) semaphore(%arg25 : memref<!tpu.dma_semaphore, #tpu.memory_space<semaphore_mem>>) {add = true}
    %scan3A_179 = arith.constant 0 : i32
    %scan3A_180 = arith.constant 4 : i32
    %scan3A_181 = arith.constant 75 : i32
    %scan3A_182 = arith.addi %scan3A_180, %scan3A_181 : i32
    %scan3A_183 = arith.constant 1 : i32
    %scan3A_184 = scf.for %scan3A_338 = %scan3A_180 to %scan3A_182 step %scan3A_183 iter_args(%scan3A_339 = %scan3A_179) -> (i32)  : i32 {
      %dma_start3A_340 = arith.constant 0 : i32
      %dma_start3A_341 = tpu.memref_slice %arg11[%scan3A_338, %dma_start3A_340] : memref<79x128xf32, #tpu.memory_space<vmem>> -> memref<1x128xf32, #tpu.memory_space<vmem>>
      %dma_start3A_342 = tpu.memref_squeeze %dma_start3A_341 : memref<1x128xf32, #tpu.memory_space<vmem>> -> memref<128xf32, #tpu.memory_space<vmem>>
      %dma_start3A_343 = arith.constant 0 : i32
      %dma_start3A_344 = tpu.memref_slice %arg9[%scan3A_338, %dma_start3A_343] : memref<79x128xi32, #tpu.memory_space<vmem>> -> memref<1x128xi32, #tpu.memory_space<vmem>>
      %dma_start3A_345 = tpu.memref_squeeze %dma_start3A_344 : memref<1x128xi32, #tpu.memory_space<vmem>> -> memref<128xi32, #tpu.memory_space<vmem>>
      %dma_start3A_346 = arith.constant 0 : i32
      %dma_start3A_347 = tpu.memref_slice %arg28[%dma_start3A_346] : memref<10240xf32, #tpu.memory_space<vmem_shared>> -> memref<10240xf32, #tpu.memory_space<vmem_shared>>
      tpu.enqueue_indirect_dma source(%dma_start3A_342 : memref<128xf32, #tpu.memory_space<vmem>>) target(%dma_start3A_347 : memref<10240xf32, #tpu.memory_space<vmem_shared>>) offsets(%dma_start3A_345 : memref<128xi32, #tpu.memory_space<vmem>>) semaphore(%arg25 : memref<!tpu.dma_semaphore, #tpu.memory_space<semaphore_mem>>) {add = true}
      %sub3A_348 = arith.constant 4 : i32
      %sub3A_349 = arith.subi %scan3A_338, %sub3A_348 : i32
      %dma_wait3A_350 = arith.constant 0 : i32
      %dma_wait3A_351 = tpu.memref_slice %arg11[%sub3A_349, %dma_wait3A_350] : memref<79x128xf32, #tpu.memory_space<vmem>> -> memref<1x128xf32, #tpu.memory_space<vmem>>
      %dma_wait3A_352 = tpu.memref_squeeze %dma_wait3A_351 : memref<1x128xf32, #tpu.memory_space<vmem>> -> memref<128xf32, #tpu.memory_space<vmem>>
      %dma_wait3A_353 = arith.constant 0 : i32
      %dma_wait3A_354 = tpu.memref_slice %arg9[%sub3A_349, %dma_wait3A_353] : memref<79x128xi32, #tpu.memory_space<vmem>> -> memref<1x128xi32, #tpu.memory_space<vmem>>
      %dma_wait3A_355 = tpu.memref_squeeze %dma_wait3A_354 : memref<1x128xi32, #tpu.memory_space<vmem>> -> memref<128xi32, #tpu.memory_space<vmem>>
      %dma_wait3A_356 = arith.constant 0 : i32
      %dma_wait3A_357 = tpu.memref_slice %arg28[%dma_wait3A_356] : memref<10240xf32, #tpu.memory_space<vmem_shared>> -> memref<10240xf32, #tpu.memory_space<vmem_shared>>
      tpu.wait_indirect_dma semaphore(%arg25 : memref<!tpu.dma_semaphore, #tpu.memory_space<semaphore_mem>>) src(%dma_wait3A_352 : memref<128xf32, #tpu.memory_space<vmem>>) dst(%dma_wait3A_357 : memref<10240xf32, #tpu.memory_space<vmem_shared>>)
      %scan3A_358 = arith.constant 0 : i32
      scf.yield %scan3A_358 : i32
    }
    %scan3A_185 = arith.constant 75 : i32
    %dma_wait3A_186 = arith.constant 75 : i32
    %dma_wait3A_187 = arith.constant 75 : i32
    %dma_wait3A_188 = arith.constant 0 : i32
    %dma_wait3A_189 = tpu.memref_slice %arg11[%dma_wait3A_186, %dma_wait3A_188] : memref<79x128xf32, #tpu.memory_space<vmem>> -> memref<1x128xf32, #tpu.memory_space<vmem>>
    %dma_wait3A_190 = tpu.memref_squeeze %dma_wait3A_189 : memref<1x128xf32, #tpu.memory_space<vmem>> -> memref<128xf32, #tpu.memory_space<vmem>>
    %dma_wait3A_191 = arith.constant 0 : i32
    %dma_wait3A_192 = tpu.memref_slice %arg9[%dma_wait3A_187, %dma_wait3A_191] : memref<79x128xi32, #tpu.memory_space<vmem>> -> memref<1x128xi32, #tpu.memory_space<vmem>>
    %dma_wait3A_193 = tpu.memref_squeeze %dma_wait3A_192 : memref<1x128xi32, #tpu.memory_space<vmem>> -> memref<128xi32, #tpu.memory_space<vmem>>
    %dma_wait3A_194 = arith.constant 0 : i32
    %dma_wait3A_195 = tpu.memref_slice %arg28[%dma_wait3A_194] : memref<10240xf32, #tpu.memory_space<vmem_shared>> -> memref<10240xf32, #tpu.memory_space<vmem_shared>>
    tpu.wait_indirect_dma semaphore(%arg25 : memref<!tpu.dma_semaphore, #tpu.memory_space<semaphore_mem>>) src(%dma_wait3A_190 : memref<128xf32, #tpu.memory_space<vmem>>) dst(%dma_wait3A_195 : memref<10240xf32, #tpu.memory_space<vmem_shared>>)
    %dma_wait3A_196 = arith.constant 76 : i32
    %dma_wait3A_197 = arith.constant 76 : i32
    %dma_wait3A_198 = arith.constant 0 : i32
    %dma_wait3A_199 = tpu.memref_slice %arg11[%dma_wait3A_196, %dma_wait3A_198] : memref<79x128xf32, #tpu.memory_space<vmem>> -> memref<1x128xf32, #tpu.memory_space<vmem>>
    %dma_wait3A_200 = tpu.memref_squeeze %dma_wait3A_199 : memref<1x128xf32, #tpu.memory_space<vmem>> -> memref<128xf32, #tpu.memory_space<vmem>>
    %dma_wait3A_201 = arith.constant 0 : i32
    %dma_wait3A_202 = tpu.memref_slice %arg9[%dma_wait3A_197, %dma_wait3A_201] : memref<79x128xi32, #tpu.memory_space<vmem>> -> memref<1x128xi32, #tpu.memory_space<vmem>>
    %dma_wait3A_203 = tpu.memref_squeeze %dma_wait3A_202 : memref<1x128xi32, #tpu.memory_space<vmem>> -> memref<128xi32, #tpu.memory_space<vmem>>
    %dma_wait3A_204 = arith.constant 0 : i32
    %dma_wait3A_205 = tpu.memref_slice %arg28[%dma_wait3A_204] : memref<10240xf32, #tpu.memory_space<vmem_shared>> -> memref<10240xf32, #tpu.memory_space<vmem_shared>>
    tpu.wait_indirect_dma semaphore(%arg25 : memref<!tpu.dma_semaphore, #tpu.memory_space<semaphore_mem>>) src(%dma_wait3A_200 : memref<128xf32, #tpu.memory_space<vmem>>) dst(%dma_wait3A_205 : memref<10240xf32, #tpu.memory_space<vmem_shared>>)
    %dma_wait3A_206 = arith.constant 77 : i32
    %dma_wait3A_207 = arith.constant 77 : i32
    %dma_wait3A_208 = arith.constant 0 : i32
    %dma_wait3A_209 = tpu.memref_slice %arg11[%dma_wait3A_206, %dma_wait3A_208] : memref<79x128xf32, #tpu.memory_space<vmem>> -> memref<1x128xf32, #tpu.memory_space<vmem>>
    %dma_wait3A_210 = tpu.memref_squeeze %dma_wait3A_209 : memref<1x128xf32, #tpu.memory_space<vmem>> -> memref<128xf32, #tpu.memory_space<vmem>>
    %dma_wait3A_211 = arith.constant 0 : i32
    %dma_wait3A_212 = tpu.memref_slice %arg9[%dma_wait3A_207, %dma_wait3A_211] : memref<79x128xi32, #tpu.memory_space<vmem>> -> memref<1x128xi32, #tpu.memory_space<vmem>>
    %dma_wait3A_213 = tpu.memref_squeeze %dma_wait3A_212 : memref<1x128xi32, #tpu.memory_space<vmem>> -> memref<128xi32, #tpu.memory_space<vmem>>
    %dma_wait3A_214 = arith.constant 0 : i32
    %dma_wait3A_215 = tpu.memref_slice %arg28[%dma_wait3A_214] : memref<10240xf32, #tpu.memory_space<vmem_shared>> -> memref<10240xf32, #tpu.memory_space<vmem_shared>>
    tpu.wait_indirect_dma semaphore(%arg25 : memref<!tpu.dma_semaphore, #tpu.memory_space<semaphore_mem>>) src(%dma_wait3A_210 : memref<128xf32, #tpu.memory_space<vmem>>) dst(%dma_wait3A_215 : memref<10240xf32, #tpu.memory_space<vmem_shared>>)
    %dma_wait3A_216 = arith.constant 78 : i32
    %dma_wait3A_217 = arith.constant 78 : i32
    %dma_wait3A_218 = arith.constant 0 : i32
    %dma_wait3A_219 = tpu.memref_slice %arg11[%dma_wait3A_216, %dma_wait3A_218] : memref<79x128xf32, #tpu.memory_space<vmem>> -> memref<1x128xf32, #tpu.memory_space<vmem>>
    %dma_wait3A_220 = tpu.memref_squeeze %dma_wait3A_219 : memref<1x128xf32, #tpu.memory_space<vmem>> -> memref<128xf32, #tpu.memory_space<vmem>>
    %dma_wait3A_221 = arith.constant 0 : i32
    %dma_wait3A_222 = tpu.memref_slice %arg9[%dma_wait3A_217, %dma_wait3A_221] : memref<79x128xi32, #tpu.memory_space<vmem>> -> memref<1x128xi32, #tpu.memory_space<vmem>>
    %dma_wait3A_223 = tpu.memref_squeeze %dma_wait3A_222 : memref<1x128xi32, #tpu.memory_space<vmem>> -> memref<128xi32, #tpu.memory_space<vmem>>
    %dma_wait3A_224 = arith.constant 0 : i32
    %dma_wait3A_225 = tpu.memref_slice %arg28[%dma_wait3A_224] : memref<10240xf32, #tpu.memory_space<vmem_shared>> -> memref<10240xf32, #tpu.memory_space<vmem_shared>>
    tpu.wait_indirect_dma semaphore(%arg25 : memref<!tpu.dma_semaphore, #tpu.memory_space<semaphore_mem>>) src(%dma_wait3A_220 : memref<128xf32, #tpu.memory_space<vmem>>) dst(%dma_wait3A_225 : memref<10240xf32, #tpu.memory_space<vmem_shared>>)
    %dma_start3A_226 = arith.constant 0 : i32
    %dma_start3A_227 = arith.constant 0 : i32
    %dma_start3A_228 = arith.constant 0 : i32
    %dma_start3A_229 = tpu.memref_slice %arg12[%dma_start3A_226, %dma_start3A_228] : memref<79x128xf32, #tpu.memory_space<vmem>> -> memref<1x128xf32, #tpu.memory_space<vmem>>
    %dma_start3A_230 = tpu.memref_squeeze %dma_start3A_229 : memref<1x128xf32, #tpu.memory_space<vmem>> -> memref<128xf32, #tpu.memory_space<vmem>>
    %dma_start3A_231 = arith.constant 0 : i32
    %dma_start3A_232 = tpu.memref_slice %arg9[%dma_start3A_227, %dma_start3A_231] : memref<79x128xi32, #tpu.memory_space<vmem>> -> memref<1x128xi32, #tpu.memory_space<vmem>>
    %dma_start3A_233 = tpu.memref_squeeze %dma_start3A_232 : memref<1x128xi32, #tpu.memory_space<vmem>> -> memref<128xi32, #tpu.memory_space<vmem>>
    %dma_start3A_234 = arith.constant 0 : i32
    %dma_start3A_235 = tpu.memref_slice %arg29[%dma_start3A_234] : memref<10240xf32, #tpu.memory_space<vmem_shared>> -> memref<10240xf32, #tpu.memory_space<vmem_shared>>
    tpu.enqueue_indirect_dma source(%dma_start3A_230 : memref<128xf32, #tpu.memory_space<vmem>>) target(%dma_start3A_235 : memref<10240xf32, #tpu.memory_space<vmem_shared>>) offsets(%dma_start3A_233 : memref<128xi32, #tpu.memory_space<vmem>>) semaphore(%arg26 : memref<!tpu.dma_semaphore, #tpu.memory_space<semaphore_mem>>) {add = true}
    %dma_start3A_236 = arith.constant 1 : i32
    %dma_start3A_237 = arith.constant 1 : i32
    %dma_start3A_238 = arith.constant 0 : i32
    %dma_start3A_239 = tpu.memref_slice %arg12[%dma_start3A_236, %dma_start3A_238] : memref<79x128xf32, #tpu.memory_space<vmem>> -> memref<1x128xf32, #tpu.memory_space<vmem>>
    %dma_start3A_240 = tpu.memref_squeeze %dma_start3A_239 : memref<1x128xf32, #tpu.memory_space<vmem>> -> memref<128xf32, #tpu.memory_space<vmem>>
    %dma_start3A_241 = arith.constant 0 : i32
    %dma_start3A_242 = tpu.memref_slice %arg9[%dma_start3A_237, %dma_start3A_241] : memref<79x128xi32, #tpu.memory_space<vmem>> -> memref<1x128xi32, #tpu.memory_space<vmem>>
    %dma_start3A_243 = tpu.memref_squeeze %dma_start3A_242 : memref<1x128xi32, #tpu.memory_space<vmem>> -> memref<128xi32, #tpu.memory_space<vmem>>
    %dma_start3A_244 = arith.constant 0 : i32
    %dma_start3A_245 = tpu.memref_slice %arg29[%dma_start3A_244] : memref<10240xf32, #tpu.memory_space<vmem_shared>> -> memref<10240xf32, #tpu.memory_space<vmem_shared>>
    tpu.enqueue_indirect_dma source(%dma_start3A_240 : memref<128xf32, #tpu.memory_space<vmem>>) target(%dma_start3A_245 : memref<10240xf32, #tpu.memory_space<vmem_shared>>) offsets(%dma_start3A_243 : memref<128xi32, #tpu.memory_space<vmem>>) semaphore(%arg26 : memref<!tpu.dma_semaphore, #tpu.memory_space<semaphore_mem>>) {add = true}
    %dma_start3A_246 = arith.constant 2 : i32
    %dma_start3A_247 = arith.constant 2 : i32
    %dma_start3A_248 = arith.constant 0 : i32
    %dma_start3A_249 = tpu.memref_slice %arg12[%dma_start3A_246, %dma_start3A_248] : memref<79x128xf32, #tpu.memory_space<vmem>> -> memref<1x128xf32, #tpu.memory_space<vmem>>
    %dma_start3A_250 = tpu.memref_squeeze %dma_start3A_249 : memref<1x128xf32, #tpu.memory_space<vmem>> -> memref<128xf32, #tpu.memory_space<vmem>>
    %dma_start3A_251 = arith.constant 0 : i32
    %dma_start3A_252 = tpu.memref_slice %arg9[%dma_start3A_247, %dma_start3A_251] : memref<79x128xi32, #tpu.memory_space<vmem>> -> memref<1x128xi32, #tpu.memory_space<vmem>>
    %dma_start3A_253 = tpu.memref_squeeze %dma_start3A_252 : memref<1x128xi32, #tpu.memory_space<vmem>> -> memref<128xi32, #tpu.memory_space<vmem>>
    %dma_start3A_254 = arith.constant 0 : i32
    %dma_start3A_255 = tpu.memref_slice %arg29[%dma_start3A_254] : memref<10240xf32, #tpu.memory_space<vmem_shared>> -> memref<10240xf32, #tpu.memory_space<vmem_shared>>
    tpu.enqueue_indirect_dma source(%dma_start3A_250 : memref<128xf32, #tpu.memory_space<vmem>>) target(%dma_start3A_255 : memref<10240xf32, #tpu.memory_space<vmem_shared>>) offsets(%dma_start3A_253 : memref<128xi32, #tpu.memory_space<vmem>>) semaphore(%arg26 : memref<!tpu.dma_semaphore, #tpu.memory_space<semaphore_mem>>) {add = true}
    %dma_start3A_256 = arith.constant 3 : i32
    %dma_start3A_257 = arith.constant 3 : i32
    %dma_start3A_258 = arith.constant 0 : i32
    %dma_start3A_259 = tpu.memref_slice %arg12[%dma_start3A_256, %dma_start3A_258] : memref<79x128xf32, #tpu.memory_space<vmem>> -> memref<1x128xf32, #tpu.memory_space<vmem>>
    %dma_start3A_260 = tpu.memref_squeeze %dma_start3A_259 : memref<1x128xf32, #tpu.memory_space<vmem>> -> memref<128xf32, #tpu.memory_space<vmem>>
    %dma_start3A_261 = arith.constant 0 : i32
    %dma_start3A_262 = tpu.memref_slice %arg9[%dma_start3A_257, %dma_start3A_261] : memref<79x128xi32, #tpu.memory_space<vmem>> -> memref<1x128xi32, #tpu.memory_space<vmem>>
    %dma_start3A_263 = tpu.memref_squeeze %dma_start3A_262 : memref<1x128xi32, #tpu.memory_space<vmem>> -> memref<128xi32, #tpu.memory_space<vmem>>
    %dma_start3A_264 = arith.constant 0 : i32
    %dma_start3A_265 = tpu.memref_slice %arg29[%dma_start3A_264] : memref<10240xf32, #tpu.memory_space<vmem_shared>> -> memref<10240xf32, #tpu.memory_space<vmem_shared>>
    tpu.enqueue_indirect_dma source(%dma_start3A_260 : memref<128xf32, #tpu.memory_space<vmem>>) target(%dma_start3A_265 : memref<10240xf32, #tpu.memory_space<vmem_shared>>) offsets(%dma_start3A_263 : memref<128xi32, #tpu.memory_space<vmem>>) semaphore(%arg26 : memref<!tpu.dma_semaphore, #tpu.memory_space<semaphore_mem>>) {add = true}
    %scan3A_266 = arith.constant 0 : i32
    %scan3A_267 = arith.constant 4 : i32
    %scan3A_268 = arith.constant 75 : i32
    %scan3A_269 = arith.addi %scan3A_267, %scan3A_268 : i32
    %scan3A_270 = arith.constant 1 : i32
    %scan3A_271 = scf.for %scan3A_338 = %scan3A_267 to %scan3A_269 step %scan3A_270 iter_args(%scan3A_339 = %scan3A_266) -> (i32)  : i32 {
      %dma_start3A_340 = arith.constant 0 : i32
      %dma_start3A_341 = tpu.memref_slice %arg12[%scan3A_338, %dma_start3A_340] : memref<79x128xf32, #tpu.memory_space<vmem>> -> memref<1x128xf32, #tpu.memory_space<vmem>>
      %dma_start3A_342 = tpu.memref_squeeze %dma_start3A_341 : memref<1x128xf32, #tpu.memory_space<vmem>> -> memref<128xf32, #tpu.memory_space<vmem>>
      %dma_start3A_343 = arith.constant 0 : i32
      %dma_start3A_344 = tpu.memref_slice %arg9[%scan3A_338, %dma_start3A_343] : memref<79x128xi32, #tpu.memory_space<vmem>> -> memref<1x128xi32, #tpu.memory_space<vmem>>
      %dma_start3A_345 = tpu.memref_squeeze %dma_start3A_344 : memref<1x128xi32, #tpu.memory_space<vmem>> -> memref<128xi32, #tpu.memory_space<vmem>>
      %dma_start3A_346 = arith.constant 0 : i32
      %dma_start3A_347 = tpu.memref_slice %arg29[%dma_start3A_346] : memref<10240xf32, #tpu.memory_space<vmem_shared>> -> memref<10240xf32, #tpu.memory_space<vmem_shared>>
      tpu.enqueue_indirect_dma source(%dma_start3A_342 : memref<128xf32, #tpu.memory_space<vmem>>) target(%dma_start3A_347 : memref<10240xf32, #tpu.memory_space<vmem_shared>>) offsets(%dma_start3A_345 : memref<128xi32, #tpu.memory_space<vmem>>) semaphore(%arg26 : memref<!tpu.dma_semaphore, #tpu.memory_space<semaphore_mem>>) {add = true}
      %sub3A_348 = arith.constant 4 : i32
      %sub3A_349 = arith.subi %scan3A_338, %sub3A_348 : i32
      %dma_wait3A_350 = arith.constant 0 : i32
      %dma_wait3A_351 = tpu.memref_slice %arg12[%sub3A_349, %dma_wait3A_350] : memref<79x128xf32, #tpu.memory_space<vmem>> -> memref<1x128xf32, #tpu.memory_space<vmem>>
      %dma_wait3A_352 = tpu.memref_squeeze %dma_wait3A_351 : memref<1x128xf32, #tpu.memory_space<vmem>> -> memref<128xf32, #tpu.memory_space<vmem>>
      %dma_wait3A_353 = arith.constant 0 : i32
      %dma_wait3A_354 = tpu.memref_slice %arg9[%sub3A_349, %dma_wait3A_353] : memref<79x128xi32, #tpu.memory_space<vmem>> -> memref<1x128xi32, #tpu.memory_space<vmem>>
      %dma_wait3A_355 = tpu.memref_squeeze %dma_wait3A_354 : memref<1x128xi32, #tpu.memory_space<vmem>> -> memref<128xi32, #tpu.memory_space<vmem>>
      %dma_wait3A_356 = arith.constant 0 : i32
      %dma_wait3A_357 = tpu.memref_slice %arg29[%dma_wait3A_356] : memref<10240xf32, #tpu.memory_space<vmem_shared>> -> memref<10240xf32, #tpu.memory_space<vmem_shared>>
      tpu.wait_indirect_dma semaphore(%arg26 : memref<!tpu.dma_semaphore, #tpu.memory_space<semaphore_mem>>) src(%dma_wait3A_352 : memref<128xf32, #tpu.memory_space<vmem>>) dst(%dma_wait3A_357 : memref<10240xf32, #tpu.memory_space<vmem_shared>>)
      %scan3A_358 = arith.constant 0 : i32
      scf.yield %scan3A_358 : i32
    }
    %scan3A_272 = arith.constant 75 : i32
    %dma_wait3A_273 = arith.constant 75 : i32
    %dma_wait3A_274 = arith.constant 75 : i32
    %dma_wait3A_275 = arith.constant 0 : i32
    %dma_wait3A_276 = tpu.memref_slice %arg12[%dma_wait3A_273, %dma_wait3A_275] : memref<79x128xf32, #tpu.memory_space<vmem>> -> memref<1x128xf32, #tpu.memory_space<vmem>>
    %dma_wait3A_277 = tpu.memref_squeeze %dma_wait3A_276 : memref<1x128xf32, #tpu.memory_space<vmem>> -> memref<128xf32, #tpu.memory_space<vmem>>
    %dma_wait3A_278 = arith.constant 0 : i32
    %dma_wait3A_279 = tpu.memref_slice %arg9[%dma_wait3A_274, %dma_wait3A_278] : memref<79x128xi32, #tpu.memory_space<vmem>> -> memref<1x128xi32, #tpu.memory_space<vmem>>
    %dma_wait3A_280 = tpu.memref_squeeze %dma_wait3A_279 : memref<1x128xi32, #tpu.memory_space<vmem>> -> memref<128xi32, #tpu.memory_space<vmem>>
    %dma_wait3A_281 = arith.constant 0 : i32
    %dma_wait3A_282 = tpu.memref_slice %arg29[%dma_wait3A_281] : memref<10240xf32, #tpu.memory_space<vmem_shared>> -> memref<10240xf32, #tpu.memory_space<vmem_shared>>
    tpu.wait_indirect_dma semaphore(%arg26 : memref<!tpu.dma_semaphore, #tpu.memory_space<semaphore_mem>>) src(%dma_wait3A_277 : memref<128xf32, #tpu.memory_space<vmem>>) dst(%dma_wait3A_282 : memref<10240xf32, #tpu.memory_space<vmem_shared>>)
    %dma_wait3A_283 = arith.constant 76 : i32
    %dma_wait3A_284 = arith.constant 76 : i32
    %dma_wait3A_285 = arith.constant 0 : i32
    %dma_wait3A_286 = tpu.memref_slice %arg12[%dma_wait3A_283, %dma_wait3A_285] : memref<79x128xf32, #tpu.memory_space<vmem>> -> memref<1x128xf32, #tpu.memory_space<vmem>>
    %dma_wait3A_287 = tpu.memref_squeeze %dma_wait3A_286 : memref<1x128xf32, #tpu.memory_space<vmem>> -> memref<128xf32, #tpu.memory_space<vmem>>
    %dma_wait3A_288 = arith.constant 0 : i32
    %dma_wait3A_289 = tpu.memref_slice %arg9[%dma_wait3A_284, %dma_wait3A_288] : memref<79x128xi32, #tpu.memory_space<vmem>> -> memref<1x128xi32, #tpu.memory_space<vmem>>
    %dma_wait3A_290 = tpu.memref_squeeze %dma_wait3A_289 : memref<1x128xi32, #tpu.memory_space<vmem>> -> memref<128xi32, #tpu.memory_space<vmem>>
    %dma_wait3A_291 = arith.constant 0 : i32
    %dma_wait3A_292 = tpu.memref_slice %arg29[%dma_wait3A_291] : memref<10240xf32, #tpu.memory_space<vmem_shared>> -> memref<10240xf32, #tpu.memory_space<vmem_shared>>
    tpu.wait_indirect_dma semaphore(%arg26 : memref<!tpu.dma_semaphore, #tpu.memory_space<semaphore_mem>>) src(%dma_wait3A_287 : memref<128xf32, #tpu.memory_space<vmem>>) dst(%dma_wait3A_292 : memref<10240xf32, #tpu.memory_space<vmem_shared>>)
    %dma_wait3A_293 = arith.constant 77 : i32
    %dma_wait3A_294 = arith.constant 77 : i32
    %dma_wait3A_295 = arith.constant 0 : i32
    %dma_wait3A_296 = tpu.memref_slice %arg12[%dma_wait3A_293, %dma_wait3A_295] : memref<79x128xf32, #tpu.memory_space<vmem>> -> memref<1x128xf32, #tpu.memory_space<vmem>>
    %dma_wait3A_297 = tpu.memref_squeeze %dma_wait3A_296 : memref<1x128xf32, #tpu.memory_space<vmem>> -> memref<128xf32, #tpu.memory_space<vmem>>
    %dma_wait3A_298 = arith.constant 0 : i32
    %dma_wait3A_299 = tpu.memref_slice %arg9[%dma_wait3A_294, %dma_wait3A_298] : memref<79x128xi32, #tpu.memory_space<vmem>> -> memref<1x128xi32, #tpu.memory_space<vmem>>
    %dma_wait3A_300 = tpu.memref_squeeze %dma_wait3A_299 : memref<1x128xi32, #tpu.memory_space<vmem>> -> memref<128xi32, #tpu.memory_space<vmem>>
    %dma_wait3A_301 = arith.constant 0 : i32
    %dma_wait3A_302 = tpu.memref_slice %arg29[%dma_wait3A_301] : memref<10240xf32, #tpu.memory_space<vmem_shared>> -> memref<10240xf32, #tpu.memory_space<vmem_shared>>
    tpu.wait_indirect_dma semaphore(%arg26 : memref<!tpu.dma_semaphore, #tpu.memory_space<semaphore_mem>>) src(%dma_wait3A_297 : memref<128xf32, #tpu.memory_space<vmem>>) dst(%dma_wait3A_302 : memref<10240xf32, #tpu.memory_space<vmem_shared>>)
    %dma_wait3A_303 = arith.constant 78 : i32
    %dma_wait3A_304 = arith.constant 78 : i32
    %dma_wait3A_305 = arith.constant 0 : i32
    %dma_wait3A_306 = tpu.memref_slice %arg12[%dma_wait3A_303, %dma_wait3A_305] : memref<79x128xf32, #tpu.memory_space<vmem>> -> memref<1x128xf32, #tpu.memory_space<vmem>>
    %dma_wait3A_307 = tpu.memref_squeeze %dma_wait3A_306 : memref<1x128xf32, #tpu.memory_space<vmem>> -> memref<128xf32, #tpu.memory_space<vmem>>
    %dma_wait3A_308 = arith.constant 0 : i32
    %dma_wait3A_309 = tpu.memref_slice %arg9[%dma_wait3A_304, %dma_wait3A_308] : memref<79x128xi32, #tpu.memory_space<vmem>> -> memref<1x128xi32, #tpu.memory_space<vmem>>
    %dma_wait3A_310 = tpu.memref_squeeze %dma_wait3A_309 : memref<1x128xi32, #tpu.memory_space<vmem>> -> memref<128xi32, #tpu.memory_space<vmem>>
    %dma_wait3A_311 = arith.constant 0 : i32
    %dma_wait3A_312 = tpu.memref_slice %arg29[%dma_wait3A_311] : memref<10240xf32, #tpu.memory_space<vmem_shared>> -> memref<10240xf32, #tpu.memory_space<vmem_shared>>
    tpu.wait_indirect_dma semaphore(%arg26 : memref<!tpu.dma_semaphore, #tpu.memory_space<semaphore_mem>>) src(%dma_wait3A_307 : memref<128xf32, #tpu.memory_space<vmem>>) dst(%dma_wait3A_312 : memref<10240xf32, #tpu.memory_space<vmem_shared>>)
    %barrier3A_313 = arith.constant 0 : index
    tpu.barrier barrier_id(%barrier3A_313)
    "tpu.region"() ({
      %run_scoped3A = tpu.sem_alloc : memref<!tpu.dma_semaphore, #tpu.memory_space<semaphore_mem>>
      %dma_start3A_338 = arith.constant 0 : i32
      %dma_start3A_339 = tpu.memref_slice %arg20[%dma_start3A_338] : memref<640xf32, #tpu.memory_space<vmem>> -> memref<632xf32, #tpu.memory_space<vmem>>
      %dma_start3A_340 = tpu.memref_slice %arg28[%min3A_2] : memref<10240xf32, #tpu.memory_space<vmem_shared>> -> memref<632xf32, #tpu.memory_space<vmem_shared>>
      %dma_start3A_341 = arith.constant 0 : i32
      %dma_start3A_342 = tpu.memref_slice %arg20[%dma_start3A_341] : memref<640xf32, #tpu.memory_space<vmem>> -> memref<632xf32, #tpu.memory_space<vmem>>
      %dma_start3A_343 = tpu.memref_slice %arg28[%min3A_2] : memref<10240xf32, #tpu.memory_space<vmem_shared>> -> memref<632xf32, #tpu.memory_space<vmem_shared>>
      tpu.enqueue_dma source(%dma_start3A_343 : memref<632xf32, #tpu.memory_space<vmem_shared>>) target(%dma_start3A_342 : memref<632xf32, #tpu.memory_space<vmem>>) target_semaphore(%run_scoped3A : memref<!tpu.dma_semaphore, #tpu.memory_space<semaphore_mem>>)
      %dma_wait3A_344 = arith.constant 0 : i32
      %dma_wait3A_345 = tpu.memref_slice %arg20[%dma_wait3A_344] : memref<640xf32, #tpu.memory_space<vmem>> -> memref<632xf32, #tpu.memory_space<vmem>>
      %dma_wait3A_346 = tpu.memref_slice %arg28[%min3A_2] : memref<10240xf32, #tpu.memory_space<vmem_shared>> -> memref<632xf32, #tpu.memory_space<vmem_shared>>
      %dma_wait3A_347 = arith.constant 0 : i32
      %dma_wait3A_348 = tpu.memref_slice %arg20[%dma_wait3A_347] : memref<640xf32, #tpu.memory_space<vmem>> -> memref<632xf32, #tpu.memory_space<vmem>>
      %dma_wait3A_349 = tpu.memref_slice %arg28[%min3A_2] : memref<10240xf32, #tpu.memory_space<vmem_shared>> -> memref<632xf32, #tpu.memory_space<vmem_shared>>
      tpu.wait_dma2 semaphore(%run_scoped3A : memref<!tpu.dma_semaphore, #tpu.memory_space<semaphore_mem>>) src(%dma_wait3A_349 : memref<632xf32, #tpu.memory_space<vmem_shared>>) dst(%dma_wait3A_348 : memref<632xf32, #tpu.memory_space<vmem>>)
      tpu.yield
    }) : () -> ()
    "tpu.region"() ({
      %run_scoped3A = tpu.sem_alloc : memref<!tpu.dma_semaphore, #tpu.memory_space<semaphore_mem>>
      %dma_start3A_338 = arith.constant 0 : i32
      %dma_start3A_339 = tpu.memref_slice %arg21[%dma_start3A_338] : memref<640xf32, #tpu.memory_space<vmem>> -> memref<632xf32, #tpu.memory_space<vmem>>
      %dma_start3A_340 = tpu.memref_slice %arg29[%min3A_2] : memref<10240xf32, #tpu.memory_space<vmem_shared>> -> memref<632xf32, #tpu.memory_space<vmem_shared>>
      %dma_start3A_341 = arith.constant 0 : i32
      %dma_start3A_342 = tpu.memref_slice %arg21[%dma_start3A_341] : memref<640xf32, #tpu.memory_space<vmem>> -> memref<632xf32, #tpu.memory_space<vmem>>
      %dma_start3A_343 = tpu.memref_slice %arg29[%min3A_2] : memref<10240xf32, #tpu.memory_space<vmem_shared>> -> memref<632xf32, #tpu.memory_space<vmem_shared>>
      tpu.enqueue_dma source(%dma_start3A_343 : memref<632xf32, #tpu.memory_space<vmem_shared>>) target(%dma_start3A_342 : memref<632xf32, #tpu.memory_space<vmem>>) target_semaphore(%run_scoped3A : memref<!tpu.dma_semaphore, #tpu.memory_space<semaphore_mem>>)
      %dma_wait3A_344 = arith.constant 0 : i32
      %dma_wait3A_345 = tpu.memref_slice %arg21[%dma_wait3A_344] : memref<640xf32, #tpu.memory_space<vmem>> -> memref<632xf32, #tpu.memory_space<vmem>>
      %dma_wait3A_346 = tpu.memref_slice %arg29[%min3A_2] : memref<10240xf32, #tpu.memory_space<vmem_shared>> -> memref<632xf32, #tpu.memory_space<vmem_shared>>
      %dma_wait3A_347 = arith.constant 0 : i32
      %dma_wait3A_348 = tpu.memref_slice %arg21[%dma_wait3A_347] : memref<640xf32, #tpu.memory_space<vmem>> -> memref<632xf32, #tpu.memory_space<vmem>>
      %dma_wait3A_349 = tpu.memref_slice %arg29[%min3A_2] : memref<10240xf32, #tpu.memory_space<vmem_shared>> -> memref<632xf32, #tpu.memory_space<vmem_shared>>
      tpu.wait_dma2 semaphore(%run_scoped3A : memref<!tpu.dma_semaphore, #tpu.memory_space<semaphore_mem>>) src(%dma_wait3A_349 : memref<632xf32, #tpu.memory_space<vmem_shared>>) dst(%dma_wait3A_348 : memref<632xf32, #tpu.memory_space<vmem>>)
      tpu.yield
    }) : () -> ()
    %get3A_314 = arith.constant 0 : index
    %get3A_315 = tpu.vector_load %arg24[%get3A_314] {strides = array<i32>} : memref<16xf32, #tpu.memory_space<vmem>>, vector<16xf32>,
    %slice3A_316 = vector.extract_strided_slice %get3A_315 {offsets = [4], sizes = [1], strides = [1]} : vector<16xf32> to vector<1xf32>
    %squeeze3A_317 = vector.extract %slice3A_316[0] : f32 from vector<1xf32>
    %slice3A_318 = vector.extract_strided_slice %get3A_315 {offsets = [5], sizes = [1], strides = [1]} : vector<16xf32> to vector<1xf32>
    %squeeze3A_319 = vector.extract %slice3A_318[0] : f32 from vector<1xf32>
    %sub3A = arith.constant 2 : i32
    %sub3A_320 = arith.subi %add3A_0, %sub3A : i32
    %mul3A_321 = arith.constant 10000 : i32
    %mul3A_322 = arith.muli %sub3A_320, %mul3A_321 : i32
    %add3A_323 = arith.addi %mul3A_322, %min3A_2 : i32
    %scan3A_324 = arith.constant 0 : i32
    %scan3A_325 = arith.constant 0 : i32
    %scan3A_326 = arith.constant 40 : i32
    %scan3A_327 = arith.addi %scan3A_325, %scan3A_326 : i32
    %scan3A_328 = arith.constant 1 : i32
    %scan3A_329 = scf.for %scan3A_338 = %scan3A_325 to %scan3A_327 step %scan3A_328 iter_args(%scan3A_339 = %scan3A_324) -> (i32)  : i32 {
      %mul3A_340 = arith.constant 16 : i32
      %mul3A_341 = arith.muli %scan3A_338, %mul3A_340 : i32
      %get3A_342 = arith.index_cast %mul3A_341 : i32 to index
      %get3A_343 = tpu.vector_load %arg17[%get3A_342] {strides = array<i32>} : memref<640xf32, #tpu.memory_space<vmem>>, vector<16xf32>,
      %mul3A_344 = arith.constant 16 : i32
      %mul3A_345 = arith.muli %scan3A_338, %mul3A_344 : i32
      %get3A_346 = arith.index_cast %mul3A_345 : i32 to index
      %get3A_347 = tpu.vector_load %arg20[%get3A_346] {strides = array<i32>} : memref<640xf32, #tpu.memory_space<vmem>>, vector<16xf32>,
      %mul3A_348 = arith.constant 16 : i32
      %mul3A_349 = arith.muli %scan3A_338, %mul3A_348 : i32
      %get3A_350 = arith.index_cast %mul3A_349 : i32 to index
      %get3A_351 = tpu.vector_load %arg18[%get3A_350] {strides = array<i32>} : memref<640xf32, #tpu.memory_space<vmem>>, vector<16xf32>,
      %add3A_352 = arith.addf %get3A_347, %get3A_351 : vector<16xf32>
      %mul3A_353 = arith.mulf %get3A_343, %add3A_352 : vector<16xf32>
      %add3A_354 = vector.broadcast %squeeze3A_317 : f32 to vector<16xf32>
      %add3A_355 = arith.addf %mul3A_353, %add3A_354 : vector<16xf32>
      %mul3A_356 = arith.constant 16 : i32
      %mul3A_357 = arith.muli %scan3A_338, %mul3A_356 : i32
      %swap3A = arith.index_cast %mul3A_357 : i32 to index
      %swap3A_358 = tpu.vector_load %arg22[%swap3A] {strides = array<i32>} : memref<640xf32, #tpu.memory_space<vmem>>, vector<16xf32>,
      tpu.vector_store %arg22[%swap3A], %add3A_355 {strides = array<i32>} : memref<640xf32, #tpu.memory_space<vmem>>, vector<16xf32>,
      %scan3A_359 = arith.constant 0 : i32
      scf.yield %scan3A_359 : i32
    }
    %scan3A_330 = arith.constant 40 : i32
    "tpu.region"() ({
      %run_scoped3A = tpu.sem_alloc : memref<!tpu.dma_semaphore, #tpu.memory_space<semaphore_mem>>
      %dma_start3A_338 = arith.constant 0 : i32
      %dma_start3A_339 = tpu.memref_slice %arg22[%dma_start3A_338] : memref<640xf32, #tpu.memory_space<vmem>> -> memref<632xf32, #tpu.memory_space<vmem>>
      %dma_start3A_340 = tpu.memref_slice %arg7[%add3A_323] : memref<20000xf32, #tpu.memory_space<hbm>> -> memref<632xf32, #tpu.memory_space<hbm>>
      %dma_start3A_341 = tpu.memref_slice %arg7[%add3A_323] : memref<20000xf32, #tpu.memory_space<hbm>> -> memref<632xf32, #tpu.memory_space<hbm>>
      %dma_start3A_342 = arith.constant 0 : i32
      %dma_start3A_343 = tpu.memref_slice %arg22[%dma_start3A_342] : memref<640xf32, #tpu.memory_space<vmem>> -> memref<632xf32, #tpu.memory_space<vmem>>
      tpu.enqueue_dma source(%dma_start3A_343 : memref<632xf32, #tpu.memory_space<vmem>>) target(%dma_start3A_341 : memref<632xf32, #tpu.memory_space<hbm>>) target_semaphore(%run_scoped3A : memref<!tpu.dma_semaphore, #tpu.memory_space<semaphore_mem>>)
      %dma_wait3A_344 = arith.constant 0 : i32
      %dma_wait3A_345 = tpu.memref_slice %arg22[%dma_wait3A_344] : memref<640xf32, #tpu.memory_space<vmem>> -> memref<632xf32, #tpu.memory_space<vmem>>
      %dma_wait3A_346 = tpu.memref_slice %arg7[%add3A_323] : memref<20000xf32, #tpu.memory_space<hbm>> -> memref<632xf32, #tpu.memory_space<hbm>>
      %dma_wait3A_347 = tpu.memref_slice %arg7[%add3A_323] : memref<20000xf32, #tpu.memory_space<hbm>> -> memref<632xf32, #tpu.memory_space<hbm>>
      %dma_wait3A_348 = arith.constant 0 : i32
      %dma_wait3A_349 = tpu.memref_slice %arg22[%dma_wait3A_348] : memref<640xf32, #tpu.memory_space<vmem>> -> memref<632xf32, #tpu.memory_space<vmem>>
      tpu.wait_dma2 semaphore(%run_scoped3A : memref<!tpu.dma_semaphore, #tpu.memory_space<semaphore_mem>>) src(%dma_wait3A_349 : memref<632xf32, #tpu.memory_space<vmem>>) dst(%dma_wait3A_347 : memref<632xf32, #tpu.memory_space<hbm>>)
      tpu.yield
    }) : () -> ()
    %scan3A_331 = arith.constant 0 : i32
    %scan3A_332 = arith.constant 0 : i32
    %scan3A_333 = arith.constant 40 : i32
    %scan3A_334 = arith.addi %scan3A_332, %scan3A_333 : i32
    %scan3A_335 = arith.constant 1 : i32
    %scan3A_336 = scf.for %scan3A_338 = %scan3A_332 to %scan3A_334 step %scan3A_335 iter_args(%scan3A_339 = %scan3A_331) -> (i32)  : i32 {
      %mul3A_340 = arith.constant 16 : i32
      %mul3A_341 = arith.muli %scan3A_338, %mul3A_340 : i32
      %get3A_342 = arith.index_cast %mul3A_341 : i32 to index
      %get3A_343 = tpu.vector_load %arg17[%get3A_342] {strides = array<i32>} : memref<640xf32, #tpu.memory_space<vmem>>, vector<16xf32>,
      %mul3A_344 = arith.constant 16 : i32
      %mul3A_345 = arith.muli %scan3A_338, %mul3A_344 : i32
      %get3A_346 = arith.index_cast %mul3A_345 : i32 to index
      %get3A_347 = tpu.vector_load %arg21[%get3A_346] {strides = array<i32>} : memref<640xf32, #tpu.memory_space<vmem>>, vector<16xf32>,
      %mul3A_348 = arith.constant 16 : i32
      %mul3A_349 = arith.muli %scan3A_338, %mul3A_348 : i32
      %get3A_350 = arith.index_cast %mul3A_349 : i32 to index
      %get3A_351 = tpu.vector_load %arg19[%get3A_350] {strides = array<i32>} : memref<640xf32, #tpu.memory_space<vmem>>, vector<16xf32>,
      %add3A_352 = arith.addf %get3A_347, %get3A_351 : vector<16xf32>
      %mul3A_353 = arith.mulf %get3A_343, %add3A_352 : vector<16xf32>
      %add3A_354 = vector.broadcast %squeeze3A_319 : f32 to vector<16xf32>
      %add3A_355 = arith.addf %mul3A_353, %add3A_354 : vector<16xf32>
      %mul3A_356 = arith.constant 16 : i32
      %mul3A_357 = arith.muli %scan3A_338, %mul3A_356 : i32
      %swap3A = arith.index_cast %mul3A_357 : i32 to index
      %swap3A_358 = tpu.vector_load %arg22[%swap3A] {strides = array<i32>} : memref<640xf32, #tpu.memory_space<vmem>>, vector<16xf32>,
      tpu.vector_store %arg22[%swap3A], %add3A_355 {strides = array<i32>} : memref<640xf32, #tpu.memory_space<vmem>>, vector<16xf32>,
      %scan3A_359 = arith.constant 0 : i32
      scf.yield %scan3A_359 : i32
    }
    %scan3A_337 = arith.constant 40 : i32
    "tpu.region"() ({
      %run_scoped3A = tpu.sem_alloc : memref<!tpu.dma_semaphore, #tpu.memory_space<semaphore_mem>>
      %dma_start3A_338 = arith.constant 0 : i32
      %dma_start3A_339 = tpu.memref_slice %arg22[%dma_start3A_338] : memref<640xf32, #tpu.memory_space<vmem>> -> memref<632xf32, #tpu.memory_space<vmem>>
      %dma_start3A_340 = tpu.memref_slice %arg8[%add3A_323] : memref<20000xf32, #tpu.memory_space<hbm>> -> memref<632xf32, #tpu.memory_space<hbm>>
      %dma_start3A_341 = tpu.memref_slice %arg8[%add3A_323] : memref<20000xf32, #tpu.memory_space<hbm>> -> memref<632xf32, #tpu.memory_space<hbm>>
      %dma_start3A_342 = arith.constant 0 : i32
      %dma_start3A_343 = tpu.memref_slice %arg22[%dma_start3A_342] : memref<640xf32, #tpu.memory_space<vmem>> -> memref<632xf32, #tpu.memory_space<vmem>>
      tpu.enqueue_dma source(%dma_start3A_343 : memref<632xf32, #tpu.memory_space<vmem>>) target(%dma_start3A_341 : memref<632xf32, #tpu.memory_space<hbm>>) target_semaphore(%run_scoped3A : memref<!tpu.dma_semaphore, #tpu.memory_space<semaphore_mem>>)
      %dma_wait3A_344 = arith.constant 0 : i32
      %dma_wait3A_345 = tpu.memref_slice %arg22[%dma_wait3A_344] : memref<640xf32, #tpu.memory_space<vmem>> -> memref<632xf32, #tpu.memory_space<vmem>>
      %dma_wait3A_346 = tpu.memref_slice %arg8[%add3A_323] : memref<20000xf32, #tpu.memory_space<hbm>> -> memref<632xf32, #tpu.memory_space<hbm>>
      %dma_wait3A_347 = tpu.memref_slice %arg8[%add3A_323] : memref<20000xf32, #tpu.memory_space<hbm>> -> memref<632xf32, #tpu.memory_space<hbm>>
      %dma_wait3A_348 = arith.constant 0 : i32
      %dma_wait3A_349 = tpu.memref_slice %arg22[%dma_wait3A_348] : memref<640xf32, #tpu.memory_space<vmem>> -> memref<632xf32, #tpu.memory_space<vmem>>
      tpu.wait_dma2 semaphore(%run_scoped3A : memref<!tpu.dma_semaphore, #tpu.memory_space<semaphore_mem>>) src(%dma_wait3A_349 : memref<632xf32, #tpu.memory_space<vmem>>) dst(%dma_wait3A_347 : memref<632xf32, #tpu.memory_space<hbm>>)
      tpu.yield
    }) : () -> ()
    return
  }
}

module attributes {stable_mosaic.version = 14 : i64} {
  func.func @_tc_rnn_body(%arg0: memref<20000xf32, #tpu.memory_space<smem>>, %arg1: memref<20000xf32, #tpu.memory_space<smem>>, %arg2: memref<8x1xf32, #tpu.memory_space<vmem>>, %arg3: memref<72x1xf32, #tpu.memory_space<vmem>>, %arg4: memref<8x1xf32, #tpu.memory_space<vmem>>, %arg5: memref<1x1xf32, #tpu.memory_space<vmem>>) attributes {dimension_semantics = [], scalar_prefetch = 0 : i64, scratch_operands = 0 : i64, tpu.core_type = #tpu.core_type<tc>} {
    %get3A = arith.constant 0 : index
    %get3A_0 = arith.constant 0 : index
    %get3A_1 = vector.load %arg3[%get3A, %get3A_0] : memref<72x1xf32, #tpu.memory_space<vmem>>, vector<8x1xf32>
    %get3A_2 = arith.constant 8 : index
    %get3A_3 = arith.constant 0 : index
    %get3A_4 = vector.load %arg3[%get3A_2, %get3A_3] : memref<72x1xf32, #tpu.memory_space<vmem>>, vector<8x1xf32>
    %get3A_5 = arith.constant 16 : index
    %get3A_6 = arith.constant 0 : index
    %get3A_7 = vector.load %arg3[%get3A_5, %get3A_6] : memref<72x1xf32, #tpu.memory_space<vmem>>, vector<8x1xf32>
    %get3A_8 = arith.constant 24 : index
    %get3A_9 = arith.constant 0 : index
    %get3A_10 = vector.load %arg3[%get3A_8, %get3A_9] : memref<72x1xf32, #tpu.memory_space<vmem>>, vector<8x1xf32>
    %get3A_11 = arith.constant 32 : index
    %get3A_12 = arith.constant 0 : index
    %get3A_13 = vector.load %arg3[%get3A_11, %get3A_12] : memref<72x1xf32, #tpu.memory_space<vmem>>, vector<8x1xf32>
    %get3A_14 = arith.constant 40 : index
    %get3A_15 = arith.constant 0 : index
    %get3A_16 = vector.load %arg3[%get3A_14, %get3A_15] : memref<72x1xf32, #tpu.memory_space<vmem>>, vector<8x1xf32>
    %get3A_17 = arith.constant 48 : index
    %get3A_18 = arith.constant 0 : index
    %get3A_19 = vector.load %arg3[%get3A_17, %get3A_18] : memref<72x1xf32, #tpu.memory_space<vmem>>, vector<8x1xf32>
    %get3A_20 = arith.constant 56 : index
    %get3A_21 = arith.constant 0 : index
    %get3A_22 = vector.load %arg3[%get3A_20, %get3A_21] : memref<72x1xf32, #tpu.memory_space<vmem>>, vector<8x1xf32>
    %get3A_23 = arith.constant 64 : index
    %get3A_24 = arith.constant 0 : index
    %get3A_25 = vector.load %arg3[%get3A_23, %get3A_24] : memref<72x1xf32, #tpu.memory_space<vmem>>, vector<1x1xf32>
    %get3A_26 = arith.constant 0 : index
    %get3A_27 = arith.constant 0 : index
    %get3A_28 = vector.load %arg2[%get3A_26, %get3A_27] : memref<8x1xf32, #tpu.memory_space<vmem>>, vector<8x1xf32>
    %scan3A = arith.constant 0 : i32
    %scan3A_29 = arith.constant 625 : i32
    %scan3A_30 = arith.addi %scan3A, %scan3A_29 : i32
    %scan3A_31 = arith.constant 1 : i32
    %scan3A_32 = scf.for %scan3A_49 = %scan3A to %scan3A_30 step %scan3A_31 iter_args(%scan3A_50 = %get3A_28) -> (vector<8x1xf32>)  : i32 {
      %mul3A_51 = arith.constant 32 : i32
      %mul3A_52 = arith.muli %scan3A_49, %mul3A_51 : i32
      %add3A_53 = arith.constant 0 : i32
      %add3A_54 = arith.addi %mul3A_52, %add3A_53 : i32
      %get3A_55 = arith.index_cast %add3A_54 : i32 to index
      %get3A_56 = memref.load %arg0[%get3A_55] : memref<20000xf32, #tpu.memory_space<smem>>
      %mul3A_57 = vector.broadcast %get3A_56 : f32 to vector<8x1xf32>
      %mul3A_58 = arith.mulf %mul3A_57, %get3A_1 : vector<8x1xf32>
      %get3A_59 = arith.index_cast %add3A_54 : i32 to index
      %get3A_60 = memref.load %arg1[%get3A_59] : memref<20000xf32, #tpu.memory_space<smem>>
      %mul3A_61 = vector.broadcast %get3A_60 : f32 to vector<8x1xf32>
      %mul3A_62 = arith.mulf %mul3A_61, %get3A_4 : vector<8x1xf32>
      %add3A_63 = arith.addf %mul3A_58, %mul3A_62 : vector<8x1xf32>
      %add3A_64 = arith.addf %add3A_63, %get3A_7 : vector<8x1xf32>
      %slice3A = vector.extract_strided_slice %scan3A_50 {offsets = [1, 0], sizes = [7, 1], strides = [1, 1]} : vector<8x1xf32> to vector<7x1xf32>
      %slice3A_65 = vector.extract_strided_slice %scan3A_50 {offsets = [0, 0], sizes = [1, 1], strides = [1, 1]} : vector<8x1xf32> to vector<1x1xf32>
      %concatenate3A = tpu.concatenate %slice3A, %slice3A_65 in 0 : vector<7x1xf32>, vector<1x1xf32> -> vector<8x1xf32>
      %slice3A_66 = vector.extract_strided_slice %scan3A_50 {offsets = [2, 0], sizes = [6, 1], strides = [1, 1]} : vector<8x1xf32> to vector<6x1xf32>
      %slice3A_67 = vector.extract_strided_slice %scan3A_50 {offsets = [0, 0], sizes = [2, 1], strides = [1, 1]} : vector<8x1xf32> to vector<2x1xf32>
      %concatenate3A_68 = tpu.concatenate %slice3A_66, %slice3A_67 in 0 : vector<6x1xf32>, vector<2x1xf32> -> vector<8x1xf32>
      %slice3A_69 = vector.extract_strided_slice %scan3A_50 {offsets = [3, 0], sizes = [5, 1], strides = [1, 1]} : vector<8x1xf32> to vector<5x1xf32>
      %slice3A_70 = vector.extract_strided_slice %scan3A_50 {offsets = [0, 0], sizes = [3, 1], strides = [1, 1]} : vector<8x1xf32> to vector<3x1xf32>
      %concatenate3A_71 = tpu.concatenate %slice3A_69, %slice3A_70 in 0 : vector<5x1xf32>, vector<3x1xf32> -> vector<8x1xf32>
      %mul3A_72 = arith.mulf %get3A_10, %scan3A_50 : vector<8x1xf32>
      %add3A_73 = arith.addf %add3A_64, %mul3A_72 : vector<8x1xf32>
      %mul3A_74 = arith.mulf %get3A_13, %concatenate3A : vector<8x1xf32>
      %mul3A_75 = arith.mulf %get3A_16, %concatenate3A_68 : vector<8x1xf32>
      %add3A_76 = arith.addf %mul3A_74, %mul3A_75 : vector<8x1xf32>
      %add3A_77 = arith.addf %add3A_73, %add3A_76 : vector<8x1xf32>
      %mul3A_78 = arith.mulf %get3A_19, %concatenate3A_71 : vector<8x1xf32>
      %add3A_79 = arith.addf %add3A_77, %mul3A_78 : vector<8x1xf32>
      %tanh3A = math.tanh %add3A_79 : vector<8x1xf32>
      %add3A_80 = arith.constant 1 : i32
      %add3A_81 = arith.addi %mul3A_52, %add3A_80 : i32
      %get3A_82 = arith.index_cast %add3A_81 : i32 to index
      %get3A_83 = memref.load %arg0[%get3A_82] : memref<20000xf32, #tpu.memory_space<smem>>
      %mul3A_84 = vector.broadcast %get3A_83 : f32 to vector<8x1xf32>
      %mul3A_85 = arith.mulf %mul3A_84, %get3A_1 : vector<8x1xf32>
      %get3A_86 = arith.index_cast %add3A_81 : i32 to index
      %get3A_87 = memref.load %arg1[%get3A_86] : memref<20000xf32, #tpu.memory_space<smem>>
      %mul3A_88 = vector.broadcast %get3A_87 : f32 to vector<8x1xf32>
      %mul3A_89 = arith.mulf %mul3A_88, %get3A_4 : vector<8x1xf32>
      %add3A_90 = arith.addf %mul3A_85, %mul3A_89 : vector<8x1xf32>
      %add3A_91 = arith.addf %add3A_90, %get3A_7 : vector<8x1xf32>
      %slice3A_92 = vector.extract_strided_slice %tanh3A {offsets = [1, 0], sizes = [7, 1], strides = [1, 1]} : vector<8x1xf32> to vector<7x1xf32>
      %slice3A_93 = vector.extract_strided_slice %tanh3A {offsets = [0, 0], sizes = [1, 1], strides = [1, 1]} : vector<8x1xf32> to vector<1x1xf32>
      %concatenate3A_94 = tpu.concatenate %slice3A_92, %slice3A_93 in 0 : vector<7x1xf32>, vector<1x1xf32> -> vector<8x1xf32>
      %slice3A_95 = vector.extract_strided_slice %tanh3A {offsets = [2, 0], sizes = [6, 1], strides = [1, 1]} : vector<8x1xf32> to vector<6x1xf32>
      %slice3A_96 = vector.extract_strided_slice %tanh3A {offsets = [0, 0], sizes = [2, 1], strides = [1, 1]} : vector<8x1xf32> to vector<2x1xf32>
      %concatenate3A_97 = tpu.concatenate %slice3A_95, %slice3A_96 in 0 : vector<6x1xf32>, vector<2x1xf32> -> vector<8x1xf32>
      %slice3A_98 = vector.extract_strided_slice %tanh3A {offsets = [3, 0], sizes = [5, 1], strides = [1, 1]} : vector<8x1xf32> to vector<5x1xf32>
      %slice3A_99 = vector.extract_strided_slice %tanh3A {offsets = [0, 0], sizes = [3, 1], strides = [1, 1]} : vector<8x1xf32> to vector<3x1xf32>
      %concatenate3A_100 = tpu.concatenate %slice3A_98, %slice3A_99 in 0 : vector<5x1xf32>, vector<3x1xf32> -> vector<8x1xf32>
      %mul3A_101 = arith.mulf %get3A_10, %tanh3A : vector<8x1xf32>
      %add3A_102 = arith.addf %add3A_91, %mul3A_101 : vector<8x1xf32>
      %mul3A_103 = arith.mulf %get3A_13, %concatenate3A_94 : vector<8x1xf32>
      %mul3A_104 = arith.mulf %get3A_16, %concatenate3A_97 : vector<8x1xf32>
      %add3A_105 = arith.addf %mul3A_103, %mul3A_104 : vector<8x1xf32>
      %add3A_106 = arith.addf %add3A_102, %add3A_105 : vector<8x1xf32>
      %mul3A_107 = arith.mulf %get3A_19, %concatenate3A_100 : vector<8x1xf32>
      %add3A_108 = arith.addf %add3A_106, %mul3A_107 : vector<8x1xf32>
      %tanh3A_109 = math.tanh %add3A_108 : vector<8x1xf32>
      %add3A_110 = arith.constant 2 : i32
      %add3A_111 = arith.addi %mul3A_52, %add3A_110 : i32
      %get3A_112 = arith.index_cast %add3A_111 : i32 to index
      %get3A_113 = memref.load %arg0[%get3A_112] : memref<20000xf32, #tpu.memory_space<smem>>
      %mul3A_114 = vector.broadcast %get3A_113 : f32 to vector<8x1xf32>
      %mul3A_115 = arith.mulf %mul3A_114, %get3A_1 : vector<8x1xf32>
      %get3A_116 = arith.index_cast %add3A_111 : i32 to index
      %get3A_117 = memref.load %arg1[%get3A_116] : memref<20000xf32, #tpu.memory_space<smem>>
      %mul3A_118 = vector.broadcast %get3A_117 : f32 to vector<8x1xf32>
      %mul3A_119 = arith.mulf %mul3A_118, %get3A_4 : vector<8x1xf32>
      %add3A_120 = arith.addf %mul3A_115, %mul3A_119 : vector<8x1xf32>
      %add3A_121 = arith.addf %add3A_120, %get3A_7 : vector<8x1xf32>
      %slice3A_122 = vector.extract_strided_slice %tanh3A_109 {offsets = [1, 0], sizes = [7, 1], strides = [1, 1]} : vector<8x1xf32> to vector<7x1xf32>
      %slice3A_123 = vector.extract_strided_slice %tanh3A_109 {offsets = [0, 0], sizes = [1, 1], strides = [1, 1]} : vector<8x1xf32> to vector<1x1xf32>
      %concatenate3A_124 = tpu.concatenate %slice3A_122, %slice3A_123 in 0 : vector<7x1xf32>, vector<1x1xf32> -> vector<8x1xf32>
      %slice3A_125 = vector.extract_strided_slice %tanh3A_109 {offsets = [2, 0], sizes = [6, 1], strides = [1, 1]} : vector<8x1xf32> to vector<6x1xf32>
      %slice3A_126 = vector.extract_strided_slice %tanh3A_109 {offsets = [0, 0], sizes = [2, 1], strides = [1, 1]} : vector<8x1xf32> to vector<2x1xf32>
      %concatenate3A_127 = tpu.concatenate %slice3A_125, %slice3A_126 in 0 : vector<6x1xf32>, vector<2x1xf32> -> vector<8x1xf32>
      %slice3A_128 = vector.extract_strided_slice %tanh3A_109 {offsets = [3, 0], sizes = [5, 1], strides = [1, 1]} : vector<8x1xf32> to vector<5x1xf32>
      %slice3A_129 = vector.extract_strided_slice %tanh3A_109 {offsets = [0, 0], sizes = [3, 1], strides = [1, 1]} : vector<8x1xf32> to vector<3x1xf32>
      %concatenate3A_130 = tpu.concatenate %slice3A_128, %slice3A_129 in 0 : vector<5x1xf32>, vector<3x1xf32> -> vector<8x1xf32>
      %mul3A_131 = arith.mulf %get3A_10, %tanh3A_109 : vector<8x1xf32>
      %add3A_132 = arith.addf %add3A_121, %mul3A_131 : vector<8x1xf32>
      %mul3A_133 = arith.mulf %get3A_13, %concatenate3A_124 : vector<8x1xf32>
      %mul3A_134 = arith.mulf %get3A_16, %concatenate3A_127 : vector<8x1xf32>
      %add3A_135 = arith.addf %mul3A_133, %mul3A_134 : vector<8x1xf32>
      %add3A_136 = arith.addf %add3A_132, %add3A_135 : vector<8x1xf32>
      %mul3A_137 = arith.mulf %get3A_19, %concatenate3A_130 : vector<8x1xf32>
      %add3A_138 = arith.addf %add3A_136, %mul3A_137 : vector<8x1xf32>
      %tanh3A_139 = math.tanh %add3A_138 : vector<8x1xf32>
      %add3A_140 = arith.constant 3 : i32
      %add3A_141 = arith.addi %mul3A_52, %add3A_140 : i32
      %get3A_142 = arith.index_cast %add3A_141 : i32 to index
      %get3A_143 = memref.load %arg0[%get3A_142] : memref<20000xf32, #tpu.memory_space<smem>>
      %mul3A_144 = vector.broadcast %get3A_143 : f32 to vector<8x1xf32>
      %mul3A_145 = arith.mulf %mul3A_144, %get3A_1 : vector<8x1xf32>
      %get3A_146 = arith.index_cast %add3A_141 : i32 to index
      %get3A_147 = memref.load %arg1[%get3A_146] : memref<20000xf32, #tpu.memory_space<smem>>
      %mul3A_148 = vector.broadcast %get3A_147 : f32 to vector<8x1xf32>
      %mul3A_149 = arith.mulf %mul3A_148, %get3A_4 : vector<8x1xf32>
      %add3A_150 = arith.addf %mul3A_145, %mul3A_149 : vector<8x1xf32>
      %add3A_151 = arith.addf %add3A_150, %get3A_7 : vector<8x1xf32>
      %slice3A_152 = vector.extract_strided_slice %tanh3A_139 {offsets = [1, 0], sizes = [7, 1], strides = [1, 1]} : vector<8x1xf32> to vector<7x1xf32>
      %slice3A_153 = vector.extract_strided_slice %tanh3A_139 {offsets = [0, 0], sizes = [1, 1], strides = [1, 1]} : vector<8x1xf32> to vector<1x1xf32>
      %concatenate3A_154 = tpu.concatenate %slice3A_152, %slice3A_153 in 0 : vector<7x1xf32>, vector<1x1xf32> -> vector<8x1xf32>
      %slice3A_155 = vector.extract_strided_slice %tanh3A_139 {offsets = [2, 0], sizes = [6, 1], strides = [1, 1]} : vector<8x1xf32> to vector<6x1xf32>
      %slice3A_156 = vector.extract_strided_slice %tanh3A_139 {offsets = [0, 0], sizes = [2, 1], strides = [1, 1]} : vector<8x1xf32> to vector<2x1xf32>
      %concatenate3A_157 = tpu.concatenate %slice3A_155, %slice3A_156 in 0 : vector<6x1xf32>, vector<2x1xf32> -> vector<8x1xf32>
      %slice3A_158 = vector.extract_strided_slice %tanh3A_139 {offsets = [3, 0], sizes = [5, 1], strides = [1, 1]} : vector<8x1xf32> to vector<5x1xf32>
      %slice3A_159 = vector.extract_strided_slice %tanh3A_139 {offsets = [0, 0], sizes = [3, 1], strides = [1, 1]} : vector<8x1xf32> to vector<3x1xf32>
      %concatenate3A_160 = tpu.concatenate %slice3A_158, %slice3A_159 in 0 : vector<5x1xf32>, vector<3x1xf32> -> vector<8x1xf32>
      %mul3A_161 = arith.mulf %get3A_10, %tanh3A_139 : vector<8x1xf32>
      %add3A_162 = arith.addf %add3A_151, %mul3A_161 : vector<8x1xf32>
      %mul3A_163 = arith.mulf %get3A_13, %concatenate3A_154 : vector<8x1xf32>
      %mul3A_164 = arith.mulf %get3A_16, %concatenate3A_157 : vector<8x1xf32>
      %add3A_165 = arith.addf %mul3A_163, %mul3A_164 : vector<8x1xf32>
      %add3A_166 = arith.addf %add3A_162, %add3A_165 : vector<8x1xf32>
      %mul3A_167 = arith.mulf %get3A_19, %concatenate3A_160 : vector<8x1xf32>
      %add3A_168 = arith.addf %add3A_166, %mul3A_167 : vector<8x1xf32>
      %tanh3A_169 = math.tanh %add3A_168 : vector<8x1xf32>
      %add3A_170 = arith.constant 4 : i32
      %add3A_171 = arith.addi %mul3A_52, %add3A_170 : i32
      %get3A_172 = arith.index_cast %add3A_171 : i32 to index
      %get3A_173 = memref.load %arg0[%get3A_172] : memref<20000xf32, #tpu.memory_space<smem>>
      %mul3A_174 = vector.broadcast %get3A_173 : f32 to vector<8x1xf32>
      %mul3A_175 = arith.mulf %mul3A_174, %get3A_1 : vector<8x1xf32>
      %get3A_176 = arith.index_cast %add3A_171 : i32 to index
      %get3A_177 = memref.load %arg1[%get3A_176] : memref<20000xf32, #tpu.memory_space<smem>>
      %mul3A_178 = vector.broadcast %get3A_177 : f32 to vector<8x1xf32>
      %mul3A_179 = arith.mulf %mul3A_178, %get3A_4 : vector<8x1xf32>
      %add3A_180 = arith.addf %mul3A_175, %mul3A_179 : vector<8x1xf32>
      %add3A_181 = arith.addf %add3A_180, %get3A_7 : vector<8x1xf32>
      %slice3A_182 = vector.extract_strided_slice %tanh3A_169 {offsets = [1, 0], sizes = [7, 1], strides = [1, 1]} : vector<8x1xf32> to vector<7x1xf32>
      %slice3A_183 = vector.extract_strided_slice %tanh3A_169 {offsets = [0, 0], sizes = [1, 1], strides = [1, 1]} : vector<8x1xf32> to vector<1x1xf32>
      %concatenate3A_184 = tpu.concatenate %slice3A_182, %slice3A_183 in 0 : vector<7x1xf32>, vector<1x1xf32> -> vector<8x1xf32>
      %slice3A_185 = vector.extract_strided_slice %tanh3A_169 {offsets = [2, 0], sizes = [6, 1], strides = [1, 1]} : vector<8x1xf32> to vector<6x1xf32>
      %slice3A_186 = vector.extract_strided_slice %tanh3A_169 {offsets = [0, 0], sizes = [2, 1], strides = [1, 1]} : vector<8x1xf32> to vector<2x1xf32>
      %concatenate3A_187 = tpu.concatenate %slice3A_185, %slice3A_186 in 0 : vector<6x1xf32>, vector<2x1xf32> -> vector<8x1xf32>
      %slice3A_188 = vector.extract_strided_slice %tanh3A_169 {offsets = [3, 0], sizes = [5, 1], strides = [1, 1]} : vector<8x1xf32> to vector<5x1xf32>
      %slice3A_189 = vector.extract_strided_slice %tanh3A_169 {offsets = [0, 0], sizes = [3, 1], strides = [1, 1]} : vector<8x1xf32> to vector<3x1xf32>
      %concatenate3A_190 = tpu.concatenate %slice3A_188, %slice3A_189 in 0 : vector<5x1xf32>, vector<3x1xf32> -> vector<8x1xf32>
      %mul3A_191 = arith.mulf %get3A_10, %tanh3A_169 : vector<8x1xf32>
      %add3A_192 = arith.addf %add3A_181, %mul3A_191 : vector<8x1xf32>
      %mul3A_193 = arith.mulf %get3A_13, %concatenate3A_184 : vector<8x1xf32>
      %mul3A_194 = arith.mulf %get3A_16, %concatenate3A_187 : vector<8x1xf32>
      %add3A_195 = arith.addf %mul3A_193, %mul3A_194 : vector<8x1xf32>
      %add3A_196 = arith.addf %add3A_192, %add3A_195 : vector<8x1xf32>
      %mul3A_197 = arith.mulf %get3A_19, %concatenate3A_190 : vector<8x1xf32>
      %add3A_198 = arith.addf %add3A_196, %mul3A_197 : vector<8x1xf32>
      %tanh3A_199 = math.tanh %add3A_198 : vector<8x1xf32>
      %add3A_200 = arith.constant 5 : i32
      %add3A_201 = arith.addi %mul3A_52, %add3A_200 : i32
      %get3A_202 = arith.index_cast %add3A_201 : i32 to index
      %get3A_203 = memref.load %arg0[%get3A_202] : memref<20000xf32, #tpu.memory_space<smem>>
      %mul3A_204 = vector.broadcast %get3A_203 : f32 to vector<8x1xf32>
      %mul3A_205 = arith.mulf %mul3A_204, %get3A_1 : vector<8x1xf32>
      %get3A_206 = arith.index_cast %add3A_201 : i32 to index
      %get3A_207 = memref.load %arg1[%get3A_206] : memref<20000xf32, #tpu.memory_space<smem>>
      %mul3A_208 = vector.broadcast %get3A_207 : f32 to vector<8x1xf32>
      %mul3A_209 = arith.mulf %mul3A_208, %get3A_4 : vector<8x1xf32>
      %add3A_210 = arith.addf %mul3A_205, %mul3A_209 : vector<8x1xf32>
      %add3A_211 = arith.addf %add3A_210, %get3A_7 : vector<8x1xf32>
      %slice3A_212 = vector.extract_strided_slice %tanh3A_199 {offsets = [1, 0], sizes = [7, 1], strides = [1, 1]} : vector<8x1xf32> to vector<7x1xf32>
      %slice3A_213 = vector.extract_strided_slice %tanh3A_199 {offsets = [0, 0], sizes = [1, 1], strides = [1, 1]} : vector<8x1xf32> to vector<1x1xf32>
      %concatenate3A_214 = tpu.concatenate %slice3A_212, %slice3A_213 in 0 : vector<7x1xf32>, vector<1x1xf32> -> vector<8x1xf32>
      %slice3A_215 = vector.extract_strided_slice %tanh3A_199 {offsets = [2, 0], sizes = [6, 1], strides = [1, 1]} : vector<8x1xf32> to vector<6x1xf32>
      %slice3A_216 = vector.extract_strided_slice %tanh3A_199 {offsets = [0, 0], sizes = [2, 1], strides = [1, 1]} : vector<8x1xf32> to vector<2x1xf32>
      %concatenate3A_217 = tpu.concatenate %slice3A_215, %slice3A_216 in 0 : vector<6x1xf32>, vector<2x1xf32> -> vector<8x1xf32>
      %slice3A_218 = vector.extract_strided_slice %tanh3A_199 {offsets = [3, 0], sizes = [5, 1], strides = [1, 1]} : vector<8x1xf32> to vector<5x1xf32>
      %slice3A_219 = vector.extract_strided_slice %tanh3A_199 {offsets = [0, 0], sizes = [3, 1], strides = [1, 1]} : vector<8x1xf32> to vector<3x1xf32>
      %concatenate3A_220 = tpu.concatenate %slice3A_218, %slice3A_219 in 0 : vector<5x1xf32>, vector<3x1xf32> -> vector<8x1xf32>
      %mul3A_221 = arith.mulf %get3A_10, %tanh3A_199 : vector<8x1xf32>
      %add3A_222 = arith.addf %add3A_211, %mul3A_221 : vector<8x1xf32>
      %mul3A_223 = arith.mulf %get3A_13, %concatenate3A_214 : vector<8x1xf32>
      %mul3A_224 = arith.mulf %get3A_16, %concatenate3A_217 : vector<8x1xf32>
      %add3A_225 = arith.addf %mul3A_223, %mul3A_224 : vector<8x1xf32>
      %add3A_226 = arith.addf %add3A_222, %add3A_225 : vector<8x1xf32>
      %mul3A_227 = arith.mulf %get3A_19, %concatenate3A_220 : vector<8x1xf32>
      %add3A_228 = arith.addf %add3A_226, %mul3A_227 : vector<8x1xf32>
      %tanh3A_229 = math.tanh %add3A_228 : vector<8x1xf32>
      %add3A_230 = arith.constant 6 : i32
      %add3A_231 = arith.addi %mul3A_52, %add3A_230 : i32
      %get3A_232 = arith.index_cast %add3A_231 : i32 to index
      %get3A_233 = memref.load %arg0[%get3A_232] : memref<20000xf32, #tpu.memory_space<smem>>
      %mul3A_234 = vector.broadcast %get3A_233 : f32 to vector<8x1xf32>
      %mul3A_235 = arith.mulf %mul3A_234, %get3A_1 : vector<8x1xf32>
      %get3A_236 = arith.index_cast %add3A_231 : i32 to index
      %get3A_237 = memref.load %arg1[%get3A_236] : memref<20000xf32, #tpu.memory_space<smem>>
      %mul3A_238 = vector.broadcast %get3A_237 : f32 to vector<8x1xf32>
      %mul3A_239 = arith.mulf %mul3A_238, %get3A_4 : vector<8x1xf32>
      %add3A_240 = arith.addf %mul3A_235, %mul3A_239 : vector<8x1xf32>
      %add3A_241 = arith.addf %add3A_240, %get3A_7 : vector<8x1xf32>
      %slice3A_242 = vector.extract_strided_slice %tanh3A_229 {offsets = [1, 0], sizes = [7, 1], strides = [1, 1]} : vector<8x1xf32> to vector<7x1xf32>
      %slice3A_243 = vector.extract_strided_slice %tanh3A_229 {offsets = [0, 0], sizes = [1, 1], strides = [1, 1]} : vector<8x1xf32> to vector<1x1xf32>
      %concatenate3A_244 = tpu.concatenate %slice3A_242, %slice3A_243 in 0 : vector<7x1xf32>, vector<1x1xf32> -> vector<8x1xf32>
      %slice3A_245 = vector.extract_strided_slice %tanh3A_229 {offsets = [2, 0], sizes = [6, 1], strides = [1, 1]} : vector<8x1xf32> to vector<6x1xf32>
      %slice3A_246 = vector.extract_strided_slice %tanh3A_229 {offsets = [0, 0], sizes = [2, 1], strides = [1, 1]} : vector<8x1xf32> to vector<2x1xf32>
      %concatenate3A_247 = tpu.concatenate %slice3A_245, %slice3A_246 in 0 : vector<6x1xf32>, vector<2x1xf32> -> vector<8x1xf32>
      %slice3A_248 = vector.extract_strided_slice %tanh3A_229 {offsets = [3, 0], sizes = [5, 1], strides = [1, 1]} : vector<8x1xf32> to vector<5x1xf32>
      %slice3A_249 = vector.extract_strided_slice %tanh3A_229 {offsets = [0, 0], sizes = [3, 1], strides = [1, 1]} : vector<8x1xf32> to vector<3x1xf32>
      %concatenate3A_250 = tpu.concatenate %slice3A_248, %slice3A_249 in 0 : vector<5x1xf32>, vector<3x1xf32> -> vector<8x1xf32>
      %mul3A_251 = arith.mulf %get3A_10, %tanh3A_229 : vector<8x1xf32>
      %add3A_252 = arith.addf %add3A_241, %mul3A_251 : vector<8x1xf32>
      %mul3A_253 = arith.mulf %get3A_13, %concatenate3A_244 : vector<8x1xf32>
      %mul3A_254 = arith.mulf %get3A_16, %concatenate3A_247 : vector<8x1xf32>
      %add3A_255 = arith.addf %mul3A_253, %mul3A_254 : vector<8x1xf32>
      %add3A_256 = arith.addf %add3A_252, %add3A_255 : vector<8x1xf32>
      %mul3A_257 = arith.mulf %get3A_19, %concatenate3A_250 : vector<8x1xf32>
      %add3A_258 = arith.addf %add3A_256, %mul3A_257 : vector<8x1xf32>
      %tanh3A_259 = math.tanh %add3A_258 : vector<8x1xf32>
      %add3A_260 = arith.constant 7 : i32
      %add3A_261 = arith.addi %mul3A_52, %add3A_260 : i32
      %get3A_262 = arith.index_cast %add3A_261 : i32 to index
      %get3A_263 = memref.load %arg0[%get3A_262] : memref<20000xf32, #tpu.memory_space<smem>>
      %mul3A_264 = vector.broadcast %get3A_263 : f32 to vector<8x1xf32>
      %mul3A_265 = arith.mulf %mul3A_264, %get3A_1 : vector<8x1xf32>
      %get3A_266 = arith.index_cast %add3A_261 : i32 to index
      %get3A_267 = memref.load %arg1[%get3A_266] : memref<20000xf32, #tpu.memory_space<smem>>
      %mul3A_268 = vector.broadcast %get3A_267 : f32 to vector<8x1xf32>
      %mul3A_269 = arith.mulf %mul3A_268, %get3A_4 : vector<8x1xf32>
      %add3A_270 = arith.addf %mul3A_265, %mul3A_269 : vector<8x1xf32>
      %add3A_271 = arith.addf %add3A_270, %get3A_7 : vector<8x1xf32>
      %slice3A_272 = vector.extract_strided_slice %tanh3A_259 {offsets = [1, 0], sizes = [7, 1], strides = [1, 1]} : vector<8x1xf32> to vector<7x1xf32>
      %slice3A_273 = vector.extract_strided_slice %tanh3A_259 {offsets = [0, 0], sizes = [1, 1], strides = [1, 1]} : vector<8x1xf32> to vector<1x1xf32>
      %concatenate3A_274 = tpu.concatenate %slice3A_272, %slice3A_273 in 0 : vector<7x1xf32>, vector<1x1xf32> -> vector<8x1xf32>
      %slice3A_275 = vector.extract_strided_slice %tanh3A_259 {offsets = [2, 0], sizes = [6, 1], strides = [1, 1]} : vector<8x1xf32> to vector<6x1xf32>
      %slice3A_276 = vector.extract_strided_slice %tanh3A_259 {offsets = [0, 0], sizes = [2, 1], strides = [1, 1]} : vector<8x1xf32> to vector<2x1xf32>
      %concatenate3A_277 = tpu.concatenate %slice3A_275, %slice3A_276 in 0 : vector<6x1xf32>, vector<2x1xf32> -> vector<8x1xf32>
      %slice3A_278 = vector.extract_strided_slice %tanh3A_259 {offsets = [3, 0], sizes = [5, 1], strides = [1, 1]} : vector<8x1xf32> to vector<5x1xf32>
      %slice3A_279 = vector.extract_strided_slice %tanh3A_259 {offsets = [0, 0], sizes = [3, 1], strides = [1, 1]} : vector<8x1xf32> to vector<3x1xf32>
      %concatenate3A_280 = tpu.concatenate %slice3A_278, %slice3A_279 in 0 : vector<5x1xf32>, vector<3x1xf32> -> vector<8x1xf32>
      %mul3A_281 = arith.mulf %get3A_10, %tanh3A_259 : vector<8x1xf32>
      %add3A_282 = arith.addf %add3A_271, %mul3A_281 : vector<8x1xf32>
      %mul3A_283 = arith.mulf %get3A_13, %concatenate3A_274 : vector<8x1xf32>
      %mul3A_284 = arith.mulf %get3A_16, %concatenate3A_277 : vector<8x1xf32>
      %add3A_285 = arith.addf %mul3A_283, %mul3A_284 : vector<8x1xf32>
      %add3A_286 = arith.addf %add3A_282, %add3A_285 : vector<8x1xf32>
      %mul3A_287 = arith.mulf %get3A_19, %concatenate3A_280 : vector<8x1xf32>
      %add3A_288 = arith.addf %add3A_286, %mul3A_287 : vector<8x1xf32>
      %tanh3A_289 = math.tanh %add3A_288 : vector<8x1xf32>
      %add3A_290 = arith.constant 8 : i32
      %add3A_291 = arith.addi %mul3A_52, %add3A_290 : i32
      %get3A_292 = arith.index_cast %add3A_291 : i32 to index
      %get3A_293 = memref.load %arg0[%get3A_292] : memref<20000xf32, #tpu.memory_space<smem>>
      %mul3A_294 = vector.broadcast %get3A_293 : f32 to vector<8x1xf32>
      %mul3A_295 = arith.mulf %mul3A_294, %get3A_1 : vector<8x1xf32>
      %get3A_296 = arith.index_cast %add3A_291 : i32 to index
      %get3A_297 = memref.load %arg1[%get3A_296] : memref<20000xf32, #tpu.memory_space<smem>>
      %mul3A_298 = vector.broadcast %get3A_297 : f32 to vector<8x1xf32>
      %mul3A_299 = arith.mulf %mul3A_298, %get3A_4 : vector<8x1xf32>
      %add3A_300 = arith.addf %mul3A_295, %mul3A_299 : vector<8x1xf32>
      %add3A_301 = arith.addf %add3A_300, %get3A_7 : vector<8x1xf32>
      %slice3A_302 = vector.extract_strided_slice %tanh3A_289 {offsets = [1, 0], sizes = [7, 1], strides = [1, 1]} : vector<8x1xf32> to vector<7x1xf32>
      %slice3A_303 = vector.extract_strided_slice %tanh3A_289 {offsets = [0, 0], sizes = [1, 1], strides = [1, 1]} : vector<8x1xf32> to vector<1x1xf32>
      %concatenate3A_304 = tpu.concatenate %slice3A_302, %slice3A_303 in 0 : vector<7x1xf32>, vector<1x1xf32> -> vector<8x1xf32>
      %slice3A_305 = vector.extract_strided_slice %tanh3A_289 {offsets = [2, 0], sizes = [6, 1], strides = [1, 1]} : vector<8x1xf32> to vector<6x1xf32>
      %slice3A_306 = vector.extract_strided_slice %tanh3A_289 {offsets = [0, 0], sizes = [2, 1], strides = [1, 1]} : vector<8x1xf32> to vector<2x1xf32>
      %concatenate3A_307 = tpu.concatenate %slice3A_305, %slice3A_306 in 0 : vector<6x1xf32>, vector<2x1xf32> -> vector<8x1xf32>
      %slice3A_308 = vector.extract_strided_slice %tanh3A_289 {offsets = [3, 0], sizes = [5, 1], strides = [1, 1]} : vector<8x1xf32> to vector<5x1xf32>
      %slice3A_309 = vector.extract_strided_slice %tanh3A_289 {offsets = [0, 0], sizes = [3, 1], strides = [1, 1]} : vector<8x1xf32> to vector<3x1xf32>
      %concatenate3A_310 = tpu.concatenate %slice3A_308, %slice3A_309 in 0 : vector<5x1xf32>, vector<3x1xf32> -> vector<8x1xf32>
      %mul3A_311 = arith.mulf %get3A_10, %tanh3A_289 : vector<8x1xf32>
      %add3A_312 = arith.addf %add3A_301, %mul3A_311 : vector<8x1xf32>
      %mul3A_313 = arith.mulf %get3A_13, %concatenate3A_304 : vector<8x1xf32>
      %mul3A_314 = arith.mulf %get3A_16, %concatenate3A_307 : vector<8x1xf32>
      %add3A_315 = arith.addf %mul3A_313, %mul3A_314 : vector<8x1xf32>
      %add3A_316 = arith.addf %add3A_312, %add3A_315 : vector<8x1xf32>
      %mul3A_317 = arith.mulf %get3A_19, %concatenate3A_310 : vector<8x1xf32>
      %add3A_318 = arith.addf %add3A_316, %mul3A_317 : vector<8x1xf32>
      %tanh3A_319 = math.tanh %add3A_318 : vector<8x1xf32>
      %add3A_320 = arith.constant 9 : i32
      %add3A_321 = arith.addi %mul3A_52, %add3A_320 : i32
      %get3A_322 = arith.index_cast %add3A_321 : i32 to index
      %get3A_323 = memref.load %arg0[%get3A_322] : memref<20000xf32, #tpu.memory_space<smem>>
      %mul3A_324 = vector.broadcast %get3A_323 : f32 to vector<8x1xf32>
      %mul3A_325 = arith.mulf %mul3A_324, %get3A_1 : vector<8x1xf32>
      %get3A_326 = arith.index_cast %add3A_321 : i32 to index
      %get3A_327 = memref.load %arg1[%get3A_326] : memref<20000xf32, #tpu.memory_space<smem>>
      %mul3A_328 = vector.broadcast %get3A_327 : f32 to vector<8x1xf32>
      %mul3A_329 = arith.mulf %mul3A_328, %get3A_4 : vector<8x1xf32>
      %add3A_330 = arith.addf %mul3A_325, %mul3A_329 : vector<8x1xf32>
      %add3A_331 = arith.addf %add3A_330, %get3A_7 : vector<8x1xf32>
      %slice3A_332 = vector.extract_strided_slice %tanh3A_319 {offsets = [1, 0], sizes = [7, 1], strides = [1, 1]} : vector<8x1xf32> to vector<7x1xf32>
      %slice3A_333 = vector.extract_strided_slice %tanh3A_319 {offsets = [0, 0], sizes = [1, 1], strides = [1, 1]} : vector<8x1xf32> to vector<1x1xf32>
      %concatenate3A_334 = tpu.concatenate %slice3A_332, %slice3A_333 in 0 : vector<7x1xf32>, vector<1x1xf32> -> vector<8x1xf32>
      %slice3A_335 = vector.extract_strided_slice %tanh3A_319 {offsets = [2, 0], sizes = [6, 1], strides = [1, 1]} : vector<8x1xf32> to vector<6x1xf32>
      %slice3A_336 = vector.extract_strided_slice %tanh3A_319 {offsets = [0, 0], sizes = [2, 1], strides = [1, 1]} : vector<8x1xf32> to vector<2x1xf32>
      %concatenate3A_337 = tpu.concatenate %slice3A_335, %slice3A_336 in 0 : vector<6x1xf32>, vector<2x1xf32> -> vector<8x1xf32>
      %slice3A_338 = vector.extract_strided_slice %tanh3A_319 {offsets = [3, 0], sizes = [5, 1], strides = [1, 1]} : vector<8x1xf32> to vector<5x1xf32>
      %slice3A_339 = vector.extract_strided_slice %tanh3A_319 {offsets = [0, 0], sizes = [3, 1], strides = [1, 1]} : vector<8x1xf32> to vector<3x1xf32>
      %concatenate3A_340 = tpu.concatenate %slice3A_338, %slice3A_339 in 0 : vector<5x1xf32>, vector<3x1xf32> -> vector<8x1xf32>
      %mul3A_341 = arith.mulf %get3A_10, %tanh3A_319 : vector<8x1xf32>
      %add3A_342 = arith.addf %add3A_331, %mul3A_341 : vector<8x1xf32>
      %mul3A_343 = arith.mulf %get3A_13, %concatenate3A_334 : vector<8x1xf32>
      %mul3A_344 = arith.mulf %get3A_16, %concatenate3A_337 : vector<8x1xf32>
      %add3A_345 = arith.addf %mul3A_343, %mul3A_344 : vector<8x1xf32>
      %add3A_346 = arith.addf %add3A_342, %add3A_345 : vector<8x1xf32>
      %mul3A_347 = arith.mulf %get3A_19, %concatenate3A_340 : vector<8x1xf32>
      %add3A_348 = arith.addf %add3A_346, %mul3A_347 : vector<8x1xf32>
      %tanh3A_349 = math.tanh %add3A_348 : vector<8x1xf32>
      %add3A_350 = arith.constant 10 : i32
      %add3A_351 = arith.addi %mul3A_52, %add3A_350 : i32
      %get3A_352 = arith.index_cast %add3A_351 : i32 to index
      %get3A_353 = memref.load %arg0[%get3A_352] : memref<20000xf32, #tpu.memory_space<smem>>
      %mul3A_354 = vector.broadcast %get3A_353 : f32 to vector<8x1xf32>
      %mul3A_355 = arith.mulf %mul3A_354, %get3A_1 : vector<8x1xf32>
      %get3A_356 = arith.index_cast %add3A_351 : i32 to index
      %get3A_357 = memref.load %arg1[%get3A_356] : memref<20000xf32, #tpu.memory_space<smem>>
      %mul3A_358 = vector.broadcast %get3A_357 : f32 to vector<8x1xf32>
      %mul3A_359 = arith.mulf %mul3A_358, %get3A_4 : vector<8x1xf32>
      %add3A_360 = arith.addf %mul3A_355, %mul3A_359 : vector<8x1xf32>
      %add3A_361 = arith.addf %add3A_360, %get3A_7 : vector<8x1xf32>
      %slice3A_362 = vector.extract_strided_slice %tanh3A_349 {offsets = [1, 0], sizes = [7, 1], strides = [1, 1]} : vector<8x1xf32> to vector<7x1xf32>
      %slice3A_363 = vector.extract_strided_slice %tanh3A_349 {offsets = [0, 0], sizes = [1, 1], strides = [1, 1]} : vector<8x1xf32> to vector<1x1xf32>
      %concatenate3A_364 = tpu.concatenate %slice3A_362, %slice3A_363 in 0 : vector<7x1xf32>, vector<1x1xf32> -> vector<8x1xf32>
      %slice3A_365 = vector.extract_strided_slice %tanh3A_349 {offsets = [2, 0], sizes = [6, 1], strides = [1, 1]} : vector<8x1xf32> to vector<6x1xf32>
      %slice3A_366 = vector.extract_strided_slice %tanh3A_349 {offsets = [0, 0], sizes = [2, 1], strides = [1, 1]} : vector<8x1xf32> to vector<2x1xf32>
      %concatenate3A_367 = tpu.concatenate %slice3A_365, %slice3A_366 in 0 : vector<6x1xf32>, vector<2x1xf32> -> vector<8x1xf32>
      %slice3A_368 = vector.extract_strided_slice %tanh3A_349 {offsets = [3, 0], sizes = [5, 1], strides = [1, 1]} : vector<8x1xf32> to vector<5x1xf32>
      %slice3A_369 = vector.extract_strided_slice %tanh3A_349 {offsets = [0, 0], sizes = [3, 1], strides = [1, 1]} : vector<8x1xf32> to vector<3x1xf32>
      %concatenate3A_370 = tpu.concatenate %slice3A_368, %slice3A_369 in 0 : vector<5x1xf32>, vector<3x1xf32> -> vector<8x1xf32>
      %mul3A_371 = arith.mulf %get3A_10, %tanh3A_349 : vector<8x1xf32>
      %add3A_372 = arith.addf %add3A_361, %mul3A_371 : vector<8x1xf32>
      %mul3A_373 = arith.mulf %get3A_13, %concatenate3A_364 : vector<8x1xf32>
      %mul3A_374 = arith.mulf %get3A_16, %concatenate3A_367 : vector<8x1xf32>
      %add3A_375 = arith.addf %mul3A_373, %mul3A_374 : vector<8x1xf32>
      %add3A_376 = arith.addf %add3A_372, %add3A_375 : vector<8x1xf32>
      %mul3A_377 = arith.mulf %get3A_19, %concatenate3A_370 : vector<8x1xf32>
      %add3A_378 = arith.addf %add3A_376, %mul3A_377 : vector<8x1xf32>
      %tanh3A_379 = math.tanh %add3A_378 : vector<8x1xf32>
      %add3A_380 = arith.constant 11 : i32
      %add3A_381 = arith.addi %mul3A_52, %add3A_380 : i32
      %get3A_382 = arith.index_cast %add3A_381 : i32 to index
      %get3A_383 = memref.load %arg0[%get3A_382] : memref<20000xf32, #tpu.memory_space<smem>>
      %mul3A_384 = vector.broadcast %get3A_383 : f32 to vector<8x1xf32>
      %mul3A_385 = arith.mulf %mul3A_384, %get3A_1 : vector<8x1xf32>
      %get3A_386 = arith.index_cast %add3A_381 : i32 to index
      %get3A_387 = memref.load %arg1[%get3A_386] : memref<20000xf32, #tpu.memory_space<smem>>
      %mul3A_388 = vector.broadcast %get3A_387 : f32 to vector<8x1xf32>
      %mul3A_389 = arith.mulf %mul3A_388, %get3A_4 : vector<8x1xf32>
      %add3A_390 = arith.addf %mul3A_385, %mul3A_389 : vector<8x1xf32>
      %add3A_391 = arith.addf %add3A_390, %get3A_7 : vector<8x1xf32>
      %slice3A_392 = vector.extract_strided_slice %tanh3A_379 {offsets = [1, 0], sizes = [7, 1], strides = [1, 1]} : vector<8x1xf32> to vector<7x1xf32>
      %slice3A_393 = vector.extract_strided_slice %tanh3A_379 {offsets = [0, 0], sizes = [1, 1], strides = [1, 1]} : vector<8x1xf32> to vector<1x1xf32>
      %concatenate3A_394 = tpu.concatenate %slice3A_392, %slice3A_393 in 0 : vector<7x1xf32>, vector<1x1xf32> -> vector<8x1xf32>
      %slice3A_395 = vector.extract_strided_slice %tanh3A_379 {offsets = [2, 0], sizes = [6, 1], strides = [1, 1]} : vector<8x1xf32> to vector<6x1xf32>
      %slice3A_396 = vector.extract_strided_slice %tanh3A_379 {offsets = [0, 0], sizes = [2, 1], strides = [1, 1]} : vector<8x1xf32> to vector<2x1xf32>
      %concatenate3A_397 = tpu.concatenate %slice3A_395, %slice3A_396 in 0 : vector<6x1xf32>, vector<2x1xf32> -> vector<8x1xf32>
      %slice3A_398 = vector.extract_strided_slice %tanh3A_379 {offsets = [3, 0], sizes = [5, 1], strides = [1, 1]} : vector<8x1xf32> to vector<5x1xf32>
      %slice3A_399 = vector.extract_strided_slice %tanh3A_379 {offsets = [0, 0], sizes = [3, 1], strides = [1, 1]} : vector<8x1xf32> to vector<3x1xf32>
      %concatenate3A_400 = tpu.concatenate %slice3A_398, %slice3A_399 in 0 : vector<5x1xf32>, vector<3x1xf32> -> vector<8x1xf32>
      %mul3A_401 = arith.mulf %get3A_10, %tanh3A_379 : vector<8x1xf32>
      %add3A_402 = arith.addf %add3A_391, %mul3A_401 : vector<8x1xf32>
      %mul3A_403 = arith.mulf %get3A_13, %concatenate3A_394 : vector<8x1xf32>
      %mul3A_404 = arith.mulf %get3A_16, %concatenate3A_397 : vector<8x1xf32>
      %add3A_405 = arith.addf %mul3A_403, %mul3A_404 : vector<8x1xf32>
      %add3A_406 = arith.addf %add3A_402, %add3A_405 : vector<8x1xf32>
      %mul3A_407 = arith.mulf %get3A_19, %concatenate3A_400 : vector<8x1xf32>
      %add3A_408 = arith.addf %add3A_406, %mul3A_407 : vector<8x1xf32>
      %tanh3A_409 = math.tanh %add3A_408 : vector<8x1xf32>
      %add3A_410 = arith.constant 12 : i32
      %add3A_411 = arith.addi %mul3A_52, %add3A_410 : i32
      %get3A_412 = arith.index_cast %add3A_411 : i32 to index
      %get3A_413 = memref.load %arg0[%get3A_412] : memref<20000xf32, #tpu.memory_space<smem>>
      %mul3A_414 = vector.broadcast %get3A_413 : f32 to vector<8x1xf32>
      %mul3A_415 = arith.mulf %mul3A_414, %get3A_1 : vector<8x1xf32>
      %get3A_416 = arith.index_cast %add3A_411 : i32 to index
      %get3A_417 = memref.load %arg1[%get3A_416] : memref<20000xf32, #tpu.memory_space<smem>>
      %mul3A_418 = vector.broadcast %get3A_417 : f32 to vector<8x1xf32>
      %mul3A_419 = arith.mulf %mul3A_418, %get3A_4 : vector<8x1xf32>
      %add3A_420 = arith.addf %mul3A_415, %mul3A_419 : vector<8x1xf32>
      %add3A_421 = arith.addf %add3A_420, %get3A_7 : vector<8x1xf32>
      %slice3A_422 = vector.extract_strided_slice %tanh3A_409 {offsets = [1, 0], sizes = [7, 1], strides = [1, 1]} : vector<8x1xf32> to vector<7x1xf32>
      %slice3A_423 = vector.extract_strided_slice %tanh3A_409 {offsets = [0, 0], sizes = [1, 1], strides = [1, 1]} : vector<8x1xf32> to vector<1x1xf32>
      %concatenate3A_424 = tpu.concatenate %slice3A_422, %slice3A_423 in 0 : vector<7x1xf32>, vector<1x1xf32> -> vector<8x1xf32>
      %slice3A_425 = vector.extract_strided_slice %tanh3A_409 {offsets = [2, 0], sizes = [6, 1], strides = [1, 1]} : vector<8x1xf32> to vector<6x1xf32>
      %slice3A_426 = vector.extract_strided_slice %tanh3A_409 {offsets = [0, 0], sizes = [2, 1], strides = [1, 1]} : vector<8x1xf32> to vector<2x1xf32>
      %concatenate3A_427 = tpu.concatenate %slice3A_425, %slice3A_426 in 0 : vector<6x1xf32>, vector<2x1xf32> -> vector<8x1xf32>
      %slice3A_428 = vector.extract_strided_slice %tanh3A_409 {offsets = [3, 0], sizes = [5, 1], strides = [1, 1]} : vector<8x1xf32> to vector<5x1xf32>
      %slice3A_429 = vector.extract_strided_slice %tanh3A_409 {offsets = [0, 0], sizes = [3, 1], strides = [1, 1]} : vector<8x1xf32> to vector<3x1xf32>
      %concatenate3A_430 = tpu.concatenate %slice3A_428, %slice3A_429 in 0 : vector<5x1xf32>, vector<3x1xf32> -> vector<8x1xf32>
      %mul3A_431 = arith.mulf %get3A_10, %tanh3A_409 : vector<8x1xf32>
      %add3A_432 = arith.addf %add3A_421, %mul3A_431 : vector<8x1xf32>
      %mul3A_433 = arith.mulf %get3A_13, %concatenate3A_424 : vector<8x1xf32>
      %mul3A_434 = arith.mulf %get3A_16, %concatenate3A_427 : vector<8x1xf32>
      %add3A_435 = arith.addf %mul3A_433, %mul3A_434 : vector<8x1xf32>
      %add3A_436 = arith.addf %add3A_432, %add3A_435 : vector<8x1xf32>
      %mul3A_437 = arith.mulf %get3A_19, %concatenate3A_430 : vector<8x1xf32>
      %add3A_438 = arith.addf %add3A_436, %mul3A_437 : vector<8x1xf32>
      %tanh3A_439 = math.tanh %add3A_438 : vector<8x1xf32>
      %add3A_440 = arith.constant 13 : i32
      %add3A_441 = arith.addi %mul3A_52, %add3A_440 : i32
      %get3A_442 = arith.index_cast %add3A_441 : i32 to index
      %get3A_443 = memref.load %arg0[%get3A_442] : memref<20000xf32, #tpu.memory_space<smem>>
      %mul3A_444 = vector.broadcast %get3A_443 : f32 to vector<8x1xf32>
      %mul3A_445 = arith.mulf %mul3A_444, %get3A_1 : vector<8x1xf32>
      %get3A_446 = arith.index_cast %add3A_441 : i32 to index
      %get3A_447 = memref.load %arg1[%get3A_446] : memref<20000xf32, #tpu.memory_space<smem>>
      %mul3A_448 = vector.broadcast %get3A_447 : f32 to vector<8x1xf32>
      %mul3A_449 = arith.mulf %mul3A_448, %get3A_4 : vector<8x1xf32>
      %add3A_450 = arith.addf %mul3A_445, %mul3A_449 : vector<8x1xf32>
      %add3A_451 = arith.addf %add3A_450, %get3A_7 : vector<8x1xf32>
      %slice3A_452 = vector.extract_strided_slice %tanh3A_439 {offsets = [1, 0], sizes = [7, 1], strides = [1, 1]} : vector<8x1xf32> to vector<7x1xf32>
      %slice3A_453 = vector.extract_strided_slice %tanh3A_439 {offsets = [0, 0], sizes = [1, 1], strides = [1, 1]} : vector<8x1xf32> to vector<1x1xf32>
      %concatenate3A_454 = tpu.concatenate %slice3A_452, %slice3A_453 in 0 : vector<7x1xf32>, vector<1x1xf32> -> vector<8x1xf32>
      %slice3A_455 = vector.extract_strided_slice %tanh3A_439 {offsets = [2, 0], sizes = [6, 1], strides = [1, 1]} : vector<8x1xf32> to vector<6x1xf32>
      %slice3A_456 = vector.extract_strided_slice %tanh3A_439 {offsets = [0, 0], sizes = [2, 1], strides = [1, 1]} : vector<8x1xf32> to vector<2x1xf32>
      %concatenate3A_457 = tpu.concatenate %slice3A_455, %slice3A_456 in 0 : vector<6x1xf32>, vector<2x1xf32> -> vector<8x1xf32>
      %slice3A_458 = vector.extract_strided_slice %tanh3A_439 {offsets = [3, 0], sizes = [5, 1], strides = [1, 1]} : vector<8x1xf32> to vector<5x1xf32>
      %slice3A_459 = vector.extract_strided_slice %tanh3A_439 {offsets = [0, 0], sizes = [3, 1], strides = [1, 1]} : vector<8x1xf32> to vector<3x1xf32>
      %concatenate3A_460 = tpu.concatenate %slice3A_458, %slice3A_459 in 0 : vector<5x1xf32>, vector<3x1xf32> -> vector<8x1xf32>
      %mul3A_461 = arith.mulf %get3A_10, %tanh3A_439 : vector<8x1xf32>
      %add3A_462 = arith.addf %add3A_451, %mul3A_461 : vector<8x1xf32>
      %mul3A_463 = arith.mulf %get3A_13, %concatenate3A_454 : vector<8x1xf32>
      %mul3A_464 = arith.mulf %get3A_16, %concatenate3A_457 : vector<8x1xf32>
      %add3A_465 = arith.addf %mul3A_463, %mul3A_464 : vector<8x1xf32>
      %add3A_466 = arith.addf %add3A_462, %add3A_465 : vector<8x1xf32>
      %mul3A_467 = arith.mulf %get3A_19, %concatenate3A_460 : vector<8x1xf32>
      %add3A_468 = arith.addf %add3A_466, %mul3A_467 : vector<8x1xf32>
      %tanh3A_469 = math.tanh %add3A_468 : vector<8x1xf32>
      %add3A_470 = arith.constant 14 : i32
      %add3A_471 = arith.addi %mul3A_52, %add3A_470 : i32
      %get3A_472 = arith.index_cast %add3A_471 : i32 to index
      %get3A_473 = memref.load %arg0[%get3A_472] : memref<20000xf32, #tpu.memory_space<smem>>
      %mul3A_474 = vector.broadcast %get3A_473 : f32 to vector<8x1xf32>
      %mul3A_475 = arith.mulf %mul3A_474, %get3A_1 : vector<8x1xf32>
      %get3A_476 = arith.index_cast %add3A_471 : i32 to index
      %get3A_477 = memref.load %arg1[%get3A_476] : memref<20000xf32, #tpu.memory_space<smem>>
      %mul3A_478 = vector.broadcast %get3A_477 : f32 to vector<8x1xf32>
      %mul3A_479 = arith.mulf %mul3A_478, %get3A_4 : vector<8x1xf32>
      %add3A_480 = arith.addf %mul3A_475, %mul3A_479 : vector<8x1xf32>
      %add3A_481 = arith.addf %add3A_480, %get3A_7 : vector<8x1xf32>
      %slice3A_482 = vector.extract_strided_slice %tanh3A_469 {offsets = [1, 0], sizes = [7, 1], strides = [1, 1]} : vector<8x1xf32> to vector<7x1xf32>
      %slice3A_483 = vector.extract_strided_slice %tanh3A_469 {offsets = [0, 0], sizes = [1, 1], strides = [1, 1]} : vector<8x1xf32> to vector<1x1xf32>
      %concatenate3A_484 = tpu.concatenate %slice3A_482, %slice3A_483 in 0 : vector<7x1xf32>, vector<1x1xf32> -> vector<8x1xf32>
      %slice3A_485 = vector.extract_strided_slice %tanh3A_469 {offsets = [2, 0], sizes = [6, 1], strides = [1, 1]} : vector<8x1xf32> to vector<6x1xf32>
      %slice3A_486 = vector.extract_strided_slice %tanh3A_469 {offsets = [0, 0], sizes = [2, 1], strides = [1, 1]} : vector<8x1xf32> to vector<2x1xf32>
      %concatenate3A_487 = tpu.concatenate %slice3A_485, %slice3A_486 in 0 : vector<6x1xf32>, vector<2x1xf32> -> vector<8x1xf32>
      %slice3A_488 = vector.extract_strided_slice %tanh3A_469 {offsets = [3, 0], sizes = [5, 1], strides = [1, 1]} : vector<8x1xf32> to vector<5x1xf32>
      %slice3A_489 = vector.extract_strided_slice %tanh3A_469 {offsets = [0, 0], sizes = [3, 1], strides = [1, 1]} : vector<8x1xf32> to vector<3x1xf32>
      %concatenate3A_490 = tpu.concatenate %slice3A_488, %slice3A_489 in 0 : vector<5x1xf32>, vector<3x1xf32> -> vector<8x1xf32>
      %mul3A_491 = arith.mulf %get3A_10, %tanh3A_469 : vector<8x1xf32>
      %add3A_492 = arith.addf %add3A_481, %mul3A_491 : vector<8x1xf32>
      %mul3A_493 = arith.mulf %get3A_13, %concatenate3A_484 : vector<8x1xf32>
      %mul3A_494 = arith.mulf %get3A_16, %concatenate3A_487 : vector<8x1xf32>
      %add3A_495 = arith.addf %mul3A_493, %mul3A_494 : vector<8x1xf32>
      %add3A_496 = arith.addf %add3A_492, %add3A_495 : vector<8x1xf32>
      %mul3A_497 = arith.mulf %get3A_19, %concatenate3A_490 : vector<8x1xf32>
      %add3A_498 = arith.addf %add3A_496, %mul3A_497 : vector<8x1xf32>
      %tanh3A_499 = math.tanh %add3A_498 : vector<8x1xf32>
      %add3A_500 = arith.constant 15 : i32
      %add3A_501 = arith.addi %mul3A_52, %add3A_500 : i32
      %get3A_502 = arith.index_cast %add3A_501 : i32 to index
      %get3A_503 = memref.load %arg0[%get3A_502] : memref<20000xf32, #tpu.memory_space<smem>>
      %mul3A_504 = vector.broadcast %get3A_503 : f32 to vector<8x1xf32>
      %mul3A_505 = arith.mulf %mul3A_504, %get3A_1 : vector<8x1xf32>
      %get3A_506 = arith.index_cast %add3A_501 : i32 to index
      %get3A_507 = memref.load %arg1[%get3A_506] : memref<20000xf32, #tpu.memory_space<smem>>
      %mul3A_508 = vector.broadcast %get3A_507 : f32 to vector<8x1xf32>
      %mul3A_509 = arith.mulf %mul3A_508, %get3A_4 : vector<8x1xf32>
      %add3A_510 = arith.addf %mul3A_505, %mul3A_509 : vector<8x1xf32>
      %add3A_511 = arith.addf %add3A_510, %get3A_7 : vector<8x1xf32>
      %slice3A_512 = vector.extract_strided_slice %tanh3A_499 {offsets = [1, 0], sizes = [7, 1], strides = [1, 1]} : vector<8x1xf32> to vector<7x1xf32>
      %slice3A_513 = vector.extract_strided_slice %tanh3A_499 {offsets = [0, 0], sizes = [1, 1], strides = [1, 1]} : vector<8x1xf32> to vector<1x1xf32>
      %concatenate3A_514 = tpu.concatenate %slice3A_512, %slice3A_513 in 0 : vector<7x1xf32>, vector<1x1xf32> -> vector<8x1xf32>
      %slice3A_515 = vector.extract_strided_slice %tanh3A_499 {offsets = [2, 0], sizes = [6, 1], strides = [1, 1]} : vector<8x1xf32> to vector<6x1xf32>
      %slice3A_516 = vector.extract_strided_slice %tanh3A_499 {offsets = [0, 0], sizes = [2, 1], strides = [1, 1]} : vector<8x1xf32> to vector<2x1xf32>
      %concatenate3A_517 = tpu.concatenate %slice3A_515, %slice3A_516 in 0 : vector<6x1xf32>, vector<2x1xf32> -> vector<8x1xf32>
      %slice3A_518 = vector.extract_strided_slice %tanh3A_499 {offsets = [3, 0], sizes = [5, 1], strides = [1, 1]} : vector<8x1xf32> to vector<5x1xf32>
      %slice3A_519 = vector.extract_strided_slice %tanh3A_499 {offsets = [0, 0], sizes = [3, 1], strides = [1, 1]} : vector<8x1xf32> to vector<3x1xf32>
      %concatenate3A_520 = tpu.concatenate %slice3A_518, %slice3A_519 in 0 : vector<5x1xf32>, vector<3x1xf32> -> vector<8x1xf32>
      %mul3A_521 = arith.mulf %get3A_10, %tanh3A_499 : vector<8x1xf32>
      %add3A_522 = arith.addf %add3A_511, %mul3A_521 : vector<8x1xf32>
      %mul3A_523 = arith.mulf %get3A_13, %concatenate3A_514 : vector<8x1xf32>
      %mul3A_524 = arith.mulf %get3A_16, %concatenate3A_517 : vector<8x1xf32>
      %add3A_525 = arith.addf %mul3A_523, %mul3A_524 : vector<8x1xf32>
      %add3A_526 = arith.addf %add3A_522, %add3A_525 : vector<8x1xf32>
      %mul3A_527 = arith.mulf %get3A_19, %concatenate3A_520 : vector<8x1xf32>
      %add3A_528 = arith.addf %add3A_526, %mul3A_527 : vector<8x1xf32>
      %tanh3A_529 = math.tanh %add3A_528 : vector<8x1xf32>
      %add3A_530 = arith.constant 16 : i32
      %add3A_531 = arith.addi %mul3A_52, %add3A_530 : i32
      %get3A_532 = arith.index_cast %add3A_531 : i32 to index
      %get3A_533 = memref.load %arg0[%get3A_532] : memref<20000xf32, #tpu.memory_space<smem>>
      %mul3A_534 = vector.broadcast %get3A_533 : f32 to vector<8x1xf32>
      %mul3A_535 = arith.mulf %mul3A_534, %get3A_1 : vector<8x1xf32>
      %get3A_536 = arith.index_cast %add3A_531 : i32 to index
      %get3A_537 = memref.load %arg1[%get3A_536] : memref<20000xf32, #tpu.memory_space<smem>>
      %mul3A_538 = vector.broadcast %get3A_537 : f32 to vector<8x1xf32>
      %mul3A_539 = arith.mulf %mul3A_538, %get3A_4 : vector<8x1xf32>
      %add3A_540 = arith.addf %mul3A_535, %mul3A_539 : vector<8x1xf32>
      %add3A_541 = arith.addf %add3A_540, %get3A_7 : vector<8x1xf32>
      %slice3A_542 = vector.extract_strided_slice %tanh3A_529 {offsets = [1, 0], sizes = [7, 1], strides = [1, 1]} : vector<8x1xf32> to vector<7x1xf32>
      %slice3A_543 = vector.extract_strided_slice %tanh3A_529 {offsets = [0, 0], sizes = [1, 1], strides = [1, 1]} : vector<8x1xf32> to vector<1x1xf32>
      %concatenate3A_544 = tpu.concatenate %slice3A_542, %slice3A_543 in 0 : vector<7x1xf32>, vector<1x1xf32> -> vector<8x1xf32>
      %slice3A_545 = vector.extract_strided_slice %tanh3A_529 {offsets = [2, 0], sizes = [6, 1], strides = [1, 1]} : vector<8x1xf32> to vector<6x1xf32>
      %slice3A_546 = vector.extract_strided_slice %tanh3A_529 {offsets = [0, 0], sizes = [2, 1], strides = [1, 1]} : vector<8x1xf32> to vector<2x1xf32>
      %concatenate3A_547 = tpu.concatenate %slice3A_545, %slice3A_546 in 0 : vector<6x1xf32>, vector<2x1xf32> -> vector<8x1xf32>
      %slice3A_548 = vector.extract_strided_slice %tanh3A_529 {offsets = [3, 0], sizes = [5, 1], strides = [1, 1]} : vector<8x1xf32> to vector<5x1xf32>
      %slice3A_549 = vector.extract_strided_slice %tanh3A_529 {offsets = [0, 0], sizes = [3, 1], strides = [1, 1]} : vector<8x1xf32> to vector<3x1xf32>
      %concatenate3A_550 = tpu.concatenate %slice3A_548, %slice3A_549 in 0 : vector<5x1xf32>, vector<3x1xf32> -> vector<8x1xf32>
      %mul3A_551 = arith.mulf %get3A_10, %tanh3A_529 : vector<8x1xf32>
      %add3A_552 = arith.addf %add3A_541, %mul3A_551 : vector<8x1xf32>
      %mul3A_553 = arith.mulf %get3A_13, %concatenate3A_544 : vector<8x1xf32>
      %mul3A_554 = arith.mulf %get3A_16, %concatenate3A_547 : vector<8x1xf32>
      %add3A_555 = arith.addf %mul3A_553, %mul3A_554 : vector<8x1xf32>
      %add3A_556 = arith.addf %add3A_552, %add3A_555 : vector<8x1xf32>
      %mul3A_557 = arith.mulf %get3A_19, %concatenate3A_550 : vector<8x1xf32>
      %add3A_558 = arith.addf %add3A_556, %mul3A_557 : vector<8x1xf32>
      %tanh3A_559 = math.tanh %add3A_558 : vector<8x1xf32>
      %add3A_560 = arith.constant 17 : i32
      %add3A_561 = arith.addi %mul3A_52, %add3A_560 : i32
      %get3A_562 = arith.index_cast %add3A_561 : i32 to index
      %get3A_563 = memref.load %arg0[%get3A_562] : memref<20000xf32, #tpu.memory_space<smem>>
      %mul3A_564 = vector.broadcast %get3A_563 : f32 to vector<8x1xf32>
      %mul3A_565 = arith.mulf %mul3A_564, %get3A_1 : vector<8x1xf32>
      %get3A_566 = arith.index_cast %add3A_561 : i32 to index
      %get3A_567 = memref.load %arg1[%get3A_566] : memref<20000xf32, #tpu.memory_space<smem>>
      %mul3A_568 = vector.broadcast %get3A_567 : f32 to vector<8x1xf32>
      %mul3A_569 = arith.mulf %mul3A_568, %get3A_4 : vector<8x1xf32>
      %add3A_570 = arith.addf %mul3A_565, %mul3A_569 : vector<8x1xf32>
      %add3A_571 = arith.addf %add3A_570, %get3A_7 : vector<8x1xf32>
      %slice3A_572 = vector.extract_strided_slice %tanh3A_559 {offsets = [1, 0], sizes = [7, 1], strides = [1, 1]} : vector<8x1xf32> to vector<7x1xf32>
      %slice3A_573 = vector.extract_strided_slice %tanh3A_559 {offsets = [0, 0], sizes = [1, 1], strides = [1, 1]} : vector<8x1xf32> to vector<1x1xf32>
      %concatenate3A_574 = tpu.concatenate %slice3A_572, %slice3A_573 in 0 : vector<7x1xf32>, vector<1x1xf32> -> vector<8x1xf32>
      %slice3A_575 = vector.extract_strided_slice %tanh3A_559 {offsets = [2, 0], sizes = [6, 1], strides = [1, 1]} : vector<8x1xf32> to vector<6x1xf32>
      %slice3A_576 = vector.extract_strided_slice %tanh3A_559 {offsets = [0, 0], sizes = [2, 1], strides = [1, 1]} : vector<8x1xf32> to vector<2x1xf32>
      %concatenate3A_577 = tpu.concatenate %slice3A_575, %slice3A_576 in 0 : vector<6x1xf32>, vector<2x1xf32> -> vector<8x1xf32>
      %slice3A_578 = vector.extract_strided_slice %tanh3A_559 {offsets = [3, 0], sizes = [5, 1], strides = [1, 1]} : vector<8x1xf32> to vector<5x1xf32>
      %slice3A_579 = vector.extract_strided_slice %tanh3A_559 {offsets = [0, 0], sizes = [3, 1], strides = [1, 1]} : vector<8x1xf32> to vector<3x1xf32>
      %concatenate3A_580 = tpu.concatenate %slice3A_578, %slice3A_579 in 0 : vector<5x1xf32>, vector<3x1xf32> -> vector<8x1xf32>
      %mul3A_581 = arith.mulf %get3A_10, %tanh3A_559 : vector<8x1xf32>
      %add3A_582 = arith.addf %add3A_571, %mul3A_581 : vector<8x1xf32>
      %mul3A_583 = arith.mulf %get3A_13, %concatenate3A_574 : vector<8x1xf32>
      %mul3A_584 = arith.mulf %get3A_16, %concatenate3A_577 : vector<8x1xf32>
      %add3A_585 = arith.addf %mul3A_583, %mul3A_584 : vector<8x1xf32>
      %add3A_586 = arith.addf %add3A_582, %add3A_585 : vector<8x1xf32>
      %mul3A_587 = arith.mulf %get3A_19, %concatenate3A_580 : vector<8x1xf32>
      %add3A_588 = arith.addf %add3A_586, %mul3A_587 : vector<8x1xf32>
      %tanh3A_589 = math.tanh %add3A_588 : vector<8x1xf32>
      %add3A_590 = arith.constant 18 : i32
      %add3A_591 = arith.addi %mul3A_52, %add3A_590 : i32
      %get3A_592 = arith.index_cast %add3A_591 : i32 to index
      %get3A_593 = memref.load %arg0[%get3A_592] : memref<20000xf32, #tpu.memory_space<smem>>
      %mul3A_594 = vector.broadcast %get3A_593 : f32 to vector<8x1xf32>
      %mul3A_595 = arith.mulf %mul3A_594, %get3A_1 : vector<8x1xf32>
      %get3A_596 = arith.index_cast %add3A_591 : i32 to index
      %get3A_597 = memref.load %arg1[%get3A_596] : memref<20000xf32, #tpu.memory_space<smem>>
      %mul3A_598 = vector.broadcast %get3A_597 : f32 to vector<8x1xf32>
      %mul3A_599 = arith.mulf %mul3A_598, %get3A_4 : vector<8x1xf32>
      %add3A_600 = arith.addf %mul3A_595, %mul3A_599 : vector<8x1xf32>
      %add3A_601 = arith.addf %add3A_600, %get3A_7 : vector<8x1xf32>
      %slice3A_602 = vector.extract_strided_slice %tanh3A_589 {offsets = [1, 0], sizes = [7, 1], strides = [1, 1]} : vector<8x1xf32> to vector<7x1xf32>
      %slice3A_603 = vector.extract_strided_slice %tanh3A_589 {offsets = [0, 0], sizes = [1, 1], strides = [1, 1]} : vector<8x1xf32> to vector<1x1xf32>
      %concatenate3A_604 = tpu.concatenate %slice3A_602, %slice3A_603 in 0 : vector<7x1xf32>, vector<1x1xf32> -> vector<8x1xf32>
      %slice3A_605 = vector.extract_strided_slice %tanh3A_589 {offsets = [2, 0], sizes = [6, 1], strides = [1, 1]} : vector<8x1xf32> to vector<6x1xf32>
      %slice3A_606 = vector.extract_strided_slice %tanh3A_589 {offsets = [0, 0], sizes = [2, 1], strides = [1, 1]} : vector<8x1xf32> to vector<2x1xf32>
      %concatenate3A_607 = tpu.concatenate %slice3A_605, %slice3A_606 in 0 : vector<6x1xf32>, vector<2x1xf32> -> vector<8x1xf32>
      %slice3A_608 = vector.extract_strided_slice %tanh3A_589 {offsets = [3, 0], sizes = [5, 1], strides = [1, 1]} : vector<8x1xf32> to vector<5x1xf32>
      %slice3A_609 = vector.extract_strided_slice %tanh3A_589 {offsets = [0, 0], sizes = [3, 1], strides = [1, 1]} : vector<8x1xf32> to vector<3x1xf32>
      %concatenate3A_610 = tpu.concatenate %slice3A_608, %slice3A_609 in 0 : vector<5x1xf32>, vector<3x1xf32> -> vector<8x1xf32>
      %mul3A_611 = arith.mulf %get3A_10, %tanh3A_589 : vector<8x1xf32>
      %add3A_612 = arith.addf %add3A_601, %mul3A_611 : vector<8x1xf32>
      %mul3A_613 = arith.mulf %get3A_13, %concatenate3A_604 : vector<8x1xf32>
      %mul3A_614 = arith.mulf %get3A_16, %concatenate3A_607 : vector<8x1xf32>
      %add3A_615 = arith.addf %mul3A_613, %mul3A_614 : vector<8x1xf32>
      %add3A_616 = arith.addf %add3A_612, %add3A_615 : vector<8x1xf32>
      %mul3A_617 = arith.mulf %get3A_19, %concatenate3A_610 : vector<8x1xf32>
      %add3A_618 = arith.addf %add3A_616, %mul3A_617 : vector<8x1xf32>
      %tanh3A_619 = math.tanh %add3A_618 : vector<8x1xf32>
      %add3A_620 = arith.constant 19 : i32
      %add3A_621 = arith.addi %mul3A_52, %add3A_620 : i32
      %get3A_622 = arith.index_cast %add3A_621 : i32 to index
      %get3A_623 = memref.load %arg0[%get3A_622] : memref<20000xf32, #tpu.memory_space<smem>>
      %mul3A_624 = vector.broadcast %get3A_623 : f32 to vector<8x1xf32>
      %mul3A_625 = arith.mulf %mul3A_624, %get3A_1 : vector<8x1xf32>
      %get3A_626 = arith.index_cast %add3A_621 : i32 to index
      %get3A_627 = memref.load %arg1[%get3A_626] : memref<20000xf32, #tpu.memory_space<smem>>
      %mul3A_628 = vector.broadcast %get3A_627 : f32 to vector<8x1xf32>
      %mul3A_629 = arith.mulf %mul3A_628, %get3A_4 : vector<8x1xf32>
      %add3A_630 = arith.addf %mul3A_625, %mul3A_629 : vector<8x1xf32>
      %add3A_631 = arith.addf %add3A_630, %get3A_7 : vector<8x1xf32>
      %slice3A_632 = vector.extract_strided_slice %tanh3A_619 {offsets = [1, 0], sizes = [7, 1], strides = [1, 1]} : vector<8x1xf32> to vector<7x1xf32>
      %slice3A_633 = vector.extract_strided_slice %tanh3A_619 {offsets = [0, 0], sizes = [1, 1], strides = [1, 1]} : vector<8x1xf32> to vector<1x1xf32>
      %concatenate3A_634 = tpu.concatenate %slice3A_632, %slice3A_633 in 0 : vector<7x1xf32>, vector<1x1xf32> -> vector<8x1xf32>
      %slice3A_635 = vector.extract_strided_slice %tanh3A_619 {offsets = [2, 0], sizes = [6, 1], strides = [1, 1]} : vector<8x1xf32> to vector<6x1xf32>
      %slice3A_636 = vector.extract_strided_slice %tanh3A_619 {offsets = [0, 0], sizes = [2, 1], strides = [1, 1]} : vector<8x1xf32> to vector<2x1xf32>
      %concatenate3A_637 = tpu.concatenate %slice3A_635, %slice3A_636 in 0 : vector<6x1xf32>, vector<2x1xf32> -> vector<8x1xf32>
      %slice3A_638 = vector.extract_strided_slice %tanh3A_619 {offsets = [3, 0], sizes = [5, 1], strides = [1, 1]} : vector<8x1xf32> to vector<5x1xf32>
      %slice3A_639 = vector.extract_strided_slice %tanh3A_619 {offsets = [0, 0], sizes = [3, 1], strides = [1, 1]} : vector<8x1xf32> to vector<3x1xf32>
      %concatenate3A_640 = tpu.concatenate %slice3A_638, %slice3A_639 in 0 : vector<5x1xf32>, vector<3x1xf32> -> vector<8x1xf32>
      %mul3A_641 = arith.mulf %get3A_10, %tanh3A_619 : vector<8x1xf32>
      %add3A_642 = arith.addf %add3A_631, %mul3A_641 : vector<8x1xf32>
      %mul3A_643 = arith.mulf %get3A_13, %concatenate3A_634 : vector<8x1xf32>
      %mul3A_644 = arith.mulf %get3A_16, %concatenate3A_637 : vector<8x1xf32>
      %add3A_645 = arith.addf %mul3A_643, %mul3A_644 : vector<8x1xf32>
      %add3A_646 = arith.addf %add3A_642, %add3A_645 : vector<8x1xf32>
      %mul3A_647 = arith.mulf %get3A_19, %concatenate3A_640 : vector<8x1xf32>
      %add3A_648 = arith.addf %add3A_646, %mul3A_647 : vector<8x1xf32>
      %tanh3A_649 = math.tanh %add3A_648 : vector<8x1xf32>
      %add3A_650 = arith.constant 20 : i32
      %add3A_651 = arith.addi %mul3A_52, %add3A_650 : i32
      %get3A_652 = arith.index_cast %add3A_651 : i32 to index
      %get3A_653 = memref.load %arg0[%get3A_652] : memref<20000xf32, #tpu.memory_space<smem>>
      %mul3A_654 = vector.broadcast %get3A_653 : f32 to vector<8x1xf32>
      %mul3A_655 = arith.mulf %mul3A_654, %get3A_1 : vector<8x1xf32>
      %get3A_656 = arith.index_cast %add3A_651 : i32 to index
      %get3A_657 = memref.load %arg1[%get3A_656] : memref<20000xf32, #tpu.memory_space<smem>>
      %mul3A_658 = vector.broadcast %get3A_657 : f32 to vector<8x1xf32>
      %mul3A_659 = arith.mulf %mul3A_658, %get3A_4 : vector<8x1xf32>
      %add3A_660 = arith.addf %mul3A_655, %mul3A_659 : vector<8x1xf32>
      %add3A_661 = arith.addf %add3A_660, %get3A_7 : vector<8x1xf32>
      %slice3A_662 = vector.extract_strided_slice %tanh3A_649 {offsets = [1, 0], sizes = [7, 1], strides = [1, 1]} : vector<8x1xf32> to vector<7x1xf32>
      %slice3A_663 = vector.extract_strided_slice %tanh3A_649 {offsets = [0, 0], sizes = [1, 1], strides = [1, 1]} : vector<8x1xf32> to vector<1x1xf32>
      %concatenate3A_664 = tpu.concatenate %slice3A_662, %slice3A_663 in 0 : vector<7x1xf32>, vector<1x1xf32> -> vector<8x1xf32>
      %slice3A_665 = vector.extract_strided_slice %tanh3A_649 {offsets = [2, 0], sizes = [6, 1], strides = [1, 1]} : vector<8x1xf32> to vector<6x1xf32>
      %slice3A_666 = vector.extract_strided_slice %tanh3A_649 {offsets = [0, 0], sizes = [2, 1], strides = [1, 1]} : vector<8x1xf32> to vector<2x1xf32>
      %concatenate3A_667 = tpu.concatenate %slice3A_665, %slice3A_666 in 0 : vector<6x1xf32>, vector<2x1xf32> -> vector<8x1xf32>
      %slice3A_668 = vector.extract_strided_slice %tanh3A_649 {offsets = [3, 0], sizes = [5, 1], strides = [1, 1]} : vector<8x1xf32> to vector<5x1xf32>
      %slice3A_669 = vector.extract_strided_slice %tanh3A_649 {offsets = [0, 0], sizes = [3, 1], strides = [1, 1]} : vector<8x1xf32> to vector<3x1xf32>
      %concatenate3A_670 = tpu.concatenate %slice3A_668, %slice3A_669 in 0 : vector<5x1xf32>, vector<3x1xf32> -> vector<8x1xf32>
      %mul3A_671 = arith.mulf %get3A_10, %tanh3A_649 : vector<8x1xf32>
      %add3A_672 = arith.addf %add3A_661, %mul3A_671 : vector<8x1xf32>
      %mul3A_673 = arith.mulf %get3A_13, %concatenate3A_664 : vector<8x1xf32>
      %mul3A_674 = arith.mulf %get3A_16, %concatenate3A_667 : vector<8x1xf32>
      %add3A_675 = arith.addf %mul3A_673, %mul3A_674 : vector<8x1xf32>
      %add3A_676 = arith.addf %add3A_672, %add3A_675 : vector<8x1xf32>
      %mul3A_677 = arith.mulf %get3A_19, %concatenate3A_670 : vector<8x1xf32>
      %add3A_678 = arith.addf %add3A_676, %mul3A_677 : vector<8x1xf32>
      %tanh3A_679 = math.tanh %add3A_678 : vector<8x1xf32>
      %add3A_680 = arith.constant 21 : i32
      %add3A_681 = arith.addi %mul3A_52, %add3A_680 : i32
      %get3A_682 = arith.index_cast %add3A_681 : i32 to index
      %get3A_683 = memref.load %arg0[%get3A_682] : memref<20000xf32, #tpu.memory_space<smem>>
      %mul3A_684 = vector.broadcast %get3A_683 : f32 to vector<8x1xf32>
      %mul3A_685 = arith.mulf %mul3A_684, %get3A_1 : vector<8x1xf32>
      %get3A_686 = arith.index_cast %add3A_681 : i32 to index
      %get3A_687 = memref.load %arg1[%get3A_686] : memref<20000xf32, #tpu.memory_space<smem>>
      %mul3A_688 = vector.broadcast %get3A_687 : f32 to vector<8x1xf32>
      %mul3A_689 = arith.mulf %mul3A_688, %get3A_4 : vector<8x1xf32>
      %add3A_690 = arith.addf %mul3A_685, %mul3A_689 : vector<8x1xf32>
      %add3A_691 = arith.addf %add3A_690, %get3A_7 : vector<8x1xf32>
      %slice3A_692 = vector.extract_strided_slice %tanh3A_679 {offsets = [1, 0], sizes = [7, 1], strides = [1, 1]} : vector<8x1xf32> to vector<7x1xf32>
      %slice3A_693 = vector.extract_strided_slice %tanh3A_679 {offsets = [0, 0], sizes = [1, 1], strides = [1, 1]} : vector<8x1xf32> to vector<1x1xf32>
      %concatenate3A_694 = tpu.concatenate %slice3A_692, %slice3A_693 in 0 : vector<7x1xf32>, vector<1x1xf32> -> vector<8x1xf32>
      %slice3A_695 = vector.extract_strided_slice %tanh3A_679 {offsets = [2, 0], sizes = [6, 1], strides = [1, 1]} : vector<8x1xf32> to vector<6x1xf32>
      %slice3A_696 = vector.extract_strided_slice %tanh3A_679 {offsets = [0, 0], sizes = [2, 1], strides = [1, 1]} : vector<8x1xf32> to vector<2x1xf32>
      %concatenate3A_697 = tpu.concatenate %slice3A_695, %slice3A_696 in 0 : vector<6x1xf32>, vector<2x1xf32> -> vector<8x1xf32>
      %slice3A_698 = vector.extract_strided_slice %tanh3A_679 {offsets = [3, 0], sizes = [5, 1], strides = [1, 1]} : vector<8x1xf32> to vector<5x1xf32>
      %slice3A_699 = vector.extract_strided_slice %tanh3A_679 {offsets = [0, 0], sizes = [3, 1], strides = [1, 1]} : vector<8x1xf32> to vector<3x1xf32>
      %concatenate3A_700 = tpu.concatenate %slice3A_698, %slice3A_699 in 0 : vector<5x1xf32>, vector<3x1xf32> -> vector<8x1xf32>
      %mul3A_701 = arith.mulf %get3A_10, %tanh3A_679 : vector<8x1xf32>
      %add3A_702 = arith.addf %add3A_691, %mul3A_701 : vector<8x1xf32>
      %mul3A_703 = arith.mulf %get3A_13, %concatenate3A_694 : vector<8x1xf32>
      %mul3A_704 = arith.mulf %get3A_16, %concatenate3A_697 : vector<8x1xf32>
      %add3A_705 = arith.addf %mul3A_703, %mul3A_704 : vector<8x1xf32>
      %add3A_706 = arith.addf %add3A_702, %add3A_705 : vector<8x1xf32>
      %mul3A_707 = arith.mulf %get3A_19, %concatenate3A_700 : vector<8x1xf32>
      %add3A_708 = arith.addf %add3A_706, %mul3A_707 : vector<8x1xf32>
      %tanh3A_709 = math.tanh %add3A_708 : vector<8x1xf32>
      %add3A_710 = arith.constant 22 : i32
      %add3A_711 = arith.addi %mul3A_52, %add3A_710 : i32
      %get3A_712 = arith.index_cast %add3A_711 : i32 to index
      %get3A_713 = memref.load %arg0[%get3A_712] : memref<20000xf32, #tpu.memory_space<smem>>
      %mul3A_714 = vector.broadcast %get3A_713 : f32 to vector<8x1xf32>
      %mul3A_715 = arith.mulf %mul3A_714, %get3A_1 : vector<8x1xf32>
      %get3A_716 = arith.index_cast %add3A_711 : i32 to index
      %get3A_717 = memref.load %arg1[%get3A_716] : memref<20000xf32, #tpu.memory_space<smem>>
      %mul3A_718 = vector.broadcast %get3A_717 : f32 to vector<8x1xf32>
      %mul3A_719 = arith.mulf %mul3A_718, %get3A_4 : vector<8x1xf32>
      %add3A_720 = arith.addf %mul3A_715, %mul3A_719 : vector<8x1xf32>
      %add3A_721 = arith.addf %add3A_720, %get3A_7 : vector<8x1xf32>
      %slice3A_722 = vector.extract_strided_slice %tanh3A_709 {offsets = [1, 0], sizes = [7, 1], strides = [1, 1]} : vector<8x1xf32> to vector<7x1xf32>
      %slice3A_723 = vector.extract_strided_slice %tanh3A_709 {offsets = [0, 0], sizes = [1, 1], strides = [1, 1]} : vector<8x1xf32> to vector<1x1xf32>
      %concatenate3A_724 = tpu.concatenate %slice3A_722, %slice3A_723 in 0 : vector<7x1xf32>, vector<1x1xf32> -> vector<8x1xf32>
      %slice3A_725 = vector.extract_strided_slice %tanh3A_709 {offsets = [2, 0], sizes = [6, 1], strides = [1, 1]} : vector<8x1xf32> to vector<6x1xf32>
      %slice3A_726 = vector.extract_strided_slice %tanh3A_709 {offsets = [0, 0], sizes = [2, 1], strides = [1, 1]} : vector<8x1xf32> to vector<2x1xf32>
      %concatenate3A_727 = tpu.concatenate %slice3A_725, %slice3A_726 in 0 : vector<6x1xf32>, vector<2x1xf32> -> vector<8x1xf32>
      %slice3A_728 = vector.extract_strided_slice %tanh3A_709 {offsets = [3, 0], sizes = [5, 1], strides = [1, 1]} : vector<8x1xf32> to vector<5x1xf32>
      %slice3A_729 = vector.extract_strided_slice %tanh3A_709 {offsets = [0, 0], sizes = [3, 1], strides = [1, 1]} : vector<8x1xf32> to vector<3x1xf32>
      %concatenate3A_730 = tpu.concatenate %slice3A_728, %slice3A_729 in 0 : vector<5x1xf32>, vector<3x1xf32> -> vector<8x1xf32>
      %mul3A_731 = arith.mulf %get3A_10, %tanh3A_709 : vector<8x1xf32>
      %add3A_732 = arith.addf %add3A_721, %mul3A_731 : vector<8x1xf32>
      %mul3A_733 = arith.mulf %get3A_13, %concatenate3A_724 : vector<8x1xf32>
      %mul3A_734 = arith.mulf %get3A_16, %concatenate3A_727 : vector<8x1xf32>
      %add3A_735 = arith.addf %mul3A_733, %mul3A_734 : vector<8x1xf32>
      %add3A_736 = arith.addf %add3A_732, %add3A_735 : vector<8x1xf32>
      %mul3A_737 = arith.mulf %get3A_19, %concatenate3A_730 : vector<8x1xf32>
      %add3A_738 = arith.addf %add3A_736, %mul3A_737 : vector<8x1xf32>
      %tanh3A_739 = math.tanh %add3A_738 : vector<8x1xf32>
      %add3A_740 = arith.constant 23 : i32
      %add3A_741 = arith.addi %mul3A_52, %add3A_740 : i32
      %get3A_742 = arith.index_cast %add3A_741 : i32 to index
      %get3A_743 = memref.load %arg0[%get3A_742] : memref<20000xf32, #tpu.memory_space<smem>>
      %mul3A_744 = vector.broadcast %get3A_743 : f32 to vector<8x1xf32>
      %mul3A_745 = arith.mulf %mul3A_744, %get3A_1 : vector<8x1xf32>
      %get3A_746 = arith.index_cast %add3A_741 : i32 to index
      %get3A_747 = memref.load %arg1[%get3A_746] : memref<20000xf32, #tpu.memory_space<smem>>
      %mul3A_748 = vector.broadcast %get3A_747 : f32 to vector<8x1xf32>
      %mul3A_749 = arith.mulf %mul3A_748, %get3A_4 : vector<8x1xf32>
      %add3A_750 = arith.addf %mul3A_745, %mul3A_749 : vector<8x1xf32>
      %add3A_751 = arith.addf %add3A_750, %get3A_7 : vector<8x1xf32>
      %slice3A_752 = vector.extract_strided_slice %tanh3A_739 {offsets = [1, 0], sizes = [7, 1], strides = [1, 1]} : vector<8x1xf32> to vector<7x1xf32>
      %slice3A_753 = vector.extract_strided_slice %tanh3A_739 {offsets = [0, 0], sizes = [1, 1], strides = [1, 1]} : vector<8x1xf32> to vector<1x1xf32>
      %concatenate3A_754 = tpu.concatenate %slice3A_752, %slice3A_753 in 0 : vector<7x1xf32>, vector<1x1xf32> -> vector<8x1xf32>
      %slice3A_755 = vector.extract_strided_slice %tanh3A_739 {offsets = [2, 0], sizes = [6, 1], strides = [1, 1]} : vector<8x1xf32> to vector<6x1xf32>
      %slice3A_756 = vector.extract_strided_slice %tanh3A_739 {offsets = [0, 0], sizes = [2, 1], strides = [1, 1]} : vector<8x1xf32> to vector<2x1xf32>
      %concatenate3A_757 = tpu.concatenate %slice3A_755, %slice3A_756 in 0 : vector<6x1xf32>, vector<2x1xf32> -> vector<8x1xf32>
      %slice3A_758 = vector.extract_strided_slice %tanh3A_739 {offsets = [3, 0], sizes = [5, 1], strides = [1, 1]} : vector<8x1xf32> to vector<5x1xf32>
      %slice3A_759 = vector.extract_strided_slice %tanh3A_739 {offsets = [0, 0], sizes = [3, 1], strides = [1, 1]} : vector<8x1xf32> to vector<3x1xf32>
      %concatenate3A_760 = tpu.concatenate %slice3A_758, %slice3A_759 in 0 : vector<5x1xf32>, vector<3x1xf32> -> vector<8x1xf32>
      %mul3A_761 = arith.mulf %get3A_10, %tanh3A_739 : vector<8x1xf32>
      %add3A_762 = arith.addf %add3A_751, %mul3A_761 : vector<8x1xf32>
      %mul3A_763 = arith.mulf %get3A_13, %concatenate3A_754 : vector<8x1xf32>
      %mul3A_764 = arith.mulf %get3A_16, %concatenate3A_757 : vector<8x1xf32>
      %add3A_765 = arith.addf %mul3A_763, %mul3A_764 : vector<8x1xf32>
      %add3A_766 = arith.addf %add3A_762, %add3A_765 : vector<8x1xf32>
      %mul3A_767 = arith.mulf %get3A_19, %concatenate3A_760 : vector<8x1xf32>
      %add3A_768 = arith.addf %add3A_766, %mul3A_767 : vector<8x1xf32>
      %tanh3A_769 = math.tanh %add3A_768 : vector<8x1xf32>
      %add3A_770 = arith.constant 24 : i32
      %add3A_771 = arith.addi %mul3A_52, %add3A_770 : i32
      %get3A_772 = arith.index_cast %add3A_771 : i32 to index
      %get3A_773 = memref.load %arg0[%get3A_772] : memref<20000xf32, #tpu.memory_space<smem>>
      %mul3A_774 = vector.broadcast %get3A_773 : f32 to vector<8x1xf32>
      %mul3A_775 = arith.mulf %mul3A_774, %get3A_1 : vector<8x1xf32>
      %get3A_776 = arith.index_cast %add3A_771 : i32 to index
      %get3A_777 = memref.load %arg1[%get3A_776] : memref<20000xf32, #tpu.memory_space<smem>>
      %mul3A_778 = vector.broadcast %get3A_777 : f32 to vector<8x1xf32>
      %mul3A_779 = arith.mulf %mul3A_778, %get3A_4 : vector<8x1xf32>
      %add3A_780 = arith.addf %mul3A_775, %mul3A_779 : vector<8x1xf32>
      %add3A_781 = arith.addf %add3A_780, %get3A_7 : vector<8x1xf32>
      %slice3A_782 = vector.extract_strided_slice %tanh3A_769 {offsets = [1, 0], sizes = [7, 1], strides = [1, 1]} : vector<8x1xf32> to vector<7x1xf32>
      %slice3A_783 = vector.extract_strided_slice %tanh3A_769 {offsets = [0, 0], sizes = [1, 1], strides = [1, 1]} : vector<8x1xf32> to vector<1x1xf32>
      %concatenate3A_784 = tpu.concatenate %slice3A_782, %slice3A_783 in 0 : vector<7x1xf32>, vector<1x1xf32> -> vector<8x1xf32>
      %slice3A_785 = vector.extract_strided_slice %tanh3A_769 {offsets = [2, 0], sizes = [6, 1], strides = [1, 1]} : vector<8x1xf32> to vector<6x1xf32>
      %slice3A_786 = vector.extract_strided_slice %tanh3A_769 {offsets = [0, 0], sizes = [2, 1], strides = [1, 1]} : vector<8x1xf32> to vector<2x1xf32>
      %concatenate3A_787 = tpu.concatenate %slice3A_785, %slice3A_786 in 0 : vector<6x1xf32>, vector<2x1xf32> -> vector<8x1xf32>
      %slice3A_788 = vector.extract_strided_slice %tanh3A_769 {offsets = [3, 0], sizes = [5, 1], strides = [1, 1]} : vector<8x1xf32> to vector<5x1xf32>
      %slice3A_789 = vector.extract_strided_slice %tanh3A_769 {offsets = [0, 0], sizes = [3, 1], strides = [1, 1]} : vector<8x1xf32> to vector<3x1xf32>
      %concatenate3A_790 = tpu.concatenate %slice3A_788, %slice3A_789 in 0 : vector<5x1xf32>, vector<3x1xf32> -> vector<8x1xf32>
      %mul3A_791 = arith.mulf %get3A_10, %tanh3A_769 : vector<8x1xf32>
      %add3A_792 = arith.addf %add3A_781, %mul3A_791 : vector<8x1xf32>
      %mul3A_793 = arith.mulf %get3A_13, %concatenate3A_784 : vector<8x1xf32>
      %mul3A_794 = arith.mulf %get3A_16, %concatenate3A_787 : vector<8x1xf32>
      %add3A_795 = arith.addf %mul3A_793, %mul3A_794 : vector<8x1xf32>
      %add3A_796 = arith.addf %add3A_792, %add3A_795 : vector<8x1xf32>
      %mul3A_797 = arith.mulf %get3A_19, %concatenate3A_790 : vector<8x1xf32>
      %add3A_798 = arith.addf %add3A_796, %mul3A_797 : vector<8x1xf32>
      %tanh3A_799 = math.tanh %add3A_798 : vector<8x1xf32>
      %add3A_800 = arith.constant 25 : i32
      %add3A_801 = arith.addi %mul3A_52, %add3A_800 : i32
      %get3A_802 = arith.index_cast %add3A_801 : i32 to index
      %get3A_803 = memref.load %arg0[%get3A_802] : memref<20000xf32, #tpu.memory_space<smem>>
      %mul3A_804 = vector.broadcast %get3A_803 : f32 to vector<8x1xf32>
      %mul3A_805 = arith.mulf %mul3A_804, %get3A_1 : vector<8x1xf32>
      %get3A_806 = arith.index_cast %add3A_801 : i32 to index
      %get3A_807 = memref.load %arg1[%get3A_806] : memref<20000xf32, #tpu.memory_space<smem>>
      %mul3A_808 = vector.broadcast %get3A_807 : f32 to vector<8x1xf32>
      %mul3A_809 = arith.mulf %mul3A_808, %get3A_4 : vector<8x1xf32>
      %add3A_810 = arith.addf %mul3A_805, %mul3A_809 : vector<8x1xf32>
      %add3A_811 = arith.addf %add3A_810, %get3A_7 : vector<8x1xf32>
      %slice3A_812 = vector.extract_strided_slice %tanh3A_799 {offsets = [1, 0], sizes = [7, 1], strides = [1, 1]} : vector<8x1xf32> to vector<7x1xf32>
      %slice3A_813 = vector.extract_strided_slice %tanh3A_799 {offsets = [0, 0], sizes = [1, 1], strides = [1, 1]} : vector<8x1xf32> to vector<1x1xf32>
      %concatenate3A_814 = tpu.concatenate %slice3A_812, %slice3A_813 in 0 : vector<7x1xf32>, vector<1x1xf32> -> vector<8x1xf32>
      %slice3A_815 = vector.extract_strided_slice %tanh3A_799 {offsets = [2, 0], sizes = [6, 1], strides = [1, 1]} : vector<8x1xf32> to vector<6x1xf32>
      %slice3A_816 = vector.extract_strided_slice %tanh3A_799 {offsets = [0, 0], sizes = [2, 1], strides = [1, 1]} : vector<8x1xf32> to vector<2x1xf32>
      %concatenate3A_817 = tpu.concatenate %slice3A_815, %slice3A_816 in 0 : vector<6x1xf32>, vector<2x1xf32> -> vector<8x1xf32>
      %slice3A_818 = vector.extract_strided_slice %tanh3A_799 {offsets = [3, 0], sizes = [5, 1], strides = [1, 1]} : vector<8x1xf32> to vector<5x1xf32>
      %slice3A_819 = vector.extract_strided_slice %tanh3A_799 {offsets = [0, 0], sizes = [3, 1], strides = [1, 1]} : vector<8x1xf32> to vector<3x1xf32>
      %concatenate3A_820 = tpu.concatenate %slice3A_818, %slice3A_819 in 0 : vector<5x1xf32>, vector<3x1xf32> -> vector<8x1xf32>
      %mul3A_821 = arith.mulf %get3A_10, %tanh3A_799 : vector<8x1xf32>
      %add3A_822 = arith.addf %add3A_811, %mul3A_821 : vector<8x1xf32>
      %mul3A_823 = arith.mulf %get3A_13, %concatenate3A_814 : vector<8x1xf32>
      %mul3A_824 = arith.mulf %get3A_16, %concatenate3A_817 : vector<8x1xf32>
      %add3A_825 = arith.addf %mul3A_823, %mul3A_824 : vector<8x1xf32>
      %add3A_826 = arith.addf %add3A_822, %add3A_825 : vector<8x1xf32>
      %mul3A_827 = arith.mulf %get3A_19, %concatenate3A_820 : vector<8x1xf32>
      %add3A_828 = arith.addf %add3A_826, %mul3A_827 : vector<8x1xf32>
      %tanh3A_829 = math.tanh %add3A_828 : vector<8x1xf32>
      %add3A_830 = arith.constant 26 : i32
      %add3A_831 = arith.addi %mul3A_52, %add3A_830 : i32
      %get3A_832 = arith.index_cast %add3A_831 : i32 to index
      %get3A_833 = memref.load %arg0[%get3A_832] : memref<20000xf32, #tpu.memory_space<smem>>
      %mul3A_834 = vector.broadcast %get3A_833 : f32 to vector<8x1xf32>
      %mul3A_835 = arith.mulf %mul3A_834, %get3A_1 : vector<8x1xf32>
      %get3A_836 = arith.index_cast %add3A_831 : i32 to index
      %get3A_837 = memref.load %arg1[%get3A_836] : memref<20000xf32, #tpu.memory_space<smem>>
      %mul3A_838 = vector.broadcast %get3A_837 : f32 to vector<8x1xf32>
      %mul3A_839 = arith.mulf %mul3A_838, %get3A_4 : vector<8x1xf32>
      %add3A_840 = arith.addf %mul3A_835, %mul3A_839 : vector<8x1xf32>
      %add3A_841 = arith.addf %add3A_840, %get3A_7 : vector<8x1xf32>
      %slice3A_842 = vector.extract_strided_slice %tanh3A_829 {offsets = [1, 0], sizes = [7, 1], strides = [1, 1]} : vector<8x1xf32> to vector<7x1xf32>
      %slice3A_843 = vector.extract_strided_slice %tanh3A_829 {offsets = [0, 0], sizes = [1, 1], strides = [1, 1]} : vector<8x1xf32> to vector<1x1xf32>
      %concatenate3A_844 = tpu.concatenate %slice3A_842, %slice3A_843 in 0 : vector<7x1xf32>, vector<1x1xf32> -> vector<8x1xf32>
      %slice3A_845 = vector.extract_strided_slice %tanh3A_829 {offsets = [2, 0], sizes = [6, 1], strides = [1, 1]} : vector<8x1xf32> to vector<6x1xf32>
      %slice3A_846 = vector.extract_strided_slice %tanh3A_829 {offsets = [0, 0], sizes = [2, 1], strides = [1, 1]} : vector<8x1xf32> to vector<2x1xf32>
      %concatenate3A_847 = tpu.concatenate %slice3A_845, %slice3A_846 in 0 : vector<6x1xf32>, vector<2x1xf32> -> vector<8x1xf32>
      %slice3A_848 = vector.extract_strided_slice %tanh3A_829 {offsets = [3, 0], sizes = [5, 1], strides = [1, 1]} : vector<8x1xf32> to vector<5x1xf32>
      %slice3A_849 = vector.extract_strided_slice %tanh3A_829 {offsets = [0, 0], sizes = [3, 1], strides = [1, 1]} : vector<8x1xf32> to vector<3x1xf32>
      %concatenate3A_850 = tpu.concatenate %slice3A_848, %slice3A_849 in 0 : vector<5x1xf32>, vector<3x1xf32> -> vector<8x1xf32>
      %mul3A_851 = arith.mulf %get3A_10, %tanh3A_829 : vector<8x1xf32>
      %add3A_852 = arith.addf %add3A_841, %mul3A_851 : vector<8x1xf32>
      %mul3A_853 = arith.mulf %get3A_13, %concatenate3A_844 : vector<8x1xf32>
      %mul3A_854 = arith.mulf %get3A_16, %concatenate3A_847 : vector<8x1xf32>
      %add3A_855 = arith.addf %mul3A_853, %mul3A_854 : vector<8x1xf32>
      %add3A_856 = arith.addf %add3A_852, %add3A_855 : vector<8x1xf32>
      %mul3A_857 = arith.mulf %get3A_19, %concatenate3A_850 : vector<8x1xf32>
      %add3A_858 = arith.addf %add3A_856, %mul3A_857 : vector<8x1xf32>
      %tanh3A_859 = math.tanh %add3A_858 : vector<8x1xf32>
      %add3A_860 = arith.constant 27 : i32
      %add3A_861 = arith.addi %mul3A_52, %add3A_860 : i32
      %get3A_862 = arith.index_cast %add3A_861 : i32 to index
      %get3A_863 = memref.load %arg0[%get3A_862] : memref<20000xf32, #tpu.memory_space<smem>>
      %mul3A_864 = vector.broadcast %get3A_863 : f32 to vector<8x1xf32>
      %mul3A_865 = arith.mulf %mul3A_864, %get3A_1 : vector<8x1xf32>
      %get3A_866 = arith.index_cast %add3A_861 : i32 to index
      %get3A_867 = memref.load %arg1[%get3A_866] : memref<20000xf32, #tpu.memory_space<smem>>
      %mul3A_868 = vector.broadcast %get3A_867 : f32 to vector<8x1xf32>
      %mul3A_869 = arith.mulf %mul3A_868, %get3A_4 : vector<8x1xf32>
      %add3A_870 = arith.addf %mul3A_865, %mul3A_869 : vector<8x1xf32>
      %add3A_871 = arith.addf %add3A_870, %get3A_7 : vector<8x1xf32>
      %slice3A_872 = vector.extract_strided_slice %tanh3A_859 {offsets = [1, 0], sizes = [7, 1], strides = [1, 1]} : vector<8x1xf32> to vector<7x1xf32>
      %slice3A_873 = vector.extract_strided_slice %tanh3A_859 {offsets = [0, 0], sizes = [1, 1], strides = [1, 1]} : vector<8x1xf32> to vector<1x1xf32>
      %concatenate3A_874 = tpu.concatenate %slice3A_872, %slice3A_873 in 0 : vector<7x1xf32>, vector<1x1xf32> -> vector<8x1xf32>
      %slice3A_875 = vector.extract_strided_slice %tanh3A_859 {offsets = [2, 0], sizes = [6, 1], strides = [1, 1]} : vector<8x1xf32> to vector<6x1xf32>
      %slice3A_876 = vector.extract_strided_slice %tanh3A_859 {offsets = [0, 0], sizes = [2, 1], strides = [1, 1]} : vector<8x1xf32> to vector<2x1xf32>
      %concatenate3A_877 = tpu.concatenate %slice3A_875, %slice3A_876 in 0 : vector<6x1xf32>, vector<2x1xf32> -> vector<8x1xf32>
      %slice3A_878 = vector.extract_strided_slice %tanh3A_859 {offsets = [3, 0], sizes = [5, 1], strides = [1, 1]} : vector<8x1xf32> to vector<5x1xf32>
      %slice3A_879 = vector.extract_strided_slice %tanh3A_859 {offsets = [0, 0], sizes = [3, 1], strides = [1, 1]} : vector<8x1xf32> to vector<3x1xf32>
      %concatenate3A_880 = tpu.concatenate %slice3A_878, %slice3A_879 in 0 : vector<5x1xf32>, vector<3x1xf32> -> vector<8x1xf32>
      %mul3A_881 = arith.mulf %get3A_10, %tanh3A_859 : vector<8x1xf32>
      %add3A_882 = arith.addf %add3A_871, %mul3A_881 : vector<8x1xf32>
      %mul3A_883 = arith.mulf %get3A_13, %concatenate3A_874 : vector<8x1xf32>
      %mul3A_884 = arith.mulf %get3A_16, %concatenate3A_877 : vector<8x1xf32>
      %add3A_885 = arith.addf %mul3A_883, %mul3A_884 : vector<8x1xf32>
      %add3A_886 = arith.addf %add3A_882, %add3A_885 : vector<8x1xf32>
      %mul3A_887 = arith.mulf %get3A_19, %concatenate3A_880 : vector<8x1xf32>
      %add3A_888 = arith.addf %add3A_886, %mul3A_887 : vector<8x1xf32>
      %tanh3A_889 = math.tanh %add3A_888 : vector<8x1xf32>
      %add3A_890 = arith.constant 28 : i32
      %add3A_891 = arith.addi %mul3A_52, %add3A_890 : i32
      %get3A_892 = arith.index_cast %add3A_891 : i32 to index
      %get3A_893 = memref.load %arg0[%get3A_892] : memref<20000xf32, #tpu.memory_space<smem>>
      %mul3A_894 = vector.broadcast %get3A_893 : f32 to vector<8x1xf32>
      %mul3A_895 = arith.mulf %mul3A_894, %get3A_1 : vector<8x1xf32>
      %get3A_896 = arith.index_cast %add3A_891 : i32 to index
      %get3A_897 = memref.load %arg1[%get3A_896] : memref<20000xf32, #tpu.memory_space<smem>>
      %mul3A_898 = vector.broadcast %get3A_897 : f32 to vector<8x1xf32>
      %mul3A_899 = arith.mulf %mul3A_898, %get3A_4 : vector<8x1xf32>
      %add3A_900 = arith.addf %mul3A_895, %mul3A_899 : vector<8x1xf32>
      %add3A_901 = arith.addf %add3A_900, %get3A_7 : vector<8x1xf32>
      %slice3A_902 = vector.extract_strided_slice %tanh3A_889 {offsets = [1, 0], sizes = [7, 1], strides = [1, 1]} : vector<8x1xf32> to vector<7x1xf32>
      %slice3A_903 = vector.extract_strided_slice %tanh3A_889 {offsets = [0, 0], sizes = [1, 1], strides = [1, 1]} : vector<8x1xf32> to vector<1x1xf32>
      %concatenate3A_904 = tpu.concatenate %slice3A_902, %slice3A_903 in 0 : vector<7x1xf32>, vector<1x1xf32> -> vector<8x1xf32>
      %slice3A_905 = vector.extract_strided_slice %tanh3A_889 {offsets = [2, 0], sizes = [6, 1], strides = [1, 1]} : vector<8x1xf32> to vector<6x1xf32>
      %slice3A_906 = vector.extract_strided_slice %tanh3A_889 {offsets = [0, 0], sizes = [2, 1], strides = [1, 1]} : vector<8x1xf32> to vector<2x1xf32>
      %concatenate3A_907 = tpu.concatenate %slice3A_905, %slice3A_906 in 0 : vector<6x1xf32>, vector<2x1xf32> -> vector<8x1xf32>
      %slice3A_908 = vector.extract_strided_slice %tanh3A_889 {offsets = [3, 0], sizes = [5, 1], strides = [1, 1]} : vector<8x1xf32> to vector<5x1xf32>
      %slice3A_909 = vector.extract_strided_slice %tanh3A_889 {offsets = [0, 0], sizes = [3, 1], strides = [1, 1]} : vector<8x1xf32> to vector<3x1xf32>
      %concatenate3A_910 = tpu.concatenate %slice3A_908, %slice3A_909 in 0 : vector<5x1xf32>, vector<3x1xf32> -> vector<8x1xf32>
      %mul3A_911 = arith.mulf %get3A_10, %tanh3A_889 : vector<8x1xf32>
      %add3A_912 = arith.addf %add3A_901, %mul3A_911 : vector<8x1xf32>
      %mul3A_913 = arith.mulf %get3A_13, %concatenate3A_904 : vector<8x1xf32>
      %mul3A_914 = arith.mulf %get3A_16, %concatenate3A_907 : vector<8x1xf32>
      %add3A_915 = arith.addf %mul3A_913, %mul3A_914 : vector<8x1xf32>
      %add3A_916 = arith.addf %add3A_912, %add3A_915 : vector<8x1xf32>
      %mul3A_917 = arith.mulf %get3A_19, %concatenate3A_910 : vector<8x1xf32>
      %add3A_918 = arith.addf %add3A_916, %mul3A_917 : vector<8x1xf32>
      %tanh3A_919 = math.tanh %add3A_918 : vector<8x1xf32>
      %add3A_920 = arith.constant 29 : i32
      %add3A_921 = arith.addi %mul3A_52, %add3A_920 : i32
      %get3A_922 = arith.index_cast %add3A_921 : i32 to index
      %get3A_923 = memref.load %arg0[%get3A_922] : memref<20000xf32, #tpu.memory_space<smem>>
      %mul3A_924 = vector.broadcast %get3A_923 : f32 to vector<8x1xf32>
      %mul3A_925 = arith.mulf %mul3A_924, %get3A_1 : vector<8x1xf32>
      %get3A_926 = arith.index_cast %add3A_921 : i32 to index
      %get3A_927 = memref.load %arg1[%get3A_926] : memref<20000xf32, #tpu.memory_space<smem>>
      %mul3A_928 = vector.broadcast %get3A_927 : f32 to vector<8x1xf32>
      %mul3A_929 = arith.mulf %mul3A_928, %get3A_4 : vector<8x1xf32>
      %add3A_930 = arith.addf %mul3A_925, %mul3A_929 : vector<8x1xf32>
      %add3A_931 = arith.addf %add3A_930, %get3A_7 : vector<8x1xf32>
      %slice3A_932 = vector.extract_strided_slice %tanh3A_919 {offsets = [1, 0], sizes = [7, 1], strides = [1, 1]} : vector<8x1xf32> to vector<7x1xf32>
      %slice3A_933 = vector.extract_strided_slice %tanh3A_919 {offsets = [0, 0], sizes = [1, 1], strides = [1, 1]} : vector<8x1xf32> to vector<1x1xf32>
      %concatenate3A_934 = tpu.concatenate %slice3A_932, %slice3A_933 in 0 : vector<7x1xf32>, vector<1x1xf32> -> vector<8x1xf32>
      %slice3A_935 = vector.extract_strided_slice %tanh3A_919 {offsets = [2, 0], sizes = [6, 1], strides = [1, 1]} : vector<8x1xf32> to vector<6x1xf32>
      %slice3A_936 = vector.extract_strided_slice %tanh3A_919 {offsets = [0, 0], sizes = [2, 1], strides = [1, 1]} : vector<8x1xf32> to vector<2x1xf32>
      %concatenate3A_937 = tpu.concatenate %slice3A_935, %slice3A_936 in 0 : vector<6x1xf32>, vector<2x1xf32> -> vector<8x1xf32>
      %slice3A_938 = vector.extract_strided_slice %tanh3A_919 {offsets = [3, 0], sizes = [5, 1], strides = [1, 1]} : vector<8x1xf32> to vector<5x1xf32>
      %slice3A_939 = vector.extract_strided_slice %tanh3A_919 {offsets = [0, 0], sizes = [3, 1], strides = [1, 1]} : vector<8x1xf32> to vector<3x1xf32>
      %concatenate3A_940 = tpu.concatenate %slice3A_938, %slice3A_939 in 0 : vector<5x1xf32>, vector<3x1xf32> -> vector<8x1xf32>
      %mul3A_941 = arith.mulf %get3A_10, %tanh3A_919 : vector<8x1xf32>
      %add3A_942 = arith.addf %add3A_931, %mul3A_941 : vector<8x1xf32>
      %mul3A_943 = arith.mulf %get3A_13, %concatenate3A_934 : vector<8x1xf32>
      %mul3A_944 = arith.mulf %get3A_16, %concatenate3A_937 : vector<8x1xf32>
      %add3A_945 = arith.addf %mul3A_943, %mul3A_944 : vector<8x1xf32>
      %add3A_946 = arith.addf %add3A_942, %add3A_945 : vector<8x1xf32>
      %mul3A_947 = arith.mulf %get3A_19, %concatenate3A_940 : vector<8x1xf32>
      %add3A_948 = arith.addf %add3A_946, %mul3A_947 : vector<8x1xf32>
      %tanh3A_949 = math.tanh %add3A_948 : vector<8x1xf32>
      %add3A_950 = arith.constant 30 : i32
      %add3A_951 = arith.addi %mul3A_52, %add3A_950 : i32
      %get3A_952 = arith.index_cast %add3A_951 : i32 to index
      %get3A_953 = memref.load %arg0[%get3A_952] : memref<20000xf32, #tpu.memory_space<smem>>
      %mul3A_954 = vector.broadcast %get3A_953 : f32 to vector<8x1xf32>
      %mul3A_955 = arith.mulf %mul3A_954, %get3A_1 : vector<8x1xf32>
      %get3A_956 = arith.index_cast %add3A_951 : i32 to index
      %get3A_957 = memref.load %arg1[%get3A_956] : memref<20000xf32, #tpu.memory_space<smem>>
      %mul3A_958 = vector.broadcast %get3A_957 : f32 to vector<8x1xf32>
      %mul3A_959 = arith.mulf %mul3A_958, %get3A_4 : vector<8x1xf32>
      %add3A_960 = arith.addf %mul3A_955, %mul3A_959 : vector<8x1xf32>
      %add3A_961 = arith.addf %add3A_960, %get3A_7 : vector<8x1xf32>
      %slice3A_962 = vector.extract_strided_slice %tanh3A_949 {offsets = [1, 0], sizes = [7, 1], strides = [1, 1]} : vector<8x1xf32> to vector<7x1xf32>
      %slice3A_963 = vector.extract_strided_slice %tanh3A_949 {offsets = [0, 0], sizes = [1, 1], strides = [1, 1]} : vector<8x1xf32> to vector<1x1xf32>
      %concatenate3A_964 = tpu.concatenate %slice3A_962, %slice3A_963 in 0 : vector<7x1xf32>, vector<1x1xf32> -> vector<8x1xf32>
      %slice3A_965 = vector.extract_strided_slice %tanh3A_949 {offsets = [2, 0], sizes = [6, 1], strides = [1, 1]} : vector<8x1xf32> to vector<6x1xf32>
      %slice3A_966 = vector.extract_strided_slice %tanh3A_949 {offsets = [0, 0], sizes = [2, 1], strides = [1, 1]} : vector<8x1xf32> to vector<2x1xf32>
      %concatenate3A_967 = tpu.concatenate %slice3A_965, %slice3A_966 in 0 : vector<6x1xf32>, vector<2x1xf32> -> vector<8x1xf32>
      %slice3A_968 = vector.extract_strided_slice %tanh3A_949 {offsets = [3, 0], sizes = [5, 1], strides = [1, 1]} : vector<8x1xf32> to vector<5x1xf32>
      %slice3A_969 = vector.extract_strided_slice %tanh3A_949 {offsets = [0, 0], sizes = [3, 1], strides = [1, 1]} : vector<8x1xf32> to vector<3x1xf32>
      %concatenate3A_970 = tpu.concatenate %slice3A_968, %slice3A_969 in 0 : vector<5x1xf32>, vector<3x1xf32> -> vector<8x1xf32>
      %mul3A_971 = arith.mulf %get3A_10, %tanh3A_949 : vector<8x1xf32>
      %add3A_972 = arith.addf %add3A_961, %mul3A_971 : vector<8x1xf32>
      %mul3A_973 = arith.mulf %get3A_13, %concatenate3A_964 : vector<8x1xf32>
      %mul3A_974 = arith.mulf %get3A_16, %concatenate3A_967 : vector<8x1xf32>
      %add3A_975 = arith.addf %mul3A_973, %mul3A_974 : vector<8x1xf32>
      %add3A_976 = arith.addf %add3A_972, %add3A_975 : vector<8x1xf32>
      %mul3A_977 = arith.mulf %get3A_19, %concatenate3A_970 : vector<8x1xf32>
      %add3A_978 = arith.addf %add3A_976, %mul3A_977 : vector<8x1xf32>
      %tanh3A_979 = math.tanh %add3A_978 : vector<8x1xf32>
      %add3A_980 = arith.constant 31 : i32
      %add3A_981 = arith.addi %mul3A_52, %add3A_980 : i32
      %get3A_982 = arith.index_cast %add3A_981 : i32 to index
      %get3A_983 = memref.load %arg0[%get3A_982] : memref<20000xf32, #tpu.memory_space<smem>>
      %mul3A_984 = vector.broadcast %get3A_983 : f32 to vector<8x1xf32>
      %mul3A_985 = arith.mulf %mul3A_984, %get3A_1 : vector<8x1xf32>
      %get3A_986 = arith.index_cast %add3A_981 : i32 to index
      %get3A_987 = memref.load %arg1[%get3A_986] : memref<20000xf32, #tpu.memory_space<smem>>
      %mul3A_988 = vector.broadcast %get3A_987 : f32 to vector<8x1xf32>
      %mul3A_989 = arith.mulf %mul3A_988, %get3A_4 : vector<8x1xf32>
      %add3A_990 = arith.addf %mul3A_985, %mul3A_989 : vector<8x1xf32>
      %add3A_991 = arith.addf %add3A_990, %get3A_7 : vector<8x1xf32>
      %slice3A_992 = vector.extract_strided_slice %tanh3A_979 {offsets = [1, 0], sizes = [7, 1], strides = [1, 1]} : vector<8x1xf32> to vector<7x1xf32>
      %slice3A_993 = vector.extract_strided_slice %tanh3A_979 {offsets = [0, 0], sizes = [1, 1], strides = [1, 1]} : vector<8x1xf32> to vector<1x1xf32>
      %concatenate3A_994 = tpu.concatenate %slice3A_992, %slice3A_993 in 0 : vector<7x1xf32>, vector<1x1xf32> -> vector<8x1xf32>
      %slice3A_995 = vector.extract_strided_slice %tanh3A_979 {offsets = [2, 0], sizes = [6, 1], strides = [1, 1]} : vector<8x1xf32> to vector<6x1xf32>
      %slice3A_996 = vector.extract_strided_slice %tanh3A_979 {offsets = [0, 0], sizes = [2, 1], strides = [1, 1]} : vector<8x1xf32> to vector<2x1xf32>
      %concatenate3A_997 = tpu.concatenate %slice3A_995, %slice3A_996 in 0 : vector<6x1xf32>, vector<2x1xf32> -> vector<8x1xf32>
      %slice3A_998 = vector.extract_strided_slice %tanh3A_979 {offsets = [3, 0], sizes = [5, 1], strides = [1, 1]} : vector<8x1xf32> to vector<5x1xf32>
      %slice3A_999 = vector.extract_strided_slice %tanh3A_979 {offsets = [0, 0], sizes = [3, 1], strides = [1, 1]} : vector<8x1xf32> to vector<3x1xf32>
      %concatenate3A_1000 = tpu.concatenate %slice3A_998, %slice3A_999 in 0 : vector<5x1xf32>, vector<3x1xf32> -> vector<8x1xf32>
      %mul3A_1001 = arith.mulf %get3A_10, %tanh3A_979 : vector<8x1xf32>
      %add3A_1002 = arith.addf %add3A_991, %mul3A_1001 : vector<8x1xf32>
      %mul3A_1003 = arith.mulf %get3A_13, %concatenate3A_994 : vector<8x1xf32>
      %mul3A_1004 = arith.mulf %get3A_16, %concatenate3A_997 : vector<8x1xf32>
      %add3A_1005 = arith.addf %mul3A_1003, %mul3A_1004 : vector<8x1xf32>
      %add3A_1006 = arith.addf %add3A_1002, %add3A_1005 : vector<8x1xf32>
      %mul3A_1007 = arith.mulf %get3A_19, %concatenate3A_1000 : vector<8x1xf32>
      %add3A_1008 = arith.addf %add3A_1006, %mul3A_1007 : vector<8x1xf32>
      %tanh3A_1009 = math.tanh %add3A_1008 : vector<8x1xf32>
      scf.yield %tanh3A_1009 : vector<8x1xf32>
    }
    %scan3A_33 = arith.constant 625 : i32
    %swap3A = arith.constant 0 : index
    %swap3A_34 = arith.constant 0 : index
    %swap3A_35 = vector.load %arg4[%swap3A, %swap3A_34] : memref<8x1xf32, #tpu.memory_space<vmem>>, vector<8x1xf32>
    tpu.vector_store %arg4[%swap3A, %swap3A_34], %scan3A_32 {strides = array<i32>} : memref<8x1xf32, #tpu.memory_space<vmem>>, vector<8x1xf32>,
    %max3A = arith.constant 0.000000e+00 : f32
    %max3A_36 = vector.broadcast %max3A : f32 to vector<8x1xf32>
    %max3A_37 = arith.maximumf %scan3A_32, %max3A_36 : vector<8x1xf32>
    %mul3A = arith.mulf %max3A_37, %get3A_22 : vector<8x1xf32>
    %reduce_sum3A = arith.constant dense<0.000000e+00> : vector<1xf32>
    %reduce_sum3A_38 = vector.multi_reduction <add>, %mul3A, %reduce_sum3A [0] : vector<8x1xf32> to vector<1xf32>
    %broadcast_in_dim3A = vector.shape_cast %reduce_sum3A_38 : vector<1xf32> to vector<1x1xf32>
    %add3A = arith.addf %broadcast_in_dim3A, %get3A_25 : vector<1x1xf32>
    %neg3A = arith.constant 0.000000e+00 : f32
    %neg3A_39 = vector.broadcast %neg3A : f32 to vector<1x1xf32>
    %neg3A_40 = arith.subf %neg3A_39, %add3A : vector<1x1xf32>
    %exp3A = math.exp %neg3A_40 : vector<1x1xf32>
    %add3A_41 = arith.constant 1.000000e+00 : f32
    %add3A_42 = vector.broadcast %add3A_41 : f32 to vector<1x1xf32>
    %add3A_43 = arith.addf %add3A_42, %exp3A : vector<1x1xf32>
    %div3A = arith.constant 1.000000e+00 : f32
    %div3A_44 = vector.broadcast %div3A : f32 to vector<1x1xf32>
    %div3A_45 = arith.divf %div3A_44, %add3A_43 : vector<1x1xf32>
    %swap3A_46 = arith.constant 0 : index
    %swap3A_47 = arith.constant 0 : index
    %swap3A_48 = vector.load %arg5[%swap3A_46, %swap3A_47] : memref<1x1xf32, #tpu.memory_space<vmem>>, vector<1x1xf32>
    tpu.vector_store %arg5[%swap3A_46, %swap3A_47], %div3A_45 {strides = array<i32>} : memref<1x1xf32, #tpu.memory_space<vmem>>, vector<1x1xf32>,
    return
  }
}

module attributes {stable_mosaic.version = 14 : i64} {
  func.func @_tc_rnn_body(%arg0: memref<20000xf32, #tpu.memory_space<smem>>, %arg1: memref<20000xf32, #tpu.memory_space<smem>>, %arg2: memref<8x1xf32, #tpu.memory_space<vmem>>, %arg3: memref<72x1xf32, #tpu.memory_space<vmem>>, %arg4: memref<8x1xf32, #tpu.memory_space<vmem>>, %arg5: memref<1x1xf32, #tpu.memory_space<vmem>>) attributes {dimension_semantics = [], scalar_prefetch = 0 : i64, scratch_operands = 0 : i64, tpu.core_type = #tpu.core_type<tc>} {
    %get3A = arith.constant 0 : index
    %get3A_0 = arith.constant 0 : index
    %get3A_1 = vector.load %arg3[%get3A, %get3A_0] : memref<72x1xf32, #tpu.memory_space<vmem>>, vector<8x1xf32>
    %get3A_2 = arith.constant 8 : index
    %get3A_3 = arith.constant 0 : index
    %get3A_4 = vector.load %arg3[%get3A_2, %get3A_3] : memref<72x1xf32, #tpu.memory_space<vmem>>, vector<8x1xf32>
    %get3A_5 = arith.constant 16 : index
    %get3A_6 = arith.constant 0 : index
    %get3A_7 = vector.load %arg3[%get3A_5, %get3A_6] : memref<72x1xf32, #tpu.memory_space<vmem>>, vector<8x1xf32>
    %get3A_8 = arith.constant 24 : index
    %get3A_9 = arith.constant 0 : index
    %get3A_10 = vector.load %arg3[%get3A_8, %get3A_9] : memref<72x1xf32, #tpu.memory_space<vmem>>, vector<8x1xf32>
    %get3A_11 = arith.constant 32 : index
    %get3A_12 = arith.constant 0 : index
    %get3A_13 = vector.load %arg3[%get3A_11, %get3A_12] : memref<72x1xf32, #tpu.memory_space<vmem>>, vector<8x1xf32>
    %get3A_14 = arith.constant 40 : index
    %get3A_15 = arith.constant 0 : index
    %get3A_16 = vector.load %arg3[%get3A_14, %get3A_15] : memref<72x1xf32, #tpu.memory_space<vmem>>, vector<8x1xf32>
    %get3A_17 = arith.constant 48 : index
    %get3A_18 = arith.constant 0 : index
    %get3A_19 = vector.load %arg3[%get3A_17, %get3A_18] : memref<72x1xf32, #tpu.memory_space<vmem>>, vector<8x1xf32>
    %get3A_20 = arith.constant 56 : index
    %get3A_21 = arith.constant 0 : index
    %get3A_22 = vector.load %arg3[%get3A_20, %get3A_21] : memref<72x1xf32, #tpu.memory_space<vmem>>, vector<8x1xf32>
    %get3A_23 = arith.constant 64 : index
    %get3A_24 = arith.constant 0 : index
    %get3A_25 = vector.load %arg3[%get3A_23, %get3A_24] : memref<72x1xf32, #tpu.memory_space<vmem>>, vector<1x1xf32>
    %get3A_26 = arith.constant 0 : index
    %get3A_27 = arith.constant 0 : index
    %get3A_28 = vector.load %arg2[%get3A_26, %get3A_27] : memref<8x1xf32, #tpu.memory_space<vmem>>, vector<8x1xf32>
    %scan3A = arith.constant 0 : i32
    %scan3A_29 = arith.constant 625 : i32
    %scan3A_30 = arith.addi %scan3A, %scan3A_29 : i32
    %scan3A_31 = arith.constant 1 : i32
    %scan3A_32 = scf.for %scan3A_49 = %scan3A to %scan3A_30 step %scan3A_31 iter_args(%scan3A_50 = %get3A_28) -> (vector<8x1xf32>)  : i32 {
      %mul3A_51 = arith.constant 32 : i32
      %mul3A_52 = arith.muli %scan3A_49, %mul3A_51 : i32
      %add3A_53 = arith.constant 0 : i32
      %add3A_54 = arith.addi %mul3A_52, %add3A_53 : i32
      %get3A_55 = arith.index_cast %add3A_54 : i32 to index
      %get3A_56 = memref.load %arg0[%get3A_55] : memref<20000xf32, #tpu.memory_space<smem>>
      %mul3A_57 = vector.broadcast %get3A_56 : f32 to vector<8x1xf32>
      %mul3A_58 = arith.mulf %mul3A_57, %get3A_1 : vector<8x1xf32>
      %get3A_59 = arith.index_cast %add3A_54 : i32 to index
      %get3A_60 = memref.load %arg1[%get3A_59] : memref<20000xf32, #tpu.memory_space<smem>>
      %mul3A_61 = vector.broadcast %get3A_60 : f32 to vector<8x1xf32>
      %mul3A_62 = arith.mulf %mul3A_61, %get3A_4 : vector<8x1xf32>
      %add3A_63 = arith.addf %mul3A_58, %mul3A_62 : vector<8x1xf32>
      %add3A_64 = arith.addf %add3A_63, %get3A_7 : vector<8x1xf32>
      %slice3A = vector.extract_strided_slice %scan3A_50 {offsets = [1, 0], sizes = [7, 1], strides = [1, 1]} : vector<8x1xf32> to vector<7x1xf32>
      %slice3A_65 = vector.extract_strided_slice %scan3A_50 {offsets = [0, 0], sizes = [1, 1], strides = [1, 1]} : vector<8x1xf32> to vector<1x1xf32>
      %concatenate3A = tpu.concatenate %slice3A, %slice3A_65 in 0 : vector<7x1xf32>, vector<1x1xf32> -> vector<8x1xf32>
      %slice3A_66 = vector.extract_strided_slice %scan3A_50 {offsets = [2, 0], sizes = [6, 1], strides = [1, 1]} : vector<8x1xf32> to vector<6x1xf32>
      %slice3A_67 = vector.extract_strided_slice %scan3A_50 {offsets = [0, 0], sizes = [2, 1], strides = [1, 1]} : vector<8x1xf32> to vector<2x1xf32>
      %concatenate3A_68 = tpu.concatenate %slice3A_66, %slice3A_67 in 0 : vector<6x1xf32>, vector<2x1xf32> -> vector<8x1xf32>
      %slice3A_69 = vector.extract_strided_slice %scan3A_50 {offsets = [3, 0], sizes = [5, 1], strides = [1, 1]} : vector<8x1xf32> to vector<5x1xf32>
      %slice3A_70 = vector.extract_strided_slice %scan3A_50 {offsets = [0, 0], sizes = [3, 1], strides = [1, 1]} : vector<8x1xf32> to vector<3x1xf32>
      %concatenate3A_71 = tpu.concatenate %slice3A_69, %slice3A_70 in 0 : vector<5x1xf32>, vector<3x1xf32> -> vector<8x1xf32>
      %mul3A_72 = arith.mulf %get3A_10, %scan3A_50 : vector<8x1xf32>
      %add3A_73 = arith.addf %add3A_64, %mul3A_72 : vector<8x1xf32>
      %mul3A_74 = arith.mulf %get3A_13, %concatenate3A : vector<8x1xf32>
      %mul3A_75 = arith.mulf %get3A_16, %concatenate3A_68 : vector<8x1xf32>
      %add3A_76 = arith.addf %mul3A_74, %mul3A_75 : vector<8x1xf32>
      %add3A_77 = arith.addf %add3A_73, %add3A_76 : vector<8x1xf32>
      %mul3A_78 = arith.mulf %get3A_19, %concatenate3A_71 : vector<8x1xf32>
      %add3A_79 = arith.addf %add3A_77, %mul3A_78 : vector<8x1xf32>
      %tanh3A = math.tanh %add3A_79 : vector<8x1xf32>
      %add3A_80 = arith.constant 1 : i32
      %add3A_81 = arith.addi %mul3A_52, %add3A_80 : i32
      %get3A_82 = arith.index_cast %add3A_81 : i32 to index
      %get3A_83 = memref.load %arg0[%get3A_82] : memref<20000xf32, #tpu.memory_space<smem>>
      %mul3A_84 = vector.broadcast %get3A_83 : f32 to vector<8x1xf32>
      %mul3A_85 = arith.mulf %mul3A_84, %get3A_1 : vector<8x1xf32>
      %get3A_86 = arith.index_cast %add3A_81 : i32 to index
      %get3A_87 = memref.load %arg1[%get3A_86] : memref<20000xf32, #tpu.memory_space<smem>>
      %mul3A_88 = vector.broadcast %get3A_87 : f32 to vector<8x1xf32>
      %mul3A_89 = arith.mulf %mul3A_88, %get3A_4 : vector<8x1xf32>
      %add3A_90 = arith.addf %mul3A_85, %mul3A_89 : vector<8x1xf32>
      %add3A_91 = arith.addf %add3A_90, %get3A_7 : vector<8x1xf32>
      %slice3A_92 = vector.extract_strided_slice %tanh3A {offsets = [1, 0], sizes = [7, 1], strides = [1, 1]} : vector<8x1xf32> to vector<7x1xf32>
      %slice3A_93 = vector.extract_strided_slice %tanh3A {offsets = [0, 0], sizes = [1, 1], strides = [1, 1]} : vector<8x1xf32> to vector<1x1xf32>
      %concatenate3A_94 = tpu.concatenate %slice3A_92, %slice3A_93 in 0 : vector<7x1xf32>, vector<1x1xf32> -> vector<8x1xf32>
      %slice3A_95 = vector.extract_strided_slice %tanh3A {offsets = [2, 0], sizes = [6, 1], strides = [1, 1]} : vector<8x1xf32> to vector<6x1xf32>
      %slice3A_96 = vector.extract_strided_slice %tanh3A {offsets = [0, 0], sizes = [2, 1], strides = [1, 1]} : vector<8x1xf32> to vector<2x1xf32>
      %concatenate3A_97 = tpu.concatenate %slice3A_95, %slice3A_96 in 0 : vector<6x1xf32>, vector<2x1xf32> -> vector<8x1xf32>
      %slice3A_98 = vector.extract_strided_slice %tanh3A {offsets = [3, 0], sizes = [5, 1], strides = [1, 1]} : vector<8x1xf32> to vector<5x1xf32>
      %slice3A_99 = vector.extract_strided_slice %tanh3A {offsets = [0, 0], sizes = [3, 1], strides = [1, 1]} : vector<8x1xf32> to vector<3x1xf32>
      %concatenate3A_100 = tpu.concatenate %slice3A_98, %slice3A_99 in 0 : vector<5x1xf32>, vector<3x1xf32> -> vector<8x1xf32>
      %mul3A_101 = arith.mulf %get3A_10, %tanh3A : vector<8x1xf32>
      %add3A_102 = arith.addf %add3A_91, %mul3A_101 : vector<8x1xf32>
      %mul3A_103 = arith.mulf %get3A_13, %concatenate3A_94 : vector<8x1xf32>
      %mul3A_104 = arith.mulf %get3A_16, %concatenate3A_97 : vector<8x1xf32>
      %add3A_105 = arith.addf %mul3A_103, %mul3A_104 : vector<8x1xf32>
      %add3A_106 = arith.addf %add3A_102, %add3A_105 : vector<8x1xf32>
      %mul3A_107 = arith.mulf %get3A_19, %concatenate3A_100 : vector<8x1xf32>
      %add3A_108 = arith.addf %add3A_106, %mul3A_107 : vector<8x1xf32>
      %tanh3A_109 = math.tanh %add3A_108 : vector<8x1xf32>
      %add3A_110 = arith.constant 2 : i32
      %add3A_111 = arith.addi %mul3A_52, %add3A_110 : i32
      %get3A_112 = arith.index_cast %add3A_111 : i32 to index
      %get3A_113 = memref.load %arg0[%get3A_112] : memref<20000xf32, #tpu.memory_space<smem>>
      %mul3A_114 = vector.broadcast %get3A_113 : f32 to vector<8x1xf32>
      %mul3A_115 = arith.mulf %mul3A_114, %get3A_1 : vector<8x1xf32>
      %get3A_116 = arith.index_cast %add3A_111 : i32 to index
      %get3A_117 = memref.load %arg1[%get3A_116] : memref<20000xf32, #tpu.memory_space<smem>>
      %mul3A_118 = vector.broadcast %get3A_117 : f32 to vector<8x1xf32>
      %mul3A_119 = arith.mulf %mul3A_118, %get3A_4 : vector<8x1xf32>
      %add3A_120 = arith.addf %mul3A_115, %mul3A_119 : vector<8x1xf32>
      %add3A_121 = arith.addf %add3A_120, %get3A_7 : vector<8x1xf32>
      %slice3A_122 = vector.extract_strided_slice %tanh3A_109 {offsets = [1, 0], sizes = [7, 1], strides = [1, 1]} : vector<8x1xf32> to vector<7x1xf32>
      %slice3A_123 = vector.extract_strided_slice %tanh3A_109 {offsets = [0, 0], sizes = [1, 1], strides = [1, 1]} : vector<8x1xf32> to vector<1x1xf32>
      %concatenate3A_124 = tpu.concatenate %slice3A_122, %slice3A_123 in 0 : vector<7x1xf32>, vector<1x1xf32> -> vector<8x1xf32>
      %slice3A_125 = vector.extract_strided_slice %tanh3A_109 {offsets = [2, 0], sizes = [6, 1], strides = [1, 1]} : vector<8x1xf32> to vector<6x1xf32>
      %slice3A_126 = vector.extract_strided_slice %tanh3A_109 {offsets = [0, 0], sizes = [2, 1], strides = [1, 1]} : vector<8x1xf32> to vector<2x1xf32>
      %concatenate3A_127 = tpu.concatenate %slice3A_125, %slice3A_126 in 0 : vector<6x1xf32>, vector<2x1xf32> -> vector<8x1xf32>
      %slice3A_128 = vector.extract_strided_slice %tanh3A_109 {offsets = [3, 0], sizes = [5, 1], strides = [1, 1]} : vector<8x1xf32> to vector<5x1xf32>
      %slice3A_129 = vector.extract_strided_slice %tanh3A_109 {offsets = [0, 0], sizes = [3, 1], strides = [1, 1]} : vector<8x1xf32> to vector<3x1xf32>
      %concatenate3A_130 = tpu.concatenate %slice3A_128, %slice3A_129 in 0 : vector<5x1xf32>, vector<3x1xf32> -> vector<8x1xf32>
      %mul3A_131 = arith.mulf %get3A_10, %tanh3A_109 : vector<8x1xf32>
      %add3A_132 = arith.addf %add3A_121, %mul3A_131 : vector<8x1xf32>
      %mul3A_133 = arith.mulf %get3A_13, %concatenate3A_124 : vector<8x1xf32>
      %mul3A_134 = arith.mulf %get3A_16, %concatenate3A_127 : vector<8x1xf32>
      %add3A_135 = arith.addf %mul3A_133, %mul3A_134 : vector<8x1xf32>
      %add3A_136 = arith.addf %add3A_132, %add3A_135 : vector<8x1xf32>
      %mul3A_137 = arith.mulf %get3A_19, %concatenate3A_130 : vector<8x1xf32>
      %add3A_138 = arith.addf %add3A_136, %mul3A_137 : vector<8x1xf32>
      %tanh3A_139 = math.tanh %add3A_138 : vector<8x1xf32>
      %add3A_140 = arith.constant 3 : i32
      %add3A_141 = arith.addi %mul3A_52, %add3A_140 : i32
      %get3A_142 = arith.index_cast %add3A_141 : i32 to index
      %get3A_143 = memref.load %arg0[%get3A_142] : memref<20000xf32, #tpu.memory_space<smem>>
      %mul3A_144 = vector.broadcast %get3A_143 : f32 to vector<8x1xf32>
      %mul3A_145 = arith.mulf %mul3A_144, %get3A_1 : vector<8x1xf32>
      %get3A_146 = arith.index_cast %add3A_141 : i32 to index
      %get3A_147 = memref.load %arg1[%get3A_146] : memref<20000xf32, #tpu.memory_space<smem>>
      %mul3A_148 = vector.broadcast %get3A_147 : f32 to vector<8x1xf32>
      %mul3A_149 = arith.mulf %mul3A_148, %get3A_4 : vector<8x1xf32>
      %add3A_150 = arith.addf %mul3A_145, %mul3A_149 : vector<8x1xf32>
      %add3A_151 = arith.addf %add3A_150, %get3A_7 : vector<8x1xf32>
      %slice3A_152 = vector.extract_strided_slice %tanh3A_139 {offsets = [1, 0], sizes = [7, 1], strides = [1, 1]} : vector<8x1xf32> to vector<7x1xf32>
      %slice3A_153 = vector.extract_strided_slice %tanh3A_139 {offsets = [0, 0], sizes = [1, 1], strides = [1, 1]} : vector<8x1xf32> to vector<1x1xf32>
      %concatenate3A_154 = tpu.concatenate %slice3A_152, %slice3A_153 in 0 : vector<7x1xf32>, vector<1x1xf32> -> vector<8x1xf32>
      %slice3A_155 = vector.extract_strided_slice %tanh3A_139 {offsets = [2, 0], sizes = [6, 1], strides = [1, 1]} : vector<8x1xf32> to vector<6x1xf32>
      %slice3A_156 = vector.extract_strided_slice %tanh3A_139 {offsets = [0, 0], sizes = [2, 1], strides = [1, 1]} : vector<8x1xf32> to vector<2x1xf32>
      %concatenate3A_157 = tpu.concatenate %slice3A_155, %slice3A_156 in 0 : vector<6x1xf32>, vector<2x1xf32> -> vector<8x1xf32>
      %slice3A_158 = vector.extract_strided_slice %tanh3A_139 {offsets = [3, 0], sizes = [5, 1], strides = [1, 1]} : vector<8x1xf32> to vector<5x1xf32>
      %slice3A_159 = vector.extract_strided_slice %tanh3A_139 {offsets = [0, 0], sizes = [3, 1], strides = [1, 1]} : vector<8x1xf32> to vector<3x1xf32>
      %concatenate3A_160 = tpu.concatenate %slice3A_158, %slice3A_159 in 0 : vector<5x1xf32>, vector<3x1xf32> -> vector<8x1xf32>
      %mul3A_161 = arith.mulf %get3A_10, %tanh3A_139 : vector<8x1xf32>
      %add3A_162 = arith.addf %add3A_151, %mul3A_161 : vector<8x1xf32>
      %mul3A_163 = arith.mulf %get3A_13, %concatenate3A_154 : vector<8x1xf32>
      %mul3A_164 = arith.mulf %get3A_16, %concatenate3A_157 : vector<8x1xf32>
      %add3A_165 = arith.addf %mul3A_163, %mul3A_164 : vector<8x1xf32>
      %add3A_166 = arith.addf %add3A_162, %add3A_165 : vector<8x1xf32>
      %mul3A_167 = arith.mulf %get3A_19, %concatenate3A_160 : vector<8x1xf32>
      %add3A_168 = arith.addf %add3A_166, %mul3A_167 : vector<8x1xf32>
      %tanh3A_169 = math.tanh %add3A_168 : vector<8x1xf32>
      %add3A_170 = arith.constant 4 : i32
      %add3A_171 = arith.addi %mul3A_52, %add3A_170 : i32
      %get3A_172 = arith.index_cast %add3A_171 : i32 to index
      %get3A_173 = memref.load %arg0[%get3A_172] : memref<20000xf32, #tpu.memory_space<smem>>
      %mul3A_174 = vector.broadcast %get3A_173 : f32 to vector<8x1xf32>
      %mul3A_175 = arith.mulf %mul3A_174, %get3A_1 : vector<8x1xf32>
      %get3A_176 = arith.index_cast %add3A_171 : i32 to index
      %get3A_177 = memref.load %arg1[%get3A_176] : memref<20000xf32, #tpu.memory_space<smem>>
      %mul3A_178 = vector.broadcast %get3A_177 : f32 to vector<8x1xf32>
      %mul3A_179 = arith.mulf %mul3A_178, %get3A_4 : vector<8x1xf32>
      %add3A_180 = arith.addf %mul3A_175, %mul3A_179 : vector<8x1xf32>
      %add3A_181 = arith.addf %add3A_180, %get3A_7 : vector<8x1xf32>
      %slice3A_182 = vector.extract_strided_slice %tanh3A_169 {offsets = [1, 0], sizes = [7, 1], strides = [1, 1]} : vector<8x1xf32> to vector<7x1xf32>
      %slice3A_183 = vector.extract_strided_slice %tanh3A_169 {offsets = [0, 0], sizes = [1, 1], strides = [1, 1]} : vector<8x1xf32> to vector<1x1xf32>
      %concatenate3A_184 = tpu.concatenate %slice3A_182, %slice3A_183 in 0 : vector<7x1xf32>, vector<1x1xf32> -> vector<8x1xf32>
      %slice3A_185 = vector.extract_strided_slice %tanh3A_169 {offsets = [2, 0], sizes = [6, 1], strides = [1, 1]} : vector<8x1xf32> to vector<6x1xf32>
      %slice3A_186 = vector.extract_strided_slice %tanh3A_169 {offsets = [0, 0], sizes = [2, 1], strides = [1, 1]} : vector<8x1xf32> to vector<2x1xf32>
      %concatenate3A_187 = tpu.concatenate %slice3A_185, %slice3A_186 in 0 : vector<6x1xf32>, vector<2x1xf32> -> vector<8x1xf32>
      %slice3A_188 = vector.extract_strided_slice %tanh3A_169 {offsets = [3, 0], sizes = [5, 1], strides = [1, 1]} : vector<8x1xf32> to vector<5x1xf32>
      %slice3A_189 = vector.extract_strided_slice %tanh3A_169 {offsets = [0, 0], sizes = [3, 1], strides = [1, 1]} : vector<8x1xf32> to vector<3x1xf32>
      %concatenate3A_190 = tpu.concatenate %slice3A_188, %slice3A_189 in 0 : vector<5x1xf32>, vector<3x1xf32> -> vector<8x1xf32>
      %mul3A_191 = arith.mulf %get3A_10, %tanh3A_169 : vector<8x1xf32>
      %add3A_192 = arith.addf %add3A_181, %mul3A_191 : vector<8x1xf32>
      %mul3A_193 = arith.mulf %get3A_13, %concatenate3A_184 : vector<8x1xf32>
      %mul3A_194 = arith.mulf %get3A_16, %concatenate3A_187 : vector<8x1xf32>
      %add3A_195 = arith.addf %mul3A_193, %mul3A_194 : vector<8x1xf32>
      %add3A_196 = arith.addf %add3A_192, %add3A_195 : vector<8x1xf32>
      %mul3A_197 = arith.mulf %get3A_19, %concatenate3A_190 : vector<8x1xf32>
      %add3A_198 = arith.addf %add3A_196, %mul3A_197 : vector<8x1xf32>
      %tanh3A_199 = math.tanh %add3A_198 : vector<8x1xf32>
      %add3A_200 = arith.constant 5 : i32
      %add3A_201 = arith.addi %mul3A_52, %add3A_200 : i32
      %get3A_202 = arith.index_cast %add3A_201 : i32 to index
      %get3A_203 = memref.load %arg0[%get3A_202] : memref<20000xf32, #tpu.memory_space<smem>>
      %mul3A_204 = vector.broadcast %get3A_203 : f32 to vector<8x1xf32>
      %mul3A_205 = arith.mulf %mul3A_204, %get3A_1 : vector<8x1xf32>
      %get3A_206 = arith.index_cast %add3A_201 : i32 to index
      %get3A_207 = memref.load %arg1[%get3A_206] : memref<20000xf32, #tpu.memory_space<smem>>
      %mul3A_208 = vector.broadcast %get3A_207 : f32 to vector<8x1xf32>
      %mul3A_209 = arith.mulf %mul3A_208, %get3A_4 : vector<8x1xf32>
      %add3A_210 = arith.addf %mul3A_205, %mul3A_209 : vector<8x1xf32>
      %add3A_211 = arith.addf %add3A_210, %get3A_7 : vector<8x1xf32>
      %slice3A_212 = vector.extract_strided_slice %tanh3A_199 {offsets = [1, 0], sizes = [7, 1], strides = [1, 1]} : vector<8x1xf32> to vector<7x1xf32>
      %slice3A_213 = vector.extract_strided_slice %tanh3A_199 {offsets = [0, 0], sizes = [1, 1], strides = [1, 1]} : vector<8x1xf32> to vector<1x1xf32>
      %concatenate3A_214 = tpu.concatenate %slice3A_212, %slice3A_213 in 0 : vector<7x1xf32>, vector<1x1xf32> -> vector<8x1xf32>
      %slice3A_215 = vector.extract_strided_slice %tanh3A_199 {offsets = [2, 0], sizes = [6, 1], strides = [1, 1]} : vector<8x1xf32> to vector<6x1xf32>
      %slice3A_216 = vector.extract_strided_slice %tanh3A_199 {offsets = [0, 0], sizes = [2, 1], strides = [1, 1]} : vector<8x1xf32> to vector<2x1xf32>
      %concatenate3A_217 = tpu.concatenate %slice3A_215, %slice3A_216 in 0 : vector<6x1xf32>, vector<2x1xf32> -> vector<8x1xf32>
      %slice3A_218 = vector.extract_strided_slice %tanh3A_199 {offsets = [3, 0], sizes = [5, 1], strides = [1, 1]} : vector<8x1xf32> to vector<5x1xf32>
      %slice3A_219 = vector.extract_strided_slice %tanh3A_199 {offsets = [0, 0], sizes = [3, 1], strides = [1, 1]} : vector<8x1xf32> to vector<3x1xf32>
      %concatenate3A_220 = tpu.concatenate %slice3A_218, %slice3A_219 in 0 : vector<5x1xf32>, vector<3x1xf32> -> vector<8x1xf32>
      %mul3A_221 = arith.mulf %get3A_10, %tanh3A_199 : vector<8x1xf32>
      %add3A_222 = arith.addf %add3A_211, %mul3A_221 : vector<8x1xf32>
      %mul3A_223 = arith.mulf %get3A_13, %concatenate3A_214 : vector<8x1xf32>
      %mul3A_224 = arith.mulf %get3A_16, %concatenate3A_217 : vector<8x1xf32>
      %add3A_225 = arith.addf %mul3A_223, %mul3A_224 : vector<8x1xf32>
      %add3A_226 = arith.addf %add3A_222, %add3A_225 : vector<8x1xf32>
      %mul3A_227 = arith.mulf %get3A_19, %concatenate3A_220 : vector<8x1xf32>
      %add3A_228 = arith.addf %add3A_226, %mul3A_227 : vector<8x1xf32>
      %tanh3A_229 = math.tanh %add3A_228 : vector<8x1xf32>
      %add3A_230 = arith.constant 6 : i32
      %add3A_231 = arith.addi %mul3A_52, %add3A_230 : i32
      %get3A_232 = arith.index_cast %add3A_231 : i32 to index
      %get3A_233 = memref.load %arg0[%get3A_232] : memref<20000xf32, #tpu.memory_space<smem>>
      %mul3A_234 = vector.broadcast %get3A_233 : f32 to vector<8x1xf32>
      %mul3A_235 = arith.mulf %mul3A_234, %get3A_1 : vector<8x1xf32>
      %get3A_236 = arith.index_cast %add3A_231 : i32 to index
      %get3A_237 = memref.load %arg1[%get3A_236] : memref<20000xf32, #tpu.memory_space<smem>>
      %mul3A_238 = vector.broadcast %get3A_237 : f32 to vector<8x1xf32>
      %mul3A_239 = arith.mulf %mul3A_238, %get3A_4 : vector<8x1xf32>
      %add3A_240 = arith.addf %mul3A_235, %mul3A_239 : vector<8x1xf32>
      %add3A_241 = arith.addf %add3A_240, %get3A_7 : vector<8x1xf32>
      %slice3A_242 = vector.extract_strided_slice %tanh3A_229 {offsets = [1, 0], sizes = [7, 1], strides = [1, 1]} : vector<8x1xf32> to vector<7x1xf32>
      %slice3A_243 = vector.extract_strided_slice %tanh3A_229 {offsets = [0, 0], sizes = [1, 1], strides = [1, 1]} : vector<8x1xf32> to vector<1x1xf32>
      %concatenate3A_244 = tpu.concatenate %slice3A_242, %slice3A_243 in 0 : vector<7x1xf32>, vector<1x1xf32> -> vector<8x1xf32>
      %slice3A_245 = vector.extract_strided_slice %tanh3A_229 {offsets = [2, 0], sizes = [6, 1], strides = [1, 1]} : vector<8x1xf32> to vector<6x1xf32>
      %slice3A_246 = vector.extract_strided_slice %tanh3A_229 {offsets = [0, 0], sizes = [2, 1], strides = [1, 1]} : vector<8x1xf32> to vector<2x1xf32>
      %concatenate3A_247 = tpu.concatenate %slice3A_245, %slice3A_246 in 0 : vector<6x1xf32>, vector<2x1xf32> -> vector<8x1xf32>
      %slice3A_248 = vector.extract_strided_slice %tanh3A_229 {offsets = [3, 0], sizes = [5, 1], strides = [1, 1]} : vector<8x1xf32> to vector<5x1xf32>
      %slice3A_249 = vector.extract_strided_slice %tanh3A_229 {offsets = [0, 0], sizes = [3, 1], strides = [1, 1]} : vector<8x1xf32> to vector<3x1xf32>
      %concatenate3A_250 = tpu.concatenate %slice3A_248, %slice3A_249 in 0 : vector<5x1xf32>, vector<3x1xf32> -> vector<8x1xf32>
      %mul3A_251 = arith.mulf %get3A_10, %tanh3A_229 : vector<8x1xf32>
      %add3A_252 = arith.addf %add3A_241, %mul3A_251 : vector<8x1xf32>
      %mul3A_253 = arith.mulf %get3A_13, %concatenate3A_244 : vector<8x1xf32>
      %mul3A_254 = arith.mulf %get3A_16, %concatenate3A_247 : vector<8x1xf32>
      %add3A_255 = arith.addf %mul3A_253, %mul3A_254 : vector<8x1xf32>
      %add3A_256 = arith.addf %add3A_252, %add3A_255 : vector<8x1xf32>
      %mul3A_257 = arith.mulf %get3A_19, %concatenate3A_250 : vector<8x1xf32>
      %add3A_258 = arith.addf %add3A_256, %mul3A_257 : vector<8x1xf32>
      %tanh3A_259 = math.tanh %add3A_258 : vector<8x1xf32>
      %add3A_260 = arith.constant 7 : i32
      %add3A_261 = arith.addi %mul3A_52, %add3A_260 : i32
      %get3A_262 = arith.index_cast %add3A_261 : i32 to index
      %get3A_263 = memref.load %arg0[%get3A_262] : memref<20000xf32, #tpu.memory_space<smem>>
      %mul3A_264 = vector.broadcast %get3A_263 : f32 to vector<8x1xf32>
      %mul3A_265 = arith.mulf %mul3A_264, %get3A_1 : vector<8x1xf32>
      %get3A_266 = arith.index_cast %add3A_261 : i32 to index
      %get3A_267 = memref.load %arg1[%get3A_266] : memref<20000xf32, #tpu.memory_space<smem>>
      %mul3A_268 = vector.broadcast %get3A_267 : f32 to vector<8x1xf32>
      %mul3A_269 = arith.mulf %mul3A_268, %get3A_4 : vector<8x1xf32>
      %add3A_270 = arith.addf %mul3A_265, %mul3A_269 : vector<8x1xf32>
      %add3A_271 = arith.addf %add3A_270, %get3A_7 : vector<8x1xf32>
      %slice3A_272 = vector.extract_strided_slice %tanh3A_259 {offsets = [1, 0], sizes = [7, 1], strides = [1, 1]} : vector<8x1xf32> to vector<7x1xf32>
      %slice3A_273 = vector.extract_strided_slice %tanh3A_259 {offsets = [0, 0], sizes = [1, 1], strides = [1, 1]} : vector<8x1xf32> to vector<1x1xf32>
      %concatenate3A_274 = tpu.concatenate %slice3A_272, %slice3A_273 in 0 : vector<7x1xf32>, vector<1x1xf32> -> vector<8x1xf32>
      %slice3A_275 = vector.extract_strided_slice %tanh3A_259 {offsets = [2, 0], sizes = [6, 1], strides = [1, 1]} : vector<8x1xf32> to vector<6x1xf32>
      %slice3A_276 = vector.extract_strided_slice %tanh3A_259 {offsets = [0, 0], sizes = [2, 1], strides = [1, 1]} : vector<8x1xf32> to vector<2x1xf32>
      %concatenate3A_277 = tpu.concatenate %slice3A_275, %slice3A_276 in 0 : vector<6x1xf32>, vector<2x1xf32> -> vector<8x1xf32>
      %slice3A_278 = vector.extract_strided_slice %tanh3A_259 {offsets = [3, 0], sizes = [5, 1], strides = [1, 1]} : vector<8x1xf32> to vector<5x1xf32>
      %slice3A_279 = vector.extract_strided_slice %tanh3A_259 {offsets = [0, 0], sizes = [3, 1], strides = [1, 1]} : vector<8x1xf32> to vector<3x1xf32>
      %concatenate3A_280 = tpu.concatenate %slice3A_278, %slice3A_279 in 0 : vector<5x1xf32>, vector<3x1xf32> -> vector<8x1xf32>
      %mul3A_281 = arith.mulf %get3A_10, %tanh3A_259 : vector<8x1xf32>
      %add3A_282 = arith.addf %add3A_271, %mul3A_281 : vector<8x1xf32>
      %mul3A_283 = arith.mulf %get3A_13, %concatenate3A_274 : vector<8x1xf32>
      %mul3A_284 = arith.mulf %get3A_16, %concatenate3A_277 : vector<8x1xf32>
      %add3A_285 = arith.addf %mul3A_283, %mul3A_284 : vector<8x1xf32>
      %add3A_286 = arith.addf %add3A_282, %add3A_285 : vector<8x1xf32>
      %mul3A_287 = arith.mulf %get3A_19, %concatenate3A_280 : vector<8x1xf32>
      %add3A_288 = arith.addf %add3A_286, %mul3A_287 : vector<8x1xf32>
      %tanh3A_289 = math.tanh %add3A_288 : vector<8x1xf32>
      %add3A_290 = arith.constant 8 : i32
      %add3A_291 = arith.addi %mul3A_52, %add3A_290 : i32
      %get3A_292 = arith.index_cast %add3A_291 : i32 to index
      %get3A_293 = memref.load %arg0[%get3A_292] : memref<20000xf32, #tpu.memory_space<smem>>
      %mul3A_294 = vector.broadcast %get3A_293 : f32 to vector<8x1xf32>
      %mul3A_295 = arith.mulf %mul3A_294, %get3A_1 : vector<8x1xf32>
      %get3A_296 = arith.index_cast %add3A_291 : i32 to index
      %get3A_297 = memref.load %arg1[%get3A_296] : memref<20000xf32, #tpu.memory_space<smem>>
      %mul3A_298 = vector.broadcast %get3A_297 : f32 to vector<8x1xf32>
      %mul3A_299 = arith.mulf %mul3A_298, %get3A_4 : vector<8x1xf32>
      %add3A_300 = arith.addf %mul3A_295, %mul3A_299 : vector<8x1xf32>
      %add3A_301 = arith.addf %add3A_300, %get3A_7 : vector<8x1xf32>
      %slice3A_302 = vector.extract_strided_slice %tanh3A_289 {offsets = [1, 0], sizes = [7, 1], strides = [1, 1]} : vector<8x1xf32> to vector<7x1xf32>
      %slice3A_303 = vector.extract_strided_slice %tanh3A_289 {offsets = [0, 0], sizes = [1, 1], strides = [1, 1]} : vector<8x1xf32> to vector<1x1xf32>
      %concatenate3A_304 = tpu.concatenate %slice3A_302, %slice3A_303 in 0 : vector<7x1xf32>, vector<1x1xf32> -> vector<8x1xf32>
      %slice3A_305 = vector.extract_strided_slice %tanh3A_289 {offsets = [2, 0], sizes = [6, 1], strides = [1, 1]} : vector<8x1xf32> to vector<6x1xf32>
      %slice3A_306 = vector.extract_strided_slice %tanh3A_289 {offsets = [0, 0], sizes = [2, 1], strides = [1, 1]} : vector<8x1xf32> to vector<2x1xf32>
      %concatenate3A_307 = tpu.concatenate %slice3A_305, %slice3A_306 in 0 : vector<6x1xf32>, vector<2x1xf32> -> vector<8x1xf32>
      %slice3A_308 = vector.extract_strided_slice %tanh3A_289 {offsets = [3, 0], sizes = [5, 1], strides = [1, 1]} : vector<8x1xf32> to vector<5x1xf32>
      %slice3A_309 = vector.extract_strided_slice %tanh3A_289 {offsets = [0, 0], sizes = [3, 1], strides = [1, 1]} : vector<8x1xf32> to vector<3x1xf32>
      %concatenate3A_310 = tpu.concatenate %slice3A_308, %slice3A_309 in 0 : vector<5x1xf32>, vector<3x1xf32> -> vector<8x1xf32>
      %mul3A_311 = arith.mulf %get3A_10, %tanh3A_289 : vector<8x1xf32>
      %add3A_312 = arith.addf %add3A_301, %mul3A_311 : vector<8x1xf32>
      %mul3A_313 = arith.mulf %get3A_13, %concatenate3A_304 : vector<8x1xf32>
      %mul3A_314 = arith.mulf %get3A_16, %concatenate3A_307 : vector<8x1xf32>
      %add3A_315 = arith.addf %mul3A_313, %mul3A_314 : vector<8x1xf32>
      %add3A_316 = arith.addf %add3A_312, %add3A_315 : vector<8x1xf32>
      %mul3A_317 = arith.mulf %get3A_19, %concatenate3A_310 : vector<8x1xf32>
      %add3A_318 = arith.addf %add3A_316, %mul3A_317 : vector<8x1xf32>
      %tanh3A_319 = math.tanh %add3A_318 : vector<8x1xf32>
      %add3A_320 = arith.constant 9 : i32
      %add3A_321 = arith.addi %mul3A_52, %add3A_320 : i32
      %get3A_322 = arith.index_cast %add3A_321 : i32 to index
      %get3A_323 = memref.load %arg0[%get3A_322] : memref<20000xf32, #tpu.memory_space<smem>>
      %mul3A_324 = vector.broadcast %get3A_323 : f32 to vector<8x1xf32>
      %mul3A_325 = arith.mulf %mul3A_324, %get3A_1 : vector<8x1xf32>
      %get3A_326 = arith.index_cast %add3A_321 : i32 to index
      %get3A_327 = memref.load %arg1[%get3A_326] : memref<20000xf32, #tpu.memory_space<smem>>
      %mul3A_328 = vector.broadcast %get3A_327 : f32 to vector<8x1xf32>
      %mul3A_329 = arith.mulf %mul3A_328, %get3A_4 : vector<8x1xf32>
      %add3A_330 = arith.addf %mul3A_325, %mul3A_329 : vector<8x1xf32>
      %add3A_331 = arith.addf %add3A_330, %get3A_7 : vector<8x1xf32>
      %slice3A_332 = vector.extract_strided_slice %tanh3A_319 {offsets = [1, 0], sizes = [7, 1], strides = [1, 1]} : vector<8x1xf32> to vector<7x1xf32>
      %slice3A_333 = vector.extract_strided_slice %tanh3A_319 {offsets = [0, 0], sizes = [1, 1], strides = [1, 1]} : vector<8x1xf32> to vector<1x1xf32>
      %concatenate3A_334 = tpu.concatenate %slice3A_332, %slice3A_333 in 0 : vector<7x1xf32>, vector<1x1xf32> -> vector<8x1xf32>
      %slice3A_335 = vector.extract_strided_slice %tanh3A_319 {offsets = [2, 0], sizes = [6, 1], strides = [1, 1]} : vector<8x1xf32> to vector<6x1xf32>
      %slice3A_336 = vector.extract_strided_slice %tanh3A_319 {offsets = [0, 0], sizes = [2, 1], strides = [1, 1]} : vector<8x1xf32> to vector<2x1xf32>
      %concatenate3A_337 = tpu.concatenate %slice3A_335, %slice3A_336 in 0 : vector<6x1xf32>, vector<2x1xf32> -> vector<8x1xf32>
      %slice3A_338 = vector.extract_strided_slice %tanh3A_319 {offsets = [3, 0], sizes = [5, 1], strides = [1, 1]} : vector<8x1xf32> to vector<5x1xf32>
      %slice3A_339 = vector.extract_strided_slice %tanh3A_319 {offsets = [0, 0], sizes = [3, 1], strides = [1, 1]} : vector<8x1xf32> to vector<3x1xf32>
      %concatenate3A_340 = tpu.concatenate %slice3A_338, %slice3A_339 in 0 : vector<5x1xf32>, vector<3x1xf32> -> vector<8x1xf32>
      %mul3A_341 = arith.mulf %get3A_10, %tanh3A_319 : vector<8x1xf32>
      %add3A_342 = arith.addf %add3A_331, %mul3A_341 : vector<8x1xf32>
      %mul3A_343 = arith.mulf %get3A_13, %concatenate3A_334 : vector<8x1xf32>
      %mul3A_344 = arith.mulf %get3A_16, %concatenate3A_337 : vector<8x1xf32>
      %add3A_345 = arith.addf %mul3A_343, %mul3A_344 : vector<8x1xf32>
      %add3A_346 = arith.addf %add3A_342, %add3A_345 : vector<8x1xf32>
      %mul3A_347 = arith.mulf %get3A_19, %concatenate3A_340 : vector<8x1xf32>
      %add3A_348 = arith.addf %add3A_346, %mul3A_347 : vector<8x1xf32>
      %tanh3A_349 = math.tanh %add3A_348 : vector<8x1xf32>
      %add3A_350 = arith.constant 10 : i32
      %add3A_351 = arith.addi %mul3A_52, %add3A_350 : i32
      %get3A_352 = arith.index_cast %add3A_351 : i32 to index
      %get3A_353 = memref.load %arg0[%get3A_352] : memref<20000xf32, #tpu.memory_space<smem>>
      %mul3A_354 = vector.broadcast %get3A_353 : f32 to vector<8x1xf32>
      %mul3A_355 = arith.mulf %mul3A_354, %get3A_1 : vector<8x1xf32>
      %get3A_356 = arith.index_cast %add3A_351 : i32 to index
      %get3A_357 = memref.load %arg1[%get3A_356] : memref<20000xf32, #tpu.memory_space<smem>>
      %mul3A_358 = vector.broadcast %get3A_357 : f32 to vector<8x1xf32>
      %mul3A_359 = arith.mulf %mul3A_358, %get3A_4 : vector<8x1xf32>
      %add3A_360 = arith.addf %mul3A_355, %mul3A_359 : vector<8x1xf32>
      %add3A_361 = arith.addf %add3A_360, %get3A_7 : vector<8x1xf32>
      %slice3A_362 = vector.extract_strided_slice %tanh3A_349 {offsets = [1, 0], sizes = [7, 1], strides = [1, 1]} : vector<8x1xf32> to vector<7x1xf32>
      %slice3A_363 = vector.extract_strided_slice %tanh3A_349 {offsets = [0, 0], sizes = [1, 1], strides = [1, 1]} : vector<8x1xf32> to vector<1x1xf32>
      %concatenate3A_364 = tpu.concatenate %slice3A_362, %slice3A_363 in 0 : vector<7x1xf32>, vector<1x1xf32> -> vector<8x1xf32>
      %slice3A_365 = vector.extract_strided_slice %tanh3A_349 {offsets = [2, 0], sizes = [6, 1], strides = [1, 1]} : vector<8x1xf32> to vector<6x1xf32>
      %slice3A_366 = vector.extract_strided_slice %tanh3A_349 {offsets = [0, 0], sizes = [2, 1], strides = [1, 1]} : vector<8x1xf32> to vector<2x1xf32>
      %concatenate3A_367 = tpu.concatenate %slice3A_365, %slice3A_366 in 0 : vector<6x1xf32>, vector<2x1xf32> -> vector<8x1xf32>
      %slice3A_368 = vector.extract_strided_slice %tanh3A_349 {offsets = [3, 0], sizes = [5, 1], strides = [1, 1]} : vector<8x1xf32> to vector<5x1xf32>
      %slice3A_369 = vector.extract_strided_slice %tanh3A_349 {offsets = [0, 0], sizes = [3, 1], strides = [1, 1]} : vector<8x1xf32> to vector<3x1xf32>
      %concatenate3A_370 = tpu.concatenate %slice3A_368, %slice3A_369 in 0 : vector<5x1xf32>, vector<3x1xf32> -> vector<8x1xf32>
      %mul3A_371 = arith.mulf %get3A_10, %tanh3A_349 : vector<8x1xf32>
      %add3A_372 = arith.addf %add3A_361, %mul3A_371 : vector<8x1xf32>
      %mul3A_373 = arith.mulf %get3A_13, %concatenate3A_364 : vector<8x1xf32>
      %mul3A_374 = arith.mulf %get3A_16, %concatenate3A_367 : vector<8x1xf32>
      %add3A_375 = arith.addf %mul3A_373, %mul3A_374 : vector<8x1xf32>
      %add3A_376 = arith.addf %add3A_372, %add3A_375 : vector<8x1xf32>
      %mul3A_377 = arith.mulf %get3A_19, %concatenate3A_370 : vector<8x1xf32>
      %add3A_378 = arith.addf %add3A_376, %mul3A_377 : vector<8x1xf32>
      %tanh3A_379 = math.tanh %add3A_378 : vector<8x1xf32>
      %add3A_380 = arith.constant 11 : i32
      %add3A_381 = arith.addi %mul3A_52, %add3A_380 : i32
      %get3A_382 = arith.index_cast %add3A_381 : i32 to index
      %get3A_383 = memref.load %arg0[%get3A_382] : memref<20000xf32, #tpu.memory_space<smem>>
      %mul3A_384 = vector.broadcast %get3A_383 : f32 to vector<8x1xf32>
      %mul3A_385 = arith.mulf %mul3A_384, %get3A_1 : vector<8x1xf32>
      %get3A_386 = arith.index_cast %add3A_381 : i32 to index
      %get3A_387 = memref.load %arg1[%get3A_386] : memref<20000xf32, #tpu.memory_space<smem>>
      %mul3A_388 = vector.broadcast %get3A_387 : f32 to vector<8x1xf32>
      %mul3A_389 = arith.mulf %mul3A_388, %get3A_4 : vector<8x1xf32>
      %add3A_390 = arith.addf %mul3A_385, %mul3A_389 : vector<8x1xf32>
      %add3A_391 = arith.addf %add3A_390, %get3A_7 : vector<8x1xf32>
      %slice3A_392 = vector.extract_strided_slice %tanh3A_379 {offsets = [1, 0], sizes = [7, 1], strides = [1, 1]} : vector<8x1xf32> to vector<7x1xf32>
      %slice3A_393 = vector.extract_strided_slice %tanh3A_379 {offsets = [0, 0], sizes = [1, 1], strides = [1, 1]} : vector<8x1xf32> to vector<1x1xf32>
      %concatenate3A_394 = tpu.concatenate %slice3A_392, %slice3A_393 in 0 : vector<7x1xf32>, vector<1x1xf32> -> vector<8x1xf32>
      %slice3A_395 = vector.extract_strided_slice %tanh3A_379 {offsets = [2, 0], sizes = [6, 1], strides = [1, 1]} : vector<8x1xf32> to vector<6x1xf32>
      %slice3A_396 = vector.extract_strided_slice %tanh3A_379 {offsets = [0, 0], sizes = [2, 1], strides = [1, 1]} : vector<8x1xf32> to vector<2x1xf32>
      %concatenate3A_397 = tpu.concatenate %slice3A_395, %slice3A_396 in 0 : vector<6x1xf32>, vector<2x1xf32> -> vector<8x1xf32>
      %slice3A_398 = vector.extract_strided_slice %tanh3A_379 {offsets = [3, 0], sizes = [5, 1], strides = [1, 1]} : vector<8x1xf32> to vector<5x1xf32>
      %slice3A_399 = vector.extract_strided_slice %tanh3A_379 {offsets = [0, 0], sizes = [3, 1], strides = [1, 1]} : vector<8x1xf32> to vector<3x1xf32>
      %concatenate3A_400 = tpu.concatenate %slice3A_398, %slice3A_399 in 0 : vector<5x1xf32>, vector<3x1xf32> -> vector<8x1xf32>
      %mul3A_401 = arith.mulf %get3A_10, %tanh3A_379 : vector<8x1xf32>
      %add3A_402 = arith.addf %add3A_391, %mul3A_401 : vector<8x1xf32>
      %mul3A_403 = arith.mulf %get3A_13, %concatenate3A_394 : vector<8x1xf32>
      %mul3A_404 = arith.mulf %get3A_16, %concatenate3A_397 : vector<8x1xf32>
      %add3A_405 = arith.addf %mul3A_403, %mul3A_404 : vector<8x1xf32>
      %add3A_406 = arith.addf %add3A_402, %add3A_405 : vector<8x1xf32>
      %mul3A_407 = arith.mulf %get3A_19, %concatenate3A_400 : vector<8x1xf32>
      %add3A_408 = arith.addf %add3A_406, %mul3A_407 : vector<8x1xf32>
      %tanh3A_409 = math.tanh %add3A_408 : vector<8x1xf32>
      %add3A_410 = arith.constant 12 : i32
      %add3A_411 = arith.addi %mul3A_52, %add3A_410 : i32
      %get3A_412 = arith.index_cast %add3A_411 : i32 to index
      %get3A_413 = memref.load %arg0[%get3A_412] : memref<20000xf32, #tpu.memory_space<smem>>
      %mul3A_414 = vector.broadcast %get3A_413 : f32 to vector<8x1xf32>
      %mul3A_415 = arith.mulf %mul3A_414, %get3A_1 : vector<8x1xf32>
      %get3A_416 = arith.index_cast %add3A_411 : i32 to index
      %get3A_417 = memref.load %arg1[%get3A_416] : memref<20000xf32, #tpu.memory_space<smem>>
      %mul3A_418 = vector.broadcast %get3A_417 : f32 to vector<8x1xf32>
      %mul3A_419 = arith.mulf %mul3A_418, %get3A_4 : vector<8x1xf32>
      %add3A_420 = arith.addf %mul3A_415, %mul3A_419 : vector<8x1xf32>
      %add3A_421 = arith.addf %add3A_420, %get3A_7 : vector<8x1xf32>
      %slice3A_422 = vector.extract_strided_slice %tanh3A_409 {offsets = [1, 0], sizes = [7, 1], strides = [1, 1]} : vector<8x1xf32> to vector<7x1xf32>
      %slice3A_423 = vector.extract_strided_slice %tanh3A_409 {offsets = [0, 0], sizes = [1, 1], strides = [1, 1]} : vector<8x1xf32> to vector<1x1xf32>
      %concatenate3A_424 = tpu.concatenate %slice3A_422, %slice3A_423 in 0 : vector<7x1xf32>, vector<1x1xf32> -> vector<8x1xf32>
      %slice3A_425 = vector.extract_strided_slice %tanh3A_409 {offsets = [2, 0], sizes = [6, 1], strides = [1, 1]} : vector<8x1xf32> to vector<6x1xf32>
      %slice3A_426 = vector.extract_strided_slice %tanh3A_409 {offsets = [0, 0], sizes = [2, 1], strides = [1, 1]} : vector<8x1xf32> to vector<2x1xf32>
      %concatenate3A_427 = tpu.concatenate %slice3A_425, %slice3A_426 in 0 : vector<6x1xf32>, vector<2x1xf32> -> vector<8x1xf32>
      %slice3A_428 = vector.extract_strided_slice %tanh3A_409 {offsets = [3, 0], sizes = [5, 1], strides = [1, 1]} : vector<8x1xf32> to vector<5x1xf32>
      %slice3A_429 = vector.extract_strided_slice %tanh3A_409 {offsets = [0, 0], sizes = [3, 1], strides = [1, 1]} : vector<8x1xf32> to vector<3x1xf32>
      %concatenate3A_430 = tpu.concatenate %slice3A_428, %slice3A_429 in 0 : vector<5x1xf32>, vector<3x1xf32> -> vector<8x1xf32>
      %mul3A_431 = arith.mulf %get3A_10, %tanh3A_409 : vector<8x1xf32>
      %add3A_432 = arith.addf %add3A_421, %mul3A_431 : vector<8x1xf32>
      %mul3A_433 = arith.mulf %get3A_13, %concatenate3A_424 : vector<8x1xf32>
      %mul3A_434 = arith.mulf %get3A_16, %concatenate3A_427 : vector<8x1xf32>
      %add3A_435 = arith.addf %mul3A_433, %mul3A_434 : vector<8x1xf32>
      %add3A_436 = arith.addf %add3A_432, %add3A_435 : vector<8x1xf32>
      %mul3A_437 = arith.mulf %get3A_19, %concatenate3A_430 : vector<8x1xf32>
      %add3A_438 = arith.addf %add3A_436, %mul3A_437 : vector<8x1xf32>
      %tanh3A_439 = math.tanh %add3A_438 : vector<8x1xf32>
      %add3A_440 = arith.constant 13 : i32
      %add3A_441 = arith.addi %mul3A_52, %add3A_440 : i32
      %get3A_442 = arith.index_cast %add3A_441 : i32 to index
      %get3A_443 = memref.load %arg0[%get3A_442] : memref<20000xf32, #tpu.memory_space<smem>>
      %mul3A_444 = vector.broadcast %get3A_443 : f32 to vector<8x1xf32>
      %mul3A_445 = arith.mulf %mul3A_444, %get3A_1 : vector<8x1xf32>
      %get3A_446 = arith.index_cast %add3A_441 : i32 to index
      %get3A_447 = memref.load %arg1[%get3A_446] : memref<20000xf32, #tpu.memory_space<smem>>
      %mul3A_448 = vector.broadcast %get3A_447 : f32 to vector<8x1xf32>
      %mul3A_449 = arith.mulf %mul3A_448, %get3A_4 : vector<8x1xf32>
      %add3A_450 = arith.addf %mul3A_445, %mul3A_449 : vector<8x1xf32>
      %add3A_451 = arith.addf %add3A_450, %get3A_7 : vector<8x1xf32>
      %slice3A_452 = vector.extract_strided_slice %tanh3A_439 {offsets = [1, 0], sizes = [7, 1], strides = [1, 1]} : vector<8x1xf32> to vector<7x1xf32>
      %slice3A_453 = vector.extract_strided_slice %tanh3A_439 {offsets = [0, 0], sizes = [1, 1], strides = [1, 1]} : vector<8x1xf32> to vector<1x1xf32>
      %concatenate3A_454 = tpu.concatenate %slice3A_452, %slice3A_453 in 0 : vector<7x1xf32>, vector<1x1xf32> -> vector<8x1xf32>
      %slice3A_455 = vector.extract_strided_slice %tanh3A_439 {offsets = [2, 0], sizes = [6, 1], strides = [1, 1]} : vector<8x1xf32> to vector<6x1xf32>
      %slice3A_456 = vector.extract_strided_slice %tanh3A_439 {offsets = [0, 0], sizes = [2, 1], strides = [1, 1]} : vector<8x1xf32> to vector<2x1xf32>
      %concatenate3A_457 = tpu.concatenate %slice3A_455, %slice3A_456 in 0 : vector<6x1xf32>, vector<2x1xf32> -> vector<8x1xf32>
      %slice3A_458 = vector.extract_strided_slice %tanh3A_439 {offsets = [3, 0], sizes = [5, 1], strides = [1, 1]} : vector<8x1xf32> to vector<5x1xf32>
      %slice3A_459 = vector.extract_strided_slice %tanh3A_439 {offsets = [0, 0], sizes = [3, 1], strides = [1, 1]} : vector<8x1xf32> to vector<3x1xf32>
      %concatenate3A_460 = tpu.concatenate %slice3A_458, %slice3A_459 in 0 : vector<5x1xf32>, vector<3x1xf32> -> vector<8x1xf32>
      %mul3A_461 = arith.mulf %get3A_10, %tanh3A_439 : vector<8x1xf32>
      %add3A_462 = arith.addf %add3A_451, %mul3A_461 : vector<8x1xf32>
      %mul3A_463 = arith.mulf %get3A_13, %concatenate3A_454 : vector<8x1xf32>
      %mul3A_464 = arith.mulf %get3A_16, %concatenate3A_457 : vector<8x1xf32>
      %add3A_465 = arith.addf %mul3A_463, %mul3A_464 : vector<8x1xf32>
      %add3A_466 = arith.addf %add3A_462, %add3A_465 : vector<8x1xf32>
      %mul3A_467 = arith.mulf %get3A_19, %concatenate3A_460 : vector<8x1xf32>
      %add3A_468 = arith.addf %add3A_466, %mul3A_467 : vector<8x1xf32>
      %tanh3A_469 = math.tanh %add3A_468 : vector<8x1xf32>
      %add3A_470 = arith.constant 14 : i32
      %add3A_471 = arith.addi %mul3A_52, %add3A_470 : i32
      %get3A_472 = arith.index_cast %add3A_471 : i32 to index
      %get3A_473 = memref.load %arg0[%get3A_472] : memref<20000xf32, #tpu.memory_space<smem>>
      %mul3A_474 = vector.broadcast %get3A_473 : f32 to vector<8x1xf32>
      %mul3A_475 = arith.mulf %mul3A_474, %get3A_1 : vector<8x1xf32>
      %get3A_476 = arith.index_cast %add3A_471 : i32 to index
      %get3A_477 = memref.load %arg1[%get3A_476] : memref<20000xf32, #tpu.memory_space<smem>>
      %mul3A_478 = vector.broadcast %get3A_477 : f32 to vector<8x1xf32>
      %mul3A_479 = arith.mulf %mul3A_478, %get3A_4 : vector<8x1xf32>
      %add3A_480 = arith.addf %mul3A_475, %mul3A_479 : vector<8x1xf32>
      %add3A_481 = arith.addf %add3A_480, %get3A_7 : vector<8x1xf32>
      %slice3A_482 = vector.extract_strided_slice %tanh3A_469 {offsets = [1, 0], sizes = [7, 1], strides = [1, 1]} : vector<8x1xf32> to vector<7x1xf32>
      %slice3A_483 = vector.extract_strided_slice %tanh3A_469 {offsets = [0, 0], sizes = [1, 1], strides = [1, 1]} : vector<8x1xf32> to vector<1x1xf32>
      %concatenate3A_484 = tpu.concatenate %slice3A_482, %slice3A_483 in 0 : vector<7x1xf32>, vector<1x1xf32> -> vector<8x1xf32>
      %slice3A_485 = vector.extract_strided_slice %tanh3A_469 {offsets = [2, 0], sizes = [6, 1], strides = [1, 1]} : vector<8x1xf32> to vector<6x1xf32>
      %slice3A_486 = vector.extract_strided_slice %tanh3A_469 {offsets = [0, 0], sizes = [2, 1], strides = [1, 1]} : vector<8x1xf32> to vector<2x1xf32>
      %concatenate3A_487 = tpu.concatenate %slice3A_485, %slice3A_486 in 0 : vector<6x1xf32>, vector<2x1xf32> -> vector<8x1xf32>
      %slice3A_488 = vector.extract_strided_slice %tanh3A_469 {offsets = [3, 0], sizes = [5, 1], strides = [1, 1]} : vector<8x1xf32> to vector<5x1xf32>
      %slice3A_489 = vector.extract_strided_slice %tanh3A_469 {offsets = [0, 0], sizes = [3, 1], strides = [1, 1]} : vector<8x1xf32> to vector<3x1xf32>
      %concatenate3A_490 = tpu.concatenate %slice3A_488, %slice3A_489 in 0 : vector<5x1xf32>, vector<3x1xf32> -> vector<8x1xf32>
      %mul3A_491 = arith.mulf %get3A_10, %tanh3A_469 : vector<8x1xf32>
      %add3A_492 = arith.addf %add3A_481, %mul3A_491 : vector<8x1xf32>
      %mul3A_493 = arith.mulf %get3A_13, %concatenate3A_484 : vector<8x1xf32>
      %mul3A_494 = arith.mulf %get3A_16, %concatenate3A_487 : vector<8x1xf32>
      %add3A_495 = arith.addf %mul3A_493, %mul3A_494 : vector<8x1xf32>
      %add3A_496 = arith.addf %add3A_492, %add3A_495 : vector<8x1xf32>
      %mul3A_497 = arith.mulf %get3A_19, %concatenate3A_490 : vector<8x1xf32>
      %add3A_498 = arith.addf %add3A_496, %mul3A_497 : vector<8x1xf32>
      %tanh3A_499 = math.tanh %add3A_498 : vector<8x1xf32>
      %add3A_500 = arith.constant 15 : i32
      %add3A_501 = arith.addi %mul3A_52, %add3A_500 : i32
      %get3A_502 = arith.index_cast %add3A_501 : i32 to index
      %get3A_503 = memref.load %arg0[%get3A_502] : memref<20000xf32, #tpu.memory_space<smem>>
      %mul3A_504 = vector.broadcast %get3A_503 : f32 to vector<8x1xf32>
      %mul3A_505 = arith.mulf %mul3A_504, %get3A_1 : vector<8x1xf32>
      %get3A_506 = arith.index_cast %add3A_501 : i32 to index
      %get3A_507 = memref.load %arg1[%get3A_506] : memref<20000xf32, #tpu.memory_space<smem>>
      %mul3A_508 = vector.broadcast %get3A_507 : f32 to vector<8x1xf32>
      %mul3A_509 = arith.mulf %mul3A_508, %get3A_4 : vector<8x1xf32>
      %add3A_510 = arith.addf %mul3A_505, %mul3A_509 : vector<8x1xf32>
      %add3A_511 = arith.addf %add3A_510, %get3A_7 : vector<8x1xf32>
      %slice3A_512 = vector.extract_strided_slice %tanh3A_499 {offsets = [1, 0], sizes = [7, 1], strides = [1, 1]} : vector<8x1xf32> to vector<7x1xf32>
      %slice3A_513 = vector.extract_strided_slice %tanh3A_499 {offsets = [0, 0], sizes = [1, 1], strides = [1, 1]} : vector<8x1xf32> to vector<1x1xf32>
      %concatenate3A_514 = tpu.concatenate %slice3A_512, %slice3A_513 in 0 : vector<7x1xf32>, vector<1x1xf32> -> vector<8x1xf32>
      %slice3A_515 = vector.extract_strided_slice %tanh3A_499 {offsets = [2, 0], sizes = [6, 1], strides = [1, 1]} : vector<8x1xf32> to vector<6x1xf32>
      %slice3A_516 = vector.extract_strided_slice %tanh3A_499 {offsets = [0, 0], sizes = [2, 1], strides = [1, 1]} : vector<8x1xf32> to vector<2x1xf32>
      %concatenate3A_517 = tpu.concatenate %slice3A_515, %slice3A_516 in 0 : vector<6x1xf32>, vector<2x1xf32> -> vector<8x1xf32>
      %slice3A_518 = vector.extract_strided_slice %tanh3A_499 {offsets = [3, 0], sizes = [5, 1], strides = [1, 1]} : vector<8x1xf32> to vector<5x1xf32>
      %slice3A_519 = vector.extract_strided_slice %tanh3A_499 {offsets = [0, 0], sizes = [3, 1], strides = [1, 1]} : vector<8x1xf32> to vector<3x1xf32>
      %concatenate3A_520 = tpu.concatenate %slice3A_518, %slice3A_519 in 0 : vector<5x1xf32>, vector<3x1xf32> -> vector<8x1xf32>
      %mul3A_521 = arith.mulf %get3A_10, %tanh3A_499 : vector<8x1xf32>
      %add3A_522 = arith.addf %add3A_511, %mul3A_521 : vector<8x1xf32>
      %mul3A_523 = arith.mulf %get3A_13, %concatenate3A_514 : vector<8x1xf32>
      %mul3A_524 = arith.mulf %get3A_16, %concatenate3A_517 : vector<8x1xf32>
      %add3A_525 = arith.addf %mul3A_523, %mul3A_524 : vector<8x1xf32>
      %add3A_526 = arith.addf %add3A_522, %add3A_525 : vector<8x1xf32>
      %mul3A_527 = arith.mulf %get3A_19, %concatenate3A_520 : vector<8x1xf32>
      %add3A_528 = arith.addf %add3A_526, %mul3A_527 : vector<8x1xf32>
      %tanh3A_529 = math.tanh %add3A_528 : vector<8x1xf32>
      %add3A_530 = arith.constant 16 : i32
      %add3A_531 = arith.addi %mul3A_52, %add3A_530 : i32
      %get3A_532 = arith.index_cast %add3A_531 : i32 to index
      %get3A_533 = memref.load %arg0[%get3A_532] : memref<20000xf32, #tpu.memory_space<smem>>
      %mul3A_534 = vector.broadcast %get3A_533 : f32 to vector<8x1xf32>
      %mul3A_535 = arith.mulf %mul3A_534, %get3A_1 : vector<8x1xf32>
      %get3A_536 = arith.index_cast %add3A_531 : i32 to index
      %get3A_537 = memref.load %arg1[%get3A_536] : memref<20000xf32, #tpu.memory_space<smem>>
      %mul3A_538 = vector.broadcast %get3A_537 : f32 to vector<8x1xf32>
      %mul3A_539 = arith.mulf %mul3A_538, %get3A_4 : vector<8x1xf32>
      %add3A_540 = arith.addf %mul3A_535, %mul3A_539 : vector<8x1xf32>
      %add3A_541 = arith.addf %add3A_540, %get3A_7 : vector<8x1xf32>
      %slice3A_542 = vector.extract_strided_slice %tanh3A_529 {offsets = [1, 0], sizes = [7, 1], strides = [1, 1]} : vector<8x1xf32> to vector<7x1xf32>
      %slice3A_543 = vector.extract_strided_slice %tanh3A_529 {offsets = [0, 0], sizes = [1, 1], strides = [1, 1]} : vector<8x1xf32> to vector<1x1xf32>
      %concatenate3A_544 = tpu.concatenate %slice3A_542, %slice3A_543 in 0 : vector<7x1xf32>, vector<1x1xf32> -> vector<8x1xf32>
      %slice3A_545 = vector.extract_strided_slice %tanh3A_529 {offsets = [2, 0], sizes = [6, 1], strides = [1, 1]} : vector<8x1xf32> to vector<6x1xf32>
      %slice3A_546 = vector.extract_strided_slice %tanh3A_529 {offsets = [0, 0], sizes = [2, 1], strides = [1, 1]} : vector<8x1xf32> to vector<2x1xf32>
      %concatenate3A_547 = tpu.concatenate %slice3A_545, %slice3A_546 in 0 : vector<6x1xf32>, vector<2x1xf32> -> vector<8x1xf32>
      %slice3A_548 = vector.extract_strided_slice %tanh3A_529 {offsets = [3, 0], sizes = [5, 1], strides = [1, 1]} : vector<8x1xf32> to vector<5x1xf32>
      %slice3A_549 = vector.extract_strided_slice %tanh3A_529 {offsets = [0, 0], sizes = [3, 1], strides = [1, 1]} : vector<8x1xf32> to vector<3x1xf32>
      %concatenate3A_550 = tpu.concatenate %slice3A_548, %slice3A_549 in 0 : vector<5x1xf32>, vector<3x1xf32> -> vector<8x1xf32>
      %mul3A_551 = arith.mulf %get3A_10, %tanh3A_529 : vector<8x1xf32>
      %add3A_552 = arith.addf %add3A_541, %mul3A_551 : vector<8x1xf32>
      %mul3A_553 = arith.mulf %get3A_13, %concatenate3A_544 : vector<8x1xf32>
      %mul3A_554 = arith.mulf %get3A_16, %concatenate3A_547 : vector<8x1xf32>
      %add3A_555 = arith.addf %mul3A_553, %mul3A_554 : vector<8x1xf32>
      %add3A_556 = arith.addf %add3A_552, %add3A_555 : vector<8x1xf32>
      %mul3A_557 = arith.mulf %get3A_19, %concatenate3A_550 : vector<8x1xf32>
      %add3A_558 = arith.addf %add3A_556, %mul3A_557 : vector<8x1xf32>
      %tanh3A_559 = math.tanh %add3A_558 : vector<8x1xf32>
      %add3A_560 = arith.constant 17 : i32
      %add3A_561 = arith.addi %mul3A_52, %add3A_560 : i32
      %get3A_562 = arith.index_cast %add3A_561 : i32 to index
      %get3A_563 = memref.load %arg0[%get3A_562] : memref<20000xf32, #tpu.memory_space<smem>>
      %mul3A_564 = vector.broadcast %get3A_563 : f32 to vector<8x1xf32>
      %mul3A_565 = arith.mulf %mul3A_564, %get3A_1 : vector<8x1xf32>
      %get3A_566 = arith.index_cast %add3A_561 : i32 to index
      %get3A_567 = memref.load %arg1[%get3A_566] : memref<20000xf32, #tpu.memory_space<smem>>
      %mul3A_568 = vector.broadcast %get3A_567 : f32 to vector<8x1xf32>
      %mul3A_569 = arith.mulf %mul3A_568, %get3A_4 : vector<8x1xf32>
      %add3A_570 = arith.addf %mul3A_565, %mul3A_569 : vector<8x1xf32>
      %add3A_571 = arith.addf %add3A_570, %get3A_7 : vector<8x1xf32>
      %slice3A_572 = vector.extract_strided_slice %tanh3A_559 {offsets = [1, 0], sizes = [7, 1], strides = [1, 1]} : vector<8x1xf32> to vector<7x1xf32>
      %slice3A_573 = vector.extract_strided_slice %tanh3A_559 {offsets = [0, 0], sizes = [1, 1], strides = [1, 1]} : vector<8x1xf32> to vector<1x1xf32>
      %concatenate3A_574 = tpu.concatenate %slice3A_572, %slice3A_573 in 0 : vector<7x1xf32>, vector<1x1xf32> -> vector<8x1xf32>
      %slice3A_575 = vector.extract_strided_slice %tanh3A_559 {offsets = [2, 0], sizes = [6, 1], strides = [1, 1]} : vector<8x1xf32> to vector<6x1xf32>
      %slice3A_576 = vector.extract_strided_slice %tanh3A_559 {offsets = [0, 0], sizes = [2, 1], strides = [1, 1]} : vector<8x1xf32> to vector<2x1xf32>
      %concatenate3A_577 = tpu.concatenate %slice3A_575, %slice3A_576 in 0 : vector<6x1xf32>, vector<2x1xf32> -> vector<8x1xf32>
      %slice3A_578 = vector.extract_strided_slice %tanh3A_559 {offsets = [3, 0], sizes = [5, 1], strides = [1, 1]} : vector<8x1xf32> to vector<5x1xf32>
      %slice3A_579 = vector.extract_strided_slice %tanh3A_559 {offsets = [0, 0], sizes = [3, 1], strides = [1, 1]} : vector<8x1xf32> to vector<3x1xf32>
      %concatenate3A_580 = tpu.concatenate %slice3A_578, %slice3A_579 in 0 : vector<5x1xf32>, vector<3x1xf32> -> vector<8x1xf32>
      %mul3A_581 = arith.mulf %get3A_10, %tanh3A_559 : vector<8x1xf32>
      %add3A_582 = arith.addf %add3A_571, %mul3A_581 : vector<8x1xf32>
      %mul3A_583 = arith.mulf %get3A_13, %concatenate3A_574 : vector<8x1xf32>
      %mul3A_584 = arith.mulf %get3A_16, %concatenate3A_577 : vector<8x1xf32>
      %add3A_585 = arith.addf %mul3A_583, %mul3A_584 : vector<8x1xf32>
      %add3A_586 = arith.addf %add3A_582, %add3A_585 : vector<8x1xf32>
      %mul3A_587 = arith.mulf %get3A_19, %concatenate3A_580 : vector<8x1xf32>
      %add3A_588 = arith.addf %add3A_586, %mul3A_587 : vector<8x1xf32>
      %tanh3A_589 = math.tanh %add3A_588 : vector<8x1xf32>
      %add3A_590 = arith.constant 18 : i32
      %add3A_591 = arith.addi %mul3A_52, %add3A_590 : i32
      %get3A_592 = arith.index_cast %add3A_591 : i32 to index
      %get3A_593 = memref.load %arg0[%get3A_592] : memref<20000xf32, #tpu.memory_space<smem>>
      %mul3A_594 = vector.broadcast %get3A_593 : f32 to vector<8x1xf32>
      %mul3A_595 = arith.mulf %mul3A_594, %get3A_1 : vector<8x1xf32>
      %get3A_596 = arith.index_cast %add3A_591 : i32 to index
      %get3A_597 = memref.load %arg1[%get3A_596] : memref<20000xf32, #tpu.memory_space<smem>>
      %mul3A_598 = vector.broadcast %get3A_597 : f32 to vector<8x1xf32>
      %mul3A_599 = arith.mulf %mul3A_598, %get3A_4 : vector<8x1xf32>
      %add3A_600 = arith.addf %mul3A_595, %mul3A_599 : vector<8x1xf32>
      %add3A_601 = arith.addf %add3A_600, %get3A_7 : vector<8x1xf32>
      %slice3A_602 = vector.extract_strided_slice %tanh3A_589 {offsets = [1, 0], sizes = [7, 1], strides = [1, 1]} : vector<8x1xf32> to vector<7x1xf32>
      %slice3A_603 = vector.extract_strided_slice %tanh3A_589 {offsets = [0, 0], sizes = [1, 1], strides = [1, 1]} : vector<8x1xf32> to vector<1x1xf32>
      %concatenate3A_604 = tpu.concatenate %slice3A_602, %slice3A_603 in 0 : vector<7x1xf32>, vector<1x1xf32> -> vector<8x1xf32>
      %slice3A_605 = vector.extract_strided_slice %tanh3A_589 {offsets = [2, 0], sizes = [6, 1], strides = [1, 1]} : vector<8x1xf32> to vector<6x1xf32>
      %slice3A_606 = vector.extract_strided_slice %tanh3A_589 {offsets = [0, 0], sizes = [2, 1], strides = [1, 1]} : vector<8x1xf32> to vector<2x1xf32>
      %concatenate3A_607 = tpu.concatenate %slice3A_605, %slice3A_606 in 0 : vector<6x1xf32>, vector<2x1xf32> -> vector<8x1xf32>
      %slice3A_608 = vector.extract_strided_slice %tanh3A_589 {offsets = [3, 0], sizes = [5, 1], strides = [1, 1]} : vector<8x1xf32> to vector<5x1xf32>
      %slice3A_609 = vector.extract_strided_slice %tanh3A_589 {offsets = [0, 0], sizes = [3, 1], strides = [1, 1]} : vector<8x1xf32> to vector<3x1xf32>
      %concatenate3A_610 = tpu.concatenate %slice3A_608, %slice3A_609 in 0 : vector<5x1xf32>, vector<3x1xf32> -> vector<8x1xf32>
      %mul3A_611 = arith.mulf %get3A_10, %tanh3A_589 : vector<8x1xf32>
      %add3A_612 = arith.addf %add3A_601, %mul3A_611 : vector<8x1xf32>
      %mul3A_613 = arith.mulf %get3A_13, %concatenate3A_604 : vector<8x1xf32>
      %mul3A_614 = arith.mulf %get3A_16, %concatenate3A_607 : vector<8x1xf32>
      %add3A_615 = arith.addf %mul3A_613, %mul3A_614 : vector<8x1xf32>
      %add3A_616 = arith.addf %add3A_612, %add3A_615 : vector<8x1xf32>
      %mul3A_617 = arith.mulf %get3A_19, %concatenate3A_610 : vector<8x1xf32>
      %add3A_618 = arith.addf %add3A_616, %mul3A_617 : vector<8x1xf32>
      %tanh3A_619 = math.tanh %add3A_618 : vector<8x1xf32>
      %add3A_620 = arith.constant 19 : i32
      %add3A_621 = arith.addi %mul3A_52, %add3A_620 : i32
      %get3A_622 = arith.index_cast %add3A_621 : i32 to index
      %get3A_623 = memref.load %arg0[%get3A_622] : memref<20000xf32, #tpu.memory_space<smem>>
      %mul3A_624 = vector.broadcast %get3A_623 : f32 to vector<8x1xf32>
      %mul3A_625 = arith.mulf %mul3A_624, %get3A_1 : vector<8x1xf32>
      %get3A_626 = arith.index_cast %add3A_621 : i32 to index
      %get3A_627 = memref.load %arg1[%get3A_626] : memref<20000xf32, #tpu.memory_space<smem>>
      %mul3A_628 = vector.broadcast %get3A_627 : f32 to vector<8x1xf32>
      %mul3A_629 = arith.mulf %mul3A_628, %get3A_4 : vector<8x1xf32>
      %add3A_630 = arith.addf %mul3A_625, %mul3A_629 : vector<8x1xf32>
      %add3A_631 = arith.addf %add3A_630, %get3A_7 : vector<8x1xf32>
      %slice3A_632 = vector.extract_strided_slice %tanh3A_619 {offsets = [1, 0], sizes = [7, 1], strides = [1, 1]} : vector<8x1xf32> to vector<7x1xf32>
      %slice3A_633 = vector.extract_strided_slice %tanh3A_619 {offsets = [0, 0], sizes = [1, 1], strides = [1, 1]} : vector<8x1xf32> to vector<1x1xf32>
      %concatenate3A_634 = tpu.concatenate %slice3A_632, %slice3A_633 in 0 : vector<7x1xf32>, vector<1x1xf32> -> vector<8x1xf32>
      %slice3A_635 = vector.extract_strided_slice %tanh3A_619 {offsets = [2, 0], sizes = [6, 1], strides = [1, 1]} : vector<8x1xf32> to vector<6x1xf32>
      %slice3A_636 = vector.extract_strided_slice %tanh3A_619 {offsets = [0, 0], sizes = [2, 1], strides = [1, 1]} : vector<8x1xf32> to vector<2x1xf32>
      %concatenate3A_637 = tpu.concatenate %slice3A_635, %slice3A_636 in 0 : vector<6x1xf32>, vector<2x1xf32> -> vector<8x1xf32>
      %slice3A_638 = vector.extract_strided_slice %tanh3A_619 {offsets = [3, 0], sizes = [5, 1], strides = [1, 1]} : vector<8x1xf32> to vector<5x1xf32>
      %slice3A_639 = vector.extract_strided_slice %tanh3A_619 {offsets = [0, 0], sizes = [3, 1], strides = [1, 1]} : vector<8x1xf32> to vector<3x1xf32>
      %concatenate3A_640 = tpu.concatenate %slice3A_638, %slice3A_639 in 0 : vector<5x1xf32>, vector<3x1xf32> -> vector<8x1xf32>
      %mul3A_641 = arith.mulf %get3A_10, %tanh3A_619 : vector<8x1xf32>
      %add3A_642 = arith.addf %add3A_631, %mul3A_641 : vector<8x1xf32>
      %mul3A_643 = arith.mulf %get3A_13, %concatenate3A_634 : vector<8x1xf32>
      %mul3A_644 = arith.mulf %get3A_16, %concatenate3A_637 : vector<8x1xf32>
      %add3A_645 = arith.addf %mul3A_643, %mul3A_644 : vector<8x1xf32>
      %add3A_646 = arith.addf %add3A_642, %add3A_645 : vector<8x1xf32>
      %mul3A_647 = arith.mulf %get3A_19, %concatenate3A_640 : vector<8x1xf32>
      %add3A_648 = arith.addf %add3A_646, %mul3A_647 : vector<8x1xf32>
      %tanh3A_649 = math.tanh %add3A_648 : vector<8x1xf32>
      %add3A_650 = arith.constant 20 : i32
      %add3A_651 = arith.addi %mul3A_52, %add3A_650 : i32
      %get3A_652 = arith.index_cast %add3A_651 : i32 to index
      %get3A_653 = memref.load %arg0[%get3A_652] : memref<20000xf32, #tpu.memory_space<smem>>
      %mul3A_654 = vector.broadcast %get3A_653 : f32 to vector<8x1xf32>
      %mul3A_655 = arith.mulf %mul3A_654, %get3A_1 : vector<8x1xf32>
      %get3A_656 = arith.index_cast %add3A_651 : i32 to index
      %get3A_657 = memref.load %arg1[%get3A_656] : memref<20000xf32, #tpu.memory_space<smem>>
      %mul3A_658 = vector.broadcast %get3A_657 : f32 to vector<8x1xf32>
      %mul3A_659 = arith.mulf %mul3A_658, %get3A_4 : vector<8x1xf32>
      %add3A_660 = arith.addf %mul3A_655, %mul3A_659 : vector<8x1xf32>
      %add3A_661 = arith.addf %add3A_660, %get3A_7 : vector<8x1xf32>
      %slice3A_662 = vector.extract_strided_slice %tanh3A_649 {offsets = [1, 0], sizes = [7, 1], strides = [1, 1]} : vector<8x1xf32> to vector<7x1xf32>
      %slice3A_663 = vector.extract_strided_slice %tanh3A_649 {offsets = [0, 0], sizes = [1, 1], strides = [1, 1]} : vector<8x1xf32> to vector<1x1xf32>
      %concatenate3A_664 = tpu.concatenate %slice3A_662, %slice3A_663 in 0 : vector<7x1xf32>, vector<1x1xf32> -> vector<8x1xf32>
      %slice3A_665 = vector.extract_strided_slice %tanh3A_649 {offsets = [2, 0], sizes = [6, 1], strides = [1, 1]} : vector<8x1xf32> to vector<6x1xf32>
      %slice3A_666 = vector.extract_strided_slice %tanh3A_649 {offsets = [0, 0], sizes = [2, 1], strides = [1, 1]} : vector<8x1xf32> to vector<2x1xf32>
      %concatenate3A_667 = tpu.concatenate %slice3A_665, %slice3A_666 in 0 : vector<6x1xf32>, vector<2x1xf32> -> vector<8x1xf32>
      %slice3A_668 = vector.extract_strided_slice %tanh3A_649 {offsets = [3, 0], sizes = [5, 1], strides = [1, 1]} : vector<8x1xf32> to vector<5x1xf32>
      %slice3A_669 = vector.extract_strided_slice %tanh3A_649 {offsets = [0, 0], sizes = [3, 1], strides = [1, 1]} : vector<8x1xf32> to vector<3x1xf32>
      %concatenate3A_670 = tpu.concatenate %slice3A_668, %slice3A_669 in 0 : vector<5x1xf32>, vector<3x1xf32> -> vector<8x1xf32>
      %mul3A_671 = arith.mulf %get3A_10, %tanh3A_649 : vector<8x1xf32>
      %add3A_672 = arith.addf %add3A_661, %mul3A_671 : vector<8x1xf32>
      %mul3A_673 = arith.mulf %get3A_13, %concatenate3A_664 : vector<8x1xf32>
      %mul3A_674 = arith.mulf %get3A_16, %concatenate3A_667 : vector<8x1xf32>
      %add3A_675 = arith.addf %mul3A_673, %mul3A_674 : vector<8x1xf32>
      %add3A_676 = arith.addf %add3A_672, %add3A_675 : vector<8x1xf32>
      %mul3A_677 = arith.mulf %get3A_19, %concatenate3A_670 : vector<8x1xf32>
      %add3A_678 = arith.addf %add3A_676, %mul3A_677 : vector<8x1xf32>
      %tanh3A_679 = math.tanh %add3A_678 : vector<8x1xf32>
      %add3A_680 = arith.constant 21 : i32
      %add3A_681 = arith.addi %mul3A_52, %add3A_680 : i32
      %get3A_682 = arith.index_cast %add3A_681 : i32 to index
      %get3A_683 = memref.load %arg0[%get3A_682] : memref<20000xf32, #tpu.memory_space<smem>>
      %mul3A_684 = vector.broadcast %get3A_683 : f32 to vector<8x1xf32>
      %mul3A_685 = arith.mulf %mul3A_684, %get3A_1 : vector<8x1xf32>
      %get3A_686 = arith.index_cast %add3A_681 : i32 to index
      %get3A_687 = memref.load %arg1[%get3A_686] : memref<20000xf32, #tpu.memory_space<smem>>
      %mul3A_688 = vector.broadcast %get3A_687 : f32 to vector<8x1xf32>
      %mul3A_689 = arith.mulf %mul3A_688, %get3A_4 : vector<8x1xf32>
      %add3A_690 = arith.addf %mul3A_685, %mul3A_689 : vector<8x1xf32>
      %add3A_691 = arith.addf %add3A_690, %get3A_7 : vector<8x1xf32>
      %slice3A_692 = vector.extract_strided_slice %tanh3A_679 {offsets = [1, 0], sizes = [7, 1], strides = [1, 1]} : vector<8x1xf32> to vector<7x1xf32>
      %slice3A_693 = vector.extract_strided_slice %tanh3A_679 {offsets = [0, 0], sizes = [1, 1], strides = [1, 1]} : vector<8x1xf32> to vector<1x1xf32>
      %concatenate3A_694 = tpu.concatenate %slice3A_692, %slice3A_693 in 0 : vector<7x1xf32>, vector<1x1xf32> -> vector<8x1xf32>
      %slice3A_695 = vector.extract_strided_slice %tanh3A_679 {offsets = [2, 0], sizes = [6, 1], strides = [1, 1]} : vector<8x1xf32> to vector<6x1xf32>
      %slice3A_696 = vector.extract_strided_slice %tanh3A_679 {offsets = [0, 0], sizes = [2, 1], strides = [1, 1]} : vector<8x1xf32> to vector<2x1xf32>
      %concatenate3A_697 = tpu.concatenate %slice3A_695, %slice3A_696 in 0 : vector<6x1xf32>, vector<2x1xf32> -> vector<8x1xf32>
      %slice3A_698 = vector.extract_strided_slice %tanh3A_679 {offsets = [3, 0], sizes = [5, 1], strides = [1, 1]} : vector<8x1xf32> to vector<5x1xf32>
      %slice3A_699 = vector.extract_strided_slice %tanh3A_679 {offsets = [0, 0], sizes = [3, 1], strides = [1, 1]} : vector<8x1xf32> to vector<3x1xf32>
      %concatenate3A_700 = tpu.concatenate %slice3A_698, %slice3A_699 in 0 : vector<5x1xf32>, vector<3x1xf32> -> vector<8x1xf32>
      %mul3A_701 = arith.mulf %get3A_10, %tanh3A_679 : vector<8x1xf32>
      %add3A_702 = arith.addf %add3A_691, %mul3A_701 : vector<8x1xf32>
      %mul3A_703 = arith.mulf %get3A_13, %concatenate3A_694 : vector<8x1xf32>
      %mul3A_704 = arith.mulf %get3A_16, %concatenate3A_697 : vector<8x1xf32>
      %add3A_705 = arith.addf %mul3A_703, %mul3A_704 : vector<8x1xf32>
      %add3A_706 = arith.addf %add3A_702, %add3A_705 : vector<8x1xf32>
      %mul3A_707 = arith.mulf %get3A_19, %concatenate3A_700 : vector<8x1xf32>
      %add3A_708 = arith.addf %add3A_706, %mul3A_707 : vector<8x1xf32>
      %tanh3A_709 = math.tanh %add3A_708 : vector<8x1xf32>
      %add3A_710 = arith.constant 22 : i32
      %add3A_711 = arith.addi %mul3A_52, %add3A_710 : i32
      %get3A_712 = arith.index_cast %add3A_711 : i32 to index
      %get3A_713 = memref.load %arg0[%get3A_712] : memref<20000xf32, #tpu.memory_space<smem>>
      %mul3A_714 = vector.broadcast %get3A_713 : f32 to vector<8x1xf32>
      %mul3A_715 = arith.mulf %mul3A_714, %get3A_1 : vector<8x1xf32>
      %get3A_716 = arith.index_cast %add3A_711 : i32 to index
      %get3A_717 = memref.load %arg1[%get3A_716] : memref<20000xf32, #tpu.memory_space<smem>>
      %mul3A_718 = vector.broadcast %get3A_717 : f32 to vector<8x1xf32>
      %mul3A_719 = arith.mulf %mul3A_718, %get3A_4 : vector<8x1xf32>
      %add3A_720 = arith.addf %mul3A_715, %mul3A_719 : vector<8x1xf32>
      %add3A_721 = arith.addf %add3A_720, %get3A_7 : vector<8x1xf32>
      %slice3A_722 = vector.extract_strided_slice %tanh3A_709 {offsets = [1, 0], sizes = [7, 1], strides = [1, 1]} : vector<8x1xf32> to vector<7x1xf32>
      %slice3A_723 = vector.extract_strided_slice %tanh3A_709 {offsets = [0, 0], sizes = [1, 1], strides = [1, 1]} : vector<8x1xf32> to vector<1x1xf32>
      %concatenate3A_724 = tpu.concatenate %slice3A_722, %slice3A_723 in 0 : vector<7x1xf32>, vector<1x1xf32> -> vector<8x1xf32>
      %slice3A_725 = vector.extract_strided_slice %tanh3A_709 {offsets = [2, 0], sizes = [6, 1], strides = [1, 1]} : vector<8x1xf32> to vector<6x1xf32>
      %slice3A_726 = vector.extract_strided_slice %tanh3A_709 {offsets = [0, 0], sizes = [2, 1], strides = [1, 1]} : vector<8x1xf32> to vector<2x1xf32>
      %concatenate3A_727 = tpu.concatenate %slice3A_725, %slice3A_726 in 0 : vector<6x1xf32>, vector<2x1xf32> -> vector<8x1xf32>
      %slice3A_728 = vector.extract_strided_slice %tanh3A_709 {offsets = [3, 0], sizes = [5, 1], strides = [1, 1]} : vector<8x1xf32> to vector<5x1xf32>
      %slice3A_729 = vector.extract_strided_slice %tanh3A_709 {offsets = [0, 0], sizes = [3, 1], strides = [1, 1]} : vector<8x1xf32> to vector<3x1xf32>
      %concatenate3A_730 = tpu.concatenate %slice3A_728, %slice3A_729 in 0 : vector<5x1xf32>, vector<3x1xf32> -> vector<8x1xf32>
      %mul3A_731 = arith.mulf %get3A_10, %tanh3A_709 : vector<8x1xf32>
      %add3A_732 = arith.addf %add3A_721, %mul3A_731 : vector<8x1xf32>
      %mul3A_733 = arith.mulf %get3A_13, %concatenate3A_724 : vector<8x1xf32>
      %mul3A_734 = arith.mulf %get3A_16, %concatenate3A_727 : vector<8x1xf32>
      %add3A_735 = arith.addf %mul3A_733, %mul3A_734 : vector<8x1xf32>
      %add3A_736 = arith.addf %add3A_732, %add3A_735 : vector<8x1xf32>
      %mul3A_737 = arith.mulf %get3A_19, %concatenate3A_730 : vector<8x1xf32>
      %add3A_738 = arith.addf %add3A_736, %mul3A_737 : vector<8x1xf32>
      %tanh3A_739 = math.tanh %add3A_738 : vector<8x1xf32>
      %add3A_740 = arith.constant 23 : i32
      %add3A_741 = arith.addi %mul3A_52, %add3A_740 : i32
      %get3A_742 = arith.index_cast %add3A_741 : i32 to index
      %get3A_743 = memref.load %arg0[%get3A_742] : memref<20000xf32, #tpu.memory_space<smem>>
      %mul3A_744 = vector.broadcast %get3A_743 : f32 to vector<8x1xf32>
      %mul3A_745 = arith.mulf %mul3A_744, %get3A_1 : vector<8x1xf32>
      %get3A_746 = arith.index_cast %add3A_741 : i32 to index
      %get3A_747 = memref.load %arg1[%get3A_746] : memref<20000xf32, #tpu.memory_space<smem>>
      %mul3A_748 = vector.broadcast %get3A_747 : f32 to vector<8x1xf32>
      %mul3A_749 = arith.mulf %mul3A_748, %get3A_4 : vector<8x1xf32>
      %add3A_750 = arith.addf %mul3A_745, %mul3A_749 : vector<8x1xf32>
      %add3A_751 = arith.addf %add3A_750, %get3A_7 : vector<8x1xf32>
      %slice3A_752 = vector.extract_strided_slice %tanh3A_739 {offsets = [1, 0], sizes = [7, 1], strides = [1, 1]} : vector<8x1xf32> to vector<7x1xf32>
      %slice3A_753 = vector.extract_strided_slice %tanh3A_739 {offsets = [0, 0], sizes = [1, 1], strides = [1, 1]} : vector<8x1xf32> to vector<1x1xf32>
      %concatenate3A_754 = tpu.concatenate %slice3A_752, %slice3A_753 in 0 : vector<7x1xf32>, vector<1x1xf32> -> vector<8x1xf32>
      %slice3A_755 = vector.extract_strided_slice %tanh3A_739 {offsets = [2, 0], sizes = [6, 1], strides = [1, 1]} : vector<8x1xf32> to vector<6x1xf32>
      %slice3A_756 = vector.extract_strided_slice %tanh3A_739 {offsets = [0, 0], sizes = [2, 1], strides = [1, 1]} : vector<8x1xf32> to vector<2x1xf32>
      %concatenate3A_757 = tpu.concatenate %slice3A_755, %slice3A_756 in 0 : vector<6x1xf32>, vector<2x1xf32> -> vector<8x1xf32>
      %slice3A_758 = vector.extract_strided_slice %tanh3A_739 {offsets = [3, 0], sizes = [5, 1], strides = [1, 1]} : vector<8x1xf32> to vector<5x1xf32>
      %slice3A_759 = vector.extract_strided_slice %tanh3A_739 {offsets = [0, 0], sizes = [3, 1], strides = [1, 1]} : vector<8x1xf32> to vector<3x1xf32>
      %concatenate3A_760 = tpu.concatenate %slice3A_758, %slice3A_759 in 0 : vector<5x1xf32>, vector<3x1xf32> -> vector<8x1xf32>
      %mul3A_761 = arith.mulf %get3A_10, %tanh3A_739 : vector<8x1xf32>
      %add3A_762 = arith.addf %add3A_751, %mul3A_761 : vector<8x1xf32>
      %mul3A_763 = arith.mulf %get3A_13, %concatenate3A_754 : vector<8x1xf32>
      %mul3A_764 = arith.mulf %get3A_16, %concatenate3A_757 : vector<8x1xf32>
      %add3A_765 = arith.addf %mul3A_763, %mul3A_764 : vector<8x1xf32>
      %add3A_766 = arith.addf %add3A_762, %add3A_765 : vector<8x1xf32>
      %mul3A_767 = arith.mulf %get3A_19, %concatenate3A_760 : vector<8x1xf32>
      %add3A_768 = arith.addf %add3A_766, %mul3A_767 : vector<8x1xf32>
      %tanh3A_769 = math.tanh %add3A_768 : vector<8x1xf32>
      %add3A_770 = arith.constant 24 : i32
      %add3A_771 = arith.addi %mul3A_52, %add3A_770 : i32
      %get3A_772 = arith.index_cast %add3A_771 : i32 to index
      %get3A_773 = memref.load %arg0[%get3A_772] : memref<20000xf32, #tpu.memory_space<smem>>
      %mul3A_774 = vector.broadcast %get3A_773 : f32 to vector<8x1xf32>
      %mul3A_775 = arith.mulf %mul3A_774, %get3A_1 : vector<8x1xf32>
      %get3A_776 = arith.index_cast %add3A_771 : i32 to index
      %get3A_777 = memref.load %arg1[%get3A_776] : memref<20000xf32, #tpu.memory_space<smem>>
      %mul3A_778 = vector.broadcast %get3A_777 : f32 to vector<8x1xf32>
      %mul3A_779 = arith.mulf %mul3A_778, %get3A_4 : vector<8x1xf32>
      %add3A_780 = arith.addf %mul3A_775, %mul3A_779 : vector<8x1xf32>
      %add3A_781 = arith.addf %add3A_780, %get3A_7 : vector<8x1xf32>
      %slice3A_782 = vector.extract_strided_slice %tanh3A_769 {offsets = [1, 0], sizes = [7, 1], strides = [1, 1]} : vector<8x1xf32> to vector<7x1xf32>
      %slice3A_783 = vector.extract_strided_slice %tanh3A_769 {offsets = [0, 0], sizes = [1, 1], strides = [1, 1]} : vector<8x1xf32> to vector<1x1xf32>
      %concatenate3A_784 = tpu.concatenate %slice3A_782, %slice3A_783 in 0 : vector<7x1xf32>, vector<1x1xf32> -> vector<8x1xf32>
      %slice3A_785 = vector.extract_strided_slice %tanh3A_769 {offsets = [2, 0], sizes = [6, 1], strides = [1, 1]} : vector<8x1xf32> to vector<6x1xf32>
      %slice3A_786 = vector.extract_strided_slice %tanh3A_769 {offsets = [0, 0], sizes = [2, 1], strides = [1, 1]} : vector<8x1xf32> to vector<2x1xf32>
      %concatenate3A_787 = tpu.concatenate %slice3A_785, %slice3A_786 in 0 : vector<6x1xf32>, vector<2x1xf32> -> vector<8x1xf32>
      %slice3A_788 = vector.extract_strided_slice %tanh3A_769 {offsets = [3, 0], sizes = [5, 1], strides = [1, 1]} : vector<8x1xf32> to vector<5x1xf32>
      %slice3A_789 = vector.extract_strided_slice %tanh3A_769 {offsets = [0, 0], sizes = [3, 1], strides = [1, 1]} : vector<8x1xf32> to vector<3x1xf32>
      %concatenate3A_790 = tpu.concatenate %slice3A_788, %slice3A_789 in 0 : vector<5x1xf32>, vector<3x1xf32> -> vector<8x1xf32>
      %mul3A_791 = arith.mulf %get3A_10, %tanh3A_769 : vector<8x1xf32>
      %add3A_792 = arith.addf %add3A_781, %mul3A_791 : vector<8x1xf32>
      %mul3A_793 = arith.mulf %get3A_13, %concatenate3A_784 : vector<8x1xf32>
      %mul3A_794 = arith.mulf %get3A_16, %concatenate3A_787 : vector<8x1xf32>
      %add3A_795 = arith.addf %mul3A_793, %mul3A_794 : vector<8x1xf32>
      %add3A_796 = arith.addf %add3A_792, %add3A_795 : vector<8x1xf32>
      %mul3A_797 = arith.mulf %get3A_19, %concatenate3A_790 : vector<8x1xf32>
      %add3A_798 = arith.addf %add3A_796, %mul3A_797 : vector<8x1xf32>
      %tanh3A_799 = math.tanh %add3A_798 : vector<8x1xf32>
      %add3A_800 = arith.constant 25 : i32
      %add3A_801 = arith.addi %mul3A_52, %add3A_800 : i32
      %get3A_802 = arith.index_cast %add3A_801 : i32 to index
      %get3A_803 = memref.load %arg0[%get3A_802] : memref<20000xf32, #tpu.memory_space<smem>>
      %mul3A_804 = vector.broadcast %get3A_803 : f32 to vector<8x1xf32>
      %mul3A_805 = arith.mulf %mul3A_804, %get3A_1 : vector<8x1xf32>
      %get3A_806 = arith.index_cast %add3A_801 : i32 to index
      %get3A_807 = memref.load %arg1[%get3A_806] : memref<20000xf32, #tpu.memory_space<smem>>
      %mul3A_808 = vector.broadcast %get3A_807 : f32 to vector<8x1xf32>
      %mul3A_809 = arith.mulf %mul3A_808, %get3A_4 : vector<8x1xf32>
      %add3A_810 = arith.addf %mul3A_805, %mul3A_809 : vector<8x1xf32>
      %add3A_811 = arith.addf %add3A_810, %get3A_7 : vector<8x1xf32>
      %slice3A_812 = vector.extract_strided_slice %tanh3A_799 {offsets = [1, 0], sizes = [7, 1], strides = [1, 1]} : vector<8x1xf32> to vector<7x1xf32>
      %slice3A_813 = vector.extract_strided_slice %tanh3A_799 {offsets = [0, 0], sizes = [1, 1], strides = [1, 1]} : vector<8x1xf32> to vector<1x1xf32>
      %concatenate3A_814 = tpu.concatenate %slice3A_812, %slice3A_813 in 0 : vector<7x1xf32>, vector<1x1xf32> -> vector<8x1xf32>
      %slice3A_815 = vector.extract_strided_slice %tanh3A_799 {offsets = [2, 0], sizes = [6, 1], strides = [1, 1]} : vector<8x1xf32> to vector<6x1xf32>
      %slice3A_816 = vector.extract_strided_slice %tanh3A_799 {offsets = [0, 0], sizes = [2, 1], strides = [1, 1]} : vector<8x1xf32> to vector<2x1xf32>
      %concatenate3A_817 = tpu.concatenate %slice3A_815, %slice3A_816 in 0 : vector<6x1xf32>, vector<2x1xf32> -> vector<8x1xf32>
      %slice3A_818 = vector.extract_strided_slice %tanh3A_799 {offsets = [3, 0], sizes = [5, 1], strides = [1, 1]} : vector<8x1xf32> to vector<5x1xf32>
      %slice3A_819 = vector.extract_strided_slice %tanh3A_799 {offsets = [0, 0], sizes = [3, 1], strides = [1, 1]} : vector<8x1xf32> to vector<3x1xf32>
      %concatenate3A_820 = tpu.concatenate %slice3A_818, %slice3A_819 in 0 : vector<5x1xf32>, vector<3x1xf32> -> vector<8x1xf32>
      %mul3A_821 = arith.mulf %get3A_10, %tanh3A_799 : vector<8x1xf32>
      %add3A_822 = arith.addf %add3A_811, %mul3A_821 : vector<8x1xf32>
      %mul3A_823 = arith.mulf %get3A_13, %concatenate3A_814 : vector<8x1xf32>
      %mul3A_824 = arith.mulf %get3A_16, %concatenate3A_817 : vector<8x1xf32>
      %add3A_825 = arith.addf %mul3A_823, %mul3A_824 : vector<8x1xf32>
      %add3A_826 = arith.addf %add3A_822, %add3A_825 : vector<8x1xf32>
      %mul3A_827 = arith.mulf %get3A_19, %concatenate3A_820 : vector<8x1xf32>
      %add3A_828 = arith.addf %add3A_826, %mul3A_827 : vector<8x1xf32>
      %tanh3A_829 = math.tanh %add3A_828 : vector<8x1xf32>
      %add3A_830 = arith.constant 26 : i32
      %add3A_831 = arith.addi %mul3A_52, %add3A_830 : i32
      %get3A_832 = arith.index_cast %add3A_831 : i32 to index
      %get3A_833 = memref.load %arg0[%get3A_832] : memref<20000xf32, #tpu.memory_space<smem>>
      %mul3A_834 = vector.broadcast %get3A_833 : f32 to vector<8x1xf32>
      %mul3A_835 = arith.mulf %mul3A_834, %get3A_1 : vector<8x1xf32>
      %get3A_836 = arith.index_cast %add3A_831 : i32 to index
      %get3A_837 = memref.load %arg1[%get3A_836] : memref<20000xf32, #tpu.memory_space<smem>>
      %mul3A_838 = vector.broadcast %get3A_837 : f32 to vector<8x1xf32>
      %mul3A_839 = arith.mulf %mul3A_838, %get3A_4 : vector<8x1xf32>
      %add3A_840 = arith.addf %mul3A_835, %mul3A_839 : vector<8x1xf32>
      %add3A_841 = arith.addf %add3A_840, %get3A_7 : vector<8x1xf32>
      %slice3A_842 = vector.extract_strided_slice %tanh3A_829 {offsets = [1, 0], sizes = [7, 1], strides = [1, 1]} : vector<8x1xf32> to vector<7x1xf32>
      %slice3A_843 = vector.extract_strided_slice %tanh3A_829 {offsets = [0, 0], sizes = [1, 1], strides = [1, 1]} : vector<8x1xf32> to vector<1x1xf32>
      %concatenate3A_844 = tpu.concatenate %slice3A_842, %slice3A_843 in 0 : vector<7x1xf32>, vector<1x1xf32> -> vector<8x1xf32>
      %slice3A_845 = vector.extract_strided_slice %tanh3A_829 {offsets = [2, 0], sizes = [6, 1], strides = [1, 1]} : vector<8x1xf32> to vector<6x1xf32>
      %slice3A_846 = vector.extract_strided_slice %tanh3A_829 {offsets = [0, 0], sizes = [2, 1], strides = [1, 1]} : vector<8x1xf32> to vector<2x1xf32>
      %concatenate3A_847 = tpu.concatenate %slice3A_845, %slice3A_846 in 0 : vector<6x1xf32>, vector<2x1xf32> -> vector<8x1xf32>
      %slice3A_848 = vector.extract_strided_slice %tanh3A_829 {offsets = [3, 0], sizes = [5, 1], strides = [1, 1]} : vector<8x1xf32> to vector<5x1xf32>
      %slice3A_849 = vector.extract_strided_slice %tanh3A_829 {offsets = [0, 0], sizes = [3, 1], strides = [1, 1]} : vector<8x1xf32> to vector<3x1xf32>
      %concatenate3A_850 = tpu.concatenate %slice3A_848, %slice3A_849 in 0 : vector<5x1xf32>, vector<3x1xf32> -> vector<8x1xf32>
      %mul3A_851 = arith.mulf %get3A_10, %tanh3A_829 : vector<8x1xf32>
      %add3A_852 = arith.addf %add3A_841, %mul3A_851 : vector<8x1xf32>
      %mul3A_853 = arith.mulf %get3A_13, %concatenate3A_844 : vector<8x1xf32>
      %mul3A_854 = arith.mulf %get3A_16, %concatenate3A_847 : vector<8x1xf32>
      %add3A_855 = arith.addf %mul3A_853, %mul3A_854 : vector<8x1xf32>
      %add3A_856 = arith.addf %add3A_852, %add3A_855 : vector<8x1xf32>
      %mul3A_857 = arith.mulf %get3A_19, %concatenate3A_850 : vector<8x1xf32>
      %add3A_858 = arith.addf %add3A_856, %mul3A_857 : vector<8x1xf32>
      %tanh3A_859 = math.tanh %add3A_858 : vector<8x1xf32>
      %add3A_860 = arith.constant 27 : i32
      %add3A_861 = arith.addi %mul3A_52, %add3A_860 : i32
      %get3A_862 = arith.index_cast %add3A_861 : i32 to index
      %get3A_863 = memref.load %arg0[%get3A_862] : memref<20000xf32, #tpu.memory_space<smem>>
      %mul3A_864 = vector.broadcast %get3A_863 : f32 to vector<8x1xf32>
      %mul3A_865 = arith.mulf %mul3A_864, %get3A_1 : vector<8x1xf32>
      %get3A_866 = arith.index_cast %add3A_861 : i32 to index
      %get3A_867 = memref.load %arg1[%get3A_866] : memref<20000xf32, #tpu.memory_space<smem>>
      %mul3A_868 = vector.broadcast %get3A_867 : f32 to vector<8x1xf32>
      %mul3A_869 = arith.mulf %mul3A_868, %get3A_4 : vector<8x1xf32>
      %add3A_870 = arith.addf %mul3A_865, %mul3A_869 : vector<8x1xf32>
      %add3A_871 = arith.addf %add3A_870, %get3A_7 : vector<8x1xf32>
      %slice3A_872 = vector.extract_strided_slice %tanh3A_859 {offsets = [1, 0], sizes = [7, 1], strides = [1, 1]} : vector<8x1xf32> to vector<7x1xf32>
      %slice3A_873 = vector.extract_strided_slice %tanh3A_859 {offsets = [0, 0], sizes = [1, 1], strides = [1, 1]} : vector<8x1xf32> to vector<1x1xf32>
      %concatenate3A_874 = tpu.concatenate %slice3A_872, %slice3A_873 in 0 : vector<7x1xf32>, vector<1x1xf32> -> vector<8x1xf32>
      %slice3A_875 = vector.extract_strided_slice %tanh3A_859 {offsets = [2, 0], sizes = [6, 1], strides = [1, 1]} : vector<8x1xf32> to vector<6x1xf32>
      %slice3A_876 = vector.extract_strided_slice %tanh3A_859 {offsets = [0, 0], sizes = [2, 1], strides = [1, 1]} : vector<8x1xf32> to vector<2x1xf32>
      %concatenate3A_877 = tpu.concatenate %slice3A_875, %slice3A_876 in 0 : vector<6x1xf32>, vector<2x1xf32> -> vector<8x1xf32>
      %slice3A_878 = vector.extract_strided_slice %tanh3A_859 {offsets = [3, 0], sizes = [5, 1], strides = [1, 1]} : vector<8x1xf32> to vector<5x1xf32>
      %slice3A_879 = vector.extract_strided_slice %tanh3A_859 {offsets = [0, 0], sizes = [3, 1], strides = [1, 1]} : vector<8x1xf32> to vector<3x1xf32>
      %concatenate3A_880 = tpu.concatenate %slice3A_878, %slice3A_879 in 0 : vector<5x1xf32>, vector<3x1xf32> -> vector<8x1xf32>
      %mul3A_881 = arith.mulf %get3A_10, %tanh3A_859 : vector<8x1xf32>
      %add3A_882 = arith.addf %add3A_871, %mul3A_881 : vector<8x1xf32>
      %mul3A_883 = arith.mulf %get3A_13, %concatenate3A_874 : vector<8x1xf32>
      %mul3A_884 = arith.mulf %get3A_16, %concatenate3A_877 : vector<8x1xf32>
      %add3A_885 = arith.addf %mul3A_883, %mul3A_884 : vector<8x1xf32>
      %add3A_886 = arith.addf %add3A_882, %add3A_885 : vector<8x1xf32>
      %mul3A_887 = arith.mulf %get3A_19, %concatenate3A_880 : vector<8x1xf32>
      %add3A_888 = arith.addf %add3A_886, %mul3A_887 : vector<8x1xf32>
      %tanh3A_889 = math.tanh %add3A_888 : vector<8x1xf32>
      %add3A_890 = arith.constant 28 : i32
      %add3A_891 = arith.addi %mul3A_52, %add3A_890 : i32
      %get3A_892 = arith.index_cast %add3A_891 : i32 to index
      %get3A_893 = memref.load %arg0[%get3A_892] : memref<20000xf32, #tpu.memory_space<smem>>
      %mul3A_894 = vector.broadcast %get3A_893 : f32 to vector<8x1xf32>
      %mul3A_895 = arith.mulf %mul3A_894, %get3A_1 : vector<8x1xf32>
      %get3A_896 = arith.index_cast %add3A_891 : i32 to index
      %get3A_897 = memref.load %arg1[%get3A_896] : memref<20000xf32, #tpu.memory_space<smem>>
      %mul3A_898 = vector.broadcast %get3A_897 : f32 to vector<8x1xf32>
      %mul3A_899 = arith.mulf %mul3A_898, %get3A_4 : vector<8x1xf32>
      %add3A_900 = arith.addf %mul3A_895, %mul3A_899 : vector<8x1xf32>
      %add3A_901 = arith.addf %add3A_900, %get3A_7 : vector<8x1xf32>
      %slice3A_902 = vector.extract_strided_slice %tanh3A_889 {offsets = [1, 0], sizes = [7, 1], strides = [1, 1]} : vector<8x1xf32> to vector<7x1xf32>
      %slice3A_903 = vector.extract_strided_slice %tanh3A_889 {offsets = [0, 0], sizes = [1, 1], strides = [1, 1]} : vector<8x1xf32> to vector<1x1xf32>
      %concatenate3A_904 = tpu.concatenate %slice3A_902, %slice3A_903 in 0 : vector<7x1xf32>, vector<1x1xf32> -> vector<8x1xf32>
      %slice3A_905 = vector.extract_strided_slice %tanh3A_889 {offsets = [2, 0], sizes = [6, 1], strides = [1, 1]} : vector<8x1xf32> to vector<6x1xf32>
      %slice3A_906 = vector.extract_strided_slice %tanh3A_889 {offsets = [0, 0], sizes = [2, 1], strides = [1, 1]} : vector<8x1xf32> to vector<2x1xf32>
      %concatenate3A_907 = tpu.concatenate %slice3A_905, %slice3A_906 in 0 : vector<6x1xf32>, vector<2x1xf32> -> vector<8x1xf32>
      %slice3A_908 = vector.extract_strided_slice %tanh3A_889 {offsets = [3, 0], sizes = [5, 1], strides = [1, 1]} : vector<8x1xf32> to vector<5x1xf32>
      %slice3A_909 = vector.extract_strided_slice %tanh3A_889 {offsets = [0, 0], sizes = [3, 1], strides = [1, 1]} : vector<8x1xf32> to vector<3x1xf32>
      %concatenate3A_910 = tpu.concatenate %slice3A_908, %slice3A_909 in 0 : vector<5x1xf32>, vector<3x1xf32> -> vector<8x1xf32>
      %mul3A_911 = arith.mulf %get3A_10, %tanh3A_889 : vector<8x1xf32>
      %add3A_912 = arith.addf %add3A_901, %mul3A_911 : vector<8x1xf32>
      %mul3A_913 = arith.mulf %get3A_13, %concatenate3A_904 : vector<8x1xf32>
      %mul3A_914 = arith.mulf %get3A_16, %concatenate3A_907 : vector<8x1xf32>
      %add3A_915 = arith.addf %mul3A_913, %mul3A_914 : vector<8x1xf32>
      %add3A_916 = arith.addf %add3A_912, %add3A_915 : vector<8x1xf32>
      %mul3A_917 = arith.mulf %get3A_19, %concatenate3A_910 : vector<8x1xf32>
      %add3A_918 = arith.addf %add3A_916, %mul3A_917 : vector<8x1xf32>
      %tanh3A_919 = math.tanh %add3A_918 : vector<8x1xf32>
      %add3A_920 = arith.constant 29 : i32
      %add3A_921 = arith.addi %mul3A_52, %add3A_920 : i32
      %get3A_922 = arith.index_cast %add3A_921 : i32 to index
      %get3A_923 = memref.load %arg0[%get3A_922] : memref<20000xf32, #tpu.memory_space<smem>>
      %mul3A_924 = vector.broadcast %get3A_923 : f32 to vector<8x1xf32>
      %mul3A_925 = arith.mulf %mul3A_924, %get3A_1 : vector<8x1xf32>
      %get3A_926 = arith.index_cast %add3A_921 : i32 to index
      %get3A_927 = memref.load %arg1[%get3A_926] : memref<20000xf32, #tpu.memory_space<smem>>
      %mul3A_928 = vector.broadcast %get3A_927 : f32 to vector<8x1xf32>
      %mul3A_929 = arith.mulf %mul3A_928, %get3A_4 : vector<8x1xf32>
      %add3A_930 = arith.addf %mul3A_925, %mul3A_929 : vector<8x1xf32>
      %add3A_931 = arith.addf %add3A_930, %get3A_7 : vector<8x1xf32>
      %slice3A_932 = vector.extract_strided_slice %tanh3A_919 {offsets = [1, 0], sizes = [7, 1], strides = [1, 1]} : vector<8x1xf32> to vector<7x1xf32>
      %slice3A_933 = vector.extract_strided_slice %tanh3A_919 {offsets = [0, 0], sizes = [1, 1], strides = [1, 1]} : vector<8x1xf32> to vector<1x1xf32>
      %concatenate3A_934 = tpu.concatenate %slice3A_932, %slice3A_933 in 0 : vector<7x1xf32>, vector<1x1xf32> -> vector<8x1xf32>
      %slice3A_935 = vector.extract_strided_slice %tanh3A_919 {offsets = [2, 0], sizes = [6, 1], strides = [1, 1]} : vector<8x1xf32> to vector<6x1xf32>
      %slice3A_936 = vector.extract_strided_slice %tanh3A_919 {offsets = [0, 0], sizes = [2, 1], strides = [1, 1]} : vector<8x1xf32> to vector<2x1xf32>
      %concatenate3A_937 = tpu.concatenate %slice3A_935, %slice3A_936 in 0 : vector<6x1xf32>, vector<2x1xf32> -> vector<8x1xf32>
      %slice3A_938 = vector.extract_strided_slice %tanh3A_919 {offsets = [3, 0], sizes = [5, 1], strides = [1, 1]} : vector<8x1xf32> to vector<5x1xf32>
      %slice3A_939 = vector.extract_strided_slice %tanh3A_919 {offsets = [0, 0], sizes = [3, 1], strides = [1, 1]} : vector<8x1xf32> to vector<3x1xf32>
      %concatenate3A_940 = tpu.concatenate %slice3A_938, %slice3A_939 in 0 : vector<5x1xf32>, vector<3x1xf32> -> vector<8x1xf32>
      %mul3A_941 = arith.mulf %get3A_10, %tanh3A_919 : vector<8x1xf32>
      %add3A_942 = arith.addf %add3A_931, %mul3A_941 : vector<8x1xf32>
      %mul3A_943 = arith.mulf %get3A_13, %concatenate3A_934 : vector<8x1xf32>
      %mul3A_944 = arith.mulf %get3A_16, %concatenate3A_937 : vector<8x1xf32>
      %add3A_945 = arith.addf %mul3A_943, %mul3A_944 : vector<8x1xf32>
      %add3A_946 = arith.addf %add3A_942, %add3A_945 : vector<8x1xf32>
      %mul3A_947 = arith.mulf %get3A_19, %concatenate3A_940 : vector<8x1xf32>
      %add3A_948 = arith.addf %add3A_946, %mul3A_947 : vector<8x1xf32>
      %tanh3A_949 = math.tanh %add3A_948 : vector<8x1xf32>
      %add3A_950 = arith.constant 30 : i32
      %add3A_951 = arith.addi %mul3A_52, %add3A_950 : i32
      %get3A_952 = arith.index_cast %add3A_951 : i32 to index
      %get3A_953 = memref.load %arg0[%get3A_952] : memref<20000xf32, #tpu.memory_space<smem>>
      %mul3A_954 = vector.broadcast %get3A_953 : f32 to vector<8x1xf32>
      %mul3A_955 = arith.mulf %mul3A_954, %get3A_1 : vector<8x1xf32>
      %get3A_956 = arith.index_cast %add3A_951 : i32 to index
      %get3A_957 = memref.load %arg1[%get3A_956] : memref<20000xf32, #tpu.memory_space<smem>>
      %mul3A_958 = vector.broadcast %get3A_957 : f32 to vector<8x1xf32>
      %mul3A_959 = arith.mulf %mul3A_958, %get3A_4 : vector<8x1xf32>
      %add3A_960 = arith.addf %mul3A_955, %mul3A_959 : vector<8x1xf32>
      %add3A_961 = arith.addf %add3A_960, %get3A_7 : vector<8x1xf32>
      %slice3A_962 = vector.extract_strided_slice %tanh3A_949 {offsets = [1, 0], sizes = [7, 1], strides = [1, 1]} : vector<8x1xf32> to vector<7x1xf32>
      %slice3A_963 = vector.extract_strided_slice %tanh3A_949 {offsets = [0, 0], sizes = [1, 1], strides = [1, 1]} : vector<8x1xf32> to vector<1x1xf32>
      %concatenate3A_964 = tpu.concatenate %slice3A_962, %slice3A_963 in 0 : vector<7x1xf32>, vector<1x1xf32> -> vector<8x1xf32>
      %slice3A_965 = vector.extract_strided_slice %tanh3A_949 {offsets = [2, 0], sizes = [6, 1], strides = [1, 1]} : vector<8x1xf32> to vector<6x1xf32>
      %slice3A_966 = vector.extract_strided_slice %tanh3A_949 {offsets = [0, 0], sizes = [2, 1], strides = [1, 1]} : vector<8x1xf32> to vector<2x1xf32>
      %concatenate3A_967 = tpu.concatenate %slice3A_965, %slice3A_966 in 0 : vector<6x1xf32>, vector<2x1xf32> -> vector<8x1xf32>
      %slice3A_968 = vector.extract_strided_slice %tanh3A_949 {offsets = [3, 0], sizes = [5, 1], strides = [1, 1]} : vector<8x1xf32> to vector<5x1xf32>
      %slice3A_969 = vector.extract_strided_slice %tanh3A_949 {offsets = [0, 0], sizes = [3, 1], strides = [1, 1]} : vector<8x1xf32> to vector<3x1xf32>
      %concatenate3A_970 = tpu.concatenate %slice3A_968, %slice3A_969 in 0 : vector<5x1xf32>, vector<3x1xf32> -> vector<8x1xf32>
      %mul3A_971 = arith.mulf %get3A_10, %tanh3A_949 : vector<8x1xf32>
      %add3A_972 = arith.addf %add3A_961, %mul3A_971 : vector<8x1xf32>
      %mul3A_973 = arith.mulf %get3A_13, %concatenate3A_964 : vector<8x1xf32>
      %mul3A_974 = arith.mulf %get3A_16, %concatenate3A_967 : vector<8x1xf32>
      %add3A_975 = arith.addf %mul3A_973, %mul3A_974 : vector<8x1xf32>
      %add3A_976 = arith.addf %add3A_972, %add3A_975 : vector<8x1xf32>
      %mul3A_977 = arith.mulf %get3A_19, %concatenate3A_970 : vector<8x1xf32>
      %add3A_978 = arith.addf %add3A_976, %mul3A_977 : vector<8x1xf32>
      %tanh3A_979 = math.tanh %add3A_978 : vector<8x1xf32>
      %add3A_980 = arith.constant 31 : i32
      %add3A_981 = arith.addi %mul3A_52, %add3A_980 : i32
      %get3A_982 = arith.index_cast %add3A_981 : i32 to index
      %get3A_983 = memref.load %arg0[%get3A_982] : memref<20000xf32, #tpu.memory_space<smem>>
      %mul3A_984 = vector.broadcast %get3A_983 : f32 to vector<8x1xf32>
      %mul3A_985 = arith.mulf %mul3A_984, %get3A_1 : vector<8x1xf32>
      %get3A_986 = arith.index_cast %add3A_981 : i32 to index
      %get3A_987 = memref.load %arg1[%get3A_986] : memref<20000xf32, #tpu.memory_space<smem>>
      %mul3A_988 = vector.broadcast %get3A_987 : f32 to vector<8x1xf32>
      %mul3A_989 = arith.mulf %mul3A_988, %get3A_4 : vector<8x1xf32>
      %add3A_990 = arith.addf %mul3A_985, %mul3A_989 : vector<8x1xf32>
      %add3A_991 = arith.addf %add3A_990, %get3A_7 : vector<8x1xf32>
      %slice3A_992 = vector.extract_strided_slice %tanh3A_979 {offsets = [1, 0], sizes = [7, 1], strides = [1, 1]} : vector<8x1xf32> to vector<7x1xf32>
      %slice3A_993 = vector.extract_strided_slice %tanh3A_979 {offsets = [0, 0], sizes = [1, 1], strides = [1, 1]} : vector<8x1xf32> to vector<1x1xf32>
      %concatenate3A_994 = tpu.concatenate %slice3A_992, %slice3A_993 in 0 : vector<7x1xf32>, vector<1x1xf32> -> vector<8x1xf32>
      %slice3A_995 = vector.extract_strided_slice %tanh3A_979 {offsets = [2, 0], sizes = [6, 1], strides = [1, 1]} : vector<8x1xf32> to vector<6x1xf32>
      %slice3A_996 = vector.extract_strided_slice %tanh3A_979 {offsets = [0, 0], sizes = [2, 1], strides = [1, 1]} : vector<8x1xf32> to vector<2x1xf32>
      %concatenate3A_997 = tpu.concatenate %slice3A_995, %slice3A_996 in 0 : vector<6x1xf32>, vector<2x1xf32> -> vector<8x1xf32>
      %slice3A_998 = vector.extract_strided_slice %tanh3A_979 {offsets = [3, 0], sizes = [5, 1], strides = [1, 1]} : vector<8x1xf32> to vector<5x1xf32>
      %slice3A_999 = vector.extract_strided_slice %tanh3A_979 {offsets = [0, 0], sizes = [3, 1], strides = [1, 1]} : vector<8x1xf32> to vector<3x1xf32>
      %concatenate3A_1000 = tpu.concatenate %slice3A_998, %slice3A_999 in 0 : vector<5x1xf32>, vector<3x1xf32> -> vector<8x1xf32>
      %mul3A_1001 = arith.mulf %get3A_10, %tanh3A_979 : vector<8x1xf32>
      %add3A_1002 = arith.addf %add3A_991, %mul3A_1001 : vector<8x1xf32>
      %mul3A_1003 = arith.mulf %get3A_13, %concatenate3A_994 : vector<8x1xf32>
      %mul3A_1004 = arith.mulf %get3A_16, %concatenate3A_997 : vector<8x1xf32>
      %add3A_1005 = arith.addf %mul3A_1003, %mul3A_1004 : vector<8x1xf32>
      %add3A_1006 = arith.addf %add3A_1002, %add3A_1005 : vector<8x1xf32>
      %mul3A_1007 = arith.mulf %get3A_19, %concatenate3A_1000 : vector<8x1xf32>
      %add3A_1008 = arith.addf %add3A_1006, %mul3A_1007 : vector<8x1xf32>
      %tanh3A_1009 = math.tanh %add3A_1008 : vector<8x1xf32>
      scf.yield %tanh3A_1009 : vector<8x1xf32>
    }
    %scan3A_33 = arith.constant 625 : i32
    %swap3A = arith.constant 0 : index
    %swap3A_34 = arith.constant 0 : index
    %swap3A_35 = vector.load %arg4[%swap3A, %swap3A_34] : memref<8x1xf32, #tpu.memory_space<vmem>>, vector<8x1xf32>
    tpu.vector_store %arg4[%swap3A, %swap3A_34], %scan3A_32 {strides = array<i32>} : memref<8x1xf32, #tpu.memory_space<vmem>>, vector<8x1xf32>,
    %max3A = arith.constant 0.000000e+00 : f32
    %max3A_36 = vector.broadcast %max3A : f32 to vector<8x1xf32>
    %max3A_37 = arith.maximumf %scan3A_32, %max3A_36 : vector<8x1xf32>
    %mul3A = arith.mulf %max3A_37, %get3A_22 : vector<8x1xf32>
    %reduce_sum3A = arith.constant dense<0.000000e+00> : vector<1xf32>
    %reduce_sum3A_38 = vector.multi_reduction <add>, %mul3A, %reduce_sum3A [0] : vector<8x1xf32> to vector<1xf32>
    %broadcast_in_dim3A = vector.shape_cast %reduce_sum3A_38 : vector<1xf32> to vector<1x1xf32>
    %add3A = arith.addf %broadcast_in_dim3A, %get3A_25 : vector<1x1xf32>
    %neg3A = arith.constant 0.000000e+00 : f32
    %neg3A_39 = vector.broadcast %neg3A : f32 to vector<1x1xf32>
    %neg3A_40 = arith.subf %neg3A_39, %add3A : vector<1x1xf32>
    %exp3A = math.exp %neg3A_40 : vector<1x1xf32>
    %add3A_41 = arith.constant 1.000000e+00 : f32
    %add3A_42 = vector.broadcast %add3A_41 : f32 to vector<1x1xf32>
    %add3A_43 = arith.addf %add3A_42, %exp3A : vector<1x1xf32>
    %div3A = arith.constant 1.000000e+00 : f32
    %div3A_44 = vector.broadcast %div3A : f32 to vector<1x1xf32>
    %div3A_45 = arith.divf %div3A_44, %add3A_43 : vector<1x1xf32>
    %swap3A_46 = arith.constant 0 : index
    %swap3A_47 = arith.constant 0 : index
    %swap3A_48 = vector.load %arg5[%swap3A_46, %swap3A_47] : memref<1x1xf32, #tpu.memory_space<vmem>>, vector<1x1xf32>
    tpu.vector_store %arg5[%swap3A_46, %swap3A_47], %div3A_45 {strides = array<i32>} : memref<1x1xf32, #tpu.memory_space<vmem>>, vector<1x1xf32>,
    return
  }
}

</mosaic_0001>

<sc_bundles>
// kernel: kernel.6.cloned.1.call-start
scs
__scs_entry_jumppad:
0x0: {  	(pc) =	sbr.rel $0x88, $3  }
0x1: {  	(tag) =	ssettag $0x0;
	lr =	simm.s32 $0x1  }
0x2: {  	[smem:$0x3F97] =	sst lr;
	_ =	strace $0xD0000000  }
0x3: {  	_ = 	snop  }
0x4: {  	_ = 	snop  }
0x5: {  	_ = 	snop  }
0x6: {  	_ = 	snop  }
0x7: {  	_ = 	snop  }
__scs_overlays_trampoline_lowered:
0x8: {  	[smem:$0x3FA6] =	sst s0  }
0x9: {  	[smem:$0x3FA7] =	sst s1  }
0xa: {  	[smem:$0x3FA8] =	sst s2  }
0xb: {  	[smem:$0x3FA9] =	sst s3  }
0xc: {  	[smem:$0x3FAA] =	sst s4  }
0xd: {  	[smem:$0x3FAB] =	sst s5  }
0xe: {  	[smem:$0x3FAC] =	sst s6  }
0xf: {  	[smem:$0x3FAD] =	sst s7  }
0x10: {  	[smem:$0x3FAE] =	sst s8  }
0x11: {  	[smem:$0x3FAF] =	sst s9;
	s0 =	simm.s32 @!p0 $0x0  }
0x12: {  	s1 =	sld [smem:$0x3F95];
	s0 =	simm.s32 @p0 $0x1  }
0x13: {  	[smem:$0x3FB0] =	sst s0;
	s0 =	simm.s32 @!p1 $0x0  }
0x14: {  	s2 =	sld [smem:$0x3F94];
	s0 =	simm.s32 @p1 $0x1  }
0x15: {  	[smem:$0x3FB1] =	sst s0;
	s0 =	simm.s32 @!p2 $0x0  }
0x16: {  	s3 =	sld [smem:$0x3FDB];
	s0 =	simm.s32 @p2 $0x1  }
0x17: {  	s4 =	simm.s32 $0x1BF5;
	[smem:$0x3FB3] =	sst s0  }
0x18: {  	s0 =	sld [smem:$0x3F96];
	_ =	swait.ge [sflag:s4], $0x0  }
0x19: {  	s7 =	sld [smem:$0x3F97]  }
0x1a: {  	s8 =	sadd.s32 $0xFFFFE003, lr  }
0x1b: {  	s9 =	sadd.s32 $0xFFFFFEF7, lr;
	s5 =	simm.s32 $0xFFFFFFFF;
	p2 =	slt.u32 s8, $0xFFFFF086  }
0x1c: {  	p1 =	slt.u32 s9, $0xF7A;
	s5 =	simm.s32 @!p2 $0x0  }
0x1d: {  	s5 =	simm.s32 @p1 $0x1;
	p0 =	seq.s32 s7, s2  }
0x1e: {  	s7 =	smul.u32 @!p0 $0xF7A, s2;
	p2 =	seq.s32 @!p0 s5, $0x0  }
0x1f: {  	s9 =	smul.u32 $0xF7A, s1;
	s8 =	simm.s32 @!p0 $0x1BF5;
	p2 =	por !p2, p0  }
0x20: {  	[sflag:s8] =	ssyncset.s32 @!p0 $0xFFFFF086;
	s6 =	sadd.s32 @!p0 s3, s7;
	s7 =	simm.s32 @!p0 $0x108  }
0x21: {  	s3 =	sadd.s32 s3, s9;
	s6 =	sadd.s32 @!p0 $0x88, s6;
	s7 =	simm.s32 @p2 $0x1082  }
0x22: {  	[simem:s7], [sflag:s8] =	dma.local @!p0 [hbm:s6], $0xF7A  }
0x23: {  	s9 =	sor.u32 $0xD0000000, s2;
	s6 =	simm.s32 $0x108;
	_ =	swait.ge @!p0 [sflag:s8], $0x0  }
0x24: {  	s3 =	sadd.s32 $0x88, s3;
	s6 =	simm.s32 @!p1 $0x1082;
	[sflag:s4] =	ssyncset.s32 $0xFFFFF086  }
0x25: {  	[simem:s6], [sflag:s4] =	dma.local [hbm:s3], $0xF7A  }
0x26: {  	[smem:$0x3F97] =	sst s1;
	(tag) =	ssettag s2;
	_ =	strace s9  }
0x27: {  	s1 =	sld [smem:$0x3FA7]  }
0x28: {  	s2 =	sld [smem:$0x3FA8]  }
0x29: {  	s4 =	sld [smem:$0x3FAA]  }
0x2a: {  	p0 =	seq.s32 s5, $0x0;
	s5 =	sld [smem:$0x3FAB]  }
0x2b: {  	s6 =	sld [smem:$0x3FAC]  }
0x2c: {  	s7 =	sld [smem:$0x3FAD]  }
0x2d: {  	s3 =	simm.s32 $0x108;
	s8 =	sld [smem:$0x3FAE]  }
0x2e: {  	s3 =	simm.s32 @!p0 $0x1082;
	s9 =	sld [smem:$0x3FAF]  }
0x2f: {  	lr =	sadd.s32 s0, s3;
	s0 =	sld [smem:$0x3FA6]  }
0x30: {  	s3 =	sld [smem:$0x3FA9]  }
0x31: {  	[smem:$0x3FB2] =	sst s10  }
0x32: {  	s10 =	sld [smem:$0x3FB0];
	_ =	sdelay $0x3  }
0x33: {  	p0 =	seq.s32 s10, $0x1;
	s10 =	sld [smem:$0x3FB2];
	_ =	sdelay $0x3  }
0x34: {  	[smem:$0x3FB2] =	sst s10  }
0x35: {  	s10 =	sld [smem:$0x3FB1];
	_ =	sdelay $0x3  }
0x36: {  	p1 =	seq.s32 s10, $0x1;
	s10 =	sld [smem:$0x3FB2];
	_ =	sdelay $0x3  }
0x37: {  	[smem:$0x3FB2] =	sst s10  }
0x38: {  	s10 =	sld [smem:$0x3FB3]  }
0x39: {  	_ = 	snop;
	(pc) =	sbr.ind lr, $3  }
0x3a: {  	_ = 	snop  }
0x3b: {  	_ = 	snop  }
0x3c: {  	p2 =	seq.s32 s10, $0x1;
	s10 =	sld [smem:$0x3FB2]  }
0x3d: {  	_ =	shalt  }
0x3e: {  	_ =	shalt  }
0x3f: {  	_ =	shalt  }
0x40: {  	_ =	shalt  }
0x41: {  	_ =	shalt  }
0x42: {  	_ =	shalt  }
0x43: {  	_ =	shalt  }
0x44: {  	_ =	shalt  }
0x45: {  	_ =	shalt  }
0x46: {  	_ =	shalt  }
0x47: {  	_ =	shalt  }
0x48: {  	_ =	shalt  }
0x49: {  	_ =	shalt  }
0x4a: {  	_ =	shalt  }
0x4b: {  	_ =	shalt  }
0x4c: {  	_ =	shalt  }
0x4d: {  	_ =	shalt  }
0x4e: {  	_ =	shalt  }
0x4f: {  	_ =	shalt  }
0x50: {  	_ =	shalt  }
0x51: {  	_ =	shalt  }
0x52: {  	_ =	shalt  }
0x53: {  	_ =	shalt  }
0x54: {  	_ =	shalt  }
0x55: {  	_ =	shalt  }
0x56: {  	_ =	shalt  }
0x57: {  	_ =	shalt  }
0x58: {  	_ =	shalt  }
0x59: {  	_ =	shalt  }
0x5a: {  	_ =	shalt  }
0x5b: {  	_ =	shalt  }
0x5c: {  	_ =	shalt  }
0x5d: {  	_ =	shalt  }
0x5e: {  	_ =	shalt  }
0x5f: {  	_ =	shalt  }
0x60: {  	_ =	shalt  }
0x61: {  	_ =	shalt  }
0x62: {  	_ =	shalt  }
0x63: {  	_ =	shalt  }
0x64: {  	_ =	shalt  }
0x65: {  	_ =	shalt  }
0x66: {  	_ =	shalt  }
0x67: {  	_ =	shalt  }
0x68: {  	_ =	shalt  }
0x69: {  	_ =	shalt  }
0x6a: {  	_ =	shalt  }
0x6b: {  	_ =	shalt  }
0x6c: {  	_ =	shalt  }
0x6d: {  	_ =	shalt  }
0x6e: {  	_ =	shalt  }
0x6f: {  	_ =	shalt  }
0x70: {  	_ =	shalt  }
0x71: {  	_ =	shalt  }
0x72: {  	_ =	shalt  }
0x73: {  	_ =	shalt  }
0x74: {  	_ =	shalt  }
0x75: {  	_ =	shalt  }
0x76: {  	_ =	shalt  }
0x77: {  	_ =	shalt  }
0x78: {  	_ =	shalt  }
0x79: {  	_ =	shalt  }
0x7a: {  	_ =	shalt  }
0x7b: {  	_ =	shalt  }
0x7c: {  	_ =	shalt  }
0x7d: {  	_ =	shalt  }
0x7e: {  	_ =	shalt  }
0x7f: {  	_ =	shalt  }
0x80: {  	_ =	shalt  }
0x81: {  	_ =	shalt  }
0x82: {  	_ =	shalt  }
0x83: {  	_ =	shalt  }
0x84: {  	_ =	shalt  }
0x85: {  	_ =	shalt  }
0x86: {  	_ =	shalt  }
0x87: {  	_ =	shalt  }
.Lfunc_end0:
.L_simem_size_0:
called_computation_lowered:
.L_overlay_start_0:
0x88: {  	s2 =	sld [smem:$0x3FD9]  }
0x89: {  	s3 =	sld [smem:$0x3FFE];
	_ =	sdelay $0x1  }
0x8a: {  	s1 =	srdreg.scid  }
0x8b: {  	s0 =	sand.u32 $0x1, s1  }
0x8c: {  	s17 =	sshll.u32 s0, $0xA;
	s2 =	sadd.s32 s3, s2  }
0x8d: {  	s2 =	sadd.s32 s2, s17  }
0x8e: {  	[smem:$0x3FBE] =	sst s2  }
0x8f: {  	_ = 	snop  }
0x90: {  	s2 =	sld [smem:$0x3FD0];
	(tm) =	ssettm $0x1  }
0x91: {  	s18 =	sld [smem:$0x3FFB];
	_ =	sdelay $0x3  }
0x92: {  	_ =	strace s18  }
0x93: {  	s3 =	sld [smem:$0x3FFC];
	_ =	sdelay $0x3  }
0x94: {  	_ =	strace s3  }
0x95: {  	s3 =	sld [smem:$0x3FFD];
	_ =	sdelay $0x3  }
0x96: {  	_ =	strace s3  }
0x97: {  	_ =	strace $0x8FFFFFFF  }
0x98: {  	s19 =	sld [smem:$0x3FDB];
	_ =	sdelay $0x1  }
0x99: {  	s4 =	simm.s32 $_scs_section_size  }
0x9a: {  	s5 =	simm.s32 $_size__tile_overlayer_lowered;
	s6 =	simm.s32 $_tile_overlayer_lowered  }
0x9b: {  	s22 =	simm.s32 $0x1BFF;
	s21 =	sshll.u32 s6, $0x1;
	s3 =	sadd.s32 s4, s19  }
0x9c: {  	s7 =	simm.s32 $0x0;
	s20 =	sshll.u32 s5, $0x1;
	s5 =	sadd.s32 s21, s3  }
0x9d: {  	[timem:s7], [sflag:s22] =	dma.local [hbm:s5], s20  }
0x9e: {  	_ =	swait.ge [sflag:s22], s20  }
0x9f: {  	s4 =	ssub.s32 $0x0, s20;
	[sflag:s22] =	ssyncset.done $0x0  }
0xa0: {  	[sflag:s22] =	ssyncadd.s32 s4;
	_ =	sdelay $0x1  }
0xa1: {  	s23 =	simm.s32 $0x1B8B  }
0xa2: {  	_ =	swait.ge [sflag:s23], $0x1  }
0xa3: {  	[sflag:s23] =	ssyncset.done $0x0  }
0xa4: {  	s25 =	simm.s32 $0x1B8E;
	s24 =	sld [smem:$0x3FFE];
	[sflag:s23] =	ssyncadd.s32 $0xFFFFFFFF  }
0xa5: {  	s26 =	simm.s32 $execute0_lowered;
	[smem:$0x3FD2] =	sst s25  }
0xa6: {  	s5 =	sshll.u32 s26, $0x1;
	_ =	strace $0x80000046;
	[dreg:$0x1] =	wrdreg $0xFFFFFFFF  }
0xa7: {  	s28 =	simm.s32 $_size_execute0_lowered;
	s3 =	sadd.s32 s3, s5;
	[dreg:$0x0] =	wrdreg $0x0  }
0xa8: {  	s5 =	sshll.u32 s28, $0x1;
	[dreg:$0x2] =	wrdreg s3  }
0xa9: {  	[dreg:$0x3] =	wrdreg s5  }
0xaa: {  	[dreg:$0x4] =	wrdreg $0xC0  }
0xab: {  	_ =	task [dreg:s7], $0x5FFFF  }
0xac: {  	[dreg:$0x1] =	wrdreg $0xFFFFFFFF  }
0xad: {  	[dreg:$0x0] =	wrdreg $0x60  }
0xae: {  	[dreg:$0x2] =	wrdreg s24  }
0xaf: {  	[dreg:$0x3] =	wrdreg s2  }
0xb0: {  	[dreg:$0x4] =	wrdreg $0x106000  }
0xb1: {  	[dreg:$0x5] =	wrdreg $0x108800  }
0xb2: {  	[dreg:$0x6] =	wrdreg $0x10B000  }
0xb3: {  	[dreg:$0x7] =	wrdreg $0x10D800  }
0xb4: {  	[dreg:$0x8] =	wrdreg $0x10FF80  }
0xb5: {  	[dreg:$0x9] =	wrdreg $0x9  }
0xb6: {  	_ =	task.clear_ibuf [dreg:s7], $0xAFFFF;
	_ =	strace $0x90000046  }
0xb7: {  	s29 =	simm.s32 $0x9;
	_ =	strace $0x80000048  }
0xb8: {  	_ =	swait.ge [sflag:s29], $0x1  }
0xb9: {  	[sflag:s29] =	ssyncadd.s32 $0xFFFFFFFF  }
0xba: {  	_ =	strace $0x90000048  }
0xbb: {  	_ =	sfence  }
0xbc: {  	s30 =	sld [smem:$0x0];
	_ =	sdelay $0x2  }
0xbd: {  	s31 =	sshll.u32 s1, $0xD;
	s1 =	sshrl.u32 s1, $0x2  }
0xbe: {  	s3 =	sand.u32 $0x4000, s31;
	s1 =	sadd.s32 s1, s30  }
0xbf: {  	s0 =	sor.u32 s3, s0;
	s1 =	sshll.u32 s1, $0x11  }
0xc0: {  	s0 =	sor.u32 s1, s0  }
0xc1: {  	s0 =	sadd.s32 $0x8F2B, s0  }
0xc2: {  	[sflag:s0] =	ssyncadd.remote.s32 $0x1  }
0xc3: {  	_ =	sfence.sel $0xFFFF  }
0xc4: {  	[dreg:$0x0] =	wrdreg $0xFFFFFFFF;
	(pc) =	sbr.abs _section_cstart, $3  }
0xc5: {  	[dreg:$0x1] =	wrdreg $0xFFFFFFFF  }
0xc6: {  	_ =	task.clear_ibuf [dreg:s7], $0x2FFFF;
	_ =	strace $0x9FFFFFFF  }
0xc7: {  	(tm) =	ssettm $0x7FFFFFFF  }
tec
execute0_lowered:
.L_overlay_start_1:
0x0: {  	(tag) =	ssettag $0x1  }
0x1: {  	s0 =	rddreg [dreg:$0x0]  }
0x2: {  	s2 =	rddreg [dreg:$0x2]  }
0x3: {  	s3 =	rddreg [dreg:$0x3]  }
0x4: {  	s4 =	rddreg [dreg:$0x4]  }
0x5: {  	s11 =	rddreg [dreg:$0x5]  }
0x6: {  	s12 =	rddreg [dreg:$0x6]  }
0x7: {  	s1 =	srdreg.scid;
	s9 =	stileid.u32;
	s8 =	simm.s32 $0x0  }
0x8: {  	s31 =	simm.s32 $0x80;
	s28 =	simm.s32 $0x1;
	s30 =	simm.s32 $0xA000  }
0x9: {  	s29 =	simm.s32 $0xC780;
	s1 =	sand.u32 $0x1, s1;
	s6 =	smul.u32 $0x278, s9  }
0xa: {  	[smem:$0x7FF] =	sst s8;
	s5 =	sshll.u32 s1, $0x4;
	s7 =	smul.u32 $0x2710, s1  }
0xb: {  	_ =	strace $0x80000047;
	s1 =	ssub.s32 $0x2, s1;
	s5 =	sor.u32 s9, s5  }
0xc: {  	s6 =	smin.u32 s6, $0x2498;
	s9 =	smul.u32 $0x280, s9;
	s10 =	sshrl.u32 s1, $0x1  }
0xd: {  	s5 =	smul.u32 $0x500, s5;
	s7 =	sadd.s32 s7, s6;
	s1 =	ssub.s32 s1, s10  }
0xe: {  	s16 =	sadd.s32 s6, s2;
	s17 =	sadd.s32 s6, s11;
	s18 =	sadd.s32 s6, s12  }
0xf: {  	s19 =	sadd.s32 s6, s3;
	s20 =	sadd.s32 s6, s4;
	s6 =	simm.s32 $0x5100  }
0x10: {  	s10 =	simm.s32 $0x10080;
	s11 =	simm.s32 $0x0;
	s21 =	sadd.s32 s9, s2  }
0x11: {  	s7 =	sshrl.u32 s7, $0x3;
	s22 =	sadd.s32 s9, s3;
	[dreg:$0x8] =	wrdreg s21  }
0x12: {  	s23 =	sadd.s32 s9, s4;
	s9 =	simm.s32 $0x2;
	[dreg:$0x9] =	wrdreg s22  }
0x13: {  	s5 =	sadd.s32 s5, s0;
	s0 =	sadd.s32 s7, s0;
	[dreg:$0xa] =	wrdreg s23  }
0x14: {  	s23 =	smax.u32 s1, $0x1;
	s1 =	simm.s32 $0x5000;
	s24 =	sadd.s32 $0x16600, s5  }
0x15: {  	s7 =	simm.s32 $0x180;
	s5 =	sadd.s32 $0x2600, s5;
	[dreg:$0xb] =	wrdreg s24  }
0x16: {  	s25 =	sadd.s32 $0x2A600, s0;
	s26 =	sadd.s32 $0x2BA00, s0;
	[dreg:$0xc] =	wrdreg s5  }
0x17: {  	s21 =	sadd.s32 $0x2CE00, s0;
	s22 =	sadd.s32 $0x2D800, s0;
	[dreg:$0xd] =	wrdreg s25  }
0x18: {  	s0 =	simm.s32 $0x100;
	[dreg:$0xe] =	wrdreg s26;
	s24 =	simm.s32 $0x10300  }
0x19: {  	v0 =	vimm.f32 $0.0e+00;
	v1 =	vimm.f32 $1.000000000e+00;
	s25 =	simm.s32 $0x3;
	s5 =	simm.s32 $0x5080;
	s26 =	simm.s32 $0x5180  }
.LBB2_1:
0x1a: {  	[tilespmem:$0x10300] =	vst v0  }
0x1b: {  	[tilespmem:$0x10310] =	vst v0  }
0x1c: {  	[tilespmem:$0x10320] =	vst v0  }
0x1d: {  	[tilespmem:$0x10330] =	vst v0  }
0x1e: {  	[tilespmem:$0x10340] =	vst v0  }
0x1f: {  	[tilespmem:$0x10350] =	vst v0  }
0x20: {  	[tilespmem:$0x10360] =	vst v0  }
0x21: {  	[tilespmem:$0x10370] =	vst v0  }
0x22: {  	[tilespmem:$0x10380] =	vst v0  }
0x23: {  	[tilespmem:$0x10390] =	vst v0  }
0x24: {  	[tilespmem:$0x103A0] =	vst v0  }
0x25: {  	[tilespmem:$0x103B0] =	vst v0  }
0x26: {  	[tilespmem:$0x103C0] =	vst v0  }
0x27: {  	[tilespmem:$0x103D0] =	vst v0  }
0x28: {  	[tilespmem:$0x103E0] =	vst v0  }
0x29: {  	[tilespmem:$0x103F0] =	vst v0  }
0x2a: {  	[tilespmem:$0x10400] =	vst v0  }
0x2b: {  	[tilespmem:$0x10410] =	vst v0  }
0x2c: {  	[tilespmem:$0x10420] =	vst v0  }
0x2d: {  	[tilespmem:$0x10430] =	vst v0  }
0x2e: {  	[tilespmem:$0x10440] =	vst v0  }
0x2f: {  	[tilespmem:$0x10450] =	vst v0  }
0x30: {  	[tilespmem:$0x10460] =	vst v0  }
0x31: {  	[tilespmem:$0x10470] =	vst v0  }
0x32: {  	[tilespmem:$0x10480] =	vst v0  }
0x33: {  	[tilespmem:$0x10490] =	vst v0  }
0x34: {  	[tilespmem:$0x104A0] =	vst v0  }
0x35: {  	[tilespmem:$0x104B0] =	vst v0  }
0x36: {  	[tilespmem:$0x104C0] =	vst v0  }
0x37: {  	[tilespmem:$0x104D0] =	vst v0  }
0x38: {  	[tilespmem:$0x104E0] =	vst v0  }
0x39: {  	[tilespmem:$0x104F0] =	vst v0  }
0x3a: {  	[tilespmem:$0x10500] =	vst v0  }
0x3b: {  	[tilespmem:$0x10510] =	vst v0  }
0x3c: {  	[tilespmem:$0x10520] =	vst v0  }
0x3d: {  	[tilespmem:$0x10530] =	vst v0  }
0x3e: {  	[tilespmem:$0x10540] =	vst v0  }
0x3f: {  	[tilespmem:$0x10550] =	vst v0  }
0x40: {  	[tilespmem:$0x10560] =	vst v0  }
0x41: {  	[tilespmem:$0x10570] =	vst v0;
	s12 =	rddreg [dreg:$0x8]  }
0x42: {  	[spmem:s12] =	stream.linear.scatter [tilespmem:s24], [sflag:$0x3], $0x280, $0x38;
	[tilespmem:$0x11270] =	vst v63  }
0x43: {  	_ =	swait.ge [sflag:s25], $0x280  }
0x44: {  	[sflag:s25] =	ssyncset.done $0x0  }
0x45: {  	s13 =	rddreg [dreg:$0x9];
	[sflag:s25] =	ssyncadd.s32 $0xFFFFFD80  }
0x46: {  	[spmem:s13] =	stream.linear.scatter [tilespmem:s24], [sflag:$0x3], $0x280, $0x38;
	[tilespmem:$0x11270] =	vst v63  }
0x47: {  	_ =	swait.ge [sflag:s25], $0x280  }
0x48: {  	[sflag:s25] =	ssyncset.done $0x0  }
0x49: {  	s14 =	rddreg [dreg:$0xa];
	[sflag:s25] =	ssyncadd.s32 $0xFFFFFD80  }
0x4a: {  	[spmem:s14] =	stream.linear.scatter [tilespmem:s24], [sflag:$0x3], $0x280, $0x38;
	[tilespmem:$0x11270] =	vst v63  }
0x4b: {  	_ =	swait.ge [sflag:s25], $0x280  }
0x4c: {  	[sflag:s25] =	ssyncset.done $0x0  }
0x4d: {  	[sflag:s25] =	ssyncadd.s32 $0xFFFFFD80  }
0x4e: {  	s13 =	simm.s32 $0x10580;
	s15 =	rddreg [dreg:$0x1]  }
0x4f: {  	[tilespmem:s13], [sflag:$0x3] =	stream.linear.gather [hbm4b:s15+s8], $0x80, $0x38;
	[tilespmem:$0x11270] =	vst v63  }
0x50: {  	_ =	swait.ge [sflag:s25], $0x80  }
0x51: {  	[sflag:s25] =	ssyncset.done $0x0  }
0x52: {  	s13 =	rddreg [dreg:$0xb];
	[sflag:s25] =	ssyncadd.s32 $0xFFFFFF80  }
0x53: {  	[tilespmem:s8], [sflag:$0x3] =	stream.linear.gather [hbm4b:s13+s8], $0x2780, $0x38;
	[tilespmem:$0x11270] =	vst v63  }
0x54: {  	_ =	swait.ge [sflag:s25], $0x2780  }
0x55: {  	[sflag:s25] =	ssyncset.done $0x0  }
0x56: {  	s15 =	simm.s32 $0x2800;
	s14 =	rddreg [dreg:$0xc];
	[sflag:s25] =	ssyncadd.s32 $0xFFFFD880  }
0x57: {  	[tilespmem:s15], [sflag:$0x3] =	stream.linear.gather [hbm4b:s14+s8], $0x2780, $0x38;
	[tilespmem:$0x11270] =	vst v63  }
0x58: {  	_ =	swait.ge [sflag:s25], $0x2780  }
0x59: {  	[sflag:s25] =	ssyncset.done $0x0  }
0x5a: {  	s15 =	simm.s32 $0xEF00;
	s14 =	rddreg [dreg:$0xd];
	[sflag:s25] =	ssyncadd.s32 $0xFFFFD880  }
0x5b: {  	[tilespmem:s15], [sflag:$0x3] =	stream.linear.gather [hbm4b:s14+s8], $0x278, $0x38;
	[tilespmem:$0x11270] =	vst v63  }
0x5c: {  	_ =	swait.ge [sflag:s25], $0x278  }
0x5d: {  	[sflag:s25] =	ssyncset.done $0x0  }
0x5e: {  	s15 =	simm.s32 $0xF180;
	s14 =	rddreg [dreg:$0xe];
	[sflag:s25] =	ssyncadd.s32 $0xFFFFFD88  }
0x5f: {  	[tilespmem:s15], [sflag:$0x3] =	stream.linear.gather [hbm4b:s14+s8], $0x278, $0x38;
	[tilespmem:$0x11270] =	vst v63  }
0x60: {  	_ =	swait.ge [sflag:s25], $0x278  }
0x61: {  	[sflag:s25] =	ssyncset.done $0x0  }
0x62: {  	s12 =	simm.s32 $0x0;
	s13 =	simm.s32 $0x200;
	[sflag:s25] =	ssyncadd.s32 $0xFFFFFD88  }
.LBB2_2:
0x63: {  	p0 =	sne.s32 s13, $0x9C00;
	[tilespmem:s12+$0x5070] =	vst v1  }
0x64: {  	[tilespmem:s12+$0x5000] =	vst v1  }
0x65: {  	[tilespmem:s12+$0x5010] =	vst v1  }
.Ltmp0:
0x66: {  	[tilespmem:s12+$0x5020] =	vst v1;
	(pc) =	sbr.rel @p0 .LBB2_2-.Ltmp0, $4  }
0x67: {  	[tilespmem:s12+$0x5030] =	vst v1  }
0x68: {  	[tilespmem:s12+$0x5040] =	vst v1  }
0x69: {  	[tilespmem:s12+$0x5050] =	vst v1  }
0x6a: {  	[tilespmem:s12+$0x5060] =	vst v1;
	s12 =	sshra.s32 s13, $0x2;
	s13 =	sadd.s32 $0x200, s13  }
0x6b: {  	[tilespmem:s12+$0x5070] =	vst v1  }
0x6c: {  	[tilespmem:s12+$0x5000] =	vst v1  }
0x6d: {  	[tilespmem:s12+$0x5010] =	vst v1  }
0x6e: {  	[tilespmem:s12+$0x5020] =	vst v1  }
0x6f: {  	[tilespmem:s12+$0x5030] =	vst v1  }
0x70: {  	[tilespmem:s12+$0x5040] =	vst v1  }
0x71: {  	[tilespmem:s12+$0x5050] =	vst v1  }
0x72: {  	[tilespmem:s12+$0x5060] =	vst v1  }
0x73: {  	[bflag:$0x0] =	sbarrier.arrive $0xFFFF  }
0x74: {  	[spmem:s2] =	stream.indirect.scatter.add.f32 [tilespmem:s1], [sflag:$0x1], $0x1, s8, s31, $0xb8;
	[tilespmem:$0x11270] =	vst v63  }
0x75: {  	_ = 	snop  }
0x76: {  	[spmem:s2] =	stream.indirect.scatter.add.f32 [tilespmem:s5], [sflag:$0x1], $0x1, s31, s31, $0xb8;
	[tilespmem:$0x11270] =	vst v63  }
0x77: {  	_ = 	snop  }
0x78: {  	[spmem:s2] =	stream.indirect.scatter.add.f32 [tilespmem:s6], [sflag:$0x1], $0x1, s0, s31, $0xb8;
	[tilespmem:$0x11270] =	vst v63  }
0x79: {  	_ = 	snop  }
0x7a: {  	[spmem:s2] =	stream.indirect.scatter.add.f32 [tilespmem:s26], [sflag:$0x1], $0x1, s7, s31, $0xb8;
	[tilespmem:$0x11270] =	vst v63  }
0x7b: {  	s15 =	simm.s32 $0x200;
	s13 =	simm.s32 $0x5200  }
0x7c: {  	[spmem:s2] =	stream.indirect.scatter.add.f32 [tilespmem:s13], [sflag:$0x1], $0x1, s15, s31, $0xb8;
	[tilespmem:$0x11270] =	vst v63  }
0x7d: {  	s12 =	simm.s32 $0xA00;
	_ =	swait.ge [sflag:s28], $0x80  }
.LBB2_4:
0x7e: {  	s13 =	sshra.s32 s12, $0x2;
	[sflag:s28] =	ssyncset.done $0x0;
	p0 =	sne.s32 s12, $0x9C00  }
.Ltmp1:
0x7f: {  	s14 =	sadd.s32 $0x5000, s13;
	[sflag:s28] =	ssyncadd.s32 $0xFFFFFF80;
	(pc) =	sbr.rel @p0 .LBB2_4-.Ltmp1, $3  }
0x80: {  	[spmem:s2] =	stream.indirect.scatter.add.f32 [tilespmem:s14], [sflag:$0x1], $0x1, s13, s31, $0xb8;
	[tilespmem:$0x11270] =	vst v63  }
0x81: {  	s12 =	sadd.s32 $0x200, s12;
	_ =	sdelay $0x1  }
0x82: {  	_ =	swait.ge [sflag:s28], $0x80  }
0x83: {  	[sflag:s28] =	ssyncset.done $0x0  }
0x84: {  	[sflag:s28] =	ssyncadd.s32 $0xFFFFFF80  }
0x85: {  	_ =	swait.ge [sflag:s28], $0x80  }
0x86: {  	[sflag:s28] =	ssyncset.done $0x0  }
0x87: {  	[sflag:s28] =	ssyncadd.s32 $0xFFFFFF80  }
0x88: {  	_ =	swait.ge [sflag:s28], $0x80  }
0x89: {  	[sflag:s28] =	ssyncset.done $0x0  }
0x8a: {  	[sflag:s28] =	ssyncadd.s32 $0xFFFFFF80  }
0x8b: {  	_ =	swait.ge [sflag:s28], $0x80  }
0x8c: {  	[sflag:s28] =	ssyncset.done $0x0  }
0x8d: {  	[sflag:s28] =	ssyncadd.s32 $0xFFFFFF80  }
0x8e: {  	_ =	swait.ge [sflag:s28], $0x80  }
0x8f: {  	[sflag:s28] =	ssyncset.done $0x0  }
0x90: {  	[sflag:s28] =	ssyncadd.s32 $0xFFFFFF80  }
0x91: {  	s12 =	simm.s32 $0xF400;
	[bflag:$0x0] =	sbarrier.arrive $0xFFFF  }
0x92: {  	[tilespmem:s12], [sflag:$0x3] =	stream.linear.gather [spmem:s16], $0x278, $0x38;
	[tilespmem:$0x11270] =	vst v63  }
0x93: {  	_ =	swait.ge [sflag:s25], $0x278  }
0x94: {  	[sflag:s25] =	ssyncset.done $0x0  }
0x95: {  	s12 =	simm.s32 $0x0;
	[sflag:s25] =	ssyncadd.s32 $0xFFFFFD88  }
0x96: {  	v2 =	vld [tilespmem:s12+$0xF400];
	_ =	sdelay $0x4  }
0x97: {  	v2 =	vadd.f32 $1.000000000e+00, v2;
	_ =	sdelay $0x1  }
0x98: {  	v3 =	vshra.s32 v2, $0x1;
	v4 =	vmul.f32 $5.000000000e-01, v2  }
0x99: {  	v2 =	vsub.s32 $0x5F3759DF, v3  }
0x9a: {  	v3 =	vmul.f32 v2, v4;
	_ =	sdelay $0x1  }
0x9b: {  	v3 =	vmul.f32 v2, v3;
	_ =	sdelay $0x1  }
0x9c: {  	v3 =	vsub.f32 $1.500000000e+00, v3;
	_ =	sdelay $0x1  }
0x9d: {  	v2 =	vmul.f32 v2, v3;
	_ =	sdelay $0x1  }
0x9e: {  	v3 =	vmul.f32 v2, v4;
	_ =	sdelay $0x1  }
0x9f: {  	v3 =	vmul.f32 v3, v2  }
0xa0: {  	v6 =	vld [tilespmem:$0x10580]  }
0xa1: {  	v3 =	vsub.f32 $1.500000000e+00, v3;
	_ =	sdelay $0x1  }
0xa2: {  	v7 =	vld [tilespmem:s12+$0xEF00];
	v8 =	vmul.f32 v3, v2  }
0xa3: {  	v9 =	vld [tilespmem:s12+$0xF180]  }
0xa4: {  	v5 =	vbroadcast v6, $0x1;
	v10 =	vmul.f32 v8, v4  }
0xa5: {  	v2 =	vbroadcast v6, $0x0;
	v3 =	vbroadcast v6, $0x2  }
0xa6: {  	v4 =	vbroadcast v6, $0x3;
	v6 =	vmul.f32 v10, v8  }
0xa7: {  	v11 =	vmul.f32 v7, v3;
	v10 =	vmul.f32 v7, v2  }
0xa8: {  	v7 =	vmul.f32 v9, v5;
	v9 =	vmul.f32 v9, v4;
	v12 =	vsub.f32 $1.500000000e+00, v6;
	_ =	sdelay $0x1  }
0xa9: {  	s13 =	simm.s32 $0x40;
	s14 =	simm.s32 $0x80;
	v7 =	vadd.f32 v7, v10;
	v6 =	vadd.f32 v9, v11;
	v8 =	vmul.f32 v12, v8  }
.LBB2_6:
0xaa: {  	p0 =	sne.s32 s14, $0x9C0  }
0xab: {  	s15 =	sshra.s32 s13, $0x2;
	s13 =	smov.u32 s14;
	[tilespmem:s12+$0xF400] =	vst v8;
	v7 =	vmul.f32 v8, v7;
	v6 =	vmul.f32 v8, v6  }
0xac: {  	v8 =	vld [tilespmem:s15+$0xF400]  }
0xad: {  	v9 =	vld [tilespmem:s15+$0xEF00];
	[tilespmem:s12+$0xF680] =	vst v7  }
0xae: {  	v7 =	vld [tilespmem:s15+$0xF180];
	[tilespmem:s12+$0xF900] =	vst v6;
	s12 =	smov.u32 s15;
	_ =	sdelay $0x2  }
0xaf: {  	v6 =	vadd.f32 $1.000000000e+00, v8  }
0xb0: {  	v8 =	vmul.f32 v9, v2;
	v9 =	vmul.f32 v9, v3  }
0xb1: {  	v10 =	vshra.s32 v6, $0x1;
	v11 =	vmul.f32 $5.000000000e-01, v6;
	v6 =	vmul.f32 v7, v5  }
0xb2: {  	v12 =	vmul.f32 v7, v4;
	v10 =	vsub.s32 $0x5F3759DF, v10  }
0xb3: {  	v13 =	vmul.f32 v10, v11;
	v7 =	vadd.f32 v6, v8  }
0xb4: {  	v6 =	vadd.f32 v12, v9  }
0xb5: {  	v8 =	vmul.f32 v10, v13;
	_ =	sdelay $0x1  }
0xb6: {  	v8 =	vsub.f32 $1.500000000e+00, v8;
	_ =	sdelay $0x1  }
0xb7: {  	v8 =	vmul.f32 v10, v8;
	_ =	sdelay $0x1  }
0xb8: {  	v9 =	vmul.f32 v8, v11;
	_ =	sdelay $0x1  }
0xb9: {  	v9 =	vmul.f32 v9, v8;
	_ =	sdelay $0x1  }
0xba: {  	v9 =	vsub.f32 $1.500000000e+00, v9;
	_ =	sdelay $0x1  }
0xbb: {  	v8 =	vmul.f32 v9, v8;
	_ =	sdelay $0x1  }
0xbc: {  	v9 =	vmul.f32 v8, v11;
	_ =	sdelay $0x1  }
.Ltmp2:
0xbd: {  	v9 =	vmul.f32 v9, v8;
	(pc) =	sbr.rel @p0 .LBB2_6-.Ltmp2, $3  }
0xbe: {  	_ = 	snop  }
0xbf: {  	v9 =	vsub.f32 $1.500000000e+00, v9;
	_ =	sdelay $0x1  }
0xc0: {  	s14 =	sadd.s32 $0x40, s14;
	v8 =	vmul.f32 v9, v8  }
0xc1: {  	_ = 	snop  }
0xc2: {  	s13 =	sshra.s32 s13, $0x2;
	[tilespmem:s12+$0xF400] =	vst v8  }
0xc3: {  	v9 =	vld [tilespmem:s13+$0xF400];
	_ =	sdelay $0x4  }
0xc4: {  	v9 =	vadd.f32 $1.000000000e+00, v9;
	_ =	sdelay $0x1  }
0xc5: {  	v10 =	vshra.s32 v9, $0x1;
	v9 =	vmul.f32 $5.000000000e-01, v9  }
0xc6: {  	v10 =	vsub.s32 $0x5F3759DF, v10  }
0xc7: {  	v11 =	vmul.f32 v10, v9;
	_ =	sdelay $0x1  }
0xc8: {  	v11 =	vmul.f32 v10, v11;
	_ =	sdelay $0x1  }
0xc9: {  	v11 =	vsub.f32 $1.500000000e+00, v11;
	_ =	sdelay $0x1  }
0xca: {  	v10 =	vmul.f32 v10, v11;
	_ =	sdelay $0x1  }
0xcb: {  	v11 =	vmul.f32 v10, v9;
	_ =	sdelay $0x1  }
0xcc: {  	v11 =	vmul.f32 v11, v10;
	_ =	sdelay $0x1  }
0xcd: {  	v7 =	vmul.f32 v8, v7;
	v11 =	vsub.f32 $1.500000000e+00, v11;
	_ =	sdelay $0x1  }
0xce: {  	v12 =	vld [tilespmem:s13+$0xEF00];
	[tilespmem:s12+$0xF680] =	vst v7;
	v62 =	vmul.f32 v11, v10  }
0xcf: {  	v63 =	vld [tilespmem:s13+$0xF180]  }
0xd0: {  	v9 =	vmul.f32 v62, v9;
	_ =	sdelay $0x1  }
0xd1: {  	v9 =	vmul.f32 v9, v62;
	_ =	sdelay $0x1  }
0xd2: {  	v2 =	vmul.f32 v12, v2;
	v5 =	vmul.f32 v63, v5;
	v9 =	vsub.f32 $1.500000000e+00, v9  }
0xd3: {  	v3 =	vmul.f32 v12, v3;
	v4 =	vmul.f32 v63, v4  }
0xd4: {  	v6 =	vmul.f32 v8, v6;
	v2 =	vadd.f32 v5, v2;
	v5 =	vmul.f32 v9, v62  }
0xd5: {  	v3 =	vadd.f32 v4, v3  }
0xd6: {  	[tilespmem:s12+$0xF900] =	vst v6;
	v2 =	vmul.f32 v5, v2  }
0xd7: {  	[tilespmem:s13+$0xF400] =	vst v5;
	v3 =	vmul.f32 v5, v3  }
0xd8: {  	[tilespmem:s13+$0xF680] =	vst v2  }
0xd9: {  	s15 =	simm.s32 $0xF680;
	[tilespmem:s13+$0xF900] =	vst v3  }
0xda: {  	[spmem:s17] =	stream.linear.scatter [tilespmem:s15], [sflag:$0x3], $0x278, $0x38;
	[tilespmem:$0x11270] =	vst v63  }
0xdb: {  	_ =	swait.ge [sflag:s25], $0x278  }
0xdc: {  	[sflag:s25] =	ssyncset.done $0x0  }
0xdd: {  	s13 =	simm.s32 $0xF900;
	[sflag:s25] =	ssyncadd.s32 $0xFFFFFD88  }
0xde: {  	[spmem:s18] =	stream.linear.scatter [tilespmem:s13], [sflag:$0x3], $0x278, $0x38;
	[tilespmem:$0x11270] =	vst v63  }
0xdf: {  	_ =	swait.ge [sflag:s25], $0x278  }
0xe0: {  	[sflag:s25] =	ssyncset.done $0x0  }
0xe1: {  	[sflag:s25] =	ssyncadd.s32 $0xFFFFFD88  }
0xe2: {  	[bflag:$0x0] =	sbarrier.arrive $0xFFFF  }
0xe3: {  	s14 =	rddreg [dreg:$0x5]  }
0xe4: {  	[tilespmem:s30], [sflag:$0x3] =	stream.linear.gather [spmem:s14], $0x2780, $0x38;
	[tilespmem:$0x11270] =	vst v63  }
0xe5: {  	_ =	swait.ge [sflag:s25], $0x2780  }
0xe6: {  	[sflag:s25] =	ssyncset.done $0x0  }
0xe7: {  	[sflag:s25] =	ssyncadd.s32 $0xFFFFD880  }
0xe8: {  	s15 =	rddreg [dreg:$0x6]  }
0xe9: {  	[tilespmem:s29], [sflag:$0x3] =	stream.linear.gather [spmem:s15], $0x2780, $0x38;
	[tilespmem:$0x11270] =	vst v63  }
0xea: {  	_ =	swait.ge [sflag:s25], $0x2780  }
0xeb: {  	[sflag:s25] =	ssyncset.done $0x0  }
0xec: {  	s12 =	simm.s32 $0x0;
	[sflag:s25] =	ssyncadd.s32 $0xFFFFD880  }
0xed: {  	v2 =	vld [tilespmem:s12+$0x2800];
	_ =	sdelay $0x7  }
0xee: {  	v3 =	vld.idx.msk [tilespmem:v2+s30+$0x0], $0xffff;
	_ =	sdelay $0x4  }
0xef: {  	[tilespmem:s12+$0x5000] =	vst v3;
	v3 =	vld [tilespmem:s12+$0x2810];
	_ =	sdelay $0x1  }
0xf0: {  	v2 =	vld.idx.msk [tilespmem:v2+s29+$0x0], $0xffff;
	_ =	sdelay $0x4  }
0xf1: {  	[tilespmem:s12+$0x7800] =	vst v2  }
0xf2: {  	v2 =	vld.idx.msk [tilespmem:v3+s30+$0x0], $0xffff;
	_ =	sdelay $0x4  }
0xf3: {  	[tilespmem:s12+$0x5010] =	vst v2;
	v2 =	vld [tilespmem:s12+$0x2820];
	_ =	sdelay $0x1  }
0xf4: {  	v3 =	vld.idx.msk [tilespmem:v3+s29+$0x0], $0xffff;
	_ =	sdelay $0x4  }
0xf5: {  	[tilespmem:s12+$0x7810] =	vst v3  }
0xf6: {  	v3 =	vld.idx.msk [tilespmem:v2+s30+$0x0], $0xffff;
	_ =	sdelay $0x4  }
0xf7: {  	[tilespmem:s12+$0x5020] =	vst v3;
	v3 =	vld [tilespmem:s12+$0x2830];
	_ =	sdelay $0x1  }
0xf8: {  	v2 =	vld.idx.msk [tilespmem:v2+s29+$0x0], $0xffff;
	_ =	sdelay $0x4  }
0xf9: {  	[tilespmem:s12+$0x7820] =	vst v2  }
0xfa: {  	v2 =	vld.idx.msk [tilespmem:v3+s30+$0x0], $0xffff;
	_ =	sdelay $0x4  }
0xfb: {  	[tilespmem:s12+$0x5030] =	vst v2;
	v2 =	vld [tilespmem:s12+$0x2840];
	_ =	sdelay $0x1  }
0xfc: {  	v3 =	vld.idx.msk [tilespmem:v3+s29+$0x0], $0xffff;
	_ =	sdelay $0x4  }
0xfd: {  	[tilespmem:s12+$0x7830] =	vst v3  }
0xfe: {  	v3 =	vld.idx.msk [tilespmem:v2+s30+$0x0], $0xffff;
	_ =	sdelay $0x4  }
0xff: {  	[tilespmem:s12+$0x5040] =	vst v3;
	v3 =	vld [tilespmem:s12+$0x2850];
	_ =	sdelay $0x1  }
0x100: {  	v2 =	vld.idx.msk [tilespmem:v2+s29+$0x0], $0xffff;
	_ =	sdelay $0x4  }
0x101: {  	[tilespmem:s12+$0x7840] =	vst v2  }
0x102: {  	v2 =	vld.idx.msk [tilespmem:v3+s30+$0x0], $0xffff;
	_ =	sdelay $0x3  }
0x103: {  	v4 =	vld [tilespmem:s12+$0x2860]  }
0x104: {  	[tilespmem:s12+$0x5050] =	vst v2  }
0x105: {  	v2 =	vld.idx.msk [tilespmem:v3+s29+$0x0], $0xffff;
	_ =	sdelay $0x4  }
0x106: {  	[tilespmem:s12+$0x7850] =	vst v2  }
0x107: {  	v2 =	vld.idx.msk [tilespmem:v4+s30+$0x0], $0xffff;
	_ =	sdelay $0x4  }
0x108: {  	[tilespmem:s12+$0x5060] =	vst v2;
	v2 =	vld [tilespmem:s12+$0x2870];
	_ =	sdelay $0x1  }
0x109: {  	v3 =	vld.idx.msk [tilespmem:v4+s29+$0x0], $0xffff;
	_ =	sdelay $0x4  }
0x10a: {  	[tilespmem:s12+$0x7860] =	vst v3  }
0x10b: {  	v3 =	vld.idx.msk [tilespmem:v2+s30+$0x0], $0xffff;
	_ =	sdelay $0x3  }
0x10c: {  	s13 =	simm.s32 $0x400;
	s14 =	simm.s32 $0x80  }
.LBB2_8:
0x10d: {  	p0 =	sne.s32 s13, $0x9C00;
	v4 =	vld [tilespmem:s14+$0x2800];
	[tilespmem:s12+$0x5070] =	vst v3  }
0x10e: {  	v2 =	vld.idx.msk [tilespmem:v2+s29+$0x0], $0xffff;
	_ =	sdelay $0x5  }
0x10f: {  	[tilespmem:s12+$0x7870] =	vst v2;
	s12 =	smov.u32 s14  }
0x110: {  	v2 =	vld.idx.msk [tilespmem:v4+s30+$0x0], $0xffff;
	_ =	sdelay $0x5  }
0x111: {  	[tilespmem:s12+$0x5000] =	vst v2;
	v2 =	vld [tilespmem:s12+$0x2810]  }
0x112: {  	v3 =	vld.idx.msk [tilespmem:v4+s29+$0x0], $0xffff;
	_ =	sdelay $0x5  }
0x113: {  	[tilespmem:s12+$0x7800] =	vst v3  }
0x114: {  	v3 =	vld.idx.msk [tilespmem:v2+s30+$0x0], $0xffff;
	_ =	sdelay $0x5  }
0x115: {  	[tilespmem:s12+$0x5010] =	vst v3;
	v3 =	vld [tilespmem:s12+$0x2820]  }
0x116: {  	v2 =	vld.idx.msk [tilespmem:v2+s29+$0x0], $0xffff;
	_ =	sdelay $0x5  }
0x117: {  	[tilespmem:s12+$0x7810] =	vst v2  }
0x118: {  	v2 =	vld.idx.msk [tilespmem:v3+s30+$0x0], $0xffff;
	_ =	sdelay $0x5  }
0x119: {  	[tilespmem:s12+$0x5020] =	vst v2;
	v2 =	vld [tilespmem:s12+$0x2830]  }
0x11a: {  	v3 =	vld.idx.msk [tilespmem:v3+s29+$0x0], $0xffff;
	_ =	sdelay $0x5  }
0x11b: {  	[tilespmem:s12+$0x7820] =	vst v3  }
0x11c: {  	v3 =	vld.idx.msk [tilespmem:v2+s30+$0x0], $0xffff;
	_ =	sdelay $0x5  }
0x11d: {  	[tilespmem:s12+$0x5030] =	vst v3;
	v3 =	vld [tilespmem:s12+$0x2840]  }
0x11e: {  	v2 =	vld.idx.msk [tilespmem:v2+s29+$0x0], $0xffff;
	_ =	sdelay $0x5  }
0x11f: {  	[tilespmem:s12+$0x7830] =	vst v2  }
0x120: {  	v2 =	vld.idx.msk [tilespmem:v3+s30+$0x0], $0xffff;
	_ =	sdelay $0x5  }
0x121: {  	[tilespmem:s12+$0x5040] =	vst v2;
	v2 =	vld [tilespmem:s12+$0x2850]  }
0x122: {  	v3 =	vld.idx.msk [tilespmem:v3+s29+$0x0], $0xffff;
	_ =	sdelay $0x5  }
0x123: {  	[tilespmem:s12+$0x7840] =	vst v3  }
0x124: {  	v3 =	vld.idx.msk [tilespmem:v2+s30+$0x0], $0xffff;
	_ =	sdelay $0x5  }
0x125: {  	[tilespmem:s12+$0x5050] =	vst v3;
	v3 =	vld [tilespmem:s12+$0x2860]  }
0x126: {  	v2 =	vld.idx.msk [tilespmem:v2+s29+$0x0], $0xffff;
	_ =	sdelay $0x5  }
0x127: {  	[tilespmem:s12+$0x7850] =	vst v2  }
0x128: {  	v2 =	vld.idx.msk [tilespmem:v3+s30+$0x0], $0xffff;
	_ =	sdelay $0x5  }
0x129: {  	[tilespmem:s12+$0x5060] =	vst v2;
	v2 =	vld [tilespmem:s12+$0x2870]  }
0x12a: {  	v3 =	vld.idx.msk [tilespmem:v3+s29+$0x0], $0xffff;
	_ =	sdelay $0x5  }
0x12b: {  	[tilespmem:s12+$0x7860] =	vst v3  }
0x12c: {  	v3 =	vld.idx.msk [tilespmem:v2+s30+$0x0], $0xffff  }
.Ltmp3:
0x12d: {  	(pc) =	sbr.rel @p0 .LBB2_8-.Ltmp3, $2  }
0x12e: {  	_ =	sdelay $0x2  }
0x12f: {  	s14 =	sshra.s32 s13, $0x2;
	s13 =	sadd.s32 $0x200, s13  }
0x130: {  	_ =	sdelay $0x1  }
0x131: {  	v4 =	vld [tilespmem:s14+$0x2800]  }
0x132: {  	[tilespmem:s12+$0x5070] =	vst v3  }
0x133: {  	v2 =	vld.idx.msk [tilespmem:v2+s29+$0x0], $0xffff;
	_ =	sdelay $0x4  }
0x134: {  	[tilespmem:s12+$0x7870] =	vst v2  }
0x135: {  	v2 =	vld.idx.msk [tilespmem:v4+s30+$0x0], $0xffff;
	_ =	sdelay $0x4  }
0x136: {  	[tilespmem:s14+$0x5000] =	vst v2;
	v2 =	vld [tilespmem:s14+$0x2810];
	_ =	sdelay $0x1  }
0x137: {  	v3 =	vld.idx.msk [tilespmem:v4+s29+$0x0], $0xffff;
	_ =	sdelay $0x4  }
0x138: {  	[tilespmem:s14+$0x7800] =	vst v3  }
0x139: {  	v3 =	vld.idx.msk [tilespmem:v2+s30+$0x0], $0xffff;
	_ =	sdelay $0x4  }
0x13a: {  	[tilespmem:s14+$0x5010] =	vst v3;
	v3 =	vld [tilespmem:s14+$0x2820];
	_ =	sdelay $0x1  }
0x13b: {  	v2 =	vld.idx.msk [tilespmem:v2+s29+$0x0], $0xffff;
	_ =	sdelay $0x4  }
0x13c: {  	[tilespmem:s14+$0x7810] =	vst v2  }
0x13d: {  	v2 =	vld.idx.msk [tilespmem:v3+s30+$0x0], $0xffff;
	_ =	sdelay $0x4  }
0x13e: {  	[tilespmem:s14+$0x5020] =	vst v2;
	v2 =	vld [tilespmem:s14+$0x2830];
	_ =	sdelay $0x1  }
0x13f: {  	v3 =	vld.idx.msk [tilespmem:v3+s29+$0x0], $0xffff;
	_ =	sdelay $0x4  }
0x140: {  	[tilespmem:s14+$0x7820] =	vst v3  }
0x141: {  	v3 =	vld.idx.msk [tilespmem:v2+s30+$0x0], $0xffff;
	_ =	sdelay $0x4  }
0x142: {  	[tilespmem:s14+$0x5030] =	vst v3;
	v3 =	vld [tilespmem:s14+$0x2840];
	_ =	sdelay $0x1  }
0x143: {  	v2 =	vld.idx.msk [tilespmem:v2+s29+$0x0], $0xffff;
	_ =	sdelay $0x4  }
0x144: {  	[tilespmem:s14+$0x7830] =	vst v2  }
0x145: {  	v2 =	vld.idx.msk [tilespmem:v3+s30+$0x0], $0xffff;
	_ =	sdelay $0x4  }
0x146: {  	[tilespmem:s14+$0x5040] =	vst v2;
	v2 =	vld [tilespmem:s14+$0x2850];
	_ =	sdelay $0x1  }
0x147: {  	v3 =	vld.idx.msk [tilespmem:v3+s29+$0x0], $0xffff;
	_ =	sdelay $0x4  }
0x148: {  	[tilespmem:s14+$0x7840] =	vst v3  }
0x149: {  	v3 =	vld.idx.msk [tilespmem:v2+s30+$0x0], $0xffff;
	_ =	sdelay $0x4  }
0x14a: {  	[tilespmem:s14+$0x5050] =	vst v3;
	v3 =	vld [tilespmem:s14+$0x2860];
	_ =	sdelay $0x1  }
0x14b: {  	v2 =	vld.idx.msk [tilespmem:v2+s29+$0x0], $0xffff;
	_ =	sdelay $0x4  }
0x14c: {  	[tilespmem:s14+$0x7850] =	vst v2  }
0x14d: {  	v2 =	vld.idx.msk [tilespmem:v3+s30+$0x0], $0xffff;
	_ =	sdelay $0x4  }
0x14e: {  	[tilespmem:s14+$0x5060] =	vst v2;
	v2 =	vld [tilespmem:s14+$0x2870];
	_ =	sdelay $0x1  }
0x14f: {  	v3 =	vld.idx.msk [tilespmem:v3+s29+$0x0], $0xffff;
	_ =	sdelay $0x4  }
0x150: {  	[tilespmem:s14+$0x7860] =	vst v3  }
0x151: {  	v3 =	vld.idx.msk [tilespmem:v2+s30+$0x0], $0xffff;
	_ =	sdelay $0x4  }
0x152: {  	[tilespmem:s14+$0x5070] =	vst v3  }
0x153: {  	v2 =	vld.idx.msk [tilespmem:v2+s29+$0x0], $0xffff;
	_ =	sdelay $0x4  }
0x154: {  	[tilespmem:s14+$0x7870] =	vst v2  }
0x155: {  	[spmem:s3] =	stream.indirect.scatter.add.f32 [tilespmem:s1], [sflag:$0x1], $0x1, s8, s31, $0xb8;
	[tilespmem:$0x11270] =	vst v63  }
0x156: {  	_ = 	snop  }
0x157: {  	[spmem:s3] =	stream.indirect.scatter.add.f32 [tilespmem:s5], [sflag:$0x1], $0x1, s31, s31, $0xb8;
	[tilespmem:$0x11270] =	vst v63  }
0x158: {  	_ = 	snop  }
0x159: {  	[spmem:s3] =	stream.indirect.scatter.add.f32 [tilespmem:s6], [sflag:$0x1], $0x1, s0, s31, $0xb8;
	[tilespmem:$0x11270] =	vst v63  }
0x15a: {  	_ = 	snop  }
0x15b: {  	[spmem:s3] =	stream.indirect.scatter.add.f32 [tilespmem:s26], [sflag:$0x1], $0x1, s7, s31, $0xb8;
	[tilespmem:$0x11270] =	vst v63  }
0x15c: {  	s15 =	simm.s32 $0x200;
	s13 =	simm.s32 $0x5200  }
0x15d: {  	[spmem:s3] =	stream.indirect.scatter.add.f32 [tilespmem:s13], [sflag:$0x1], $0x1, s15, s31, $0xb8;
	[tilespmem:$0x11270] =	vst v63  }
0x15e: {  	s12 =	simm.s32 $0xA00;
	_ =	swait.ge [sflag:s28], $0x80  }
.LBB2_10:
0x15f: {  	s13 =	sshra.s32 s12, $0x2;
	[sflag:s28] =	ssyncset.done $0x0;
	p0 =	sne.s32 s12, $0x9C00  }
.Ltmp4:
0x160: {  	s14 =	sadd.s32 $0x5000, s13;
	[sflag:s28] =	ssyncadd.s32 $0xFFFFFF80;
	(pc) =	sbr.rel @p0 .LBB2_10-.Ltmp4, $3  }
0x161: {  	[spmem:s3] =	stream.indirect.scatter.add.f32 [tilespmem:s14], [sflag:$0x1], $0x1, s13, s31, $0xb8;
	[tilespmem:$0x11270] =	vst v63  }
0x162: {  	s12 =	sadd.s32 $0x200, s12;
	_ =	sdelay $0x1  }
0x163: {  	_ =	swait.ge [sflag:s28], $0x80  }
0x164: {  	[sflag:s28] =	ssyncset.done $0x0  }
0x165: {  	[sflag:s28] =	ssyncadd.s32 $0xFFFFFF80  }
0x166: {  	_ =	swait.ge [sflag:s28], $0x80  }
0x167: {  	[sflag:s28] =	ssyncset.done $0x0  }
0x168: {  	[sflag:s28] =	ssyncadd.s32 $0xFFFFFF80  }
0x169: {  	_ =	swait.ge [sflag:s28], $0x80  }
0x16a: {  	[sflag:s28] =	ssyncset.done $0x0  }
0x16b: {  	[sflag:s28] =	ssyncadd.s32 $0xFFFFFF80  }
0x16c: {  	_ =	swait.ge [sflag:s28], $0x80  }
0x16d: {  	[sflag:s28] =	ssyncset.done $0x0  }
0x16e: {  	[sflag:s28] =	ssyncadd.s32 $0xFFFFFF80  }
0x16f: {  	_ =	swait.ge [sflag:s28], $0x80  }
0x170: {  	[sflag:s28] =	ssyncset.done $0x0  }
0x171: {  	s12 =	simm.s32 $0x7800;
	[sflag:s28] =	ssyncadd.s32 $0xFFFFFF80  }
0x172: {  	[spmem:s4] =	stream.indirect.scatter.add.f32 [tilespmem:s12], [sflag:$0x2], $0x1, s8, s31, $0xb8;
	[tilespmem:$0x11270] =	vst v63  }
0x173: {  	s15 =	simm.s32 $0x7880  }
0x174: {  	[spmem:s4] =	stream.indirect.scatter.add.f32 [tilespmem:s15], [sflag:$0x2], $0x1, s31, s31, $0xb8;
	[tilespmem:$0x11270] =	vst v63  }
0x175: {  	s13 =	simm.s32 $0x7900  }
0x176: {  	[spmem:s4] =	stream.indirect.scatter.add.f32 [tilespmem:s13], [sflag:$0x2], $0x1, s0, s31, $0xb8;
	[tilespmem:$0x11270] =	vst v63  }
0x177: {  	s14 =	simm.s32 $0x7980  }
0x178: {  	[spmem:s4] =	stream.indirect.scatter.add.f32 [tilespmem:s14], [sflag:$0x2], $0x1, s7, s31, $0xb8;
	[tilespmem:$0x11270] =	vst v63  }
0x179: {  	s15 =	simm.s32 $0x200;
	s13 =	simm.s32 $0x7A00  }
0x17a: {  	[spmem:s4] =	stream.indirect.scatter.add.f32 [tilespmem:s13], [sflag:$0x2], $0x1, s15, s31, $0xb8;
	[tilespmem:$0x11270] =	vst v63  }
0x17b: {  	s12 =	simm.s32 $0xA00;
	_ =	swait.ge [sflag:s9], $0x80  }
.LBB2_12:
0x17c: {  	s13 =	sshra.s32 s12, $0x2;
	[sflag:s9] =	ssyncset.done $0x0;
	p0 =	sne.s32 s12, $0x9C00  }
.Ltmp5:
0x17d: {  	s14 =	sadd.s32 $0x7800, s13;
	[sflag:s9] =	ssyncadd.s32 $0xFFFFFF80;
	(pc) =	sbr.rel @p0 .LBB2_12-.Ltmp5, $3  }
0x17e: {  	[spmem:s4] =	stream.indirect.scatter.add.f32 [tilespmem:s14], [sflag:$0x2], $0x1, s13, s31, $0xb8;
	[tilespmem:$0x11270] =	vst v63  }
0x17f: {  	s12 =	sadd.s32 $0x200, s12;
	_ =	sdelay $0x1  }
0x180: {  	_ =	swait.ge [sflag:s9], $0x80  }
0x181: {  	[sflag:s9] =	ssyncset.done $0x0  }
0x182: {  	[sflag:s9] =	ssyncadd.s32 $0xFFFFFF80  }
0x183: {  	_ =	swait.ge [sflag:s9], $0x80  }
0x184: {  	[sflag:s9] =	ssyncset.done $0x0  }
0x185: {  	[sflag:s9] =	ssyncadd.s32 $0xFFFFFF80  }
0x186: {  	_ =	swait.ge [sflag:s9], $0x80  }
0x187: {  	[sflag:s9] =	ssyncset.done $0x0  }
0x188: {  	[sflag:s9] =	ssyncadd.s32 $0xFFFFFF80  }
0x189: {  	_ =	swait.ge [sflag:s9], $0x80  }
0x18a: {  	[sflag:s9] =	ssyncset.done $0x0  }
0x18b: {  	[sflag:s9] =	ssyncadd.s32 $0xFFFFFF80  }
0x18c: {  	_ =	swait.ge [sflag:s9], $0x80  }
0x18d: {  	[sflag:s9] =	ssyncset.done $0x0  }
0x18e: {  	[sflag:s9] =	ssyncadd.s32 $0xFFFFFF80  }
0x18f: {  	s12 =	simm.s32 $0xFB80;
	[bflag:$0x0] =	sbarrier.arrive $0xFFFF  }
0x190: {  	[tilespmem:s12], [sflag:$0x3] =	stream.linear.gather [spmem:s19], $0x278, $0x38;
	[tilespmem:$0x11270] =	vst v63  }
0x191: {  	_ =	swait.ge [sflag:s25], $0x278  }
0x192: {  	[sflag:s25] =	ssyncset.done $0x0  }
0x193: {  	s15 =	simm.s32 $0xFE00;
	[sflag:s25] =	ssyncadd.s32 $0xFFFFFD88  }
0x194: {  	[tilespmem:s15], [sflag:$0x3] =	stream.linear.gather [spmem:s20], $0x278, $0x38;
	[tilespmem:$0x11270] =	vst v63  }
0x195: {  	_ =	swait.ge [sflag:s25], $0x278  }
0x196: {  	[sflag:s25] =	ssyncset.done $0x0  }
0x197: {  	s12 =	simm.s32 $0x0;
	[sflag:s25] =	ssyncadd.s32 $0xFFFFFD88  }
0x198: {  	v3 =	vld [tilespmem:s12+$0xFB80]  }
0x199: {  	v4 =	vld [tilespmem:s12+$0xF680];
	_ =	sdelay $0x1  }
0x19a: {  	v5 =	vld [tilespmem:s12+$0xF400]  }
0x19b: {  	v2 =	vld [tilespmem:$0x10580];
	_ =	sdelay $0x1  }
0x19c: {  	s13 =	simm.s32 $0x10;
	v6 =	vadd.f32 v4, v3  }
0x19d: {  	v4 =	vld [tilespmem:s13+$0xFB80]  }
0x19e: {  	v7 =	vmul.f32 v6, v5;
	v6 =	vld [tilespmem:s13+$0xF680]  }
0x19f: {  	v3 =	vbroadcast v2, $0x4  }
0x1a0: {  	v5 =	vld [tilespmem:s13+$0xF400]  }
0x1a1: {  	s14 =	simm.s32 $0x80;
	v7 =	vadd.f32 v7, v3  }
.LBB2_14:
0x1a2: {  	s15 =	sshra.s32 s14, $0x2;
	p0 =	sne.s32 s14, $0x9C0  }
.Ltmp6:
0x1a3: {  	s14 =	sadd.s32 $0x40, s14;
	v8 =	vadd.f32 v6, v4;
	v4 =	vld [tilespmem:s15+$0xFB80];
	[tilespmem:s12+$0x10080] =	vst v7;
	(pc) =	sbr.rel @p0 .LBB2_14-.Ltmp6, $4  }
0x1a4: {  	s12 =	smov.u32 s13;
	s13 =	smov.u32 s15;
	v6 =	vld [tilespmem:s15+$0xF680]  }
0x1a5: {  	v7 =	vmul.f32 v8, v5  }
0x1a6: {  	v5 =	vld [tilespmem:s13+$0xF400]  }
0x1a7: {  	v7 =	vadd.f32 v7, v3  }
0x1a8: {  	_ = 	snop  }
0x1a9: {  	v4 =	vadd.f32 v6, v4;
	_ =	sdelay $0x1  }
0x1aa: {  	v4 =	vmul.f32 v4, v5;
	_ =	sdelay $0x1  }
0x1ab: {  	v3 =	vadd.f32 v4, v3  }
0x1ac: {  	[tilespmem:s12+$0x10080] =	vst v7  }
0x1ad: {  	s15 =	simm.s32 $0x0;
	[tilespmem:s13+$0x10080] =	vst v3  }
0x1ae: {  	[hbm4b:s21+s15] =	stream.linear.scatter [tilespmem:s10], [sflag:$0x3], $0x278, $0x38;
	[tilespmem:$0x11270] =	vst v63  }
0x1af: {  	_ =	swait.ge [sflag:s25], $0x278  }
0x1b0: {  	[sflag:s25] =	ssyncset.done $0x0  }
0x1b1: {  	s12 =	simm.s32 $0x0;
	[sflag:s25] =	ssyncadd.s32 $0xFFFFFD88  }
0x1b2: {  	v3 =	vld [tilespmem:s12+$0xFE00]  }
0x1b3: {  	v4 =	vld [tilespmem:s12+$0xF900];
	_ =	sdelay $0x1  }
0x1b4: {  	v5 =	vld [tilespmem:s12+$0xF400];
	_ =	sdelay $0x2  }
0x1b5: {  	s13 =	simm.s32 $0x10;
	v4 =	vadd.f32 v4, v3  }
0x1b6: {  	v3 =	vld [tilespmem:s13+$0xFE00]  }
0x1b7: {  	v6 =	vmul.f32 v4, v5;
	v5 =	vld [tilespmem:s13+$0xF900]  }
0x1b8: {  	v2 =	vbroadcast v2, $0x5  }
0x1b9: {  	v4 =	vld [tilespmem:s13+$0xF400]  }
0x1ba: {  	s14 =	simm.s32 $0x80;
	v6 =	vadd.f32 v6, v2  }
.LBB2_16:
0x1bb: {  	s15 =	sshra.s32 s14, $0x2;
	p0 =	sne.s32 s14, $0x9C0  }
.Ltmp7:
0x1bc: {  	s14 =	sadd.s32 $0x40, s14;
	v7 =	vadd.f32 v5, v3;
	v3 =	vld [tilespmem:s15+$0xFE00];
	[tilespmem:s12+$0x10080] =	vst v6;
	(pc) =	sbr.rel @p0 .LBB2_16-.Ltmp7, $4  }
0x1bd: {  	s12 =	smov.u32 s13;
	s13 =	smov.u32 s15;
	v5 =	vld [tilespmem:s15+$0xF900]  }
0x1be: {  	v6 =	vmul.f32 v7, v4  }
0x1bf: {  	v4 =	vld [tilespmem:s13+$0xF400]  }
0x1c0: {  	v6 =	vadd.f32 v6, v2  }
0x1c1: {  	_ = 	snop  }
0x1c2: {  	v3 =	vadd.f32 v5, v3;
	_ =	sdelay $0x1  }
0x1c3: {  	v3 =	vmul.f32 v3, v4;
	_ =	sdelay $0x1  }
0x1c4: {  	s11 =	sadd.s32 $0x1, s11;
	v2 =	vadd.f32 v3, v2  }
0x1c5: {  	[tilespmem:s12+$0x10080] =	vst v6;
	p0 =	sne.s32 s11, s23  }
.Ltmp8:
0x1c6: {  	[tilespmem:s13+$0x10080] =	vst v2;
	(pc) =	sbr.rel @p0 .LBB2_1-.Ltmp8, $4  }
0x1c7: {  	[hbm4b:s22+s8] =	stream.linear.scatter [tilespmem:s10], [sflag:$0x3], $0x278, $0x38;
	[tilespmem:$0x11270] =	vst v63  }
0x1c8: {  	_ =	swait.ge [sflag:s25], $0x278  }
0x1c9: {  	[sflag:s25] =	ssyncset.done $0x0  }
0x1ca: {  	[sflag:s25] =	ssyncadd.s32 $0xFFFFFD88  }
0x1cb: {  	_ =	sfence.sel $0x180000  }
0x1cc: {  	[bflag:$0x0] =	sbarrier.arrive $0xFFFF  }
0x1cd: {  	_ =	strace $0x90000047  }
0x1ce: {  	s0 =	stileid.u32;
	[bflag:$0x2] =	sbarrier.arrive $0xFFFF  }
0x1cf: {  	p0 =	sne.s32 s0, $0x0;
	s0 =	rddreg [dreg:$0x7]  }
0x1d0: {  	s0 =	sadd.s32 @!p0 $0x100000, s0  }
0x1d1: {  	[sflag:s0] =	ssyncadd.tile.s32 @!p0 $0x1;
	_ =	shalt  }
.Lfunc_end2:
_tile_overlayer_lowered:
.L_overlay_start_2:
0x1d2: {  	(tag) =	ssettag $0x2  }
0x1d3: {  	s0 =	rddreg [dreg:$0x0];
	s2 =	stileid.u32  }
0x1d4: {  	s1 =	rddreg [dreg:$0x1];
	p0 =	sne.s32 s2, $0x0  }
0x1d5: {  	s3 =	rddreg [dreg:$0x2];
	[bflag:$0x3] =	sbarrier.arrive $0xFFFF;
	s2 =	simm.s32 @!p0 $0x1C03  }
0x1d6: {  	[timem:s3], [sflag:s2] =	dma.local @!p0 [hbm:s0], s1  }
0x1d7: {  	s0 =	simm.s32 @!p0 $0x3  }
0x1d8: {  	_ =	swait.ge @!p0 [sflag:s0], s1  }
0x1d9: {  	s1 =	ssub.s32 @!p0 $0x0, s1;
	[sflag:s0] =	ssyncset.done @!p0 $0x0  }
0x1da: {  	[sflag:s0] =	ssyncadd.s32 @!p0 s1  }
0x1db: {  	[bflag:$0x3] =	sbarrier.arrive $0xFFFF  }
0x1dc: {  	_ =	shalt  }

// kernel: kernel.9.cloned.1.call-start
scs
__scs_entry_jumppad:
0x0: {  	(pc) =	sbr.rel $0x88, $3  }
0x1: {  	(tag) =	ssettag $0x0;
	lr =	simm.s32 $0x1  }
0x2: {  	[smem:$0x3F97] =	sst lr;
	_ =	strace $0xD0000000  }
0x3: {  	_ = 	snop  }
0x4: {  	_ = 	snop  }
0x5: {  	_ = 	snop  }
0x6: {  	_ = 	snop  }
0x7: {  	_ = 	snop  }
__scs_overlays_trampoline_lowered:
0x8: {  	[smem:$0x3FA6] =	sst s0  }
0x9: {  	[smem:$0x3FA7] =	sst s1  }
0xa: {  	[smem:$0x3FA8] =	sst s2  }
0xb: {  	[smem:$0x3FA9] =	sst s3  }
0xc: {  	[smem:$0x3FAA] =	sst s4  }
0xd: {  	[smem:$0x3FAB] =	sst s5  }
0xe: {  	[smem:$0x3FAC] =	sst s6  }
0xf: {  	[smem:$0x3FAD] =	sst s7  }
0x10: {  	[smem:$0x3FAE] =	sst s8  }
0x11: {  	[smem:$0x3FAF] =	sst s9;
	s0 =	simm.s32 @!p0 $0x0  }
0x12: {  	s1 =	sld [smem:$0x3F95];
	s0 =	simm.s32 @p0 $0x1  }
0x13: {  	[smem:$0x3FB0] =	sst s0;
	s0 =	simm.s32 @!p1 $0x0  }
0x14: {  	s2 =	sld [smem:$0x3F94];
	s0 =	simm.s32 @p1 $0x1  }
0x15: {  	[smem:$0x3FB1] =	sst s0;
	s0 =	simm.s32 @!p2 $0x0  }
0x16: {  	s3 =	sld [smem:$0x3FDB];
	s0 =	simm.s32 @p2 $0x1  }
0x17: {  	s4 =	simm.s32 $0x1BF5;
	[smem:$0x3FB3] =	sst s0  }
0x18: {  	s0 =	sld [smem:$0x3F96];
	_ =	swait.ge [sflag:s4], $0x0  }
0x19: {  	s7 =	sld [smem:$0x3F97]  }
0x1a: {  	s8 =	sadd.s32 $0xFFFFE003, lr  }
0x1b: {  	s9 =	sadd.s32 $0xFFFFFEF7, lr;
	s5 =	simm.s32 $0xFFFFFFFF;
	p2 =	slt.u32 s8, $0xFFFFF086  }
0x1c: {  	p1 =	slt.u32 s9, $0xF7A;
	s5 =	simm.s32 @!p2 $0x0  }
0x1d: {  	s5 =	simm.s32 @p1 $0x1;
	p0 =	seq.s32 s7, s2  }
0x1e: {  	s7 =	smul.u32 @!p0 $0xF7A, s2;
	p2 =	seq.s32 @!p0 s5, $0x0  }
0x1f: {  	s9 =	smul.u32 $0xF7A, s1;
	s8 =	simm.s32 @!p0 $0x1BF5;
	p2 =	por !p2, p0  }
0x20: {  	[sflag:s8] =	ssyncset.s32 @!p0 $0xFFFFF086;
	s6 =	sadd.s32 @!p0 s3, s7;
	s7 =	simm.s32 @!p0 $0x108  }
0x21: {  	s3 =	sadd.s32 s3, s9;
	s6 =	sadd.s32 @!p0 $0x88, s6;
	s7 =	simm.s32 @p2 $0x1082  }
0x22: {  	[simem:s7], [sflag:s8] =	dma.local @!p0 [hbm:s6], $0xF7A  }
0x23: {  	s9 =	sor.u32 $0xD0000000, s2;
	s6 =	simm.s32 $0x108;
	_ =	swait.ge @!p0 [sflag:s8], $0x0  }
0x24: {  	s3 =	sadd.s32 $0x88, s3;
	s6 =	simm.s32 @!p1 $0x1082;
	[sflag:s4] =	ssyncset.s32 $0xFFFFF086  }
0x25: {  	[simem:s6], [sflag:s4] =	dma.local [hbm:s3], $0xF7A  }
0x26: {  	[smem:$0x3F97] =	sst s1;
	(tag) =	ssettag s2;
	_ =	strace s9  }
0x27: {  	s1 =	sld [smem:$0x3FA7]  }
0x28: {  	s2 =	sld [smem:$0x3FA8]  }
0x29: {  	s4 =	sld [smem:$0x3FAA]  }
0x2a: {  	p0 =	seq.s32 s5, $0x0;
	s5 =	sld [smem:$0x3FAB]  }
0x2b: {  	s6 =	sld [smem:$0x3FAC]  }
0x2c: {  	s7 =	sld [smem:$0x3FAD]  }
0x2d: {  	s3 =	simm.s32 $0x108;
	s8 =	sld [smem:$0x3FAE]  }
0x2e: {  	s3 =	simm.s32 @!p0 $0x1082;
	s9 =	sld [smem:$0x3FAF]  }
0x2f: {  	lr =	sadd.s32 s0, s3;
	s0 =	sld [smem:$0x3FA6]  }
0x30: {  	s3 =	sld [smem:$0x3FA9]  }
0x31: {  	[smem:$0x3FB2] =	sst s10  }
0x32: {  	s10 =	sld [smem:$0x3FB0];
	_ =	sdelay $0x3  }
0x33: {  	p0 =	seq.s32 s10, $0x1;
	s10 =	sld [smem:$0x3FB2];
	_ =	sdelay $0x3  }
0x34: {  	[smem:$0x3FB2] =	sst s10  }
0x35: {  	s10 =	sld [smem:$0x3FB1];
	_ =	sdelay $0x3  }
0x36: {  	p1 =	seq.s32 s10, $0x1;
	s10 =	sld [smem:$0x3FB2];
	_ =	sdelay $0x3  }
0x37: {  	[smem:$0x3FB2] =	sst s10  }
0x38: {  	s10 =	sld [smem:$0x3FB3]  }
0x39: {  	_ = 	snop;
	(pc) =	sbr.ind lr, $3  }
0x3a: {  	_ = 	snop  }
0x3b: {  	_ = 	snop  }
0x3c: {  	p2 =	seq.s32 s10, $0x1;
	s10 =	sld [smem:$0x3FB2]  }
0x3d: {  	_ =	shalt  }
0x3e: {  	_ =	shalt  }
0x3f: {  	_ =	shalt  }
0x40: {  	_ =	shalt  }
0x41: {  	_ =	shalt  }
0x42: {  	_ =	shalt  }
0x43: {  	_ =	shalt  }
0x44: {  	_ =	shalt  }
0x45: {  	_ =	shalt  }
0x46: {  	_ =	shalt  }
0x47: {  	_ =	shalt  }
0x48: {  	_ =	shalt  }
0x49: {  	_ =	shalt  }
0x4a: {  	_ =	shalt  }
0x4b: {  	_ =	shalt  }
0x4c: {  	_ =	shalt  }
0x4d: {  	_ =	shalt  }
0x4e: {  	_ =	shalt  }
0x4f: {  	_ =	shalt  }
0x50: {  	_ =	shalt  }
0x51: {  	_ =	shalt  }
0x52: {  	_ =	shalt  }
0x53: {  	_ =	shalt  }
0x54: {  	_ =	shalt  }
0x55: {  	_ =	shalt  }
0x56: {  	_ =	shalt  }
0x57: {  	_ =	shalt  }
0x58: {  	_ =	shalt  }
0x59: {  	_ =	shalt  }
0x5a: {  	_ =	shalt  }
0x5b: {  	_ =	shalt  }
0x5c: {  	_ =	shalt  }
0x5d: {  	_ =	shalt  }
0x5e: {  	_ =	shalt  }
0x5f: {  	_ =	shalt  }
0x60: {  	_ =	shalt  }
0x61: {  	_ =	shalt  }
0x62: {  	_ =	shalt  }
0x63: {  	_ =	shalt  }
0x64: {  	_ =	shalt  }
0x65: {  	_ =	shalt  }
0x66: {  	_ =	shalt  }
0x67: {  	_ =	shalt  }
0x68: {  	_ =	shalt  }
0x69: {  	_ =	shalt  }
0x6a: {  	_ =	shalt  }
0x6b: {  	_ =	shalt  }
0x6c: {  	_ =	shalt  }
0x6d: {  	_ =	shalt  }
0x6e: {  	_ =	shalt  }
0x6f: {  	_ =	shalt  }
0x70: {  	_ =	shalt  }
0x71: {  	_ =	shalt  }
0x72: {  	_ =	shalt  }
0x73: {  	_ =	shalt  }
0x74: {  	_ =	shalt  }
0x75: {  	_ =	shalt  }
0x76: {  	_ =	shalt  }
0x77: {  	_ =	shalt  }
0x78: {  	_ =	shalt  }
0x79: {  	_ =	shalt  }
0x7a: {  	_ =	shalt  }
0x7b: {  	_ =	shalt  }
0x7c: {  	_ =	shalt  }
0x7d: {  	_ =	shalt  }
0x7e: {  	_ =	shalt  }
0x7f: {  	_ =	shalt  }
0x80: {  	_ =	shalt  }
0x81: {  	_ =	shalt  }
0x82: {  	_ =	shalt  }
0x83: {  	_ =	shalt  }
0x84: {  	_ =	shalt  }
0x85: {  	_ =	shalt  }
0x86: {  	_ =	shalt  }
0x87: {  	_ =	shalt  }
.Lfunc_end0:
.L_simem_size_0:
called_computation.1_lowered:
.L_overlay_start_0:
0x88: {  	s2 =	sld [smem:$0x3FD9]  }
0x89: {  	s3 =	sld [smem:$0x3FFE];
	_ =	sdelay $0x1  }
0x8a: {  	s1 =	srdreg.scid  }
0x8b: {  	s0 =	sand.u32 $0x1, s1  }
0x8c: {  	s17 =	sshll.u32 s0, $0xA;
	s2 =	sadd.s32 s3, s2  }
0x8d: {  	s2 =	sadd.s32 s2, s17  }
0x8e: {  	[smem:$0x3FBE] =	sst s2  }
0x8f: {  	_ = 	snop  }
0x90: {  	s18 =	sld [smem:$0x3FD0];
	(tm) =	ssettm $0x1  }
0x91: {  	s19 =	sld [smem:$0x3FFB];
	_ =	sdelay $0x3  }
0x92: {  	_ =	strace s19  }
0x93: {  	s2 =	sld [smem:$0x3FFC];
	_ =	sdelay $0x3  }
0x94: {  	_ =	strace s2  }
0x95: {  	s2 =	sld [smem:$0x3FFD];
	_ =	sdelay $0x3  }
0x96: {  	_ =	strace s2  }
0x97: {  	_ =	strace $0x8FFFFFFF  }
0x98: {  	s20 =	sld [smem:$0x3FDB];
	_ =	sdelay $0x1  }
0x99: {  	s4 =	simm.s32 $_scs_section_size  }
0x9a: {  	s5 =	simm.s32 $_size__tile_overlayer_lowered;
	s6 =	simm.s32 $_tile_overlayer_lowered  }
0x9b: {  	s7 =	simm.s32 $0x1BFF;
	s21 =	sshll.u32 s6, $0x1;
	s4 =	sadd.s32 s4, s20  }
0x9c: {  	s22 =	simm.s32 $0x0;
	s5 =	sshll.u32 s5, $0x1;
	s6 =	sadd.s32 s21, s4  }
0x9d: {  	[timem:s22], [sflag:s7] =	dma.local [hbm:s6], s5  }
0x9e: {  	_ =	swait.ge [sflag:s7], s5  }
0x9f: {  	s5 =	ssub.s32 $0x0, s5;
	[sflag:s7] =	ssyncset.done $0x0  }
0xa0: {  	[sflag:s7] =	ssyncadd.s32 s5;
	_ =	sdelay $0x1  }
0xa1: {  	s23 =	simm.s32 $0x1B8B  }
0xa2: {  	_ =	swait.ge [sflag:s23], $0x1  }
0xa3: {  	[sflag:s23] =	ssyncset.done $0x0  }
0xa4: {  	[sflag:s23] =	ssyncadd.s32 $0xFFFFFFFF  }
0xa5: {  	s5 =	sld [smem:$0x0]  }
0xa6: {  	s6 =	sand.u32 $0xFFFFFFFE, s1  }
0xa7: {  	p0 =	sne.s32 s1, s6  }
0xa8: {  	s6 =	sshll.u32 @p0 s6, $0xE  }
0xa9: {  	s6 =	sadd.s32 @p0 $0x11B8D, s6;
	s7 =	sshll.u32 @p0 s5, $0x11  }
0xaa: {  	s6 =	sor.u32 @p0 s7, s6  }
0xab: {  	[sflag:s6] =	ssyncadd.remote.s32 @p0 $0x1;
	_ =	sdelay $0x1  }
0xac: {  	s6 =	simm.s32 @p0 $0x1B8D  }
0xad: {  	_ =	swait.eq @p0 [sflag:s6], $0x1  }
0xae: {  	[sflag:s6] =	ssyncadd.s32 @p0 $0xFFFFFFFF  }
0xaf: {  	s7 =	sshll.u32 @!p0 s1, $0xE  }
0xb0: {  	s7 =	sor.u32 @!p0 $0x4000, s7;
	s6 =	simm.s32 @!p0 $0x1B8D  }
0xb1: {  	s5 =	sshll.u32 @!p0 s5, $0x11;
	s7 =	sadd.s32 @!p0 $0x11B8D, s7;
	_ =	swait.eq @!p0 [sflag:s6], $0x1  }
0xb2: {  	s5 =	sor.u32 @!p0 s5, s7;
	[sflag:s6] =	ssyncadd.s32 @!p0 $0xFFFFFFFF  }
0xb3: {  	s25 =	simm.s32 $0x1B8E;
	s24 =	sld [smem:$0x3FFE];
	[sflag:s5] =	ssyncadd.remote.s32 @!p0 $0x1  }
0xb4: {  	s26 =	simm.s32 $execute0_lowered;
	[smem:$0x3FD2] =	sst s25  }
0xb5: {  	s6 =	sshll.u32 s26, $0x1;
	_ =	strace $0x80000049;
	[dreg:$0x1] =	wrdreg $0xFFFFFFFF  }
0xb6: {  	s28 =	simm.s32 $_size_execute0_lowered;
	s4 =	sadd.s32 s4, s6;
	[dreg:$0x0] =	wrdreg $0x0  }
0xb7: {  	s6 =	sshll.u32 s28, $0x1;
	[dreg:$0x2] =	wrdreg s4  }
0xb8: {  	[dreg:$0x3] =	wrdreg s6  }
0xb9: {  	[dreg:$0x4] =	wrdreg $0xC0  }
0xba: {  	_ =	task [dreg:s22], $0x5FFFF  }
0xbb: {  	[dreg:$0x1] =	wrdreg $0xFFFFFFFF  }
0xbc: {  	[dreg:$0x0] =	wrdreg $0x60  }
0xbd: {  	[dreg:$0x2] =	wrdreg s24  }
0xbe: {  	[dreg:$0x3] =	wrdreg s18  }
0xbf: {  	[dreg:$0x4] =	wrdreg $0x106000  }
0xc0: {  	[dreg:$0x5] =	wrdreg $0x108800  }
0xc1: {  	[dreg:$0x6] =	wrdreg $0x10B000  }
0xc2: {  	[dreg:$0x7] =	wrdreg $0x10D800  }
0xc3: {  	[dreg:$0x8] =	wrdreg $0x10FF80  }
0xc4: {  	[dreg:$0x9] =	wrdreg $0xA  }
0xc5: {  	_ =	task.clear_ibuf [dreg:s22], $0xAFFFF;
	_ =	strace $0x90000049  }
0xc6: {  	s29 =	simm.s32 $0xA;
	_ =	strace $0x8000004B  }
0xc7: {  	_ =	swait.ge [sflag:s29], $0x1  }
0xc8: {  	[sflag:s29] =	ssyncadd.s32 $0xFFFFFFFF  }
0xc9: {  	_ =	strace $0x9000004B  }
0xca: {  	_ =	sfence  }
0xcb: {  	s30 =	sld [smem:$0x0];
	_ =	sdelay $0x2  }
0xcc: {  	s31 =	sshll.u32 s1, $0xD;
	s1 =	sshrl.u32 s1, $0x2  }
0xcd: {  	s4 =	sand.u32 $0x4000, s31;
	s1 =	sadd.s32 s1, s30  }
0xce: {  	s0 =	sor.u32 s4, s0;
	s1 =	sshll.u32 s1, $0x11  }
0xcf: {  	s0 =	sor.u32 s1, s0  }
0xd0: {  	s0 =	sadd.s32 $0x8F2B, s0  }
0xd1: {  	[sflag:s0] =	ssyncadd.remote.s32 $0x1  }
0xd2: {  	_ =	sfence.sel $0xFFFF  }
0xd3: {  	[dreg:$0x0] =	wrdreg $0xFFFFFFFF;
	(pc) =	sbr.abs _section_cstart, $3  }
0xd4: {  	[dreg:$0x1] =	wrdreg $0xFFFFFFFF  }
0xd5: {  	_ =	task.clear_ibuf [dreg:s22], $0x2FFFF;
	_ =	strace $0x9FFFFFFF  }
0xd6: {  	(tm) =	ssettm $0x7FFFFFFF  }
0xd7: {  	_ =	shalt  }
tec
execute0_lowered:
.L_overlay_start_1:
0x0: {  	(tag) =	ssettag $0x1  }
0x1: {  	s0 =	rddreg [dreg:$0x0]  }
0x2: {  	s1 =	rddreg [dreg:$0x2]  }
0x3: {  	s2 =	rddreg [dreg:$0x3]  }
0x4: {  	s4 =	rddreg [dreg:$0x4]  }
0x5: {  	s3 =	srdreg.scid;
	s12 =	rddreg [dreg:$0x5]  }
0x6: {  	s10 =	stileid.u32;
	s13 =	rddreg [dreg:$0x6]  }
0x7: {  	s8 =	simm.s32 $0x0;
	s31 =	simm.s32 $0x80;
	s28 =	simm.s32 $0x1  }
0x8: {  	s30 =	simm.s32 $0xA000;
	s29 =	simm.s32 $0xC780;
	s3 =	sand.u32 $0x1, s3  }
0x9: {  	s7 =	smul.u32 $0x278, s10;
	[smem:$0x7FF] =	sst s8;
	s5 =	sor.u32 $0x2, s3  }
0xa: {  	s9 =	smul.u32 $0x2710, s3;
	_ =	strace $0x8000004A;
	s3 =	ssub.s32 $0x2, s3  }
0xb: {  	s6 =	sshll.u32 s5, $0x4;
	s5 =	smul.u32 $0x2710, s5;
	s7 =	smin.u32 s7, $0x2498  }
0xc: {  	s11 =	sshrl.u32 s3, $0x1;
	s6 =	sor.u32 s10, s6;
	s9 =	sadd.s32 s9, s7  }
0xd: {  	s10 =	smul.u32 $0x280, s10;
	s3 =	ssub.s32 s3, s11;
	s16 =	sadd.s32 s7, s1  }
0xe: {  	s17 =	sadd.s32 s7, s12;
	s18 =	sadd.s32 s7, s13;
	s19 =	sadd.s32 s7, s2  }
0xf: {  	s20 =	sadd.s32 s7, s4;
	s11 =	simm.s32 $0x0;
	s6 =	smul.u32 $0x500, s6  }
0x10: {  	s5 =	sadd.s32 s7, s5;
	s9 =	sshrl.u32 s9, $0x3;
	s7 =	simm.s32 $0x180  }
0x11: {  	s5 =	sshrl.u32 s5, $0x3;
	s22 =	sadd.s32 s10, s1;
	s23 =	sadd.s32 s10, s2  }
0x12: {  	s24 =	sadd.s32 s10, s4;
	s10 =	simm.s32 $0x10080;
	[dreg:$0x8] =	wrdreg s22  }
0x13: {  	s6 =	sadd.s32 s6, s0;
	s5 =	sadd.s32 s5, s0;
	[dreg:$0x9] =	wrdreg s23  }
0x14: {  	s0 =	sadd.s32 s9, s0;
	[dreg:$0xa] =	wrdreg s24;
	s23 =	smax.u32 s3, $0x1  }
0x15: {  	s24 =	simm.s32 $0x10300;
	s3 =	simm.s32 $0x5080;
	s25 =	sadd.s32 $0x16600, s6  }
0x16: {  	s9 =	simm.s32 $0x2;
	s6 =	sadd.s32 $0x2600, s6;
	[dreg:$0xb] =	wrdreg s25  }
0x17: {  	s26 =	sadd.s32 $0x2A600, s5;
	s5 =	sadd.s32 $0x2BA00, s5;
	[dreg:$0xc] =	wrdreg s6  }
0x18: {  	s21 =	sadd.s32 $0x2E200, s0;
	s22 =	sadd.s32 $0x2EC00, s0;
	[dreg:$0xd] =	wrdreg s26  }
0x19: {  	s0 =	simm.s32 $0x100;
	[dreg:$0xe] =	wrdreg s5;
	s25 =	simm.s32 $0x3  }
0x1a: {  	v0 =	vimm.f32 $0.0e+00;
	v1 =	vimm.f32 $1.000000000e+00;
	s5 =	simm.s32 $0x5000;
	s6 =	simm.s32 $0x5100;
	s26 =	simm.s32 $0x5180  }
.LBB2_1:
0x1b: {  	[tilespmem:$0x10300] =	vst v0  }
0x1c: {  	[tilespmem:$0x10310] =	vst v0  }
0x1d: {  	[tilespmem:$0x10320] =	vst v0  }
0x1e: {  	[tilespmem:$0x10330] =	vst v0  }
0x1f: {  	[tilespmem:$0x10340] =	vst v0  }
0x20: {  	[tilespmem:$0x10350] =	vst v0  }
0x21: {  	[tilespmem:$0x10360] =	vst v0  }
0x22: {  	[tilespmem:$0x10370] =	vst v0  }
0x23: {  	[tilespmem:$0x10380] =	vst v0  }
0x24: {  	[tilespmem:$0x10390] =	vst v0  }
0x25: {  	[tilespmem:$0x103A0] =	vst v0  }
0x26: {  	[tilespmem:$0x103B0] =	vst v0  }
0x27: {  	[tilespmem:$0x103C0] =	vst v0  }
0x28: {  	[tilespmem:$0x103D0] =	vst v0  }
0x29: {  	[tilespmem:$0x103E0] =	vst v0  }
0x2a: {  	[tilespmem:$0x103F0] =	vst v0  }
0x2b: {  	[tilespmem:$0x10400] =	vst v0  }
0x2c: {  	[tilespmem:$0x10410] =	vst v0  }
0x2d: {  	[tilespmem:$0x10420] =	vst v0  }
0x2e: {  	[tilespmem:$0x10430] =	vst v0  }
0x2f: {  	[tilespmem:$0x10440] =	vst v0  }
0x30: {  	[tilespmem:$0x10450] =	vst v0  }
0x31: {  	[tilespmem:$0x10460] =	vst v0  }
0x32: {  	[tilespmem:$0x10470] =	vst v0  }
0x33: {  	[tilespmem:$0x10480] =	vst v0  }
0x34: {  	[tilespmem:$0x10490] =	vst v0  }
0x35: {  	[tilespmem:$0x104A0] =	vst v0  }
0x36: {  	[tilespmem:$0x104B0] =	vst v0  }
0x37: {  	[tilespmem:$0x104C0] =	vst v0  }
0x38: {  	[tilespmem:$0x104D0] =	vst v0  }
0x39: {  	[tilespmem:$0x104E0] =	vst v0  }
0x3a: {  	[tilespmem:$0x104F0] =	vst v0  }
0x3b: {  	[tilespmem:$0x10500] =	vst v0  }
0x3c: {  	[tilespmem:$0x10510] =	vst v0  }
0x3d: {  	[tilespmem:$0x10520] =	vst v0  }
0x3e: {  	[tilespmem:$0x10530] =	vst v0  }
0x3f: {  	[tilespmem:$0x10540] =	vst v0  }
0x40: {  	[tilespmem:$0x10550] =	vst v0  }
0x41: {  	[tilespmem:$0x10560] =	vst v0  }
0x42: {  	[tilespmem:$0x10570] =	vst v0;
	s12 =	rddreg [dreg:$0x8]  }
0x43: {  	[spmem:s12] =	stream.linear.scatter [tilespmem:s24], [sflag:$0x3], $0x280, $0x38;
	[tilespmem:$0x11270] =	vst v63  }
0x44: {  	_ =	swait.ge [sflag:s25], $0x280  }
0x45: {  	[sflag:s25] =	ssyncset.done $0x0  }
0x46: {  	s13 =	rddreg [dreg:$0x9];
	[sflag:s25] =	ssyncadd.s32 $0xFFFFFD80  }
0x47: {  	[spmem:s13] =	stream.linear.scatter [tilespmem:s24], [sflag:$0x3], $0x280, $0x38;
	[tilespmem:$0x11270] =	vst v63  }
0x48: {  	_ =	swait.ge [sflag:s25], $0x280  }
0x49: {  	[sflag:s25] =	ssyncset.done $0x0  }
0x4a: {  	s14 =	rddreg [dreg:$0xa];
	[sflag:s25] =	ssyncadd.s32 $0xFFFFFD80  }
0x4b: {  	[spmem:s14] =	stream.linear.scatter [tilespmem:s24], [sflag:$0x3], $0x280, $0x38;
	[tilespmem:$0x11270] =	vst v63  }
0x4c: {  	_ =	swait.ge [sflag:s25], $0x280  }
0x4d: {  	[sflag:s25] =	ssyncset.done $0x0  }
0x4e: {  	[sflag:s25] =	ssyncadd.s32 $0xFFFFFD80  }
0x4f: {  	s13 =	simm.s32 $0x10580;
	s15 =	rddreg [dreg:$0x1]  }
0x50: {  	[tilespmem:s13], [sflag:$0x3] =	stream.linear.gather [hbm4b:s15+s8], $0x80, $0x38;
	[tilespmem:$0x11270] =	vst v63  }
0x51: {  	_ =	swait.ge [sflag:s25], $0x80  }
0x52: {  	[sflag:s25] =	ssyncset.done $0x0  }
0x53: {  	s13 =	rddreg [dreg:$0xb];
	[sflag:s25] =	ssyncadd.s32 $0xFFFFFF80  }
0x54: {  	[tilespmem:s8], [sflag:$0x3] =	stream.linear.gather [hbm4b:s13+s8], $0x2780, $0x38;
	[tilespmem:$0x11270] =	vst v63  }
0x55: {  	_ =	swait.ge [sflag:s25], $0x2780  }
0x56: {  	[sflag:s25] =	ssyncset.done $0x0  }
0x57: {  	s15 =	simm.s32 $0x2800;
	s14 =	rddreg [dreg:$0xc];
	[sflag:s25] =	ssyncadd.s32 $0xFFFFD880  }
0x58: {  	[tilespmem:s15], [sflag:$0x3] =	stream.linear.gather [hbm4b:s14+s8], $0x2780, $0x38;
	[tilespmem:$0x11270] =	vst v63  }
0x59: {  	_ =	swait.ge [sflag:s25], $0x2780  }
0x5a: {  	[sflag:s25] =	ssyncset.done $0x0  }
0x5b: {  	s15 =	simm.s32 $0xEF00;
	s14 =	rddreg [dreg:$0xd];
	[sflag:s25] =	ssyncadd.s32 $0xFFFFD880  }
0x5c: {  	[tilespmem:s15], [sflag:$0x3] =	stream.linear.gather [hbm4b:s14+s8], $0x278, $0x38;
	[tilespmem:$0x11270] =	vst v63  }
0x5d: {  	_ =	swait.ge [sflag:s25], $0x278  }
0x5e: {  	[sflag:s25] =	ssyncset.done $0x0  }
0x5f: {  	s15 =	simm.s32 $0xF180;
	s14 =	rddreg [dreg:$0xe];
	[sflag:s25] =	ssyncadd.s32 $0xFFFFFD88  }
0x60: {  	[tilespmem:s15], [sflag:$0x3] =	stream.linear.gather [hbm4b:s14+s8], $0x278, $0x38;
	[tilespmem:$0x11270] =	vst v63  }
0x61: {  	_ =	swait.ge [sflag:s25], $0x278  }
0x62: {  	[sflag:s25] =	ssyncset.done $0x0  }
0x63: {  	s12 =	simm.s32 $0x0;
	s13 =	simm.s32 $0x200;
	[sflag:s25] =	ssyncadd.s32 $0xFFFFFD88  }
.LBB2_2:
0x64: {  	p0 =	sne.s32 s13, $0x9C00;
	[tilespmem:s12+$0x5070] =	vst v1  }
0x65: {  	[tilespmem:s12+$0x5000] =	vst v1  }
0x66: {  	[tilespmem:s12+$0x5010] =	vst v1  }
.Ltmp0:
0x67: {  	[tilespmem:s12+$0x5020] =	vst v1;
	(pc) =	sbr.rel @p0 .LBB2_2-.Ltmp0, $4  }
0x68: {  	[tilespmem:s12+$0x5030] =	vst v1  }
0x69: {  	[tilespmem:s12+$0x5040] =	vst v1  }
0x6a: {  	[tilespmem:s12+$0x5050] =	vst v1  }
0x6b: {  	[tilespmem:s12+$0x5060] =	vst v1;
	s12 =	sshra.s32 s13, $0x2;
	s13 =	sadd.s32 $0x200, s13  }
0x6c: {  	[tilespmem:s12+$0x5070] =	vst v1  }
0x6d: {  	[tilespmem:s12+$0x5000] =	vst v1  }
0x6e: {  	[tilespmem:s12+$0x5010] =	vst v1  }
0x6f: {  	[tilespmem:s12+$0x5020] =	vst v1  }
0x70: {  	[tilespmem:s12+$0x5030] =	vst v1  }
0x71: {  	[tilespmem:s12+$0x5040] =	vst v1  }
0x72: {  	[tilespmem:s12+$0x5050] =	vst v1  }
0x73: {  	[tilespmem:s12+$0x5060] =	vst v1  }
0x74: {  	[bflag:$0x0] =	sbarrier.arrive $0xFFFF  }
0x75: {  	[spmem:s1] =	stream.indirect.scatter.add.f32 [tilespmem:s5], [sflag:$0x1], $0x1, s8, s31, $0xb8;
	[tilespmem:$0x11270] =	vst v63  }
0x76: {  	_ = 	snop  }
0x77: {  	[spmem:s1] =	stream.indirect.scatter.add.f32 [tilespmem:s3], [sflag:$0x1], $0x1, s31, s31, $0xb8;
	[tilespmem:$0x11270] =	vst v63  }
0x78: {  	_ = 	snop  }
0x79: {  	[spmem:s1] =	stream.indirect.scatter.add.f32 [tilespmem:s6], [sflag:$0x1], $0x1, s0, s31, $0xb8;
	[tilespmem:$0x11270] =	vst v63  }
0x7a: {  	_ = 	snop  }
0x7b: {  	[spmem:s1] =	stream.indirect.scatter.add.f32 [tilespmem:s26], [sflag:$0x1], $0x1, s7, s31, $0xb8;
	[tilespmem:$0x11270] =	vst v63  }
0x7c: {  	s15 =	simm.s32 $0x200;
	s13 =	simm.s32 $0x5200  }
0x7d: {  	[spmem:s1] =	stream.indirect.scatter.add.f32 [tilespmem:s13], [sflag:$0x1], $0x1, s15, s31, $0xb8;
	[tilespmem:$0x11270] =	vst v63  }
0x7e: {  	s12 =	simm.s32 $0xA00;
	_ =	swait.ge [sflag:s28], $0x80  }
.LBB2_4:
0x7f: {  	s13 =	sshra.s32 s12, $0x2;
	[sflag:s28] =	ssyncset.done $0x0;
	p0 =	sne.s32 s12, $0x9C00  }
.Ltmp1:
0x80: {  	s14 =	sadd.s32 $0x5000, s13;
	[sflag:s28] =	ssyncadd.s32 $0xFFFFFF80;
	(pc) =	sbr.rel @p0 .LBB2_4-.Ltmp1, $3  }
0x81: {  	[spmem:s1] =	stream.indirect.scatter.add.f32 [tilespmem:s14], [sflag:$0x1], $0x1, s13, s31, $0xb8;
	[tilespmem:$0x11270] =	vst v63  }
0x82: {  	s12 =	sadd.s32 $0x200, s12;
	_ =	sdelay $0x1  }
0x83: {  	_ =	swait.ge [sflag:s28], $0x80  }
0x84: {  	[sflag:s28] =	ssyncset.done $0x0  }
0x85: {  	[sflag:s28] =	ssyncadd.s32 $0xFFFFFF80  }
0x86: {  	_ =	swait.ge [sflag:s28], $0x80  }
0x87: {  	[sflag:s28] =	ssyncset.done $0x0  }
0x88: {  	[sflag:s28] =	ssyncadd.s32 $0xFFFFFF80  }
0x89: {  	_ =	swait.ge [sflag:s28], $0x80  }
0x8a: {  	[sflag:s28] =	ssyncset.done $0x0  }
0x8b: {  	[sflag:s28] =	ssyncadd.s32 $0xFFFFFF80  }
0x8c: {  	_ =	swait.ge [sflag:s28], $0x80  }
0x8d: {  	[sflag:s28] =	ssyncset.done $0x0  }
0x8e: {  	[sflag:s28] =	ssyncadd.s32 $0xFFFFFF80  }
0x8f: {  	_ =	swait.ge [sflag:s28], $0x80  }
0x90: {  	[sflag:s28] =	ssyncset.done $0x0  }
0x91: {  	[sflag:s28] =	ssyncadd.s32 $0xFFFFFF80  }
0x92: {  	s12 =	simm.s32 $0xF400;
	[bflag:$0x0] =	sbarrier.arrive $0xFFFF  }
0x93: {  	[tilespmem:s12], [sflag:$0x3] =	stream.linear.gather [spmem:s16], $0x278, $0x38;
	[tilespmem:$0x11270] =	vst v63  }
0x94: {  	_ =	swait.ge [sflag:s25], $0x278  }
0x95: {  	[sflag:s25] =	ssyncset.done $0x0  }
0x96: {  	s12 =	simm.s32 $0x0;
	[sflag:s25] =	ssyncadd.s32 $0xFFFFFD88  }
0x97: {  	v2 =	vld [tilespmem:s12+$0xF400];
	_ =	sdelay $0x4  }
0x98: {  	v2 =	vadd.f32 $1.000000000e+00, v2;
	_ =	sdelay $0x1  }
0x99: {  	v3 =	vshra.s32 v2, $0x1;
	v4 =	vmul.f32 $5.000000000e-01, v2  }
0x9a: {  	v2 =	vsub.s32 $0x5F3759DF, v3  }
0x9b: {  	v3 =	vmul.f32 v2, v4;
	_ =	sdelay $0x1  }
0x9c: {  	v3 =	vmul.f32 v2, v3;
	_ =	sdelay $0x1  }
0x9d: {  	v3 =	vsub.f32 $1.500000000e+00, v3;
	_ =	sdelay $0x1  }
0x9e: {  	v2 =	vmul.f32 v2, v3;
	_ =	sdelay $0x1  }
0x9f: {  	v3 =	vmul.f32 v2, v4;
	_ =	sdelay $0x1  }
0xa0: {  	v3 =	vmul.f32 v3, v2  }
0xa1: {  	v6 =	vld [tilespmem:$0x10580]  }
0xa2: {  	v3 =	vsub.f32 $1.500000000e+00, v3;
	_ =	sdelay $0x1  }
0xa3: {  	v7 =	vld [tilespmem:s12+$0xEF00];
	v8 =	vmul.f32 v3, v2  }
0xa4: {  	v9 =	vld [tilespmem:s12+$0xF180]  }
0xa5: {  	v5 =	vbroadcast v6, $0x1;
	v10 =	vmul.f32 v8, v4  }
0xa6: {  	v2 =	vbroadcast v6, $0x0;
	v3 =	vbroadcast v6, $0x2  }
0xa7: {  	v4 =	vbroadcast v6, $0x3;
	v6 =	vmul.f32 v10, v8  }
0xa8: {  	v11 =	vmul.f32 v7, v3;
	v10 =	vmul.f32 v7, v2  }
0xa9: {  	v7 =	vmul.f32 v9, v5;
	v9 =	vmul.f32 v9, v4;
	v12 =	vsub.f32 $1.500000000e+00, v6;
	_ =	sdelay $0x1  }
0xaa: {  	s13 =	simm.s32 $0x40;
	s14 =	simm.s32 $0x80;
	v7 =	vadd.f32 v7, v10;
	v6 =	vadd.f32 v9, v11;
	v8 =	vmul.f32 v12, v8  }
.LBB2_6:
0xab: {  	p0 =	sne.s32 s14, $0x9C0  }
0xac: {  	s15 =	sshra.s32 s13, $0x2;
	s13 =	smov.u32 s14;
	[tilespmem:s12+$0xF400] =	vst v8;
	v7 =	vmul.f32 v8, v7;
	v6 =	vmul.f32 v8, v6  }
0xad: {  	v8 =	vld [tilespmem:s15+$0xF400]  }
0xae: {  	v9 =	vld [tilespmem:s15+$0xEF00];
	[tilespmem:s12+$0xF680] =	vst v7  }
0xaf: {  	v7 =	vld [tilespmem:s15+$0xF180];
	[tilespmem:s12+$0xF900] =	vst v6;
	s12 =	smov.u32 s15;
	_ =	sdelay $0x2  }
0xb0: {  	v6 =	vadd.f32 $1.000000000e+00, v8  }
0xb1: {  	v8 =	vmul.f32 v9, v2;
	v9 =	vmul.f32 v9, v3  }
0xb2: {  	v10 =	vshra.s32 v6, $0x1;
	v11 =	vmul.f32 $5.000000000e-01, v6;
	v6 =	vmul.f32 v7, v5  }
0xb3: {  	v12 =	vmul.f32 v7, v4;
	v10 =	vsub.s32 $0x5F3759DF, v10  }
0xb4: {  	v13 =	vmul.f32 v10, v11;
	v7 =	vadd.f32 v6, v8  }
0xb5: {  	v6 =	vadd.f32 v12, v9  }
0xb6: {  	v8 =	vmul.f32 v10, v13;
	_ =	sdelay $0x1  }
0xb7: {  	v8 =	vsub.f32 $1.500000000e+00, v8;
	_ =	sdelay $0x1  }
0xb8: {  	v8 =	vmul.f32 v10, v8;
	_ =	sdelay $0x1  }
0xb9: {  	v9 =	vmul.f32 v8, v11;
	_ =	sdelay $0x1  }
0xba: {  	v9 =	vmul.f32 v9, v8;
	_ =	sdelay $0x1  }
0xbb: {  	v9 =	vsub.f32 $1.500000000e+00, v9;
	_ =	sdelay $0x1  }
0xbc: {  	v8 =	vmul.f32 v9, v8;
	_ =	sdelay $0x1  }
0xbd: {  	v9 =	vmul.f32 v8, v11;
	_ =	sdelay $0x1  }
.Ltmp2:
0xbe: {  	v9 =	vmul.f32 v9, v8;
	(pc) =	sbr.rel @p0 .LBB2_6-.Ltmp2, $3  }
0xbf: {  	_ = 	snop  }
0xc0: {  	v9 =	vsub.f32 $1.500000000e+00, v9;
	_ =	sdelay $0x1  }
0xc1: {  	s14 =	sadd.s32 $0x40, s14;
	v8 =	vmul.f32 v9, v8  }
0xc2: {  	_ = 	snop  }
0xc3: {  	s13 =	sshra.s32 s13, $0x2;
	[tilespmem:s12+$0xF400] =	vst v8  }
0xc4: {  	v9 =	vld [tilespmem:s13+$0xF400];
	_ =	sdelay $0x4  }
0xc5: {  	v9 =	vadd.f32 $1.000000000e+00, v9;
	_ =	sdelay $0x1  }
0xc6: {  	v10 =	vshra.s32 v9, $0x1;
	v9 =	vmul.f32 $5.000000000e-01, v9  }
0xc7: {  	v10 =	vsub.s32 $0x5F3759DF, v10  }
0xc8: {  	v11 =	vmul.f32 v10, v9;
	_ =	sdelay $0x1  }
0xc9: {  	v11 =	vmul.f32 v10, v11;
	_ =	sdelay $0x1  }
0xca: {  	v11 =	vsub.f32 $1.500000000e+00, v11;
	_ =	sdelay $0x1  }
0xcb: {  	v10 =	vmul.f32 v10, v11;
	_ =	sdelay $0x1  }
0xcc: {  	v11 =	vmul.f32 v10, v9;
	_ =	sdelay $0x1  }
0xcd: {  	v11 =	vmul.f32 v11, v10;
	_ =	sdelay $0x1  }
0xce: {  	v7 =	vmul.f32 v8, v7;
	v11 =	vsub.f32 $1.500000000e+00, v11;
	_ =	sdelay $0x1  }
0xcf: {  	v12 =	vld [tilespmem:s13+$0xEF00];
	[tilespmem:s12+$0xF680] =	vst v7;
	v62 =	vmul.f32 v11, v10  }
0xd0: {  	v63 =	vld [tilespmem:s13+$0xF180]  }
0xd1: {  	v9 =	vmul.f32 v62, v9;
	_ =	sdelay $0x1  }
0xd2: {  	v9 =	vmul.f32 v9, v62;
	_ =	sdelay $0x1  }
0xd3: {  	v2 =	vmul.f32 v12, v2;
	v5 =	vmul.f32 v63, v5;
	v9 =	vsub.f32 $1.500000000e+00, v9  }
0xd4: {  	v3 =	vmul.f32 v12, v3;
	v4 =	vmul.f32 v63, v4  }
0xd5: {  	v6 =	vmul.f32 v8, v6;
	v2 =	vadd.f32 v5, v2;
	v5 =	vmul.f32 v9, v62  }
0xd6: {  	v3 =	vadd.f32 v4, v3  }
0xd7: {  	[tilespmem:s12+$0xF900] =	vst v6;
	v2 =	vmul.f32 v5, v2  }
0xd8: {  	[tilespmem:s13+$0xF400] =	vst v5;
	v3 =	vmul.f32 v5, v3  }
0xd9: {  	[tilespmem:s13+$0xF680] =	vst v2  }
0xda: {  	s15 =	simm.s32 $0xF680;
	[tilespmem:s13+$0xF900] =	vst v3  }
0xdb: {  	[spmem:s17] =	stream.linear.scatter [tilespmem:s15], [sflag:$0x3], $0x278, $0x38;
	[tilespmem:$0x11270] =	vst v63  }
0xdc: {  	_ =	swait.ge [sflag:s25], $0x278  }
0xdd: {  	[sflag:s25] =	ssyncset.done $0x0  }
0xde: {  	s13 =	simm.s32 $0xF900;
	[sflag:s25] =	ssyncadd.s32 $0xFFFFFD88  }
0xdf: {  	[spmem:s18] =	stream.linear.scatter [tilespmem:s13], [sflag:$0x3], $0x278, $0x38;
	[tilespmem:$0x11270] =	vst v63  }
0xe0: {  	_ =	swait.ge [sflag:s25], $0x278  }
0xe1: {  	[sflag:s25] =	ssyncset.done $0x0  }
0xe2: {  	[sflag:s25] =	ssyncadd.s32 $0xFFFFFD88  }
0xe3: {  	[bflag:$0x0] =	sbarrier.arrive $0xFFFF  }
0xe4: {  	s14 =	rddreg [dreg:$0x5]  }
0xe5: {  	[tilespmem:s30], [sflag:$0x3] =	stream.linear.gather [spmem:s14], $0x2780, $0x38;
	[tilespmem:$0x11270] =	vst v63  }
0xe6: {  	_ =	swait.ge [sflag:s25], $0x2780  }
0xe7: {  	[sflag:s25] =	ssyncset.done $0x0  }
0xe8: {  	[sflag:s25] =	ssyncadd.s32 $0xFFFFD880  }
0xe9: {  	s15 =	rddreg [dreg:$0x6]  }
0xea: {  	[tilespmem:s29], [sflag:$0x3] =	stream.linear.gather [spmem:s15], $0x2780, $0x38;
	[tilespmem:$0x11270] =	vst v63  }
0xeb: {  	_ =	swait.ge [sflag:s25], $0x2780  }
0xec: {  	[sflag:s25] =	ssyncset.done $0x0  }
0xed: {  	s12 =	simm.s32 $0x0;
	[sflag:s25] =	ssyncadd.s32 $0xFFFFD880  }
0xee: {  	v2 =	vld [tilespmem:s12+$0x2800];
	_ =	sdelay $0x7  }
0xef: {  	v3 =	vld.idx.msk [tilespmem:v2+s30+$0x0], $0xffff;
	_ =	sdelay $0x4  }
0xf0: {  	[tilespmem:s12+$0x5000] =	vst v3;
	v3 =	vld [tilespmem:s12+$0x2810];
	_ =	sdelay $0x1  }
0xf1: {  	v2 =	vld.idx.msk [tilespmem:v2+s29+$0x0], $0xffff;
	_ =	sdelay $0x4  }
0xf2: {  	[tilespmem:s12+$0x7800] =	vst v2  }
0xf3: {  	v2 =	vld.idx.msk [tilespmem:v3+s30+$0x0], $0xffff;
	_ =	sdelay $0x4  }
0xf4: {  	[tilespmem:s12+$0x5010] =	vst v2;
	v2 =	vld [tilespmem:s12+$0x2820];
	_ =	sdelay $0x1  }
0xf5: {  	v3 =	vld.idx.msk [tilespmem:v3+s29+$0x0], $0xffff;
	_ =	sdelay $0x4  }
0xf6: {  	[tilespmem:s12+$0x7810] =	vst v3  }
0xf7: {  	v3 =	vld.idx.msk [tilespmem:v2+s30+$0x0], $0xffff;
	_ =	sdelay $0x4  }
0xf8: {  	[tilespmem:s12+$0x5020] =	vst v3;
	v3 =	vld [tilespmem:s12+$0x2830];
	_ =	sdelay $0x1  }
0xf9: {  	v2 =	vld.idx.msk [tilespmem:v2+s29+$0x0], $0xffff;
	_ =	sdelay $0x4  }
0xfa: {  	[tilespmem:s12+$0x7820] =	vst v2  }
0xfb: {  	v2 =	vld.idx.msk [tilespmem:v3+s30+$0x0], $0xffff;
	_ =	sdelay $0x4  }
0xfc: {  	[tilespmem:s12+$0x5030] =	vst v2;
	v2 =	vld [tilespmem:s12+$0x2840];
	_ =	sdelay $0x1  }
0xfd: {  	v3 =	vld.idx.msk [tilespmem:v3+s29+$0x0], $0xffff;
	_ =	sdelay $0x4  }
0xfe: {  	[tilespmem:s12+$0x7830] =	vst v3  }
0xff: {  	v3 =	vld.idx.msk [tilespmem:v2+s30+$0x0], $0xffff;
	_ =	sdelay $0x4  }
0x100: {  	[tilespmem:s12+$0x5040] =	vst v3;
	v3 =	vld [tilespmem:s12+$0x2850];
	_ =	sdelay $0x1  }
0x101: {  	v2 =	vld.idx.msk [tilespmem:v2+s29+$0x0], $0xffff;
	_ =	sdelay $0x4  }
0x102: {  	[tilespmem:s12+$0x7840] =	vst v2  }
0x103: {  	v2 =	vld.idx.msk [tilespmem:v3+s30+$0x0], $0xffff;
	_ =	sdelay $0x3  }
0x104: {  	v4 =	vld [tilespmem:s12+$0x2860]  }
0x105: {  	[tilespmem:s12+$0x5050] =	vst v2  }
0x106: {  	v2 =	vld.idx.msk [tilespmem:v3+s29+$0x0], $0xffff;
	_ =	sdelay $0x4  }
0x107: {  	[tilespmem:s12+$0x7850] =	vst v2  }
0x108: {  	v2 =	vld.idx.msk [tilespmem:v4+s30+$0x0], $0xffff;
	_ =	sdelay $0x4  }
0x109: {  	[tilespmem:s12+$0x5060] =	vst v2;
	v2 =	vld [tilespmem:s12+$0x2870];
	_ =	sdelay $0x1  }
0x10a: {  	v3 =	vld.idx.msk [tilespmem:v4+s29+$0x0], $0xffff;
	_ =	sdelay $0x4  }
0x10b: {  	[tilespmem:s12+$0x7860] =	vst v3  }
0x10c: {  	v3 =	vld.idx.msk [tilespmem:v2+s30+$0x0], $0xffff;
	_ =	sdelay $0x3  }
0x10d: {  	s13 =	simm.s32 $0x400;
	s14 =	simm.s32 $0x80  }
.LBB2_8:
0x10e: {  	p0 =	sne.s32 s13, $0x9C00;
	v4 =	vld [tilespmem:s14+$0x2800];
	[tilespmem:s12+$0x5070] =	vst v3  }
0x10f: {  	v2 =	vld.idx.msk [tilespmem:v2+s29+$0x0], $0xffff;
	_ =	sdelay $0x5  }
0x110: {  	[tilespmem:s12+$0x7870] =	vst v2;
	s12 =	smov.u32 s14  }
0x111: {  	v2 =	vld.idx.msk [tilespmem:v4+s30+$0x0], $0xffff;
	_ =	sdelay $0x5  }
0x112: {  	[tilespmem:s12+$0x5000] =	vst v2;
	v2 =	vld [tilespmem:s12+$0x2810]  }
0x113: {  	v3 =	vld.idx.msk [tilespmem:v4+s29+$0x0], $0xffff;
	_ =	sdelay $0x5  }
0x114: {  	[tilespmem:s12+$0x7800] =	vst v3  }
0x115: {  	v3 =	vld.idx.msk [tilespmem:v2+s30+$0x0], $0xffff;
	_ =	sdelay $0x5  }
0x116: {  	[tilespmem:s12+$0x5010] =	vst v3;
	v3 =	vld [tilespmem:s12+$0x2820]  }
0x117: {  	v2 =	vld.idx.msk [tilespmem:v2+s29+$0x0], $0xffff;
	_ =	sdelay $0x5  }
0x118: {  	[tilespmem:s12+$0x7810] =	vst v2  }
0x119: {  	v2 =	vld.idx.msk [tilespmem:v3+s30+$0x0], $0xffff;
	_ =	sdelay $0x5  }
0x11a: {  	[tilespmem:s12+$0x5020] =	vst v2;
	v2 =	vld [tilespmem:s12+$0x2830]  }
0x11b: {  	v3 =	vld.idx.msk [tilespmem:v3+s29+$0x0], $0xffff;
	_ =	sdelay $0x5  }
0x11c: {  	[tilespmem:s12+$0x7820] =	vst v3  }
0x11d: {  	v3 =	vld.idx.msk [tilespmem:v2+s30+$0x0], $0xffff;
	_ =	sdelay $0x5  }
0x11e: {  	[tilespmem:s12+$0x5030] =	vst v3;
	v3 =	vld [tilespmem:s12+$0x2840]  }
0x11f: {  	v2 =	vld.idx.msk [tilespmem:v2+s29+$0x0], $0xffff;
	_ =	sdelay $0x5  }
0x120: {  	[tilespmem:s12+$0x7830] =	vst v2  }
0x121: {  	v2 =	vld.idx.msk [tilespmem:v3+s30+$0x0], $0xffff;
	_ =	sdelay $0x5  }
0x122: {  	[tilespmem:s12+$0x5040] =	vst v2;
	v2 =	vld [tilespmem:s12+$0x2850]  }
0x123: {  	v3 =	vld.idx.msk [tilespmem:v3+s29+$0x0], $0xffff;
	_ =	sdelay $0x5  }
0x124: {  	[tilespmem:s12+$0x7840] =	vst v3  }
0x125: {  	v3 =	vld.idx.msk [tilespmem:v2+s30+$0x0], $0xffff;
	_ =	sdelay $0x5  }
0x126: {  	[tilespmem:s12+$0x5050] =	vst v3;
	v3 =	vld [tilespmem:s12+$0x2860]  }
0x127: {  	v2 =	vld.idx.msk [tilespmem:v2+s29+$0x0], $0xffff;
	_ =	sdelay $0x5  }
0x128: {  	[tilespmem:s12+$0x7850] =	vst v2  }
0x129: {  	v2 =	vld.idx.msk [tilespmem:v3+s30+$0x0], $0xffff;
	_ =	sdelay $0x5  }
0x12a: {  	[tilespmem:s12+$0x5060] =	vst v2;
	v2 =	vld [tilespmem:s12+$0x2870]  }
0x12b: {  	v3 =	vld.idx.msk [tilespmem:v3+s29+$0x0], $0xffff;
	_ =	sdelay $0x5  }
0x12c: {  	[tilespmem:s12+$0x7860] =	vst v3  }
0x12d: {  	v3 =	vld.idx.msk [tilespmem:v2+s30+$0x0], $0xffff  }
.Ltmp3:
0x12e: {  	(pc) =	sbr.rel @p0 .LBB2_8-.Ltmp3, $2  }
0x12f: {  	_ =	sdelay $0x2  }
0x130: {  	s14 =	sshra.s32 s13, $0x2;
	s13 =	sadd.s32 $0x200, s13  }
0x131: {  	_ =	sdelay $0x1  }
0x132: {  	v4 =	vld [tilespmem:s14+$0x2800]  }
0x133: {  	[tilespmem:s12+$0x5070] =	vst v3  }
0x134: {  	v2 =	vld.idx.msk [tilespmem:v2+s29+$0x0], $0xffff;
	_ =	sdelay $0x4  }
0x135: {  	[tilespmem:s12+$0x7870] =	vst v2  }
0x136: {  	v2 =	vld.idx.msk [tilespmem:v4+s30+$0x0], $0xffff;
	_ =	sdelay $0x4  }
0x137: {  	[tilespmem:s14+$0x5000] =	vst v2;
	v2 =	vld [tilespmem:s14+$0x2810];
	_ =	sdelay $0x1  }
0x138: {  	v3 =	vld.idx.msk [tilespmem:v4+s29+$0x0], $0xffff;
	_ =	sdelay $0x4  }
0x139: {  	[tilespmem:s14+$0x7800] =	vst v3  }
0x13a: {  	v3 =	vld.idx.msk [tilespmem:v2+s30+$0x0], $0xffff;
	_ =	sdelay $0x4  }
0x13b: {  	[tilespmem:s14+$0x5010] =	vst v3;
	v3 =	vld [tilespmem:s14+$0x2820];
	_ =	sdelay $0x1  }
0x13c: {  	v2 =	vld.idx.msk [tilespmem:v2+s29+$0x0], $0xffff;
	_ =	sdelay $0x4  }
0x13d: {  	[tilespmem:s14+$0x7810] =	vst v2  }
0x13e: {  	v2 =	vld.idx.msk [tilespmem:v3+s30+$0x0], $0xffff;
	_ =	sdelay $0x4  }
0x13f: {  	[tilespmem:s14+$0x5020] =	vst v2;
	v2 =	vld [tilespmem:s14+$0x2830];
	_ =	sdelay $0x1  }
0x140: {  	v3 =	vld.idx.msk [tilespmem:v3+s29+$0x0], $0xffff;
	_ =	sdelay $0x4  }
0x141: {  	[tilespmem:s14+$0x7820] =	vst v3  }
0x142: {  	v3 =	vld.idx.msk [tilespmem:v2+s30+$0x0], $0xffff;
	_ =	sdelay $0x4  }
0x143: {  	[tilespmem:s14+$0x5030] =	vst v3;
	v3 =	vld [tilespmem:s14+$0x2840];
	_ =	sdelay $0x1  }
0x144: {  	v2 =	vld.idx.msk [tilespmem:v2+s29+$0x0], $0xffff;
	_ =	sdelay $0x4  }
0x145: {  	[tilespmem:s14+$0x7830] =	vst v2  }
0x146: {  	v2 =	vld.idx.msk [tilespmem:v3+s30+$0x0], $0xffff;
	_ =	sdelay $0x4  }
0x147: {  	[tilespmem:s14+$0x5040] =	vst v2;
	v2 =	vld [tilespmem:s14+$0x2850];
	_ =	sdelay $0x1  }
0x148: {  	v3 =	vld.idx.msk [tilespmem:v3+s29+$0x0], $0xffff;
	_ =	sdelay $0x4  }
0x149: {  	[tilespmem:s14+$0x7840] =	vst v3  }
0x14a: {  	v3 =	vld.idx.msk [tilespmem:v2+s30+$0x0], $0xffff;
	_ =	sdelay $0x4  }
0x14b: {  	[tilespmem:s14+$0x5050] =	vst v3;
	v3 =	vld [tilespmem:s14+$0x2860];
	_ =	sdelay $0x1  }
0x14c: {  	v2 =	vld.idx.msk [tilespmem:v2+s29+$0x0], $0xffff;
	_ =	sdelay $0x4  }
0x14d: {  	[tilespmem:s14+$0x7850] =	vst v2  }
0x14e: {  	v2 =	vld.idx.msk [tilespmem:v3+s30+$0x0], $0xffff;
	_ =	sdelay $0x4  }
0x14f: {  	[tilespmem:s14+$0x5060] =	vst v2;
	v2 =	vld [tilespmem:s14+$0x2870];
	_ =	sdelay $0x1  }
0x150: {  	v3 =	vld.idx.msk [tilespmem:v3+s29+$0x0], $0xffff;
	_ =	sdelay $0x4  }
0x151: {  	[tilespmem:s14+$0x7860] =	vst v3  }
0x152: {  	v3 =	vld.idx.msk [tilespmem:v2+s30+$0x0], $0xffff;
	_ =	sdelay $0x4  }
0x153: {  	[tilespmem:s14+$0x5070] =	vst v3  }
0x154: {  	v2 =	vld.idx.msk [tilespmem:v2+s29+$0x0], $0xffff;
	_ =	sdelay $0x4  }
0x155: {  	[tilespmem:s14+$0x7870] =	vst v2  }
0x156: {  	[spmem:s2] =	stream.indirect.scatter.add.f32 [tilespmem:s5], [sflag:$0x1], $0x1, s8, s31, $0xb8;
	[tilespmem:$0x11270] =	vst v63  }
0x157: {  	_ = 	snop  }
0x158: {  	[spmem:s2] =	stream.indirect.scatter.add.f32 [tilespmem:s3], [sflag:$0x1], $0x1, s31, s31, $0xb8;
	[tilespmem:$0x11270] =	vst v63  }
0x159: {  	_ = 	snop  }
0x15a: {  	[spmem:s2] =	stream.indirect.scatter.add.f32 [tilespmem:s6], [sflag:$0x1], $0x1, s0, s31, $0xb8;
	[tilespmem:$0x11270] =	vst v63  }
0x15b: {  	_ = 	snop  }
0x15c: {  	[spmem:s2] =	stream.indirect.scatter.add.f32 [tilespmem:s26], [sflag:$0x1], $0x1, s7, s31, $0xb8;
	[tilespmem:$0x11270] =	vst v63  }
0x15d: {  	s15 =	simm.s32 $0x200;
	s13 =	simm.s32 $0x5200  }
0x15e: {  	[spmem:s2] =	stream.indirect.scatter.add.f32 [tilespmem:s13], [sflag:$0x1], $0x1, s15, s31, $0xb8;
	[tilespmem:$0x11270] =	vst v63  }
0x15f: {  	s12 =	simm.s32 $0xA00;
	_ =	swait.ge [sflag:s28], $0x80  }
.LBB2_10:
0x160: {  	s13 =	sshra.s32 s12, $0x2;
	[sflag:s28] =	ssyncset.done $0x0;
	p0 =	sne.s32 s12, $0x9C00  }
.Ltmp4:
0x161: {  	s14 =	sadd.s32 $0x5000, s13;
	[sflag:s28] =	ssyncadd.s32 $0xFFFFFF80;
	(pc) =	sbr.rel @p0 .LBB2_10-.Ltmp4, $3  }
0x162: {  	[spmem:s2] =	stream.indirect.scatter.add.f32 [tilespmem:s14], [sflag:$0x1], $0x1, s13, s31, $0xb8;
	[tilespmem:$0x11270] =	vst v63  }
0x163: {  	s12 =	sadd.s32 $0x200, s12;
	_ =	sdelay $0x1  }
0x164: {  	_ =	swait.ge [sflag:s28], $0x80  }
0x165: {  	[sflag:s28] =	ssyncset.done $0x0  }
0x166: {  	[sflag:s28] =	ssyncadd.s32 $0xFFFFFF80  }
0x167: {  	_ =	swait.ge [sflag:s28], $0x80  }
0x168: {  	[sflag:s28] =	ssyncset.done $0x0  }
0x169: {  	[sflag:s28] =	ssyncadd.s32 $0xFFFFFF80  }
0x16a: {  	_ =	swait.ge [sflag:s28], $0x80  }
0x16b: {  	[sflag:s28] =	ssyncset.done $0x0  }
0x16c: {  	[sflag:s28] =	ssyncadd.s32 $0xFFFFFF80  }
0x16d: {  	_ =	swait.ge [sflag:s28], $0x80  }
0x16e: {  	[sflag:s28] =	ssyncset.done $0x0  }
0x16f: {  	[sflag:s28] =	ssyncadd.s32 $0xFFFFFF80  }
0x170: {  	_ =	swait.ge [sflag:s28], $0x80  }
0x171: {  	[sflag:s28] =	ssyncset.done $0x0  }
0x172: {  	s12 =	simm.s32 $0x7800;
	[sflag:s28] =	ssyncadd.s32 $0xFFFFFF80  }
0x173: {  	[spmem:s4] =	stream.indirect.scatter.add.f32 [tilespmem:s12], [sflag:$0x2], $0x1, s8, s31, $0xb8;
	[tilespmem:$0x11270] =	vst v63  }
0x174: {  	s15 =	simm.s32 $0x7880  }
0x175: {  	[spmem:s4] =	stream.indirect.scatter.add.f32 [tilespmem:s15], [sflag:$0x2], $0x1, s31, s31, $0xb8;
	[tilespmem:$0x11270] =	vst v63  }
0x176: {  	s13 =	simm.s32 $0x7900  }
0x177: {  	[spmem:s4] =	stream.indirect.scatter.add.f32 [tilespmem:s13], [sflag:$0x2], $0x1, s0, s31, $0xb8;
	[tilespmem:$0x11270] =	vst v63  }
0x178: {  	s14 =	simm.s32 $0x7980  }
0x179: {  	[spmem:s4] =	stream.indirect.scatter.add.f32 [tilespmem:s14], [sflag:$0x2], $0x1, s7, s31, $0xb8;
	[tilespmem:$0x11270] =	vst v63  }
0x17a: {  	s15 =	simm.s32 $0x200;
	s13 =	simm.s32 $0x7A00  }
0x17b: {  	[spmem:s4] =	stream.indirect.scatter.add.f32 [tilespmem:s13], [sflag:$0x2], $0x1, s15, s31, $0xb8;
	[tilespmem:$0x11270] =	vst v63  }
0x17c: {  	s12 =	simm.s32 $0xA00;
	_ =	swait.ge [sflag:s9], $0x80  }
.LBB2_12:
0x17d: {  	s13 =	sshra.s32 s12, $0x2;
	[sflag:s9] =	ssyncset.done $0x0;
	p0 =	sne.s32 s12, $0x9C00  }
.Ltmp5:
0x17e: {  	s14 =	sadd.s32 $0x7800, s13;
	[sflag:s9] =	ssyncadd.s32 $0xFFFFFF80;
	(pc) =	sbr.rel @p0 .LBB2_12-.Ltmp5, $3  }
0x17f: {  	[spmem:s4] =	stream.indirect.scatter.add.f32 [tilespmem:s14], [sflag:$0x2], $0x1, s13, s31, $0xb8;
	[tilespmem:$0x11270] =	vst v63  }
0x180: {  	s12 =	sadd.s32 $0x200, s12;
	_ =	sdelay $0x1  }
0x181: {  	_ =	swait.ge [sflag:s9], $0x80  }
0x182: {  	[sflag:s9] =	ssyncset.done $0x0  }
0x183: {  	[sflag:s9] =	ssyncadd.s32 $0xFFFFFF80  }
0x184: {  	_ =	swait.ge [sflag:s9], $0x80  }
0x185: {  	[sflag:s9] =	ssyncset.done $0x0  }
0x186: {  	[sflag:s9] =	ssyncadd.s32 $0xFFFFFF80  }
0x187: {  	_ =	swait.ge [sflag:s9], $0x80  }
0x188: {  	[sflag:s9] =	ssyncset.done $0x0  }
0x189: {  	[sflag:s9] =	ssyncadd.s32 $0xFFFFFF80  }
0x18a: {  	_ =	swait.ge [sflag:s9], $0x80  }
0x18b: {  	[sflag:s9] =	ssyncset.done $0x0  }
0x18c: {  	[sflag:s9] =	ssyncadd.s32 $0xFFFFFF80  }
0x18d: {  	_ =	swait.ge [sflag:s9], $0x80  }
0x18e: {  	[sflag:s9] =	ssyncset.done $0x0  }
0x18f: {  	[sflag:s9] =	ssyncadd.s32 $0xFFFFFF80  }
0x190: {  	s12 =	simm.s32 $0xFB80;
	[bflag:$0x0] =	sbarrier.arrive $0xFFFF  }
0x191: {  	[tilespmem:s12], [sflag:$0x3] =	stream.linear.gather [spmem:s19], $0x278, $0x38;
	[tilespmem:$0x11270] =	vst v63  }
0x192: {  	_ =	swait.ge [sflag:s25], $0x278  }
0x193: {  	[sflag:s25] =	ssyncset.done $0x0  }
0x194: {  	s15 =	simm.s32 $0xFE00;
	[sflag:s25] =	ssyncadd.s32 $0xFFFFFD88  }
0x195: {  	[tilespmem:s15], [sflag:$0x3] =	stream.linear.gather [spmem:s20], $0x278, $0x38;
	[tilespmem:$0x11270] =	vst v63  }
0x196: {  	_ =	swait.ge [sflag:s25], $0x278  }
0x197: {  	[sflag:s25] =	ssyncset.done $0x0  }
0x198: {  	s12 =	simm.s32 $0x0;
	[sflag:s25] =	ssyncadd.s32 $0xFFFFFD88  }
0x199: {  	v3 =	vld [tilespmem:s12+$0xFB80]  }
0x19a: {  	v4 =	vld [tilespmem:s12+$0xF680];
	_ =	sdelay $0x1  }
0x19b: {  	v5 =	vld [tilespmem:s12+$0xF400]  }
0x19c: {  	v2 =	vld [tilespmem:$0x10580];
	_ =	sdelay $0x1  }
0x19d: {  	s13 =	simm.s32 $0x10;
	v6 =	vadd.f32 v4, v3  }
0x19e: {  	v4 =	vld [tilespmem:s13+$0xFB80]  }
0x19f: {  	v7 =	vmul.f32 v6, v5;
	v6 =	vld [tilespmem:s13+$0xF680]  }
0x1a0: {  	v3 =	vbroadcast v2, $0x4  }
0x1a1: {  	v5 =	vld [tilespmem:s13+$0xF400]  }
0x1a2: {  	s14 =	simm.s32 $0x80;
	v7 =	vadd.f32 v7, v3  }
.LBB2_14:
0x1a3: {  	s15 =	sshra.s32 s14, $0x2;
	p0 =	sne.s32 s14, $0x9C0  }
.Ltmp6:
0x1a4: {  	s14 =	sadd.s32 $0x40, s14;
	v8 =	vadd.f32 v6, v4;
	v4 =	vld [tilespmem:s15+$0xFB80];
	[tilespmem:s12+$0x10080] =	vst v7;
	(pc) =	sbr.rel @p0 .LBB2_14-.Ltmp6, $4  }
0x1a5: {  	s12 =	smov.u32 s13;
	s13 =	smov.u32 s15;
	v6 =	vld [tilespmem:s15+$0xF680]  }
0x1a6: {  	v7 =	vmul.f32 v8, v5  }
0x1a7: {  	v5 =	vld [tilespmem:s13+$0xF400]  }
0x1a8: {  	v7 =	vadd.f32 v7, v3  }
0x1a9: {  	_ = 	snop  }
0x1aa: {  	v4 =	vadd.f32 v6, v4;
	_ =	sdelay $0x1  }
0x1ab: {  	v4 =	vmul.f32 v4, v5;
	_ =	sdelay $0x1  }
0x1ac: {  	v3 =	vadd.f32 v4, v3  }
0x1ad: {  	[tilespmem:s12+$0x10080] =	vst v7  }
0x1ae: {  	s15 =	simm.s32 $0x0;
	[tilespmem:s13+$0x10080] =	vst v3  }
0x1af: {  	[hbm4b:s21+s15] =	stream.linear.scatter [tilespmem:s10], [sflag:$0x3], $0x278, $0x38;
	[tilespmem:$0x11270] =	vst v63  }
0x1b0: {  	_ =	swait.ge [sflag:s25], $0x278  }
0x1b1: {  	[sflag:s25] =	ssyncset.done $0x0  }
0x1b2: {  	s12 =	simm.s32 $0x0;
	[sflag:s25] =	ssyncadd.s32 $0xFFFFFD88  }
0x1b3: {  	v3 =	vld [tilespmem:s12+$0xFE00]  }
0x1b4: {  	v4 =	vld [tilespmem:s12+$0xF900];
	_ =	sdelay $0x1  }
0x1b5: {  	v5 =	vld [tilespmem:s12+$0xF400];
	_ =	sdelay $0x2  }
0x1b6: {  	s13 =	simm.s32 $0x10;
	v4 =	vadd.f32 v4, v3  }
0x1b7: {  	v3 =	vld [tilespmem:s13+$0xFE00]  }
0x1b8: {  	v6 =	vmul.f32 v4, v5;
	v5 =	vld [tilespmem:s13+$0xF900]  }
0x1b9: {  	v2 =	vbroadcast v2, $0x5  }
0x1ba: {  	v4 =	vld [tilespmem:s13+$0xF400]  }
0x1bb: {  	s14 =	simm.s32 $0x80;
	v6 =	vadd.f32 v6, v2  }
.LBB2_16:
0x1bc: {  	s15 =	sshra.s32 s14, $0x2;
	p0 =	sne.s32 s14, $0x9C0  }
.Ltmp7:
0x1bd: {  	s14 =	sadd.s32 $0x40, s14;
	v7 =	vadd.f32 v5, v3;
	v3 =	vld [tilespmem:s15+$0xFE00];
	[tilespmem:s12+$0x10080] =	vst v6;
	(pc) =	sbr.rel @p0 .LBB2_16-.Ltmp7, $4  }
0x1be: {  	s12 =	smov.u32 s13;
	s13 =	smov.u32 s15;
	v5 =	vld [tilespmem:s15+$0xF900]  }
0x1bf: {  	v6 =	vmul.f32 v7, v4  }
0x1c0: {  	v4 =	vld [tilespmem:s13+$0xF400]  }
0x1c1: {  	v6 =	vadd.f32 v6, v2  }
0x1c2: {  	_ = 	snop  }
0x1c3: {  	v3 =	vadd.f32 v5, v3;
	_ =	sdelay $0x1  }
0x1c4: {  	v3 =	vmul.f32 v3, v4;
	_ =	sdelay $0x1  }
0x1c5: {  	s11 =	sadd.s32 $0x1, s11;
	v2 =	vadd.f32 v3, v2  }
0x1c6: {  	[tilespmem:s12+$0x10080] =	vst v6;
	p0 =	sne.s32 s11, s23  }
.Ltmp8:
0x1c7: {  	[tilespmem:s13+$0x10080] =	vst v2;
	(pc) =	sbr.rel @p0 .LBB2_1-.Ltmp8, $4  }
0x1c8: {  	[hbm4b:s22+s8] =	stream.linear.scatter [tilespmem:s10], [sflag:$0x3], $0x278, $0x38;
	[tilespmem:$0x11270] =	vst v63  }
0x1c9: {  	_ =	swait.ge [sflag:s25], $0x278  }
0x1ca: {  	[sflag:s25] =	ssyncset.done $0x0  }
0x1cb: {  	[sflag:s25] =	ssyncadd.s32 $0xFFFFFD88  }
0x1cc: {  	_ =	sfence.sel $0x180000  }
0x1cd: {  	[bflag:$0x0] =	sbarrier.arrive $0xFFFF  }
0x1ce: {  	_ =	strace $0x9000004A  }
0x1cf: {  	s0 =	stileid.u32;
	[bflag:$0x2] =	sbarrier.arrive $0xFFFF  }
0x1d0: {  	p0 =	sne.s32 s0, $0x0;
	s0 =	rddreg [dreg:$0x7]  }
0x1d1: {  	s0 =	sadd.s32 @!p0 $0x100000, s0  }
0x1d2: {  	[sflag:s0] =	ssyncadd.tile.s32 @!p0 $0x1;
	_ =	shalt  }
.Lfunc_end2:
_tile_overlayer_lowered:
.L_overlay_start_2:
0x1d3: {  	(tag) =	ssettag $0x2  }
0x1d4: {  	s0 =	rddreg [dreg:$0x0];
	s2 =	stileid.u32  }
0x1d5: {  	s1 =	rddreg [dreg:$0x1];
	p0 =	sne.s32 s2, $0x0  }
0x1d6: {  	s3 =	rddreg [dreg:$0x2];
	[bflag:$0x3] =	sbarrier.arrive $0xFFFF;
	s2 =	simm.s32 @!p0 $0x1C03  }
0x1d7: {  	[timem:s3], [sflag:s2] =	dma.local @!p0 [hbm:s0], s1  }
0x1d8: {  	s0 =	simm.s32 @!p0 $0x3  }
0x1d9: {  	_ =	swait.ge @!p0 [sflag:s0], s1  }
0x1da: {  	s1 =	ssub.s32 @!p0 $0x0, s1;
	[sflag:s0] =	ssyncset.done @!p0 $0x0  }
0x1db: {  	[sflag:s0] =	ssyncadd.s32 @!p0 s1  }
0x1dc: {  	[bflag:$0x3] =	sbarrier.arrive $0xFFFF  }
0x1dd: {  	_ =	shalt  }

</sc_bundles>
